<compile_context>
chip_gen: v7x
topology: tpu7x:2x2x1
jax: 0.10.2.dev20260603
libtpu: 0.0.44.dev20260713+nightly
codegen_flags: <defaults>
</compile_context>

<pallas_src>
import functools
import jax
import jax.numpy as jnp
from jax import lax
from jax.experimental import pallas as pl
from jax.experimental.pallas import tpu as pltpu
from jax.experimental.pallas import tpu_sc as plsc

N_NODES = 10000
D = 128
NC = 2
NS = 16
CH = 128
SPC = 8
NPAD = 10112
RPT = NPAD // NS
CROW = 80
SPLIT = (112, 48)


def _run_stage_loop(nchunk, x_hbm, src_hbm, dst_hbm, acc_sh,
                    src_v, dst_v, rows, sg, ss, s):
    def stage(st, _):
        pltpu.sync_copy(src_hbm.at[s, pl.ds(st * SPC, SPC)], src_v)
        pltpu.sync_copy(dst_hbm.at[s, pl.ds(st * SPC, SPC)], dst_v)
        pltpu.async_copy(x_hbm.at[src_v.at[0]], rows[0], sg[0])
        for j in range(SPC):
            b = j & 1
            if j + 1 < SPC:
                if j >= 1:
                    pltpu.make_async_copy(
                        rows[1 - b], acc_sh.at[dst_v.at[j - 1]],
                        ss[1 - b]).wait()
                pltpu.async_copy(x_hbm.at[src_v.at[j + 1]],
                                 rows[1 - b], sg[1 - b])
            pltpu.make_async_copy(x_hbm.at[src_v.at[j]], rows[b],
                                  sg[b]).wait()
            pltpu.async_copy(rows[b], acc_sh.at[dst_v.at[j]], ss[b],
                             add=True)
        for b in range(2):
            pltpu.make_async_copy(
                rows[b], acc_sh.at[dst_v.at[SPC - 2 + b]], ss[b]).wait()
        return 0
    lax.fori_loop(0, nchunk // SPC, stage, 0)


def _sc_agg_body(na, nb, x_hbm, src0_hbm, dst0_hbm, src1_hbm, dst1_hbm,
                 z_hbm, out_hbm, src_v, dst_v, rows0_v, rows1_v,
                 acc_sh, sg0, sg1, ss0, ss1):
    c = lax.axis_index("c")
    s = lax.axis_index("s")

    nfull = RPT // CH
    rem = RPT % CH
    pltpu.sync_copy(z_hbm, rows0_v)
    for k in range(nfull):
        pltpu.sync_copy(rows0_v, acc_sh.at[pl.ds(s * RPT + k * CH, CH)])
    if rem:
        pltpu.sync_copy(rows0_v.at[pl.ds(0, rem)],
                        acc_sh.at[pl.ds(s * RPT + nfull * CH, rem)])

    plsc.subcore_barrier()

    rows = (rows0_v, rows1_v)
    sg = (sg0, sg1)
    ss = (ss0, ss1)

    @pl.when(c == 0)
    def _():
        _run_stage_loop(na, x_hbm, src0_hbm, dst0_hbm, acc_sh,
                        src_v, dst_v, rows, sg, ss, s)

    @pl.when(c == 1)
    def _():
        _run_stage_loop(nb, x_hbm, src1_hbm, dst1_hbm, acc_sh,
                        src_v, dst_v, rows, sg, ss, s)

    plsc.subcore_barrier()

    for k in range(nfull + (1 if rem else 0)):
        w = CH if k < nfull else rem
        base = s * RPT + k * CH
        pltpu.sync_copy(acc_sh.at[pl.ds(base, w)], rows0_v.at[pl.ds(0, w)])
        pltpu.sync_copy(rows0_v.at[pl.ds(0, w)],
                        out_hbm.at[c, pl.ds(base, w)])


def _make_sc_agg(na, nb):
    mesh = plsc.VectorSubcoreMesh(core_axis_name="c", subcore_axis_name="s")
    return pl.kernel(
        functools.partial(_sc_agg_body, na, nb),
        out_type=[jax.ShapeDtypeStruct((NC, NPAD, D), jnp.float32)],
        mesh=mesh,
        compiler_params=pltpu.CompilerParams(needs_layout_passes=False),
        scratch_types=[
            pltpu.VMEM((SPC, CH), jnp.int32),
            pltpu.VMEM((SPC, CH), jnp.int32),
            pltpu.VMEM((CH, D), jnp.float32),
            pltpu.VMEM((CH, D), jnp.float32),
            pltpu.VMEM_SHARED((NPAD, D), jnp.float32),
            pltpu.SemaphoreType.DMA,
            pltpu.SemaphoreType.DMA,
            pltpu.SemaphoreType.DMA,
            pltpu.SemaphoreType.DMA,
        ],
    )


def _sc_cnt_body(na, nb, dst0_hbm, dst1_hbm, cnt_hbm, dst_v, cntp_v, sem):
    c = lax.axis_index("c")
    s = lax.axis_index("s")
    wid = s * NC + c

    def zcnt(i, _):
        cntp_v[pl.ds(i * 16, 16)] = jnp.zeros((16,), jnp.float32)
        return 0
    lax.fori_loop(0, CROW * CH // 16, zcnt, 0)

    ones = jnp.ones((16,), jnp.float32)

    def hist(nchunk, dst_hbm):
        def stage(st, _):
            pltpu.sync_copy(dst_hbm.at[s, pl.ds(st * SPC, SPC)], dst_v)

            def chunk(j, _):
                for k in range(CH // 16):
                    iv = dst_v[j, pl.ds(k * 16, 16)]
                    plsc.addupdate_scatter(cntp_v, [iv], ones)
                return 0
            lax.fori_loop(0, SPC, chunk, 0)
            return 0
        lax.fori_loop(0, nchunk // SPC, stage, 0)

    @pl.when(c == 0)
    def _():
        hist(na, dst0_hbm)

    @pl.when(c == 1)
    def _():
        hist(nb, dst1_hbm)

    pltpu.sync_copy(cntp_v, cnt_hbm.at[pl.ds(wid * CROW * CH, CROW * CH)])


def _make_sc_cnt(na, nb):
    mesh = plsc.VectorSubcoreMesh(core_axis_name="c", subcore_axis_name="s")
    return pl.kernel(
        functools.partial(_sc_cnt_body, na, nb),
        out_type=[jax.ShapeDtypeStruct((NC * NS * CROW * CH,), jnp.float32)],
        mesh=mesh,
        compiler_params=pltpu.CompilerParams(needs_layout_passes=False),
        scratch_types=[
            pltpu.VMEM((SPC, CH), jnp.int32),
            pltpu.VMEM((CROW * CH,), jnp.float32),
            pltpu.SemaphoreType.DMA,
        ],
    )


def _cnt_inv_tc(cnt):
    def body(c_ref, o_ref):
        tot = jnp.sum(c_ref[...], axis=0)
        o_ref[...] = 1.0 / jnp.maximum(tot, 1.0)

    return pl.pallas_call(
        body,
        grid=(1,),
        in_specs=[pl.BlockSpec((NC * NS, CROW, CH), lambda i: (0, 0, 0))],
        out_specs=pl.BlockSpec((CROW, CH), lambda i: (0, 0)),
        out_shape=jax.ShapeDtypeStruct((CROW, CH), jnp.float32),
    )(cnt)


def _layer1_tc(acc, inv, xin, W_l, b_l, W_r):
    R = 400
    grid = (N_NODES // R,)

    def body(acc_ref, inv_ref, x_ref, wl_ref, bl_ref, wr_ref, o_ref):
        agg = (acc_ref[0] + acc_ref[1]) * inv_ref[...]
        h = lax.dot_general(agg, wl_ref[...], (((1,), (1,)), ((), ())),
                            preferred_element_type=jnp.float32)
        h = h + lax.dot_general(x_ref[...], wr_ref[...],
                                (((1,), (1,)), ((), ())),
                                preferred_element_type=jnp.float32)
        h = h + bl_ref[...]
        o_ref[...] = jnp.maximum(h, 0.0)

    return pl.pallas_call(
        body,
        grid=grid,
        in_specs=[
            pl.BlockSpec((NC, R, D), lambda i: (0, i, 0)),
            pl.BlockSpec((R, 1), lambda i: (i, 0)),
            pl.BlockSpec((R, D), lambda i: (i, 0)),
            pl.BlockSpec((D, D), lambda i: (0, 0)),
            pl.BlockSpec((1, D), lambda i: (0, 0)),
            pl.BlockSpec((D, D), lambda i: (0, 0)),
        ],
        out_specs=pl.BlockSpec((R, D), lambda i: (i, 0)),
        out_shape=jax.ShapeDtypeStruct((N_NODES, D), jnp.float32),
    )(acc, inv, xin, W_l, b_l, W_r)


def _layer2_tc(acc, inv, hin, W_l, b_l, W_r, W_cls, b_cls):
    R = 400
    grid = (N_NODES // R,)

    def body(acc_ref, inv_ref, h_ref, wl_ref, bl_ref, wr_ref, wc_ref,
             bc_ref, o_ref):
        agg = (acc_ref[0] + acc_ref[1]) * inv_ref[...]
        h = lax.dot_general(agg, wl_ref[...], (((1,), (1,)), ((), ())),
                            preferred_element_type=jnp.float32)
        h = h + lax.dot_general(h_ref[...], wr_ref[...],
                                (((1,), (1,)), ((), ())),
                                preferred_element_type=jnp.float32)
        h = h + bl_ref[...]
        h = jnp.maximum(h, 0.0)
        res = jnp.sum(h * wc_ref[...], axis=1) + bc_ref[0, 0]
        o_ref[...] = res.reshape(R, 1)

    return pl.pallas_call(
        body,
        grid=grid,
        in_specs=[
            pl.BlockSpec((NC, R, D), lambda i: (0, i, 0)),
            pl.BlockSpec((R, 1), lambda i: (i, 0)),
            pl.BlockSpec((R, D), lambda i: (i, 0)),
            pl.BlockSpec((D, D), lambda i: (0, 0)),
            pl.BlockSpec((1, D), lambda i: (0, 0)),
            pl.BlockSpec((D, D), lambda i: (0, 0)),
            pl.BlockSpec((1, D), lambda i: (0, 0)),
            pl.BlockSpec((1, 1), lambda i: (0, 0)),
        ],
        out_specs=pl.BlockSpec((R, 1), lambda i: (i, 0)),
        out_shape=jax.ShapeDtypeStruct((N_NODES, 1), jnp.float32),
    )(acc, inv, hin, W_l, b_l, W_r, W_cls, b_cls)


@jax.jit
def kernel(x, edge_index, W1_l, b1_l, W1_r, W2_l, b2_l, W2_r, W_cls, b_cls):
    n_edges = edge_index.shape[1]
    na, nb = SPLIT
    assert na % SPC == 0 and nb % SPC == 0
    epad = NS * (na + nb) * CH
    assert epad >= n_edges

    src = edge_index[0].astype(jnp.int32)
    dst = edge_index[1].astype(jnp.int32)
    src_f = jnp.concatenate([src, jnp.zeros((epad - n_edges,), jnp.int32)])
    dst_f = jnp.concatenate(
        [dst, jnp.full((epad - n_edges,), N_NODES, jnp.int32)])
    cut = NS * na * CH
    src0 = src_f[:cut].reshape(NS, na, CH)
    dst0 = dst_f[:cut].reshape(NS, na, CH)
    src1 = src_f[cut:].reshape(NS, nb, CH)
    dst1 = dst_f[cut:].reshape(NS, nb, CH)
    zrows = jnp.zeros((CH, D), jnp.float32)

    (cnt,) = _make_sc_cnt(na, nb)(dst0, dst1)
    inv = _cnt_inv_tc(cnt.reshape(NC * NS, CROW, CH))
    inv = inv.reshape(CROW * CH, 1)[:N_NODES]
    (agg1,) = _make_sc_agg(na, nb)(x, src0, dst0, src1, dst1, zrows)
    h1 = _layer1_tc(agg1, inv, x, W1_l, b1_l.reshape(1, D), W1_r)
    (agg2,) = _make_sc_agg(na, nb)(h1, src0, dst0, src1, dst1, zrows)
    out = _layer2_tc(agg2, inv, h1, W2_l, b2_l.reshape(1, D), W2_r,
                     W_cls, b_cls.reshape(1, 1))
    return out.reshape(N_NODES)

# --- scband reference (transcript-rebuilt; emitter-appended) ---
"""Pipeline reference for scband-dcenode-classifier-10685878633295 (READ-ONLY COPY).

The authoritative reference and input builder live on the scoring server;
editing this copy changes nothing except your own understanding.
"""

import jax, jax.numpy as jnp
import numpy as np

N_NODES = 10000
N_EDGES = 320000
D_IN = 128
D_HID = 128


def sage_conv(x, edge_index, W_l, b_l, W_r, num_nodes):
    # PyG SAGEConv (mean aggregation): out = lin_l(mean_j x_j) + lin_r(x_i)
    src = edge_index[0]
    dst = edge_index[1]
    msgs = x[src]  # gather
    agg = jax.ops.segment_sum(msgs, dst, num_segments=num_nodes)  # scatter-add
    cnt = jax.ops.segment_sum(jnp.ones((msgs.shape[0],), dtype=x.dtype), dst, num_segments=num_nodes)
    agg = agg / jnp.clip(cnt, 1.0)[:, None]  # mean
    return agg @ W_l.T + b_l + x @ W_r.T


def setup_inputs(seed: int = 0) -> dict:
    key = jax.random.key(seed)
    ks = jax.random.split(key, 10)
    x = jax.random.normal(ks[0], (N_NODES, D_IN), dtype=jnp.float32)
    edge_index = jax.random.randint(ks[1], (2, N_EDGES), 0, N_NODES, dtype=jnp.int64)
    s1 = 1.0 / np.sqrt(D_IN)
    s2 = 1.0 / np.sqrt(D_HID)
    W1_l = jax.random.uniform(ks[2], (D_HID, D_IN), jnp.float32, -s1, s1)
    b1_l = jax.random.uniform(ks[3], (D_HID,), jnp.float32, -s1, s1)
    W1_r = jax.random.uniform(ks[4], (D_HID, D_IN), jnp.float32, -s1, s1)
    W2_l = jax.random.uniform(ks[5], (D_HID, D_HID), jnp.float32, -s2, s2)
    b2_l = jax.random.uniform(ks[6], (D_HID,), jnp.float32, -s2, s2)
    W2_r = jax.random.uniform(ks[7], (D_HID, D_HID), jnp.float32, -s2, s2)
    W_cls = jax.random.uniform(ks[8], (1, D_HID), jnp.float32, -s2, s2)
    b_cls = jax.random.uniform(ks[9], (1,), jnp.float32, -s2, s2)
    return {"x": x, "edge_index": edge_index, "W1_l": W1_l, "b1_l": b1_l, "W1_r": W1_r,
            "W2_l": W2_l, "b2_l": b2_l, "W2_r": W2_r, "W_cls": W_cls, "b_cls": b_cls}


def reference(x, edge_index, W1_l, b1_l, W1_r, W2_l, b2_l, W2_r, W_cls, b_cls):
    num_nodes = x.shape[0]
    h = sage_conv(x, edge_index, W1_l, b1_l, W1_r, num_nodes)
    h = jax.nn.relu(h)
    # dropout p=0.2 is identity in eval mode (training=False)
    h = sage_conv(h, edge_index, W2_l, b2_l, W2_r, num_nodes)
    h = jax.nn.relu(h)
    out = (h @ W_cls.T + b_cls).squeeze(-1)
    return out

if __name__ == "__main__":
    import jax
    _d = setup_inputs()
    print(jax.jit(kernel)(*tuple(_d.values())))

</pallas_src>

<mosaic_0001>
#map = affine_map<(d0, d1) -> (0, 0)>
#map1 = affine_map<(d0, d1) -> (0, 0, 0)>
module attributes {stable_mosaic.version = 14 : i64} {
  func.func @_sc_agg_body(%arg0: i32, %arg1: i32, %arg2: memref<10000x128xf32, #tpu.memory_space<hbm>>, %arg3: memref<16x112x128xi32, #tpu.memory_space<hbm>>, %arg4: memref<16x112x128xi32, #tpu.memory_space<hbm>>, %arg5: memref<16x48x128xi32, #tpu.memory_space<hbm>>, %arg6: memref<16x48x128xi32, #tpu.memory_space<hbm>>, %arg7: memref<128x128xf32, #tpu.memory_space<hbm>>, %arg8: memref<2x10112x128xf32, #tpu.memory_space<hbm>>, %arg9: memref<8x128xi32, #tpu.memory_space<vmem>>, %arg10: memref<8x128xi32, #tpu.memory_space<vmem>>, %arg11: memref<128x128xf32, #tpu.memory_space<vmem>>, %arg12: memref<128x128xf32, #tpu.memory_space<vmem>>, %arg13: memref<10112x128xf32, #tpu.memory_space<vmem_shared>>, %arg14: memref<!tpu.dma_semaphore, #tpu.memory_space<semaphore_mem>>, %arg15: memref<!tpu.dma_semaphore, #tpu.memory_space<semaphore_mem>>, %arg16: memref<!tpu.dma_semaphore, #tpu.memory_space<semaphore_mem>>, %arg17: memref<!tpu.dma_semaphore, #tpu.memory_space<semaphore_mem>>) attributes {dimension_semantics = [#tpu.dimension_semantics<core_parallel>, #tpu.dimension_semantics<subcore_parallel>], iteration_bounds = array<i64: 2, 16>, scalar_prefetch = 0 : i64, scratch_operands = 9 : i64, tpu.core_type = #tpu.core_type<sc_vector_subcore>, window_params = [{transform_indices = #map}, {transform_indices = #map1}, {transform_indices = #map1}, {transform_indices = #map1}, {transform_indices = #map1}, {transform_indices = #map}, {transform_indices = #map1}]} {
    "tpu.region"() ({
      %run_scoped3A = tpu.sem_alloc : memref<!tpu.dma_semaphore, #tpu.memory_space<semaphore_mem>>
      tpu.enqueue_dma source(%arg7 : memref<128x128xf32, #tpu.memory_space<hbm>>) target(%arg11 : memref<128x128xf32, #tpu.memory_space<vmem>>) target_semaphore(%run_scoped3A : memref<!tpu.dma_semaphore, #tpu.memory_space<semaphore_mem>>)
      tpu.wait_dma2 semaphore(%run_scoped3A : memref<!tpu.dma_semaphore, #tpu.memory_space<semaphore_mem>>) src(%arg7 : memref<128x128xf32, #tpu.memory_space<hbm>>) dst(%arg11 : memref<128x128xf32, #tpu.memory_space<vmem>>)
      tpu.yield
    }) : () -> ()
    %mul3A = arith.constant 632 : i32
    %mul3A_0 = arith.muli %arg1, %mul3A : i32
    %add3A = arith.constant 0 : i32
    %add3A_1 = arith.addi %mul3A_0, %add3A : i32
    "tpu.region"() ({
      %run_scoped3A = tpu.sem_alloc : memref<!tpu.dma_semaphore, #tpu.memory_space<semaphore_mem>>
      %dma_start3A = arith.constant 0 : i32
      %dma_start3A_46 = tpu.memref_slice %arg13[%add3A_1, %dma_start3A] : memref<10112x128xf32, #tpu.memory_space<vmem_shared>> -> memref<128x128xf32, #tpu.memory_space<vmem_shared>>
      %dma_start3A_47 = arith.constant 0 : i32
      %dma_start3A_48 = tpu.memref_slice %arg13[%add3A_1, %dma_start3A_47] : memref<10112x128xf32, #tpu.memory_space<vmem_shared>> -> memref<128x128xf32, #tpu.memory_space<vmem_shared>>
      tpu.enqueue_dma source(%arg11 : memref<128x128xf32, #tpu.memory_space<vmem>>) target(%dma_start3A_48 : memref<128x128xf32, #tpu.memory_space<vmem_shared>>) target_semaphore(%run_scoped3A : memref<!tpu.dma_semaphore, #tpu.memory_space<semaphore_mem>>)
      %dma_wait3A = arith.constant 0 : i32
      %dma_wait3A_49 = tpu.memref_slice %arg13[%add3A_1, %dma_wait3A] : memref<10112x128xf32, #tpu.memory_space<vmem_shared>> -> memref<128x128xf32, #tpu.memory_space<vmem_shared>>
      %dma_wait3A_50 = arith.constant 0 : i32
      %dma_wait3A_51 = tpu.memref_slice %arg13[%add3A_1, %dma_wait3A_50] : memref<10112x128xf32, #tpu.memory_space<vmem_shared>> -> memref<128x128xf32, #tpu.memory_space<vmem_shared>>
      tpu.wait_dma2 semaphore(%run_scoped3A : memref<!tpu.dma_semaphore, #tpu.memory_space<semaphore_mem>>) src(%arg11 : memref<128x128xf32, #tpu.memory_space<vmem>>) dst(%dma_wait3A_51 : memref<128x128xf32, #tpu.memory_space<vmem_shared>>)
      tpu.yield
    }) : () -> ()
    %mul3A_2 = arith.constant 632 : i32
    %mul3A_3 = arith.muli %arg1, %mul3A_2 : i32
    %add3A_4 = arith.constant 128 : i32
    %add3A_5 = arith.addi %mul3A_3, %add3A_4 : i32
    "tpu.region"() ({
      %run_scoped3A = tpu.sem_alloc : memref<!tpu.dma_semaphore, #tpu.memory_space<semaphore_mem>>
      %dma_start3A = arith.constant 0 : i32
      %dma_start3A_46 = tpu.memref_slice %arg13[%add3A_5, %dma_start3A] : memref<10112x128xf32, #tpu.memory_space<vmem_shared>> -> memref<128x128xf32, #tpu.memory_space<vmem_shared>>
      %dma_start3A_47 = arith.constant 0 : i32
      %dma_start3A_48 = tpu.memref_slice %arg13[%add3A_5, %dma_start3A_47] : memref<10112x128xf32, #tpu.memory_space<vmem_shared>> -> memref<128x128xf32, #tpu.memory_space<vmem_shared>>
      tpu.enqueue_dma source(%arg11 : memref<128x128xf32, #tpu.memory_space<vmem>>) target(%dma_start3A_48 : memref<128x128xf32, #tpu.memory_space<vmem_shared>>) target_semaphore(%run_scoped3A : memref<!tpu.dma_semaphore, #tpu.memory_space<semaphore_mem>>)
      %dma_wait3A = arith.constant 0 : i32
      %dma_wait3A_49 = tpu.memref_slice %arg13[%add3A_5, %dma_wait3A] : memref<10112x128xf32, #tpu.memory_space<vmem_shared>> -> memref<128x128xf32, #tpu.memory_space<vmem_shared>>
      %dma_wait3A_50 = arith.constant 0 : i32
      %dma_wait3A_51 = tpu.memref_slice %arg13[%add3A_5, %dma_wait3A_50] : memref<10112x128xf32, #tpu.memory_space<vmem_shared>> -> memref<128x128xf32, #tpu.memory_space<vmem_shared>>
      tpu.wait_dma2 semaphore(%run_scoped3A : memref<!tpu.dma_semaphore, #tpu.memory_space<semaphore_mem>>) src(%arg11 : memref<128x128xf32, #tpu.memory_space<vmem>>) dst(%dma_wait3A_51 : memref<128x128xf32, #tpu.memory_space<vmem_shared>>)
      tpu.yield
    }) : () -> ()
    %mul3A_6 = arith.constant 632 : i32
    %mul3A_7 = arith.muli %arg1, %mul3A_6 : i32
    %add3A_8 = arith.constant 256 : i32
    %add3A_9 = arith.addi %mul3A_7, %add3A_8 : i32
    "tpu.region"() ({
      %run_scoped3A = tpu.sem_alloc : memref<!tpu.dma_semaphore, #tpu.memory_space<semaphore_mem>>
      %dma_start3A = arith.constant 0 : i32
      %dma_start3A_46 = tpu.memref_slice %arg13[%add3A_9, %dma_start3A] : memref<10112x128xf32, #tpu.memory_space<vmem_shared>> -> memref<128x128xf32, #tpu.memory_space<vmem_shared>>
      %dma_start3A_47 = arith.constant 0 : i32
      %dma_start3A_48 = tpu.memref_slice %arg13[%add3A_9, %dma_start3A_47] : memref<10112x128xf32, #tpu.memory_space<vmem_shared>> -> memref<128x128xf32, #tpu.memory_space<vmem_shared>>
      tpu.enqueue_dma source(%arg11 : memref<128x128xf32, #tpu.memory_space<vmem>>) target(%dma_start3A_48 : memref<128x128xf32, #tpu.memory_space<vmem_shared>>) target_semaphore(%run_scoped3A : memref<!tpu.dma_semaphore, #tpu.memory_space<semaphore_mem>>)
      %dma_wait3A = arith.constant 0 : i32
      %dma_wait3A_49 = tpu.memref_slice %arg13[%add3A_9, %dma_wait3A] : memref<10112x128xf32, #tpu.memory_space<vmem_shared>> -> memref<128x128xf32, #tpu.memory_space<vmem_shared>>
      %dma_wait3A_50 = arith.constant 0 : i32
      %dma_wait3A_51 = tpu.memref_slice %arg13[%add3A_9, %dma_wait3A_50] : memref<10112x128xf32, #tpu.memory_space<vmem_shared>> -> memref<128x128xf32, #tpu.memory_space<vmem_shared>>
      tpu.wait_dma2 semaphore(%run_scoped3A : memref<!tpu.dma_semaphore, #tpu.memory_space<semaphore_mem>>) src(%arg11 : memref<128x128xf32, #tpu.memory_space<vmem>>) dst(%dma_wait3A_51 : memref<128x128xf32, #tpu.memory_space<vmem_shared>>)
      tpu.yield
    }) : () -> ()
    %mul3A_10 = arith.constant 632 : i32
    %mul3A_11 = arith.muli %arg1, %mul3A_10 : i32
    %add3A_12 = arith.constant 384 : i32
    %add3A_13 = arith.addi %mul3A_11, %add3A_12 : i32
    "tpu.region"() ({
      %run_scoped3A = tpu.sem_alloc : memref<!tpu.dma_semaphore, #tpu.memory_space<semaphore_mem>>
      %dma_start3A = arith.constant 0 : i32
      %dma_start3A_46 = tpu.memref_slice %arg13[%add3A_13, %dma_start3A] : memref<10112x128xf32, #tpu.memory_space<vmem_shared>> -> memref<128x128xf32, #tpu.memory_space<vmem_shared>>
      %dma_start3A_47 = arith.constant 0 : i32
      %dma_start3A_48 = tpu.memref_slice %arg13[%add3A_13, %dma_start3A_47] : memref<10112x128xf32, #tpu.memory_space<vmem_shared>> -> memref<128x128xf32, #tpu.memory_space<vmem_shared>>
      tpu.enqueue_dma source(%arg11 : memref<128x128xf32, #tpu.memory_space<vmem>>) target(%dma_start3A_48 : memref<128x128xf32, #tpu.memory_space<vmem_shared>>) target_semaphore(%run_scoped3A : memref<!tpu.dma_semaphore, #tpu.memory_space<semaphore_mem>>)
      %dma_wait3A = arith.constant 0 : i32
      %dma_wait3A_49 = tpu.memref_slice %arg13[%add3A_13, %dma_wait3A] : memref<10112x128xf32, #tpu.memory_space<vmem_shared>> -> memref<128x128xf32, #tpu.memory_space<vmem_shared>>
      %dma_wait3A_50 = arith.constant 0 : i32
      %dma_wait3A_51 = tpu.memref_slice %arg13[%add3A_13, %dma_wait3A_50] : memref<10112x128xf32, #tpu.memory_space<vmem_shared>> -> memref<128x128xf32, #tpu.memory_space<vmem_shared>>
      tpu.wait_dma2 semaphore(%run_scoped3A : memref<!tpu.dma_semaphore, #tpu.memory_space<semaphore_mem>>) src(%arg11 : memref<128x128xf32, #tpu.memory_space<vmem>>) dst(%dma_wait3A_51 : memref<128x128xf32, #tpu.memory_space<vmem_shared>>)
      tpu.yield
    }) : () -> ()
    %mul3A_14 = arith.constant 632 : i32
    %mul3A_15 = arith.muli %arg1, %mul3A_14 : i32
    %add3A_16 = arith.constant 512 : i32
    %add3A_17 = arith.addi %mul3A_15, %add3A_16 : i32
    "tpu.region"() ({
      %run_scoped3A = tpu.sem_alloc : memref<!tpu.dma_semaphore, #tpu.memory_space<semaphore_mem>>
      %dma_start3A = arith.constant 0 : i32
      %dma_start3A_46 = arith.constant 0 : i32
      %dma_start3A_47 = tpu.memref_slice %arg11[%dma_start3A, %dma_start3A_46] : memref<128x128xf32, #tpu.memory_space<vmem>> -> memref<120x128xf32, #tpu.memory_space<vmem>>
      %dma_start3A_48 = arith.constant 0 : i32
      %dma_start3A_49 = tpu.memref_slice %arg13[%add3A_17, %dma_start3A_48] : memref<10112x128xf32, #tpu.memory_space<vmem_shared>> -> memref<120x128xf32, #tpu.memory_space<vmem_shared>>
      %dma_start3A_50 = arith.constant 0 : i32
      %dma_start3A_51 = tpu.memref_slice %arg13[%add3A_17, %dma_start3A_50] : memref<10112x128xf32, #tpu.memory_space<vmem_shared>> -> memref<120x128xf32, #tpu.memory_space<vmem_shared>>
      %dma_start3A_52 = arith.constant 0 : i32
      %dma_start3A_53 = arith.constant 0 : i32
      %dma_start3A_54 = tpu.memref_slice %arg11[%dma_start3A_52, %dma_start3A_53] : memref<128x128xf32, #tpu.memory_space<vmem>> -> memref<120x128xf32, #tpu.memory_space<vmem>>
      tpu.enqueue_dma source(%dma_start3A_54 : memref<120x128xf32, #tpu.memory_space<vmem>>) target(%dma_start3A_51 : memref<120x128xf32, #tpu.memory_space<vmem_shared>>) target_semaphore(%run_scoped3A : memref<!tpu.dma_semaphore, #tpu.memory_space<semaphore_mem>>)
      %dma_wait3A = arith.constant 0 : i32
      %dma_wait3A_55 = arith.constant 0 : i32
      %dma_wait3A_56 = tpu.memref_slice %arg11[%dma_wait3A, %dma_wait3A_55] : memref<128x128xf32, #tpu.memory_space<vmem>> -> memref<120x128xf32, #tpu.memory_space<vmem>>
      %dma_wait3A_57 = arith.constant 0 : i32
      %dma_wait3A_58 = tpu.memref_slice %arg13[%add3A_17, %dma_wait3A_57] : memref<10112x128xf32, #tpu.memory_space<vmem_shared>> -> memref<120x128xf32, #tpu.memory_space<vmem_shared>>
      %dma_wait3A_59 = arith.constant 0 : i32
      %dma_wait3A_60 = tpu.memref_slice %arg13[%add3A_17, %dma_wait3A_59] : memref<10112x128xf32, #tpu.memory_space<vmem_shared>> -> memref<120x128xf32, #tpu.memory_space<vmem_shared>>
      %dma_wait3A_61 = arith.constant 0 : i32
      %dma_wait3A_62 = arith.constant 0 : i32
      %dma_wait3A_63 = tpu.memref_slice %arg11[%dma_wait3A_61, %dma_wait3A_62] : memref<128x128xf32, #tpu.memory_space<vmem>> -> memref<120x128xf32, #tpu.memory_space<vmem>>
      tpu.wait_dma2 semaphore(%run_scoped3A : memref<!tpu.dma_semaphore, #tpu.memory_space<semaphore_mem>>) src(%dma_wait3A_63 : memref<120x128xf32, #tpu.memory_space<vmem>>) dst(%dma_wait3A_60 : memref<120x128xf32, #tpu.memory_space<vmem_shared>>)
      tpu.yield
    }) : () -> ()
    %barrier3A = arith.constant 0 : index
    tpu.barrier barrier_id(%barrier3A)
    %eq3A = arith.constant 0 : i32
    %eq3A_18 = arith.cmpi eq, %arg0, %eq3A : i32
    %convert_element_type3A = arith.extui %eq3A_18 : i1 to i32
    %cond3A = arith.constant 0 : i32
    %cond3A_19 = arith.cmpi ne, %convert_element_type3A, %cond3A : i32
    scf.if %cond3A_19 {
      %scan3A = arith.constant 0 : i32
      %scan3A_46 = arith.constant 0 : i32
      %scan3A_47 = arith.constant 14 : i32
      %scan3A_48 = arith.addi %scan3A_46, %scan3A_47 : i32
      %scan3A_49 = arith.constant 1 : i32
      %scan3A_50 = scf.for %scan3A_52 = %scan3A_46 to %scan3A_48 step %scan3A_49 iter_args(%scan3A_53 = %scan3A) -> (i32)  : i32 {
        %mul3A_54 = arith.constant 8 : i32
        %mul3A_55 = arith.muli %scan3A_52, %mul3A_54 : i32
        "tpu.region"() ({
          %run_scoped3A = tpu.sem_alloc : memref<!tpu.dma_semaphore, #tpu.memory_space<semaphore_mem>>
          %dma_start3A_281 = arith.constant 0 : i32
          %dma_start3A_282 = tpu.memref_slice %arg3[%arg1, %mul3A_55, %dma_start3A_281] : memref<16x112x128xi32, #tpu.memory_space<hbm>> -> memref<1x8x128xi32, #tpu.memory_space<hbm>>
          %dma_start3A_283 = tpu.memref_squeeze %dma_start3A_282 : memref<1x8x128xi32, #tpu.memory_space<hbm>> -> memref<8x128xi32, #tpu.memory_space<hbm>>
          %dma_start3A_284 = arith.constant 0 : i32
          %dma_start3A_285 = tpu.memref_slice %arg3[%arg1, %mul3A_55, %dma_start3A_284] : memref<16x112x128xi32, #tpu.memory_space<hbm>> -> memref<1x8x128xi32, #tpu.memory_space<hbm>>
          %dma_start3A_286 = tpu.memref_squeeze %dma_start3A_285 : memref<1x8x128xi32, #tpu.memory_space<hbm>> -> memref<8x128xi32, #tpu.memory_space<hbm>>
          tpu.enqueue_dma source(%dma_start3A_286 : memref<8x128xi32, #tpu.memory_space<hbm>>) target(%arg9 : memref<8x128xi32, #tpu.memory_space<vmem>>) target_semaphore(%run_scoped3A : memref<!tpu.dma_semaphore, #tpu.memory_space<semaphore_mem>>)
          %dma_wait3A_287 = arith.constant 0 : i32
          %dma_wait3A_288 = tpu.memref_slice %arg3[%arg1, %mul3A_55, %dma_wait3A_287] : memref<16x112x128xi32, #tpu.memory_space<hbm>> -> memref<1x8x128xi32, #tpu.memory_space<hbm>>
          %dma_wait3A_289 = tpu.memref_squeeze %dma_wait3A_288 : memref<1x8x128xi32, #tpu.memory_space<hbm>> -> memref<8x128xi32, #tpu.memory_space<hbm>>
          %dma_wait3A_290 = arith.constant 0 : i32
          %dma_wait3A_291 = tpu.memref_slice %arg3[%arg1, %mul3A_55, %dma_wait3A_290] : memref<16x112x128xi32, #tpu.memory_space<hbm>> -> memref<1x8x128xi32, #tpu.memory_space<hbm>>
          %dma_wait3A_292 = tpu.memref_squeeze %dma_wait3A_291 : memref<1x8x128xi32, #tpu.memory_space<hbm>> -> memref<8x128xi32, #tpu.memory_space<hbm>>
          tpu.wait_dma2 semaphore(%run_scoped3A : memref<!tpu.dma_semaphore, #tpu.memory_space<semaphore_mem>>) src(%dma_wait3A_292 : memref<8x128xi32, #tpu.memory_space<hbm>>) dst(%arg9 : memref<8x128xi32, #tpu.memory_space<vmem>>)
          tpu.yield
        }) : () -> ()
        %mul3A_56 = arith.constant 8 : i32
        %mul3A_57 = arith.muli %scan3A_52, %mul3A_56 : i32
        "tpu.region"() ({
          %run_scoped3A = tpu.sem_alloc : memref<!tpu.dma_semaphore, #tpu.memory_space<semaphore_mem>>
          %dma_start3A_281 = arith.constant 0 : i32
          %dma_start3A_282 = tpu.memref_slice %arg4[%arg1, %mul3A_57, %dma_start3A_281] : memref<16x112x128xi32, #tpu.memory_space<hbm>> -> memref<1x8x128xi32, #tpu.memory_space<hbm>>
          %dma_start3A_283 = tpu.memref_squeeze %dma_start3A_282 : memref<1x8x128xi32, #tpu.memory_space<hbm>> -> memref<8x128xi32, #tpu.memory_space<hbm>>
          %dma_start3A_284 = arith.constant 0 : i32
          %dma_start3A_285 = tpu.memref_slice %arg4[%arg1, %mul3A_57, %dma_start3A_284] : memref<16x112x128xi32, #tpu.memory_space<hbm>> -> memref<1x8x128xi32, #tpu.memory_space<hbm>>
          %dma_start3A_286 = tpu.memref_squeeze %dma_start3A_285 : memref<1x8x128xi32, #tpu.memory_space<hbm>> -> memref<8x128xi32, #tpu.memory_space<hbm>>
          tpu.enqueue_dma source(%dma_start3A_286 : memref<8x128xi32, #tpu.memory_space<hbm>>) target(%arg10 : memref<8x128xi32, #tpu.memory_space<vmem>>) target_semaphore(%run_scoped3A : memref<!tpu.dma_semaphore, #tpu.memory_space<semaphore_mem>>)
          %dma_wait3A_287 = arith.constant 0 : i32
          %dma_wait3A_288 = tpu.memref_slice %arg4[%arg1, %mul3A_57, %dma_wait3A_287] : memref<16x112x128xi32, #tpu.memory_space<hbm>> -> memref<1x8x128xi32, #tpu.memory_space<hbm>>
          %dma_wait3A_289 = tpu.memref_squeeze %dma_wait3A_288 : memref<1x8x128xi32, #tpu.memory_space<hbm>> -> memref<8x128xi32, #tpu.memory_space<hbm>>
          %dma_wait3A_290 = arith.constant 0 : i32
          %dma_wait3A_291 = tpu.memref_slice %arg4[%arg1, %mul3A_57, %dma_wait3A_290] : memref<16x112x128xi32, #tpu.memory_space<hbm>> -> memref<1x8x128xi32, #tpu.memory_space<hbm>>
          %dma_wait3A_292 = tpu.memref_squeeze %dma_wait3A_291 : memref<1x8x128xi32, #tpu.memory_space<hbm>> -> memref<8x128xi32, #tpu.memory_space<hbm>>
          tpu.wait_dma2 semaphore(%run_scoped3A : memref<!tpu.dma_semaphore, #tpu.memory_space<semaphore_mem>>) src(%dma_wait3A_292 : memref<8x128xi32, #tpu.memory_space<hbm>>) dst(%arg10 : memref<8x128xi32, #tpu.memory_space<vmem>>)
          tpu.yield
        }) : () -> ()
        %dma_start3A = arith.constant 0 : i32
        %dma_start3A_58 = arith.constant 0 : i32
        %dma_start3A_59 = tpu.memref_slice %arg9[%dma_start3A, %dma_start3A_58] : memref<8x128xi32, #tpu.memory_space<vmem>> -> memref<1x128xi32, #tpu.memory_space<vmem>>
        %dma_start3A_60 = tpu.memref_squeeze %dma_start3A_59 : memref<1x128xi32, #tpu.memory_space<vmem>> -> memref<128xi32, #tpu.memory_space<vmem>>
        %dma_start3A_61 = arith.constant 0 : i32
        %dma_start3A_62 = arith.constant 0 : i32
        %dma_start3A_63 = tpu.memref_slice %arg2[%dma_start3A_61, %dma_start3A_62] : memref<10000x128xf32, #tpu.memory_space<hbm>> -> memref<10000x128xf32, #tpu.memory_space<hbm>>
        tpu.enqueue_indirect_dma source(%dma_start3A_63 : memref<10000x128xf32, #tpu.memory_space<hbm>>) target(%arg11 : memref<128x128xf32, #tpu.memory_space<vmem>>) offsets(%dma_start3A_60 : memref<128xi32, #tpu.memory_space<vmem>>) semaphore(%arg14 : memref<!tpu.dma_semaphore, #tpu.memory_space<semaphore_mem>>)
        %dma_start3A_64 = arith.constant 1 : i32
        %dma_start3A_65 = arith.constant 0 : i32
        %dma_start3A_66 = tpu.memref_slice %arg9[%dma_start3A_64, %dma_start3A_65] : memref<8x128xi32, #tpu.memory_space<vmem>> -> memref<1x128xi32, #tpu.memory_space<vmem>>
        %dma_start3A_67 = tpu.memref_squeeze %dma_start3A_66 : memref<1x128xi32, #tpu.memory_space<vmem>> -> memref<128xi32, #tpu.memory_space<vmem>>
        %dma_start3A_68 = arith.constant 0 : i32
        %dma_start3A_69 = arith.constant 0 : i32
        %dma_start3A_70 = tpu.memref_slice %arg2[%dma_start3A_68, %dma_start3A_69] : memref<10000x128xf32, #tpu.memory_space<hbm>> -> memref<10000x128xf32, #tpu.memory_space<hbm>>
        tpu.enqueue_indirect_dma source(%dma_start3A_70 : memref<10000x128xf32, #tpu.memory_space<hbm>>) target(%arg12 : memref<128x128xf32, #tpu.memory_space<vmem>>) offsets(%dma_start3A_67 : memref<128xi32, #tpu.memory_space<vmem>>) semaphore(%arg15 : memref<!tpu.dma_semaphore, #tpu.memory_space<semaphore_mem>>)
        %dma_wait3A = arith.constant 0 : i32
        %dma_wait3A_71 = arith.constant 0 : i32
        %dma_wait3A_72 = tpu.memref_slice %arg9[%dma_wait3A, %dma_wait3A_71] : memref<8x128xi32, #tpu.memory_space<vmem>> -> memref<1x128xi32, #tpu.memory_space<vmem>>
        %dma_wait3A_73 = tpu.memref_squeeze %dma_wait3A_72 : memref<1x128xi32, #tpu.memory_space<vmem>> -> memref<128xi32, #tpu.memory_space<vmem>>
        %dma_wait3A_74 = arith.constant 0 : i32
        %dma_wait3A_75 = arith.constant 0 : i32
        %dma_wait3A_76 = tpu.memref_slice %arg2[%dma_wait3A_74, %dma_wait3A_75] : memref<10000x128xf32, #tpu.memory_space<hbm>> -> memref<10000x128xf32, #tpu.memory_space<hbm>>
        tpu.wait_indirect_dma semaphore(%arg14 : memref<!tpu.dma_semaphore, #tpu.memory_space<semaphore_mem>>) src(%dma_wait3A_76 : memref<10000x128xf32, #tpu.memory_space<hbm>>) dst(%arg11 : memref<128x128xf32, #tpu.memory_space<vmem>>)
        %dma_start3A_77 = arith.constant 0 : i32
        %dma_start3A_78 = arith.constant 0 : i32
        %dma_start3A_79 = tpu.memref_slice %arg10[%dma_start3A_77, %dma_start3A_78] : memref<8x128xi32, #tpu.memory_space<vmem>> -> memref<1x128xi32, #tpu.memory_space<vmem>>
        %dma_start3A_80 = tpu.memref_squeeze %dma_start3A_79 : memref<1x128xi32, #tpu.memory_space<vmem>> -> memref<128xi32, #tpu.memory_space<vmem>>
        %dma_start3A_81 = arith.constant 0 : i32
        %dma_start3A_82 = arith.constant 0 : i32
        %dma_start3A_83 = tpu.memref_slice %arg13[%dma_start3A_81, %dma_start3A_82] : memref<10112x128xf32, #tpu.memory_space<vmem_shared>> -> memref<10112x128xf32, #tpu.memory_space<vmem_shared>>
        tpu.enqueue_indirect_dma source(%arg11 : memref<128x128xf32, #tpu.memory_space<vmem>>) target(%dma_start3A_83 : memref<10112x128xf32, #tpu.memory_space<vmem_shared>>) offsets(%dma_start3A_80 : memref<128xi32, #tpu.memory_space<vmem>>) semaphore(%arg16 : memref<!tpu.dma_semaphore, #tpu.memory_space<semaphore_mem>>) {add = true}
        %dma_wait3A_84 = arith.constant 0 : i32
        %dma_wait3A_85 = arith.constant 0 : i32
        %dma_wait3A_86 = tpu.memref_slice %arg10[%dma_wait3A_84, %dma_wait3A_85] : memref<8x128xi32, #tpu.memory_space<vmem>> -> memref<1x128xi32, #tpu.memory_space<vmem>>
        %dma_wait3A_87 = tpu.memref_squeeze %dma_wait3A_86 : memref<1x128xi32, #tpu.memory_space<vmem>> -> memref<128xi32, #tpu.memory_space<vmem>>
        %dma_wait3A_88 = arith.constant 0 : i32
        %dma_wait3A_89 = arith.constant 0 : i32
        %dma_wait3A_90 = tpu.memref_slice %arg13[%dma_wait3A_88, %dma_wait3A_89] : memref<10112x128xf32, #tpu.memory_space<vmem_shared>> -> memref<10112x128xf32, #tpu.memory_space<vmem_shared>>
        tpu.wait_indirect_dma semaphore(%arg16 : memref<!tpu.dma_semaphore, #tpu.memory_space<semaphore_mem>>) src(%arg11 : memref<128x128xf32, #tpu.memory_space<vmem>>) dst(%dma_wait3A_90 : memref<10112x128xf32, #tpu.memory_space<vmem_shared>>)
        %dma_start3A_91 = arith.constant 2 : i32
        %dma_start3A_92 = arith.constant 0 : i32
        %dma_start3A_93 = tpu.memref_slice %arg9[%dma_start3A_91, %dma_start3A_92] : memref<8x128xi32, #tpu.memory_space<vmem>> -> memref<1x128xi32, #tpu.memory_space<vmem>>
        %dma_start3A_94 = tpu.memref_squeeze %dma_start3A_93 : memref<1x128xi32, #tpu.memory_space<vmem>> -> memref<128xi32, #tpu.memory_space<vmem>>
        %dma_start3A_95 = arith.constant 0 : i32
        %dma_start3A_96 = arith.constant 0 : i32
        %dma_start3A_97 = tpu.memref_slice %arg2[%dma_start3A_95, %dma_start3A_96] : memref<10000x128xf32, #tpu.memory_space<hbm>> -> memref<10000x128xf32, #tpu.memory_space<hbm>>
        tpu.enqueue_indirect_dma source(%dma_start3A_97 : memref<10000x128xf32, #tpu.memory_space<hbm>>) target(%arg11 : memref<128x128xf32, #tpu.memory_space<vmem>>) offsets(%dma_start3A_94 : memref<128xi32, #tpu.memory_space<vmem>>) semaphore(%arg14 : memref<!tpu.dma_semaphore, #tpu.memory_space<semaphore_mem>>)
        %dma_wait3A_98 = arith.constant 1 : i32
        %dma_wait3A_99 = arith.constant 0 : i32
        %dma_wait3A_100 = tpu.memref_slice %arg9[%dma_wait3A_98, %dma_wait3A_99] : memref<8x128xi32, #tpu.memory_space<vmem>> -> memref<1x128xi32, #tpu.memory_space<vmem>>
        %dma_wait3A_101 = tpu.memref_squeeze %dma_wait3A_100 : memref<1x128xi32, #tpu.memory_space<vmem>> -> memref<128xi32, #tpu.memory_space<vmem>>
        %dma_wait3A_102 = arith.constant 0 : i32
        %dma_wait3A_103 = arith.constant 0 : i32
        %dma_wait3A_104 = tpu.memref_slice %arg2[%dma_wait3A_102, %dma_wait3A_103] : memref<10000x128xf32, #tpu.memory_space<hbm>> -> memref<10000x128xf32, #tpu.memory_space<hbm>>
        tpu.wait_indirect_dma semaphore(%arg15 : memref<!tpu.dma_semaphore, #tpu.memory_space<semaphore_mem>>) src(%dma_wait3A_104 : memref<10000x128xf32, #tpu.memory_space<hbm>>) dst(%arg12 : memref<128x128xf32, #tpu.memory_space<vmem>>)
        %dma_start3A_105 = arith.constant 1 : i32
        %dma_start3A_106 = arith.constant 0 : i32
        %dma_start3A_107 = tpu.memref_slice %arg10[%dma_start3A_105, %dma_start3A_106] : memref<8x128xi32, #tpu.memory_space<vmem>> -> memref<1x128xi32, #tpu.memory_space<vmem>>
        %dma_start3A_108 = tpu.memref_squeeze %dma_start3A_107 : memref<1x128xi32, #tpu.memory_space<vmem>> -> memref<128xi32, #tpu.memory_space<vmem>>
        %dma_start3A_109 = arith.constant 0 : i32
        %dma_start3A_110 = arith.constant 0 : i32
        %dma_start3A_111 = tpu.memref_slice %arg13[%dma_start3A_109, %dma_start3A_110] : memref<10112x128xf32, #tpu.memory_space<vmem_shared>> -> memref<10112x128xf32, #tpu.memory_space<vmem_shared>>
        tpu.enqueue_indirect_dma source(%arg12 : memref<128x128xf32, #tpu.memory_space<vmem>>) target(%dma_start3A_111 : memref<10112x128xf32, #tpu.memory_space<vmem_shared>>) offsets(%dma_start3A_108 : memref<128xi32, #tpu.memory_space<vmem>>) semaphore(%arg17 : memref<!tpu.dma_semaphore, #tpu.memory_space<semaphore_mem>>) {add = true}
        %dma_wait3A_112 = arith.constant 1 : i32
        %dma_wait3A_113 = arith.constant 0 : i32
        %dma_wait3A_114 = tpu.memref_slice %arg10[%dma_wait3A_112, %dma_wait3A_113] : memref<8x128xi32, #tpu.memory_space<vmem>> -> memref<1x128xi32, #tpu.memory_space<vmem>>
        %dma_wait3A_115 = tpu.memref_squeeze %dma_wait3A_114 : memref<1x128xi32, #tpu.memory_space<vmem>> -> memref<128xi32, #tpu.memory_space<vmem>>
        %dma_wait3A_116 = arith.constant 0 : i32
        %dma_wait3A_117 = arith.constant 0 : i32
        %dma_wait3A_118 = tpu.memref_slice %arg13[%dma_wait3A_116, %dma_wait3A_117] : memref<10112x128xf32, #tpu.memory_space<vmem_shared>> -> memref<10112x128xf32, #tpu.memory_space<vmem_shared>>
        tpu.wait_indirect_dma semaphore(%arg17 : memref<!tpu.dma_semaphore, #tpu.memory_space<semaphore_mem>>) src(%arg12 : memref<128x128xf32, #tpu.memory_space<vmem>>) dst(%dma_wait3A_118 : memref<10112x128xf32, #tpu.memory_space<vmem_shared>>)
        %dma_start3A_119 = arith.constant 3 : i32
        %dma_start3A_120 = arith.constant 0 : i32
        %dma_start3A_121 = tpu.memref_slice %arg9[%dma_start3A_119, %dma_start3A_120] : memref<8x128xi32, #tpu.memory_space<vmem>> -> memref<1x128xi32, #tpu.memory_space<vmem>>
        %dma_start3A_122 = tpu.memref_squeeze %dma_start3A_121 : memref<1x128xi32, #tpu.memory_space<vmem>> -> memref<128xi32, #tpu.memory_space<vmem>>
        %dma_start3A_123 = arith.constant 0 : i32
        %dma_start3A_124 = arith.constant 0 : i32
        %dma_start3A_125 = tpu.memref_slice %arg2[%dma_start3A_123, %dma_start3A_124] : memref<10000x128xf32, #tpu.memory_space<hbm>> -> memref<10000x128xf32, #tpu.memory_space<hbm>>
        tpu.enqueue_indirect_dma source(%dma_start3A_125 : memref<10000x128xf32, #tpu.memory_space<hbm>>) target(%arg12 : memref<128x128xf32, #tpu.memory_space<vmem>>) offsets(%dma_start3A_122 : memref<128xi32, #tpu.memory_space<vmem>>) semaphore(%arg15 : memref<!tpu.dma_semaphore, #tpu.memory_space<semaphore_mem>>)
        %dma_wait3A_126 = arith.constant 2 : i32
        %dma_wait3A_127 = arith.constant 0 : i32
        %dma_wait3A_128 = tpu.memref_slice %arg9[%dma_wait3A_126, %dma_wait3A_127] : memref<8x128xi32, #tpu.memory_space<vmem>> -> memref<1x128xi32, #tpu.memory_space<vmem>>
        %dma_wait3A_129 = tpu.memref_squeeze %dma_wait3A_128 : memref<1x128xi32, #tpu.memory_space<vmem>> -> memref<128xi32, #tpu.memory_space<vmem>>
        %dma_wait3A_130 = arith.constant 0 : i32
        %dma_wait3A_131 = arith.constant 0 : i32
        %dma_wait3A_132 = tpu.memref_slice %arg2[%dma_wait3A_130, %dma_wait3A_131] : memref<10000x128xf32, #tpu.memory_space<hbm>> -> memref<10000x128xf32, #tpu.memory_space<hbm>>
        tpu.wait_indirect_dma semaphore(%arg14 : memref<!tpu.dma_semaphore, #tpu.memory_space<semaphore_mem>>) src(%dma_wait3A_132 : memref<10000x128xf32, #tpu.memory_space<hbm>>) dst(%arg11 : memref<128x128xf32, #tpu.memory_space<vmem>>)
        %dma_start3A_133 = arith.constant 2 : i32
        %dma_start3A_134 = arith.constant 0 : i32
        %dma_start3A_135 = tpu.memref_slice %arg10[%dma_start3A_133, %dma_start3A_134] : memref<8x128xi32, #tpu.memory_space<vmem>> -> memref<1x128xi32, #tpu.memory_space<vmem>>
        %dma_start3A_136 = tpu.memref_squeeze %dma_start3A_135 : memref<1x128xi32, #tpu.memory_space<vmem>> -> memref<128xi32, #tpu.memory_space<vmem>>
        %dma_start3A_137 = arith.constant 0 : i32
        %dma_start3A_138 = arith.constant 0 : i32
        %dma_start3A_139 = tpu.memref_slice %arg13[%dma_start3A_137, %dma_start3A_138] : memref<10112x128xf32, #tpu.memory_space<vmem_shared>> -> memref<10112x128xf32, #tpu.memory_space<vmem_shared>>
        tpu.enqueue_indirect_dma source(%arg11 : memref<128x128xf32, #tpu.memory_space<vmem>>) target(%dma_start3A_139 : memref<10112x128xf32, #tpu.memory_space<vmem_shared>>) offsets(%dma_start3A_136 : memref<128xi32, #tpu.memory_space<vmem>>) semaphore(%arg16 : memref<!tpu.dma_semaphore, #tpu.memory_space<semaphore_mem>>) {add = true}
        %dma_wait3A_140 = arith.constant 2 : i32
        %dma_wait3A_141 = arith.constant 0 : i32
        %dma_wait3A_142 = tpu.memref_slice %arg10[%dma_wait3A_140, %dma_wait3A_141] : memref<8x128xi32, #tpu.memory_space<vmem>> -> memref<1x128xi32, #tpu.memory_space<vmem>>
        %dma_wait3A_143 = tpu.memref_squeeze %dma_wait3A_142 : memref<1x128xi32, #tpu.memory_space<vmem>> -> memref<128xi32, #tpu.memory_space<vmem>>
        %dma_wait3A_144 = arith.constant 0 : i32
        %dma_wait3A_145 = arith.constant 0 : i32
        %dma_wait3A_146 = tpu.memref_slice %arg13[%dma_wait3A_144, %dma_wait3A_145] : memref<10112x128xf32, #tpu.memory_space<vmem_shared>> -> memref<10112x128xf32, #tpu.memory_space<vmem_shared>>
        tpu.wait_indirect_dma semaphore(%arg16 : memref<!tpu.dma_semaphore, #tpu.memory_space<semaphore_mem>>) src(%arg11 : memref<128x128xf32, #tpu.memory_space<vmem>>) dst(%dma_wait3A_146 : memref<10112x128xf32, #tpu.memory_space<vmem_shared>>)
        %dma_start3A_147 = arith.constant 4 : i32
        %dma_start3A_148 = arith.constant 0 : i32
        %dma_start3A_149 = tpu.memref_slice %arg9[%dma_start3A_147, %dma_start3A_148] : memref<8x128xi32, #tpu.memory_space<vmem>> -> memref<1x128xi32, #tpu.memory_space<vmem>>
        %dma_start3A_150 = tpu.memref_squeeze %dma_start3A_149 : memref<1x128xi32, #tpu.memory_space<vmem>> -> memref<128xi32, #tpu.memory_space<vmem>>
        %dma_start3A_151 = arith.constant 0 : i32
        %dma_start3A_152 = arith.constant 0 : i32
        %dma_start3A_153 = tpu.memref_slice %arg2[%dma_start3A_151, %dma_start3A_152] : memref<10000x128xf32, #tpu.memory_space<hbm>> -> memref<10000x128xf32, #tpu.memory_space<hbm>>
        tpu.enqueue_indirect_dma source(%dma_start3A_153 : memref<10000x128xf32, #tpu.memory_space<hbm>>) target(%arg11 : memref<128x128xf32, #tpu.memory_space<vmem>>) offsets(%dma_start3A_150 : memref<128xi32, #tpu.memory_space<vmem>>) semaphore(%arg14 : memref<!tpu.dma_semaphore, #tpu.memory_space<semaphore_mem>>)
        %dma_wait3A_154 = arith.constant 3 : i32
        %dma_wait3A_155 = arith.constant 0 : i32
        %dma_wait3A_156 = tpu.memref_slice %arg9[%dma_wait3A_154, %dma_wait3A_155] : memref<8x128xi32, #tpu.memory_space<vmem>> -> memref<1x128xi32, #tpu.memory_space<vmem>>
        %dma_wait3A_157 = tpu.memref_squeeze %dma_wait3A_156 : memref<1x128xi32, #tpu.memory_space<vmem>> -> memref<128xi32, #tpu.memory_space<vmem>>
        %dma_wait3A_158 = arith.constant 0 : i32
        %dma_wait3A_159 = arith.constant 0 : i32
        %dma_wait3A_160 = tpu.memref_slice %arg2[%dma_wait3A_158, %dma_wait3A_159] : memref<10000x128xf32, #tpu.memory_space<hbm>> -> memref<10000x128xf32, #tpu.memory_space<hbm>>
        tpu.wait_indirect_dma semaphore(%arg15 : memref<!tpu.dma_semaphore, #tpu.memory_space<semaphore_mem>>) src(%dma_wait3A_160 : memref<10000x128xf32, #tpu.memory_space<hbm>>) dst(%arg12 : memref<128x128xf32, #tpu.memory_space<vmem>>)
        %dma_start3A_161 = arith.constant 3 : i32
        %dma_start3A_162 = arith.constant 0 : i32
        %dma_start3A_163 = tpu.memref_slice %arg10[%dma_start3A_161, %dma_start3A_162] : memref<8x128xi32, #tpu.memory_space<vmem>> -> memref<1x128xi32, #tpu.memory_space<vmem>>
        %dma_start3A_164 = tpu.memref_squeeze %dma_start3A_163 : memref<1x128xi32, #tpu.memory_space<vmem>> -> memref<128xi32, #tpu.memory_space<vmem>>
        %dma_start3A_165 = arith.constant 0 : i32
        %dma_start3A_166 = arith.constant 0 : i32
        %dma_start3A_167 = tpu.memref_slice %arg13[%dma_start3A_165, %dma_start3A_166] : memref<10112x128xf32, #tpu.memory_space<vmem_shared>> -> memref<10112x128xf32, #tpu.memory_space<vmem_shared>>
        tpu.enqueue_indirect_dma source(%arg12 : memref<128x128xf32, #tpu.memory_space<vmem>>) target(%dma_start3A_167 : memref<10112x128xf32, #tpu.memory_space<vmem_shared>>) offsets(%dma_start3A_164 : memref<128xi32, #tpu.memory_space<vmem>>) semaphore(%arg17 : memref<!tpu.dma_semaphore, #tpu.memory_space<semaphore_mem>>) {add = true}
        %dma_wait3A_168 = arith.constant 3 : i32
        %dma_wait3A_169 = arith.constant 0 : i32
        %dma_wait3A_170 = tpu.memref_slice %arg10[%dma_wait3A_168, %dma_wait3A_169] : memref<8x128xi32, #tpu.memory_space<vmem>> -> memref<1x128xi32, #tpu.memory_space<vmem>>
        %dma_wait3A_171 = tpu.memref_squeeze %dma_wait3A_170 : memref<1x128xi32, #tpu.memory_space<vmem>> -> memref<128xi32, #tpu.memory_space<vmem>>
        %dma_wait3A_172 = arith.constant 0 : i32
        %dma_wait3A_173 = arith.constant 0 : i32
        %dma_wait3A_174 = tpu.memref_slice %arg13[%dma_wait3A_172, %dma_wait3A_173] : memref<10112x128xf32, #tpu.memory_space<vmem_shared>> -> memref<10112x128xf32, #tpu.memory_space<vmem_shared>>
        tpu.wait_indirect_dma semaphore(%arg17 : memref<!tpu.dma_semaphore, #tpu.memory_space<semaphore_mem>>) src(%arg12 : memref<128x128xf32, #tpu.memory_space<vmem>>) dst(%dma_wait3A_174 : memref<10112x128xf32, #tpu.memory_space<vmem_shared>>)
        %dma_start3A_175 = arith.constant 5 : i32
        %dma_start3A_176 = arith.constant 0 : i32
        %dma_start3A_177 = tpu.memref_slice %arg9[%dma_start3A_175, %dma_start3A_176] : memref<8x128xi32, #tpu.memory_space<vmem>> -> memref<1x128xi32, #tpu.memory_space<vmem>>
        %dma_start3A_178 = tpu.memref_squeeze %dma_start3A_177 : memref<1x128xi32, #tpu.memory_space<vmem>> -> memref<128xi32, #tpu.memory_space<vmem>>
        %dma_start3A_179 = arith.constant 0 : i32
        %dma_start3A_180 = arith.constant 0 : i32
        %dma_start3A_181 = tpu.memref_slice %arg2[%dma_start3A_179, %dma_start3A_180] : memref<10000x128xf32, #tpu.memory_space<hbm>> -> memref<10000x128xf32, #tpu.memory_space<hbm>>
        tpu.enqueue_indirect_dma source(%dma_start3A_181 : memref<10000x128xf32, #tpu.memory_space<hbm>>) target(%arg12 : memref<128x128xf32, #tpu.memory_space<vmem>>) offsets(%dma_start3A_178 : memref<128xi32, #tpu.memory_space<vmem>>) semaphore(%arg15 : memref<!tpu.dma_semaphore, #tpu.memory_space<semaphore_mem>>)
        %dma_wait3A_182 = arith.constant 4 : i32
        %dma_wait3A_183 = arith.constant 0 : i32
        %dma_wait3A_184 = tpu.memref_slice %arg9[%dma_wait3A_182, %dma_wait3A_183] : memref<8x128xi32, #tpu.memory_space<vmem>> -> memref<1x128xi32, #tpu.memory_space<vmem>>
        %dma_wait3A_185 = tpu.memref_squeeze %dma_wait3A_184 : memref<1x128xi32, #tpu.memory_space<vmem>> -> memref<128xi32, #tpu.memory_space<vmem>>
        %dma_wait3A_186 = arith.constant 0 : i32
        %dma_wait3A_187 = arith.constant 0 : i32
        %dma_wait3A_188 = tpu.memref_slice %arg2[%dma_wait3A_186, %dma_wait3A_187] : memref<10000x128xf32, #tpu.memory_space<hbm>> -> memref<10000x128xf32, #tpu.memory_space<hbm>>
        tpu.wait_indirect_dma semaphore(%arg14 : memref<!tpu.dma_semaphore, #tpu.memory_space<semaphore_mem>>) src(%dma_wait3A_188 : memref<10000x128xf32, #tpu.memory_space<hbm>>) dst(%arg11 : memref<128x128xf32, #tpu.memory_space<vmem>>)
        %dma_start3A_189 = arith.constant 4 : i32
        %dma_start3A_190 = arith.constant 0 : i32
        %dma_start3A_191 = tpu.memref_slice %arg10[%dma_start3A_189, %dma_start3A_190] : memref<8x128xi32, #tpu.memory_space<vmem>> -> memref<1x128xi32, #tpu.memory_space<vmem>>
        %dma_start3A_192 = tpu.memref_squeeze %dma_start3A_191 : memref<1x128xi32, #tpu.memory_space<vmem>> -> memref<128xi32, #tpu.memory_space<vmem>>
        %dma_start3A_193 = arith.constant 0 : i32
        %dma_start3A_194 = arith.constant 0 : i32
        %dma_start3A_195 = tpu.memref_slice %arg13[%dma_start3A_193, %dma_start3A_194] : memref<10112x128xf32, #tpu.memory_space<vmem_shared>> -> memref<10112x128xf32, #tpu.memory_space<vmem_shared>>
        tpu.enqueue_indirect_dma source(%arg11 : memref<128x128xf32, #tpu.memory_space<vmem>>) target(%dma_start3A_195 : memref<10112x128xf32, #tpu.memory_space<vmem_shared>>) offsets(%dma_start3A_192 : memref<128xi32, #tpu.memory_space<vmem>>) semaphore(%arg16 : memref<!tpu.dma_semaphore, #tpu.memory_space<semaphore_mem>>) {add = true}
        %dma_wait3A_196 = arith.constant 4 : i32
        %dma_wait3A_197 = arith.constant 0 : i32
        %dma_wait3A_198 = tpu.memref_slice %arg10[%dma_wait3A_196, %dma_wait3A_197] : memref<8x128xi32, #tpu.memory_space<vmem>> -> memref<1x128xi32, #tpu.memory_space<vmem>>
        %dma_wait3A_199 = tpu.memref_squeeze %dma_wait3A_198 : memref<1x128xi32, #tpu.memory_space<vmem>> -> memref<128xi32, #tpu.memory_space<vmem>>
        %dma_wait3A_200 = arith.constant 0 : i32
        %dma_wait3A_201 = arith.constant 0 : i32
        %dma_wait3A_202 = tpu.memref_slice %arg13[%dma_wait3A_200, %dma_wait3A_201] : memref<10112x128xf32, #tpu.memory_space<vmem_shared>> -> memref<10112x128xf32, #tpu.memory_space<vmem_shared>>
        tpu.wait_indirect_dma semaphore(%arg16 : memref<!tpu.dma_semaphore, #tpu.memory_space<semaphore_mem>>) src(%arg11 : memref<128x128xf32, #tpu.memory_space<vmem>>) dst(%dma_wait3A_202 : memref<10112x128xf32, #tpu.memory_space<vmem_shared>>)
        %dma_start3A_203 = arith.constant 6 : i32
        %dma_start3A_204 = arith.constant 0 : i32
        %dma_start3A_205 = tpu.memref_slice %arg9[%dma_start3A_203, %dma_start3A_204] : memref<8x128xi32, #tpu.memory_space<vmem>> -> memref<1x128xi32, #tpu.memory_space<vmem>>
        %dma_start3A_206 = tpu.memref_squeeze %dma_start3A_205 : memref<1x128xi32, #tpu.memory_space<vmem>> -> memref<128xi32, #tpu.memory_space<vmem>>
        %dma_start3A_207 = arith.constant 0 : i32
        %dma_start3A_208 = arith.constant 0 : i32
        %dma_start3A_209 = tpu.memref_slice %arg2[%dma_start3A_207, %dma_start3A_208] : memref<10000x128xf32, #tpu.memory_space<hbm>> -> memref<10000x128xf32, #tpu.memory_space<hbm>>
        tpu.enqueue_indirect_dma source(%dma_start3A_209 : memref<10000x128xf32, #tpu.memory_space<hbm>>) target(%arg11 : memref<128x128xf32, #tpu.memory_space<vmem>>) offsets(%dma_start3A_206 : memref<128xi32, #tpu.memory_space<vmem>>) semaphore(%arg14 : memref<!tpu.dma_semaphore, #tpu.memory_space<semaphore_mem>>)
        %dma_wait3A_210 = arith.constant 5 : i32
        %dma_wait3A_211 = arith.constant 0 : i32
        %dma_wait3A_212 = tpu.memref_slice %arg9[%dma_wait3A_210, %dma_wait3A_211] : memref<8x128xi32, #tpu.memory_space<vmem>> -> memref<1x128xi32, #tpu.memory_space<vmem>>
        %dma_wait3A_213 = tpu.memref_squeeze %dma_wait3A_212 : memref<1x128xi32, #tpu.memory_space<vmem>> -> memref<128xi32, #tpu.memory_space<vmem>>
        %dma_wait3A_214 = arith.constant 0 : i32
        %dma_wait3A_215 = arith.constant 0 : i32
        %dma_wait3A_216 = tpu.memref_slice %arg2[%dma_wait3A_214, %dma_wait3A_215] : memref<10000x128xf32, #tpu.memory_space<hbm>> -> memref<10000x128xf32, #tpu.memory_space<hbm>>
        tpu.wait_indirect_dma semaphore(%arg15 : memref<!tpu.dma_semaphore, #tpu.memory_space<semaphore_mem>>) src(%dma_wait3A_216 : memref<10000x128xf32, #tpu.memory_space<hbm>>) dst(%arg12 : memref<128x128xf32, #tpu.memory_space<vmem>>)
        %dma_start3A_217 = arith.constant 5 : i32
        %dma_start3A_218 = arith.constant 0 : i32
        %dma_start3A_219 = tpu.memref_slice %arg10[%dma_start3A_217, %dma_start3A_218] : memref<8x128xi32, #tpu.memory_space<vmem>> -> memref<1x128xi32, #tpu.memory_space<vmem>>
        %dma_start3A_220 = tpu.memref_squeeze %dma_start3A_219 : memref<1x128xi32, #tpu.memory_space<vmem>> -> memref<128xi32, #tpu.memory_space<vmem>>
        %dma_start3A_221 = arith.constant 0 : i32
        %dma_start3A_222 = arith.constant 0 : i32
        %dma_start3A_223 = tpu.memref_slice %arg13[%dma_start3A_221, %dma_start3A_222] : memref<10112x128xf32, #tpu.memory_space<vmem_shared>> -> memref<10112x128xf32, #tpu.memory_space<vmem_shared>>
        tpu.enqueue_indirect_dma source(%arg12 : memref<128x128xf32, #tpu.memory_space<vmem>>) target(%dma_start3A_223 : memref<10112x128xf32, #tpu.memory_space<vmem_shared>>) offsets(%dma_start3A_220 : memref<128xi32, #tpu.memory_space<vmem>>) semaphore(%arg17 : memref<!tpu.dma_semaphore, #tpu.memory_space<semaphore_mem>>) {add = true}
        %dma_wait3A_224 = arith.constant 5 : i32
        %dma_wait3A_225 = arith.constant 0 : i32
        %dma_wait3A_226 = tpu.memref_slice %arg10[%dma_wait3A_224, %dma_wait3A_225] : memref<8x128xi32, #tpu.memory_space<vmem>> -> memref<1x128xi32, #tpu.memory_space<vmem>>
        %dma_wait3A_227 = tpu.memref_squeeze %dma_wait3A_226 : memref<1x128xi32, #tpu.memory_space<vmem>> -> memref<128xi32, #tpu.memory_space<vmem>>
        %dma_wait3A_228 = arith.constant 0 : i32
        %dma_wait3A_229 = arith.constant 0 : i32
        %dma_wait3A_230 = tpu.memref_slice %arg13[%dma_wait3A_228, %dma_wait3A_229] : memref<10112x128xf32, #tpu.memory_space<vmem_shared>> -> memref<10112x128xf32, #tpu.memory_space<vmem_shared>>
        tpu.wait_indirect_dma semaphore(%arg17 : memref<!tpu.dma_semaphore, #tpu.memory_space<semaphore_mem>>) src(%arg12 : memref<128x128xf32, #tpu.memory_space<vmem>>) dst(%dma_wait3A_230 : memref<10112x128xf32, #tpu.memory_space<vmem_shared>>)
        %dma_start3A_231 = arith.constant 7 : i32
        %dma_start3A_232 = arith.constant 0 : i32
        %dma_start3A_233 = tpu.memref_slice %arg9[%dma_start3A_231, %dma_start3A_232] : memref<8x128xi32, #tpu.memory_space<vmem>> -> memref<1x128xi32, #tpu.memory_space<vmem>>
        %dma_start3A_234 = tpu.memref_squeeze %dma_start3A_233 : memref<1x128xi32, #tpu.memory_space<vmem>> -> memref<128xi32, #tpu.memory_space<vmem>>
        %dma_start3A_235 = arith.constant 0 : i32
        %dma_start3A_236 = arith.constant 0 : i32
        %dma_start3A_237 = tpu.memref_slice %arg2[%dma_start3A_235, %dma_start3A_236] : memref<10000x128xf32, #tpu.memory_space<hbm>> -> memref<10000x128xf32, #tpu.memory_space<hbm>>
        tpu.enqueue_indirect_dma source(%dma_start3A_237 : memref<10000x128xf32, #tpu.memory_space<hbm>>) target(%arg12 : memref<128x128xf32, #tpu.memory_space<vmem>>) offsets(%dma_start3A_234 : memref<128xi32, #tpu.memory_space<vmem>>) semaphore(%arg15 : memref<!tpu.dma_semaphore, #tpu.memory_space<semaphore_mem>>)
        %dma_wait3A_238 = arith.constant 6 : i32
        %dma_wait3A_239 = arith.constant 0 : i32
        %dma_wait3A_240 = tpu.memref_slice %arg9[%dma_wait3A_238, %dma_wait3A_239] : memref<8x128xi32, #tpu.memory_space<vmem>> -> memref<1x128xi32, #tpu.memory_space<vmem>>
        %dma_wait3A_241 = tpu.memref_squeeze %dma_wait3A_240 : memref<1x128xi32, #tpu.memory_space<vmem>> -> memref<128xi32, #tpu.memory_space<vmem>>
        %dma_wait3A_242 = arith.constant 0 : i32
        %dma_wait3A_243 = arith.constant 0 : i32
        %dma_wait3A_244 = tpu.memref_slice %arg2[%dma_wait3A_242, %dma_wait3A_243] : memref<10000x128xf32, #tpu.memory_space<hbm>> -> memref<10000x128xf32, #tpu.memory_space<hbm>>
        tpu.wait_indirect_dma semaphore(%arg14 : memref<!tpu.dma_semaphore, #tpu.memory_space<semaphore_mem>>) src(%dma_wait3A_244 : memref<10000x128xf32, #tpu.memory_space<hbm>>) dst(%arg11 : memref<128x128xf32, #tpu.memory_space<vmem>>)
        %dma_start3A_245 = arith.constant 6 : i32
        %dma_start3A_246 = arith.constant 0 : i32
        %dma_start3A_247 = tpu.memref_slice %arg10[%dma_start3A_245, %dma_start3A_246] : memref<8x128xi32, #tpu.memory_space<vmem>> -> memref<1x128xi32, #tpu.memory_space<vmem>>
        %dma_start3A_248 = tpu.memref_squeeze %dma_start3A_247 : memref<1x128xi32, #tpu.memory_space<vmem>> -> memref<128xi32, #tpu.memory_space<vmem>>
        %dma_start3A_249 = arith.constant 0 : i32
        %dma_start3A_250 = arith.constant 0 : i32
        %dma_start3A_251 = tpu.memref_slice %arg13[%dma_start3A_249, %dma_start3A_250] : memref<10112x128xf32, #tpu.memory_space<vmem_shared>> -> memref<10112x128xf32, #tpu.memory_space<vmem_shared>>
        tpu.enqueue_indirect_dma source(%arg11 : memref<128x128xf32, #tpu.memory_space<vmem>>) target(%dma_start3A_251 : memref<10112x128xf32, #tpu.memory_space<vmem_shared>>) offsets(%dma_start3A_248 : memref<128xi32, #tpu.memory_space<vmem>>) semaphore(%arg16 : memref<!tpu.dma_semaphore, #tpu.memory_space<semaphore_mem>>) {add = true}
        %dma_wait3A_252 = arith.constant 7 : i32
        %dma_wait3A_253 = arith.constant 0 : i32
        %dma_wait3A_254 = tpu.memref_slice %arg9[%dma_wait3A_252, %dma_wait3A_253] : memref<8x128xi32, #tpu.memory_space<vmem>> -> memref<1x128xi32, #tpu.memory_space<vmem>>
        %dma_wait3A_255 = tpu.memref_squeeze %dma_wait3A_254 : memref<1x128xi32, #tpu.memory_space<vmem>> -> memref<128xi32, #tpu.memory_space<vmem>>
        %dma_wait3A_256 = arith.constant 0 : i32
        %dma_wait3A_257 = arith.constant 0 : i32
        %dma_wait3A_258 = tpu.memref_slice %arg2[%dma_wait3A_256, %dma_wait3A_257] : memref<10000x128xf32, #tpu.memory_space<hbm>> -> memref<10000x128xf32, #tpu.memory_space<hbm>>
        tpu.wait_indirect_dma semaphore(%arg15 : memref<!tpu.dma_semaphore, #tpu.memory_space<semaphore_mem>>) src(%dma_wait3A_258 : memref<10000x128xf32, #tpu.memory_space<hbm>>) dst(%arg12 : memref<128x128xf32, #tpu.memory_space<vmem>>)
        %dma_start3A_259 = arith.constant 7 : i32
        %dma_start3A_260 = arith.constant 0 : i32
        %dma_start3A_261 = tpu.memref_slice %arg10[%dma_start3A_259, %dma_start3A_260] : memref<8x128xi32, #tpu.memory_space<vmem>> -> memref<1x128xi32, #tpu.memory_space<vmem>>
        %dma_start3A_262 = tpu.memref_squeeze %dma_start3A_261 : memref<1x128xi32, #tpu.memory_space<vmem>> -> memref<128xi32, #tpu.memory_space<vmem>>
        %dma_start3A_263 = arith.constant 0 : i32
        %dma_start3A_264 = arith.constant 0 : i32
        %dma_start3A_265 = tpu.memref_slice %arg13[%dma_start3A_263, %dma_start3A_264] : memref<10112x128xf32, #tpu.memory_space<vmem_shared>> -> memref<10112x128xf32, #tpu.memory_space<vmem_shared>>
        tpu.enqueue_indirect_dma source(%arg12 : memref<128x128xf32, #tpu.memory_space<vmem>>) target(%dma_start3A_265 : memref<10112x128xf32, #tpu.memory_space<vmem_shared>>) offsets(%dma_start3A_262 : memref<128xi32, #tpu.memory_space<vmem>>) semaphore(%arg17 : memref<!tpu.dma_semaphore, #tpu.memory_space<semaphore_mem>>) {add = true}
        %dma_wait3A_266 = arith.constant 6 : i32
        %dma_wait3A_267 = arith.constant 0 : i32
        %dma_wait3A_268 = tpu.memref_slice %arg10[%dma_wait3A_266, %dma_wait3A_267] : memref<8x128xi32, #tpu.memory_space<vmem>> -> memref<1x128xi32, #tpu.memory_space<vmem>>
        %dma_wait3A_269 = tpu.memref_squeeze %dma_wait3A_268 : memref<1x128xi32, #tpu.memory_space<vmem>> -> memref<128xi32, #tpu.memory_space<vmem>>
        %dma_wait3A_270 = arith.constant 0 : i32
        %dma_wait3A_271 = arith.constant 0 : i32
        %dma_wait3A_272 = tpu.memref_slice %arg13[%dma_wait3A_270, %dma_wait3A_271] : memref<10112x128xf32, #tpu.memory_space<vmem_shared>> -> memref<10112x128xf32, #tpu.memory_space<vmem_shared>>
        tpu.wait_indirect_dma semaphore(%arg16 : memref<!tpu.dma_semaphore, #tpu.memory_space<semaphore_mem>>) src(%arg11 : memref<128x128xf32, #tpu.memory_space<vmem>>) dst(%dma_wait3A_272 : memref<10112x128xf32, #tpu.memory_space<vmem_shared>>)
        %dma_wait3A_273 = arith.constant 7 : i32
        %dma_wait3A_274 = arith.constant 0 : i32
        %dma_wait3A_275 = tpu.memref_slice %arg10[%dma_wait3A_273, %dma_wait3A_274] : memref<8x128xi32, #tpu.memory_space<vmem>> -> memref<1x128xi32, #tpu.memory_space<vmem>>
        %dma_wait3A_276 = tpu.memref_squeeze %dma_wait3A_275 : memref<1x128xi32, #tpu.memory_space<vmem>> -> memref<128xi32, #tpu.memory_space<vmem>>
        %dma_wait3A_277 = arith.constant 0 : i32
        %dma_wait3A_278 = arith.constant 0 : i32
        %dma_wait3A_279 = tpu.memref_slice %arg13[%dma_wait3A_277, %dma_wait3A_278] : memref<10112x128xf32, #tpu.memory_space<vmem_shared>> -> memref<10112x128xf32, #tpu.memory_space<vmem_shared>>
        tpu.wait_indirect_dma semaphore(%arg17 : memref<!tpu.dma_semaphore, #tpu.memory_space<semaphore_mem>>) src(%arg12 : memref<128x128xf32, #tpu.memory_space<vmem>>) dst(%dma_wait3A_279 : memref<10112x128xf32, #tpu.memory_space<vmem_shared>>)
        %scan3A_280 = arith.constant 0 : i32
        scf.yield %scan3A_280 : i32
      }
      %scan3A_51 = arith.constant 14 : i32
    } else {
    }
    %eq3A_20 = arith.constant 1 : i32
    %eq3A_21 = arith.cmpi eq, %arg0, %eq3A_20 : i32
    %convert_element_type3A_22 = arith.extui %eq3A_21 : i1 to i32
    %cond3A_23 = arith.constant 0 : i32
    %cond3A_24 = arith.cmpi ne, %convert_element_type3A_22, %cond3A_23 : i32
    scf.if %cond3A_24 {
      %scan3A = arith.constant 0 : i32
      %scan3A_46 = arith.constant 0 : i32
      %scan3A_47 = arith.constant 6 : i32
      %scan3A_48 = arith.addi %scan3A_46, %scan3A_47 : i32
      %scan3A_49 = arith.constant 1 : i32
      %scan3A_50 = scf.for %scan3A_52 = %scan3A_46 to %scan3A_48 step %scan3A_49 iter_args(%scan3A_53 = %scan3A) -> (i32)  : i32 {
        %mul3A_54 = arith.constant 8 : i32
        %mul3A_55 = arith.muli %scan3A_52, %mul3A_54 : i32
        "tpu.region"() ({
          %run_scoped3A = tpu.sem_alloc : memref<!tpu.dma_semaphore, #tpu.memory_space<semaphore_mem>>
          %dma_start3A_281 = arith.constant 0 : i32
          %dma_start3A_282 = tpu.memref_slice %arg5[%arg1, %mul3A_55, %dma_start3A_281] : memref<16x48x128xi32, #tpu.memory_space<hbm>> -> memref<1x8x128xi32, #tpu.memory_space<hbm>>
          %dma_start3A_283 = tpu.memref_squeeze %dma_start3A_282 : memref<1x8x128xi32, #tpu.memory_space<hbm>> -> memref<8x128xi32, #tpu.memory_space<hbm>>
          %dma_start3A_284 = arith.constant 0 : i32
          %dma_start3A_285 = tpu.memref_slice %arg5[%arg1, %mul3A_55, %dma_start3A_284] : memref<16x48x128xi32, #tpu.memory_space<hbm>> -> memref<1x8x128xi32, #tpu.memory_space<hbm>>
          %dma_start3A_286 = tpu.memref_squeeze %dma_start3A_285 : memref<1x8x128xi32, #tpu.memory_space<hbm>> -> memref<8x128xi32, #tpu.memory_space<hbm>>
          tpu.enqueue_dma source(%dma_start3A_286 : memref<8x128xi32, #tpu.memory_space<hbm>>) target(%arg9 : memref<8x128xi32, #tpu.memory_space<vmem>>) target_semaphore(%run_scoped3A : memref<!tpu.dma_semaphore, #tpu.memory_space<semaphore_mem>>)
          %dma_wait3A_287 = arith.constant 0 : i32
          %dma_wait3A_288 = tpu.memref_slice %arg5[%arg1, %mul3A_55, %dma_wait3A_287] : memref<16x48x128xi32, #tpu.memory_space<hbm>> -> memref<1x8x128xi32, #tpu.memory_space<hbm>>
          %dma_wait3A_289 = tpu.memref_squeeze %dma_wait3A_288 : memref<1x8x128xi32, #tpu.memory_space<hbm>> -> memref<8x128xi32, #tpu.memory_space<hbm>>
          %dma_wait3A_290 = arith.constant 0 : i32
          %dma_wait3A_291 = tpu.memref_slice %arg5[%arg1, %mul3A_55, %dma_wait3A_290] : memref<16x48x128xi32, #tpu.memory_space<hbm>> -> memref<1x8x128xi32, #tpu.memory_space<hbm>>
          %dma_wait3A_292 = tpu.memref_squeeze %dma_wait3A_291 : memref<1x8x128xi32, #tpu.memory_space<hbm>> -> memref<8x128xi32, #tpu.memory_space<hbm>>
          tpu.wait_dma2 semaphore(%run_scoped3A : memref<!tpu.dma_semaphore, #tpu.memory_space<semaphore_mem>>) src(%dma_wait3A_292 : memref<8x128xi32, #tpu.memory_space<hbm>>) dst(%arg9 : memref<8x128xi32, #tpu.memory_space<vmem>>)
          tpu.yield
        }) : () -> ()
        %mul3A_56 = arith.constant 8 : i32
        %mul3A_57 = arith.muli %scan3A_52, %mul3A_56 : i32
        "tpu.region"() ({
          %run_scoped3A = tpu.sem_alloc : memref<!tpu.dma_semaphore, #tpu.memory_space<semaphore_mem>>
          %dma_start3A_281 = arith.constant 0 : i32
          %dma_start3A_282 = tpu.memref_slice %arg6[%arg1, %mul3A_57, %dma_start3A_281] : memref<16x48x128xi32, #tpu.memory_space<hbm>> -> memref<1x8x128xi32, #tpu.memory_space<hbm>>
          %dma_start3A_283 = tpu.memref_squeeze %dma_start3A_282 : memref<1x8x128xi32, #tpu.memory_space<hbm>> -> memref<8x128xi32, #tpu.memory_space<hbm>>
          %dma_start3A_284 = arith.constant 0 : i32
          %dma_start3A_285 = tpu.memref_slice %arg6[%arg1, %mul3A_57, %dma_start3A_284] : memref<16x48x128xi32, #tpu.memory_space<hbm>> -> memref<1x8x128xi32, #tpu.memory_space<hbm>>
          %dma_start3A_286 = tpu.memref_squeeze %dma_start3A_285 : memref<1x8x128xi32, #tpu.memory_space<hbm>> -> memref<8x128xi32, #tpu.memory_space<hbm>>
          tpu.enqueue_dma source(%dma_start3A_286 : memref<8x128xi32, #tpu.memory_space<hbm>>) target(%arg10 : memref<8x128xi32, #tpu.memory_space<vmem>>) target_semaphore(%run_scoped3A : memref<!tpu.dma_semaphore, #tpu.memory_space<semaphore_mem>>)
          %dma_wait3A_287 = arith.constant 0 : i32
          %dma_wait3A_288 = tpu.memref_slice %arg6[%arg1, %mul3A_57, %dma_wait3A_287] : memref<16x48x128xi32, #tpu.memory_space<hbm>> -> memref<1x8x128xi32, #tpu.memory_space<hbm>>
          %dma_wait3A_289 = tpu.memref_squeeze %dma_wait3A_288 : memref<1x8x128xi32, #tpu.memory_space<hbm>> -> memref<8x128xi32, #tpu.memory_space<hbm>>
          %dma_wait3A_290 = arith.constant 0 : i32
          %dma_wait3A_291 = tpu.memref_slice %arg6[%arg1, %mul3A_57, %dma_wait3A_290] : memref<16x48x128xi32, #tpu.memory_space<hbm>> -> memref<1x8x128xi32, #tpu.memory_space<hbm>>
          %dma_wait3A_292 = tpu.memref_squeeze %dma_wait3A_291 : memref<1x8x128xi32, #tpu.memory_space<hbm>> -> memref<8x128xi32, #tpu.memory_space<hbm>>
          tpu.wait_dma2 semaphore(%run_scoped3A : memref<!tpu.dma_semaphore, #tpu.memory_space<semaphore_mem>>) src(%dma_wait3A_292 : memref<8x128xi32, #tpu.memory_space<hbm>>) dst(%arg10 : memref<8x128xi32, #tpu.memory_space<vmem>>)
          tpu.yield
        }) : () -> ()
        %dma_start3A = arith.constant 0 : i32
        %dma_start3A_58 = arith.constant 0 : i32
        %dma_start3A_59 = tpu.memref_slice %arg9[%dma_start3A, %dma_start3A_58] : memref<8x128xi32, #tpu.memory_space<vmem>> -> memref<1x128xi32, #tpu.memory_space<vmem>>
        %dma_start3A_60 = tpu.memref_squeeze %dma_start3A_59 : memref<1x128xi32, #tpu.memory_space<vmem>> -> memref<128xi32, #tpu.memory_space<vmem>>
        %dma_start3A_61 = arith.constant 0 : i32
        %dma_start3A_62 = arith.constant 0 : i32
        %dma_start3A_63 = tpu.memref_slice %arg2[%dma_start3A_61, %dma_start3A_62] : memref<10000x128xf32, #tpu.memory_space<hbm>> -> memref<10000x128xf32, #tpu.memory_space<hbm>>
        tpu.enqueue_indirect_dma source(%dma_start3A_63 : memref<10000x128xf32, #tpu.memory_space<hbm>>) target(%arg11 : memref<128x128xf32, #tpu.memory_space<vmem>>) offsets(%dma_start3A_60 : memref<128xi32, #tpu.memory_space<vmem>>) semaphore(%arg14 : memref<!tpu.dma_semaphore, #tpu.memory_space<semaphore_mem>>)
        %dma_start3A_64 = arith.constant 1 : i32
        %dma_start3A_65 = arith.constant 0 : i32
        %dma_start3A_66 = tpu.memref_slice %arg9[%dma_start3A_64, %dma_start3A_65] : memref<8x128xi32, #tpu.memory_space<vmem>> -> memref<1x128xi32, #tpu.memory_space<vmem>>
        %dma_start3A_67 = tpu.memref_squeeze %dma_start3A_66 : memref<1x128xi32, #tpu.memory_space<vmem>> -> memref<128xi32, #tpu.memory_space<vmem>>
        %dma_start3A_68 = arith.constant 0 : i32
        %dma_start3A_69 = arith.constant 0 : i32
        %dma_start3A_70 = tpu.memref_slice %arg2[%dma_start3A_68, %dma_start3A_69] : memref<10000x128xf32, #tpu.memory_space<hbm>> -> memref<10000x128xf32, #tpu.memory_space<hbm>>
        tpu.enqueue_indirect_dma source(%dma_start3A_70 : memref<10000x128xf32, #tpu.memory_space<hbm>>) target(%arg12 : memref<128x128xf32, #tpu.memory_space<vmem>>) offsets(%dma_start3A_67 : memref<128xi32, #tpu.memory_space<vmem>>) semaphore(%arg15 : memref<!tpu.dma_semaphore, #tpu.memory_space<semaphore_mem>>)
        %dma_wait3A = arith.constant 0 : i32
        %dma_wait3A_71 = arith.constant 0 : i32
        %dma_wait3A_72 = tpu.memref_slice %arg9[%dma_wait3A, %dma_wait3A_71] : memref<8x128xi32, #tpu.memory_space<vmem>> -> memref<1x128xi32, #tpu.memory_space<vmem>>
        %dma_wait3A_73 = tpu.memref_squeeze %dma_wait3A_72 : memref<1x128xi32, #tpu.memory_space<vmem>> -> memref<128xi32, #tpu.memory_space<vmem>>
        %dma_wait3A_74 = arith.constant 0 : i32
        %dma_wait3A_75 = arith.constant 0 : i32
        %dma_wait3A_76 = tpu.memref_slice %arg2[%dma_wait3A_74, %dma_wait3A_75] : memref<10000x128xf32, #tpu.memory_space<hbm>> -> memref<10000x128xf32, #tpu.memory_space<hbm>>
        tpu.wait_indirect_dma semaphore(%arg14 : memref<!tpu.dma_semaphore, #tpu.memory_space<semaphore_mem>>) src(%dma_wait3A_76 : memref<10000x128xf32, #tpu.memory_space<hbm>>) dst(%arg11 : memref<128x128xf32, #tpu.memory_space<vmem>>)
        %dma_start3A_77 = arith.constant 0 : i32
        %dma_start3A_78 = arith.constant 0 : i32
        %dma_start3A_79 = tpu.memref_slice %arg10[%dma_start3A_77, %dma_start3A_78] : memref<8x128xi32, #tpu.memory_space<vmem>> -> memref<1x128xi32, #tpu.memory_space<vmem>>
        %dma_start3A_80 = tpu.memref_squeeze %dma_start3A_79 : memref<1x128xi32, #tpu.memory_space<vmem>> -> memref<128xi32, #tpu.memory_space<vmem>>
        %dma_start3A_81 = arith.constant 0 : i32
        %dma_start3A_82 = arith.constant 0 : i32
        %dma_start3A_83 = tpu.memref_slice %arg13[%dma_start3A_81, %dma_start3A_82] : memref<10112x128xf32, #tpu.memory_space<vmem_shared>> -> memref<10112x128xf32, #tpu.memory_space<vmem_shared>>
        tpu.enqueue_indirect_dma source(%arg11 : memref<128x128xf32, #tpu.memory_space<vmem>>) target(%dma_start3A_83 : memref<10112x128xf32, #tpu.memory_space<vmem_shared>>) offsets(%dma_start3A_80 : memref<128xi32, #tpu.memory_space<vmem>>) semaphore(%arg16 : memref<!tpu.dma_semaphore, #tpu.memory_space<semaphore_mem>>) {add = true}
        %dma_wait3A_84 = arith.constant 0 : i32
        %dma_wait3A_85 = arith.constant 0 : i32
        %dma_wait3A_86 = tpu.memref_slice %arg10[%dma_wait3A_84, %dma_wait3A_85] : memref<8x128xi32, #tpu.memory_space<vmem>> -> memref<1x128xi32, #tpu.memory_space<vmem>>
        %dma_wait3A_87 = tpu.memref_squeeze %dma_wait3A_86 : memref<1x128xi32, #tpu.memory_space<vmem>> -> memref<128xi32, #tpu.memory_space<vmem>>
        %dma_wait3A_88 = arith.constant 0 : i32
        %dma_wait3A_89 = arith.constant 0 : i32
        %dma_wait3A_90 = tpu.memref_slice %arg13[%dma_wait3A_88, %dma_wait3A_89] : memref<10112x128xf32, #tpu.memory_space<vmem_shared>> -> memref<10112x128xf32, #tpu.memory_space<vmem_shared>>
        tpu.wait_indirect_dma semaphore(%arg16 : memref<!tpu.dma_semaphore, #tpu.memory_space<semaphore_mem>>) src(%arg11 : memref<128x128xf32, #tpu.memory_space<vmem>>) dst(%dma_wait3A_90 : memref<10112x128xf32, #tpu.memory_space<vmem_shared>>)
        %dma_start3A_91 = arith.constant 2 : i32
        %dma_start3A_92 = arith.constant 0 : i32
        %dma_start3A_93 = tpu.memref_slice %arg9[%dma_start3A_91, %dma_start3A_92] : memref<8x128xi32, #tpu.memory_space<vmem>> -> memref<1x128xi32, #tpu.memory_space<vmem>>
        %dma_start3A_94 = tpu.memref_squeeze %dma_start3A_93 : memref<1x128xi32, #tpu.memory_space<vmem>> -> memref<128xi32, #tpu.memory_space<vmem>>
        %dma_start3A_95 = arith.constant 0 : i32
        %dma_start3A_96 = arith.constant 0 : i32
        %dma_start3A_97 = tpu.memref_slice %arg2[%dma_start3A_95, %dma_start3A_96] : memref<10000x128xf32, #tpu.memory_space<hbm>> -> memref<10000x128xf32, #tpu.memory_space<hbm>>
        tpu.enqueue_indirect_dma source(%dma_start3A_97 : memref<10000x128xf32, #tpu.memory_space<hbm>>) target(%arg11 : memref<128x128xf32, #tpu.memory_space<vmem>>) offsets(%dma_start3A_94 : memref<128xi32, #tpu.memory_space<vmem>>) semaphore(%arg14 : memref<!tpu.dma_semaphore, #tpu.memory_space<semaphore_mem>>)
        %dma_wait3A_98 = arith.constant 1 : i32
        %dma_wait3A_99 = arith.constant 0 : i32
        %dma_wait3A_100 = tpu.memref_slice %arg9[%dma_wait3A_98, %dma_wait3A_99] : memref<8x128xi32, #tpu.memory_space<vmem>> -> memref<1x128xi32, #tpu.memory_space<vmem>>
        %dma_wait3A_101 = tpu.memref_squeeze %dma_wait3A_100 : memref<1x128xi32, #tpu.memory_space<vmem>> -> memref<128xi32, #tpu.memory_space<vmem>>
        %dma_wait3A_102 = arith.constant 0 : i32
        %dma_wait3A_103 = arith.constant 0 : i32
        %dma_wait3A_104 = tpu.memref_slice %arg2[%dma_wait3A_102, %dma_wait3A_103] : memref<10000x128xf32, #tpu.memory_space<hbm>> -> memref<10000x128xf32, #tpu.memory_space<hbm>>
        tpu.wait_indirect_dma semaphore(%arg15 : memref<!tpu.dma_semaphore, #tpu.memory_space<semaphore_mem>>) src(%dma_wait3A_104 : memref<10000x128xf32, #tpu.memory_space<hbm>>) dst(%arg12 : memref<128x128xf32, #tpu.memory_space<vmem>>)
        %dma_start3A_105 = arith.constant 1 : i32
        %dma_start3A_106 = arith.constant 0 : i32
        %dma_start3A_107 = tpu.memref_slice %arg10[%dma_start3A_105, %dma_start3A_106] : memref<8x128xi32, #tpu.memory_space<vmem>> -> memref<1x128xi32, #tpu.memory_space<vmem>>
        %dma_start3A_108 = tpu.memref_squeeze %dma_start3A_107 : memref<1x128xi32, #tpu.memory_space<vmem>> -> memref<128xi32, #tpu.memory_space<vmem>>
        %dma_start3A_109 = arith.constant 0 : i32
        %dma_start3A_110 = arith.constant 0 : i32
        %dma_start3A_111 = tpu.memref_slice %arg13[%dma_start3A_109, %dma_start3A_110] : memref<10112x128xf32, #tpu.memory_space<vmem_shared>> -> memref<10112x128xf32, #tpu.memory_space<vmem_shared>>
        tpu.enqueue_indirect_dma source(%arg12 : memref<128x128xf32, #tpu.memory_space<vmem>>) target(%dma_start3A_111 : memref<10112x128xf32, #tpu.memory_space<vmem_shared>>) offsets(%dma_start3A_108 : memref<128xi32, #tpu.memory_space<vmem>>) semaphore(%arg17 : memref<!tpu.dma_semaphore, #tpu.memory_space<semaphore_mem>>) {add = true}
        %dma_wait3A_112 = arith.constant 1 : i32
        %dma_wait3A_113 = arith.constant 0 : i32
        %dma_wait3A_114 = tpu.memref_slice %arg10[%dma_wait3A_112, %dma_wait3A_113] : memref<8x128xi32, #tpu.memory_space<vmem>> -> memref<1x128xi32, #tpu.memory_space<vmem>>
        %dma_wait3A_115 = tpu.memref_squeeze %dma_wait3A_114 : memref<1x128xi32, #tpu.memory_space<vmem>> -> memref<128xi32, #tpu.memory_space<vmem>>
        %dma_wait3A_116 = arith.constant 0 : i32
        %dma_wait3A_117 = arith.constant 0 : i32
        %dma_wait3A_118 = tpu.memref_slice %arg13[%dma_wait3A_116, %dma_wait3A_117] : memref<10112x128xf32, #tpu.memory_space<vmem_shared>> -> memref<10112x128xf32, #tpu.memory_space<vmem_shared>>
        tpu.wait_indirect_dma semaphore(%arg17 : memref<!tpu.dma_semaphore, #tpu.memory_space<semaphore_mem>>) src(%arg12 : memref<128x128xf32, #tpu.memory_space<vmem>>) dst(%dma_wait3A_118 : memref<10112x128xf32, #tpu.memory_space<vmem_shared>>)
        %dma_start3A_119 = arith.constant 3 : i32
        %dma_start3A_120 = arith.constant 0 : i32
        %dma_start3A_121 = tpu.memref_slice %arg9[%dma_start3A_119, %dma_start3A_120] : memref<8x128xi32, #tpu.memory_space<vmem>> -> memref<1x128xi32, #tpu.memory_space<vmem>>
        %dma_start3A_122 = tpu.memref_squeeze %dma_start3A_121 : memref<1x128xi32, #tpu.memory_space<vmem>> -> memref<128xi32, #tpu.memory_space<vmem>>
        %dma_start3A_123 = arith.constant 0 : i32
        %dma_start3A_124 = arith.constant 0 : i32
        %dma_start3A_125 = tpu.memref_slice %arg2[%dma_start3A_123, %dma_start3A_124] : memref<10000x128xf32, #tpu.memory_space<hbm>> -> memref<10000x128xf32, #tpu.memory_space<hbm>>
        tpu.enqueue_indirect_dma source(%dma_start3A_125 : memref<10000x128xf32, #tpu.memory_space<hbm>>) target(%arg12 : memref<128x128xf32, #tpu.memory_space<vmem>>) offsets(%dma_start3A_122 : memref<128xi32, #tpu.memory_space<vmem>>) semaphore(%arg15 : memref<!tpu.dma_semaphore, #tpu.memory_space<semaphore_mem>>)
        %dma_wait3A_126 = arith.constant 2 : i32
        %dma_wait3A_127 = arith.constant 0 : i32
        %dma_wait3A_128 = tpu.memref_slice %arg9[%dma_wait3A_126, %dma_wait3A_127] : memref<8x128xi32, #tpu.memory_space<vmem>> -> memref<1x128xi32, #tpu.memory_space<vmem>>
        %dma_wait3A_129 = tpu.memref_squeeze %dma_wait3A_128 : memref<1x128xi32, #tpu.memory_space<vmem>> -> memref<128xi32, #tpu.memory_space<vmem>>
        %dma_wait3A_130 = arith.constant 0 : i32
        %dma_wait3A_131 = arith.constant 0 : i32
        %dma_wait3A_132 = tpu.memref_slice %arg2[%dma_wait3A_130, %dma_wait3A_131] : memref<10000x128xf32, #tpu.memory_space<hbm>> -> memref<10000x128xf32, #tpu.memory_space<hbm>>
        tpu.wait_indirect_dma semaphore(%arg14 : memref<!tpu.dma_semaphore, #tpu.memory_space<semaphore_mem>>) src(%dma_wait3A_132 : memref<10000x128xf32, #tpu.memory_space<hbm>>) dst(%arg11 : memref<128x128xf32, #tpu.memory_space<vmem>>)
        %dma_start3A_133 = arith.constant 2 : i32
        %dma_start3A_134 = arith.constant 0 : i32
        %dma_start3A_135 = tpu.memref_slice %arg10[%dma_start3A_133, %dma_start3A_134] : memref<8x128xi32, #tpu.memory_space<vmem>> -> memref<1x128xi32, #tpu.memory_space<vmem>>
        %dma_start3A_136 = tpu.memref_squeeze %dma_start3A_135 : memref<1x128xi32, #tpu.memory_space<vmem>> -> memref<128xi32, #tpu.memory_space<vmem>>
        %dma_start3A_137 = arith.constant 0 : i32
        %dma_start3A_138 = arith.constant 0 : i32
        %dma_start3A_139 = tpu.memref_slice %arg13[%dma_start3A_137, %dma_start3A_138] : memref<10112x128xf32, #tpu.memory_space<vmem_shared>> -> memref<10112x128xf32, #tpu.memory_space<vmem_shared>>
        tpu.enqueue_indirect_dma source(%arg11 : memref<128x128xf32, #tpu.memory_space<vmem>>) target(%dma_start3A_139 : memref<10112x128xf32, #tpu.memory_space<vmem_shared>>) offsets(%dma_start3A_136 : memref<128xi32, #tpu.memory_space<vmem>>) semaphore(%arg16 : memref<!tpu.dma_semaphore, #tpu.memory_space<semaphore_mem>>) {add = true}
        %dma_wait3A_140 = arith.constant 2 : i32
        %dma_wait3A_141 = arith.constant 0 : i32
        %dma_wait3A_142 = tpu.memref_slice %arg10[%dma_wait3A_140, %dma_wait3A_141] : memref<8x128xi32, #tpu.memory_space<vmem>> -> memref<1x128xi32, #tpu.memory_space<vmem>>
        %dma_wait3A_143 = tpu.memref_squeeze %dma_wait3A_142 : memref<1x128xi32, #tpu.memory_space<vmem>> -> memref<128xi32, #tpu.memory_space<vmem>>
        %dma_wait3A_144 = arith.constant 0 : i32
        %dma_wait3A_145 = arith.constant 0 : i32
        %dma_wait3A_146 = tpu.memref_slice %arg13[%dma_wait3A_144, %dma_wait3A_145] : memref<10112x128xf32, #tpu.memory_space<vmem_shared>> -> memref<10112x128xf32, #tpu.memory_space<vmem_shared>>
        tpu.wait_indirect_dma semaphore(%arg16 : memref<!tpu.dma_semaphore, #tpu.memory_space<semaphore_mem>>) src(%arg11 : memref<128x128xf32, #tpu.memory_space<vmem>>) dst(%dma_wait3A_146 : memref<10112x128xf32, #tpu.memory_space<vmem_shared>>)
        %dma_start3A_147 = arith.constant 4 : i32
        %dma_start3A_148 = arith.constant 0 : i32
        %dma_start3A_149 = tpu.memref_slice %arg9[%dma_start3A_147, %dma_start3A_148] : memref<8x128xi32, #tpu.memory_space<vmem>> -> memref<1x128xi32, #tpu.memory_space<vmem>>
        %dma_start3A_150 = tpu.memref_squeeze %dma_start3A_149 : memref<1x128xi32, #tpu.memory_space<vmem>> -> memref<128xi32, #tpu.memory_space<vmem>>
        %dma_start3A_151 = arith.constant 0 : i32
        %dma_start3A_152 = arith.constant 0 : i32
        %dma_start3A_153 = tpu.memref_slice %arg2[%dma_start3A_151, %dma_start3A_152] : memref<10000x128xf32, #tpu.memory_space<hbm>> -> memref<10000x128xf32, #tpu.memory_space<hbm>>
        tpu.enqueue_indirect_dma source(%dma_start3A_153 : memref<10000x128xf32, #tpu.memory_space<hbm>>) target(%arg11 : memref<128x128xf32, #tpu.memory_space<vmem>>) offsets(%dma_start3A_150 : memref<128xi32, #tpu.memory_space<vmem>>) semaphore(%arg14 : memref<!tpu.dma_semaphore, #tpu.memory_space<semaphore_mem>>)
        %dma_wait3A_154 = arith.constant 3 : i32
        %dma_wait3A_155 = arith.constant 0 : i32
        %dma_wait3A_156 = tpu.memref_slice %arg9[%dma_wait3A_154, %dma_wait3A_155] : memref<8x128xi32, #tpu.memory_space<vmem>> -> memref<1x128xi32, #tpu.memory_space<vmem>>
        %dma_wait3A_157 = tpu.memref_squeeze %dma_wait3A_156 : memref<1x128xi32, #tpu.memory_space<vmem>> -> memref<128xi32, #tpu.memory_space<vmem>>
        %dma_wait3A_158 = arith.constant 0 : i32
        %dma_wait3A_159 = arith.constant 0 : i32
        %dma_wait3A_160 = tpu.memref_slice %arg2[%dma_wait3A_158, %dma_wait3A_159] : memref<10000x128xf32, #tpu.memory_space<hbm>> -> memref<10000x128xf32, #tpu.memory_space<hbm>>
        tpu.wait_indirect_dma semaphore(%arg15 : memref<!tpu.dma_semaphore, #tpu.memory_space<semaphore_mem>>) src(%dma_wait3A_160 : memref<10000x128xf32, #tpu.memory_space<hbm>>) dst(%arg12 : memref<128x128xf32, #tpu.memory_space<vmem>>)
        %dma_start3A_161 = arith.constant 3 : i32
        %dma_start3A_162 = arith.constant 0 : i32
        %dma_start3A_163 = tpu.memref_slice %arg10[%dma_start3A_161, %dma_start3A_162] : memref<8x128xi32, #tpu.memory_space<vmem>> -> memref<1x128xi32, #tpu.memory_space<vmem>>
        %dma_start3A_164 = tpu.memref_squeeze %dma_start3A_163 : memref<1x128xi32, #tpu.memory_space<vmem>> -> memref<128xi32, #tpu.memory_space<vmem>>
        %dma_start3A_165 = arith.constant 0 : i32
        %dma_start3A_166 = arith.constant 0 : i32
        %dma_start3A_167 = tpu.memref_slice %arg13[%dma_start3A_165, %dma_start3A_166] : memref<10112x128xf32, #tpu.memory_space<vmem_shared>> -> memref<10112x128xf32, #tpu.memory_space<vmem_shared>>
        tpu.enqueue_indirect_dma source(%arg12 : memref<128x128xf32, #tpu.memory_space<vmem>>) target(%dma_start3A_167 : memref<10112x128xf32, #tpu.memory_space<vmem_shared>>) offsets(%dma_start3A_164 : memref<128xi32, #tpu.memory_space<vmem>>) semaphore(%arg17 : memref<!tpu.dma_semaphore, #tpu.memory_space<semaphore_mem>>) {add = true}
        %dma_wait3A_168 = arith.constant 3 : i32
        %dma_wait3A_169 = arith.constant 0 : i32
        %dma_wait3A_170 = tpu.memref_slice %arg10[%dma_wait3A_168, %dma_wait3A_169] : memref<8x128xi32, #tpu.memory_space<vmem>> -> memref<1x128xi32, #tpu.memory_space<vmem>>
        %dma_wait3A_171 = tpu.memref_squeeze %dma_wait3A_170 : memref<1x128xi32, #tpu.memory_space<vmem>> -> memref<128xi32, #tpu.memory_space<vmem>>
        %dma_wait3A_172 = arith.constant 0 : i32
        %dma_wait3A_173 = arith.constant 0 : i32
        %dma_wait3A_174 = tpu.memref_slice %arg13[%dma_wait3A_172, %dma_wait3A_173] : memref<10112x128xf32, #tpu.memory_space<vmem_shared>> -> memref<10112x128xf32, #tpu.memory_space<vmem_shared>>
        tpu.wait_indirect_dma semaphore(%arg17 : memref<!tpu.dma_semaphore, #tpu.memory_space<semaphore_mem>>) src(%arg12 : memref<128x128xf32, #tpu.memory_space<vmem>>) dst(%dma_wait3A_174 : memref<10112x128xf32, #tpu.memory_space<vmem_shared>>)
        %dma_start3A_175 = arith.constant 5 : i32
        %dma_start3A_176 = arith.constant 0 : i32
        %dma_start3A_177 = tpu.memref_slice %arg9[%dma_start3A_175, %dma_start3A_176] : memref<8x128xi32, #tpu.memory_space<vmem>> -> memref<1x128xi32, #tpu.memory_space<vmem>>
        %dma_start3A_178 = tpu.memref_squeeze %dma_start3A_177 : memref<1x128xi32, #tpu.memory_space<vmem>> -> memref<128xi32, #tpu.memory_space<vmem>>
        %dma_start3A_179 = arith.constant 0 : i32
        %dma_start3A_180 = arith.constant 0 : i32
        %dma_start3A_181 = tpu.memref_slice %arg2[%dma_start3A_179, %dma_start3A_180] : memref<10000x128xf32, #tpu.memory_space<hbm>> -> memref<10000x128xf32, #tpu.memory_space<hbm>>
        tpu.enqueue_indirect_dma source(%dma_start3A_181 : memref<10000x128xf32, #tpu.memory_space<hbm>>) target(%arg12 : memref<128x128xf32, #tpu.memory_space<vmem>>) offsets(%dma_start3A_178 : memref<128xi32, #tpu.memory_space<vmem>>) semaphore(%arg15 : memref<!tpu.dma_semaphore, #tpu.memory_space<semaphore_mem>>)
        %dma_wait3A_182 = arith.constant 4 : i32
        %dma_wait3A_183 = arith.constant 0 : i32
        %dma_wait3A_184 = tpu.memref_slice %arg9[%dma_wait3A_182, %dma_wait3A_183] : memref<8x128xi32, #tpu.memory_space<vmem>> -> memref<1x128xi32, #tpu.memory_space<vmem>>
        %dma_wait3A_185 = tpu.memref_squeeze %dma_wait3A_184 : memref<1x128xi32, #tpu.memory_space<vmem>> -> memref<128xi32, #tpu.memory_space<vmem>>
        %dma_wait3A_186 = arith.constant 0 : i32
        %dma_wait3A_187 = arith.constant 0 : i32
        %dma_wait3A_188 = tpu.memref_slice %arg2[%dma_wait3A_186, %dma_wait3A_187] : memref<10000x128xf32, #tpu.memory_space<hbm>> -> memref<10000x128xf32, #tpu.memory_space<hbm>>
        tpu.wait_indirect_dma semaphore(%arg14 : memref<!tpu.dma_semaphore, #tpu.memory_space<semaphore_mem>>) src(%dma_wait3A_188 : memref<10000x128xf32, #tpu.memory_space<hbm>>) dst(%arg11 : memref<128x128xf32, #tpu.memory_space<vmem>>)
        %dma_start3A_189 = arith.constant 4 : i32
        %dma_start3A_190 = arith.constant 0 : i32
        %dma_start3A_191 = tpu.memref_slice %arg10[%dma_start3A_189, %dma_start3A_190] : memref<8x128xi32, #tpu.memory_space<vmem>> -> memref<1x128xi32, #tpu.memory_space<vmem>>
        %dma_start3A_192 = tpu.memref_squeeze %dma_start3A_191 : memref<1x128xi32, #tpu.memory_space<vmem>> -> memref<128xi32, #tpu.memory_space<vmem>>
        %dma_start3A_193 = arith.constant 0 : i32
        %dma_start3A_194 = arith.constant 0 : i32
        %dma_start3A_195 = tpu.memref_slice %arg13[%dma_start3A_193, %dma_start3A_194] : memref<10112x128xf32, #tpu.memory_space<vmem_shared>> -> memref<10112x128xf32, #tpu.memory_space<vmem_shared>>
        tpu.enqueue_indirect_dma source(%arg11 : memref<128x128xf32, #tpu.memory_space<vmem>>) target(%dma_start3A_195 : memref<10112x128xf32, #tpu.memory_space<vmem_shared>>) offsets(%dma_start3A_192 : memref<128xi32, #tpu.memory_space<vmem>>) semaphore(%arg16 : memref<!tpu.dma_semaphore, #tpu.memory_space<semaphore_mem>>) {add = true}
        %dma_wait3A_196 = arith.constant 4 : i32
        %dma_wait3A_197 = arith.constant 0 : i32
        %dma_wait3A_198 = tpu.memref_slice %arg10[%dma_wait3A_196, %dma_wait3A_197] : memref<8x128xi32, #tpu.memory_space<vmem>> -> memref<1x128xi32, #tpu.memory_space<vmem>>
        %dma_wait3A_199 = tpu.memref_squeeze %dma_wait3A_198 : memref<1x128xi32, #tpu.memory_space<vmem>> -> memref<128xi32, #tpu.memory_space<vmem>>
        %dma_wait3A_200 = arith.constant 0 : i32
        %dma_wait3A_201 = arith.constant 0 : i32
        %dma_wait3A_202 = tpu.memref_slice %arg13[%dma_wait3A_200, %dma_wait3A_201] : memref<10112x128xf32, #tpu.memory_space<vmem_shared>> -> memref<10112x128xf32, #tpu.memory_space<vmem_shared>>
        tpu.wait_indirect_dma semaphore(%arg16 : memref<!tpu.dma_semaphore, #tpu.memory_space<semaphore_mem>>) src(%arg11 : memref<128x128xf32, #tpu.memory_space<vmem>>) dst(%dma_wait3A_202 : memref<10112x128xf32, #tpu.memory_space<vmem_shared>>)
        %dma_start3A_203 = arith.constant 6 : i32
        %dma_start3A_204 = arith.constant 0 : i32
        %dma_start3A_205 = tpu.memref_slice %arg9[%dma_start3A_203, %dma_start3A_204] : memref<8x128xi32, #tpu.memory_space<vmem>> -> memref<1x128xi32, #tpu.memory_space<vmem>>
        %dma_start3A_206 = tpu.memref_squeeze %dma_start3A_205 : memref<1x128xi32, #tpu.memory_space<vmem>> -> memref<128xi32, #tpu.memory_space<vmem>>
        %dma_start3A_207 = arith.constant 0 : i32
        %dma_start3A_208 = arith.constant 0 : i32
        %dma_start3A_209 = tpu.memref_slice %arg2[%dma_start3A_207, %dma_start3A_208] : memref<10000x128xf32, #tpu.memory_space<hbm>> -> memref<10000x128xf32, #tpu.memory_space<hbm>>
        tpu.enqueue_indirect_dma source(%dma_start3A_209 : memref<10000x128xf32, #tpu.memory_space<hbm>>) target(%arg11 : memref<128x128xf32, #tpu.memory_space<vmem>>) offsets(%dma_start3A_206 : memref<128xi32, #tpu.memory_space<vmem>>) semaphore(%arg14 : memref<!tpu.dma_semaphore, #tpu.memory_space<semaphore_mem>>)
        %dma_wait3A_210 = arith.constant 5 : i32
        %dma_wait3A_211 = arith.constant 0 : i32
        %dma_wait3A_212 = tpu.memref_slice %arg9[%dma_wait3A_210, %dma_wait3A_211] : memref<8x128xi32, #tpu.memory_space<vmem>> -> memref<1x128xi32, #tpu.memory_space<vmem>>
        %dma_wait3A_213 = tpu.memref_squeeze %dma_wait3A_212 : memref<1x128xi32, #tpu.memory_space<vmem>> -> memref<128xi32, #tpu.memory_space<vmem>>
        %dma_wait3A_214 = arith.constant 0 : i32
        %dma_wait3A_215 = arith.constant 0 : i32
        %dma_wait3A_216 = tpu.memref_slice %arg2[%dma_wait3A_214, %dma_wait3A_215] : memref<10000x128xf32, #tpu.memory_space<hbm>> -> memref<10000x128xf32, #tpu.memory_space<hbm>>
        tpu.wait_indirect_dma semaphore(%arg15 : memref<!tpu.dma_semaphore, #tpu.memory_space<semaphore_mem>>) src(%dma_wait3A_216 : memref<10000x128xf32, #tpu.memory_space<hbm>>) dst(%arg12 : memref<128x128xf32, #tpu.memory_space<vmem>>)
        %dma_start3A_217 = arith.constant 5 : i32
        %dma_start3A_218 = arith.constant 0 : i32
        %dma_start3A_219 = tpu.memref_slice %arg10[%dma_start3A_217, %dma_start3A_218] : memref<8x128xi32, #tpu.memory_space<vmem>> -> memref<1x128xi32, #tpu.memory_space<vmem>>
        %dma_start3A_220 = tpu.memref_squeeze %dma_start3A_219 : memref<1x128xi32, #tpu.memory_space<vmem>> -> memref<128xi32, #tpu.memory_space<vmem>>
        %dma_start3A_221 = arith.constant 0 : i32
        %dma_start3A_222 = arith.constant 0 : i32
        %dma_start3A_223 = tpu.memref_slice %arg13[%dma_start3A_221, %dma_start3A_222] : memref<10112x128xf32, #tpu.memory_space<vmem_shared>> -> memref<10112x128xf32, #tpu.memory_space<vmem_shared>>
        tpu.enqueue_indirect_dma source(%arg12 : memref<128x128xf32, #tpu.memory_space<vmem>>) target(%dma_start3A_223 : memref<10112x128xf32, #tpu.memory_space<vmem_shared>>) offsets(%dma_start3A_220 : memref<128xi32, #tpu.memory_space<vmem>>) semaphore(%arg17 : memref<!tpu.dma_semaphore, #tpu.memory_space<semaphore_mem>>) {add = true}
        %dma_wait3A_224 = arith.constant 5 : i32
        %dma_wait3A_225 = arith.constant 0 : i32
        %dma_wait3A_226 = tpu.memref_slice %arg10[%dma_wait3A_224, %dma_wait3A_225] : memref<8x128xi32, #tpu.memory_space<vmem>> -> memref<1x128xi32, #tpu.memory_space<vmem>>
        %dma_wait3A_227 = tpu.memref_squeeze %dma_wait3A_226 : memref<1x128xi32, #tpu.memory_space<vmem>> -> memref<128xi32, #tpu.memory_space<vmem>>
        %dma_wait3A_228 = arith.constant 0 : i32
        %dma_wait3A_229 = arith.constant 0 : i32
        %dma_wait3A_230 = tpu.memref_slice %arg13[%dma_wait3A_228, %dma_wait3A_229] : memref<10112x128xf32, #tpu.memory_space<vmem_shared>> -> memref<10112x128xf32, #tpu.memory_space<vmem_shared>>
        tpu.wait_indirect_dma semaphore(%arg17 : memref<!tpu.dma_semaphore, #tpu.memory_space<semaphore_mem>>) src(%arg12 : memref<128x128xf32, #tpu.memory_space<vmem>>) dst(%dma_wait3A_230 : memref<10112x128xf32, #tpu.memory_space<vmem_shared>>)
        %dma_start3A_231 = arith.constant 7 : i32
        %dma_start3A_232 = arith.constant 0 : i32
        %dma_start3A_233 = tpu.memref_slice %arg9[%dma_start3A_231, %dma_start3A_232] : memref<8x128xi32, #tpu.memory_space<vmem>> -> memref<1x128xi32, #tpu.memory_space<vmem>>
        %dma_start3A_234 = tpu.memref_squeeze %dma_start3A_233 : memref<1x128xi32, #tpu.memory_space<vmem>> -> memref<128xi32, #tpu.memory_space<vmem>>
        %dma_start3A_235 = arith.constant 0 : i32
        %dma_start3A_236 = arith.constant 0 : i32
        %dma_start3A_237 = tpu.memref_slice %arg2[%dma_start3A_235, %dma_start3A_236] : memref<10000x128xf32, #tpu.memory_space<hbm>> -> memref<10000x128xf32, #tpu.memory_space<hbm>>
        tpu.enqueue_indirect_dma source(%dma_start3A_237 : memref<10000x128xf32, #tpu.memory_space<hbm>>) target(%arg12 : memref<128x128xf32, #tpu.memory_space<vmem>>) offsets(%dma_start3A_234 : memref<128xi32, #tpu.memory_space<vmem>>) semaphore(%arg15 : memref<!tpu.dma_semaphore, #tpu.memory_space<semaphore_mem>>)
        %dma_wait3A_238 = arith.constant 6 : i32
        %dma_wait3A_239 = arith.constant 0 : i32
        %dma_wait3A_240 = tpu.memref_slice %arg9[%dma_wait3A_238, %dma_wait3A_239] : memref<8x128xi32, #tpu.memory_space<vmem>> -> memref<1x128xi32, #tpu.memory_space<vmem>>
        %dma_wait3A_241 = tpu.memref_squeeze %dma_wait3A_240 : memref<1x128xi32, #tpu.memory_space<vmem>> -> memref<128xi32, #tpu.memory_space<vmem>>
        %dma_wait3A_242 = arith.constant 0 : i32
        %dma_wait3A_243 = arith.constant 0 : i32
        %dma_wait3A_244 = tpu.memref_slice %arg2[%dma_wait3A_242, %dma_wait3A_243] : memref<10000x128xf32, #tpu.memory_space<hbm>> -> memref<10000x128xf32, #tpu.memory_space<hbm>>
        tpu.wait_indirect_dma semaphore(%arg14 : memref<!tpu.dma_semaphore, #tpu.memory_space<semaphore_mem>>) src(%dma_wait3A_244 : memref<10000x128xf32, #tpu.memory_space<hbm>>) dst(%arg11 : memref<128x128xf32, #tpu.memory_space<vmem>>)
        %dma_start3A_245 = arith.constant 6 : i32
        %dma_start3A_246 = arith.constant 0 : i32
        %dma_start3A_247 = tpu.memref_slice %arg10[%dma_start3A_245, %dma_start3A_246] : memref<8x128xi32, #tpu.memory_space<vmem>> -> memref<1x128xi32, #tpu.memory_space<vmem>>
        %dma_start3A_248 = tpu.memref_squeeze %dma_start3A_247 : memref<1x128xi32, #tpu.memory_space<vmem>> -> memref<128xi32, #tpu.memory_space<vmem>>
        %dma_start3A_249 = arith.constant 0 : i32
        %dma_start3A_250 = arith.constant 0 : i32
        %dma_start3A_251 = tpu.memref_slice %arg13[%dma_start3A_249, %dma_start3A_250] : memref<10112x128xf32, #tpu.memory_space<vmem_shared>> -> memref<10112x128xf32, #tpu.memory_space<vmem_shared>>
        tpu.enqueue_indirect_dma source(%arg11 : memref<128x128xf32, #tpu.memory_space<vmem>>) target(%dma_start3A_251 : memref<10112x128xf32, #tpu.memory_space<vmem_shared>>) offsets(%dma_start3A_248 : memref<128xi32, #tpu.memory_space<vmem>>) semaphore(%arg16 : memref<!tpu.dma_semaphore, #tpu.memory_space<semaphore_mem>>) {add = true}
        %dma_wait3A_252 = arith.constant 7 : i32
        %dma_wait3A_253 = arith.constant 0 : i32
        %dma_wait3A_254 = tpu.memref_slice %arg9[%dma_wait3A_252, %dma_wait3A_253] : memref<8x128xi32, #tpu.memory_space<vmem>> -> memref<1x128xi32, #tpu.memory_space<vmem>>
        %dma_wait3A_255 = tpu.memref_squeeze %dma_wait3A_254 : memref<1x128xi32, #tpu.memory_space<vmem>> -> memref<128xi32, #tpu.memory_space<vmem>>
        %dma_wait3A_256 = arith.constant 0 : i32
        %dma_wait3A_257 = arith.constant 0 : i32
        %dma_wait3A_258 = tpu.memref_slice %arg2[%dma_wait3A_256, %dma_wait3A_257] : memref<10000x128xf32, #tpu.memory_space<hbm>> -> memref<10000x128xf32, #tpu.memory_space<hbm>>
        tpu.wait_indirect_dma semaphore(%arg15 : memref<!tpu.dma_semaphore, #tpu.memory_space<semaphore_mem>>) src(%dma_wait3A_258 : memref<10000x128xf32, #tpu.memory_space<hbm>>) dst(%arg12 : memref<128x128xf32, #tpu.memory_space<vmem>>)
        %dma_start3A_259 = arith.constant 7 : i32
        %dma_start3A_260 = arith.constant 0 : i32
        %dma_start3A_261 = tpu.memref_slice %arg10[%dma_start3A_259, %dma_start3A_260] : memref<8x128xi32, #tpu.memory_space<vmem>> -> memref<1x128xi32, #tpu.memory_space<vmem>>
        %dma_start3A_262 = tpu.memref_squeeze %dma_start3A_261 : memref<1x128xi32, #tpu.memory_space<vmem>> -> memref<128xi32, #tpu.memory_space<vmem>>
        %dma_start3A_263 = arith.constant 0 : i32
        %dma_start3A_264 = arith.constant 0 : i32
        %dma_start3A_265 = tpu.memref_slice %arg13[%dma_start3A_263, %dma_start3A_264] : memref<10112x128xf32, #tpu.memory_space<vmem_shared>> -> memref<10112x128xf32, #tpu.memory_space<vmem_shared>>
        tpu.enqueue_indirect_dma source(%arg12 : memref<128x128xf32, #tpu.memory_space<vmem>>) target(%dma_start3A_265 : memref<10112x128xf32, #tpu.memory_space<vmem_shared>>) offsets(%dma_start3A_262 : memref<128xi32, #tpu.memory_space<vmem>>) semaphore(%arg17 : memref<!tpu.dma_semaphore, #tpu.memory_space<semaphore_mem>>) {add = true}
        %dma_wait3A_266 = arith.constant 6 : i32
        %dma_wait3A_267 = arith.constant 0 : i32
        %dma_wait3A_268 = tpu.memref_slice %arg10[%dma_wait3A_266, %dma_wait3A_267] : memref<8x128xi32, #tpu.memory_space<vmem>> -> memref<1x128xi32, #tpu.memory_space<vmem>>
        %dma_wait3A_269 = tpu.memref_squeeze %dma_wait3A_268 : memref<1x128xi32, #tpu.memory_space<vmem>> -> memref<128xi32, #tpu.memory_space<vmem>>
        %dma_wait3A_270 = arith.constant 0 : i32
        %dma_wait3A_271 = arith.constant 0 : i32
        %dma_wait3A_272 = tpu.memref_slice %arg13[%dma_wait3A_270, %dma_wait3A_271] : memref<10112x128xf32, #tpu.memory_space<vmem_shared>> -> memref<10112x128xf32, #tpu.memory_space<vmem_shared>>
        tpu.wait_indirect_dma semaphore(%arg16 : memref<!tpu.dma_semaphore, #tpu.memory_space<semaphore_mem>>) src(%arg11 : memref<128x128xf32, #tpu.memory_space<vmem>>) dst(%dma_wait3A_272 : memref<10112x128xf32, #tpu.memory_space<vmem_shared>>)
        %dma_wait3A_273 = arith.constant 7 : i32
        %dma_wait3A_274 = arith.constant 0 : i32
        %dma_wait3A_275 = tpu.memref_slice %arg10[%dma_wait3A_273, %dma_wait3A_274] : memref<8x128xi32, #tpu.memory_space<vmem>> -> memref<1x128xi32, #tpu.memory_space<vmem>>
        %dma_wait3A_276 = tpu.memref_squeeze %dma_wait3A_275 : memref<1x128xi32, #tpu.memory_space<vmem>> -> memref<128xi32, #tpu.memory_space<vmem>>
        %dma_wait3A_277 = arith.constant 0 : i32
        %dma_wait3A_278 = arith.constant 0 : i32
        %dma_wait3A_279 = tpu.memref_slice %arg13[%dma_wait3A_277, %dma_wait3A_278] : memref<10112x128xf32, #tpu.memory_space<vmem_shared>> -> memref<10112x128xf32, #tpu.memory_space<vmem_shared>>
        tpu.wait_indirect_dma semaphore(%arg17 : memref<!tpu.dma_semaphore, #tpu.memory_space<semaphore_mem>>) src(%arg12 : memref<128x128xf32, #tpu.memory_space<vmem>>) dst(%dma_wait3A_279 : memref<10112x128xf32, #tpu.memory_space<vmem_shared>>)
        %scan3A_280 = arith.constant 0 : i32
        scf.yield %scan3A_280 : i32
      }
      %scan3A_51 = arith.constant 6 : i32
    } else {
    }
    %barrier3A_25 = arith.constant 0 : index
    tpu.barrier barrier_id(%barrier3A_25)
    %mul3A_26 = arith.constant 632 : i32
    %mul3A_27 = arith.muli %arg1, %mul3A_26 : i32
    %add3A_28 = arith.constant 0 : i32
    %add3A_29 = arith.addi %mul3A_27, %add3A_28 : i32
    "tpu.region"() ({
      %run_scoped3A = tpu.sem_alloc : memref<!tpu.dma_semaphore, #tpu.memory_space<semaphore_mem>>
      %dma_start3A = arith.constant 0 : i32
      %dma_start3A_46 = arith.constant 0 : i32
      %dma_start3A_47 = tpu.memref_slice %arg11[%dma_start3A, %dma_start3A_46] : memref<128x128xf32, #tpu.memory_space<vmem>> -> memref<128x128xf32, #tpu.memory_space<vmem>>
      %dma_start3A_48 = arith.constant 0 : i32
      %dma_start3A_49 = tpu.memref_slice %arg13[%add3A_29, %dma_start3A_48] : memref<10112x128xf32, #tpu.memory_space<vmem_shared>> -> memref<128x128xf32, #tpu.memory_space<vmem_shared>>
      %dma_start3A_50 = arith.constant 0 : i32
      %dma_start3A_51 = arith.constant 0 : i32
      %dma_start3A_52 = tpu.memref_slice %arg11[%dma_start3A_50, %dma_start3A_51] : memref<128x128xf32, #tpu.memory_space<vmem>> -> memref<128x128xf32, #tpu.memory_space<vmem>>
      %dma_start3A_53 = arith.constant 0 : i32
      %dma_start3A_54 = tpu.memref_slice %arg13[%add3A_29, %dma_start3A_53] : memref<10112x128xf32, #tpu.memory_space<vmem_shared>> -> memref<128x128xf32, #tpu.memory_space<vmem_shared>>
      tpu.enqueue_dma source(%dma_start3A_54 : memref<128x128xf32, #tpu.memory_space<vmem_shared>>) target(%dma_start3A_52 : memref<128x128xf32, #tpu.memory_space<vmem>>) target_semaphore(%run_scoped3A : memref<!tpu.dma_semaphore, #tpu.memory_space<semaphore_mem>>)
      %dma_wait3A = arith.constant 0 : i32
      %dma_wait3A_55 = arith.constant 0 : i32
      %dma_wait3A_56 = tpu.memref_slice %arg11[%dma_wait3A, %dma_wait3A_55] : memref<128x128xf32, #tpu.memory_space<vmem>> -> memref<128x128xf32, #tpu.memory_space<vmem>>
      %dma_wait3A_57 = arith.constant 0 : i32
      %dma_wait3A_58 = tpu.memref_slice %arg13[%add3A_29, %dma_wait3A_57] : memref<10112x128xf32, #tpu.memory_space<vmem_shared>> -> memref<128x128xf32, #tpu.memory_space<vmem_shared>>
      %dma_wait3A_59 = arith.constant 0 : i32
      %dma_wait3A_60 = arith.constant 0 : i32
      %dma_wait3A_61 = tpu.memref_slice %arg11[%dma_wait3A_59, %dma_wait3A_60] : memref<128x128xf32, #tpu.memory_space<vmem>> -> memref<128x128xf32, #tpu.memory_space<vmem>>
      %dma_wait3A_62 = arith.constant 0 : i32
      %dma_wait3A_63 = tpu.memref_slice %arg13[%add3A_29, %dma_wait3A_62] : memref<10112x128xf32, #tpu.memory_space<vmem_shared>> -> memref<128x128xf32, #tpu.memory_space<vmem_shared>>
      tpu.wait_dma2 semaphore(%run_scoped3A : memref<!tpu.dma_semaphore, #tpu.memory_space<semaphore_mem>>) src(%dma_wait3A_63 : memref<128x128xf32, #tpu.memory_space<vmem_shared>>) dst(%dma_wait3A_61 : memref<128x128xf32, #tpu.memory_space<vmem>>)
      tpu.yield
    }) : () -> ()
    "tpu.region"() ({
      %run_scoped3A = tpu.sem_alloc : memref<!tpu.dma_semaphore, #tpu.memory_space<semaphore_mem>>
      %dma_start3A = arith.constant 0 : i32
      %dma_start3A_46 = arith.constant 0 : i32
      %dma_start3A_47 = tpu.memref_slice %arg11[%dma_start3A, %dma_start3A_46] : memref<128x128xf32, #tpu.memory_space<vmem>> -> memref<128x128xf32, #tpu.memory_space<vmem>>
      %dma_start3A_48 = arith.constant 0 : i32
      %dma_start3A_49 = tpu.memref_slice %arg8[%arg0, %add3A_29, %dma_start3A_48] : memref<2x10112x128xf32, #tpu.memory_space<hbm>> -> memref<1x128x128xf32, #tpu.memory_space<hbm>>
      %dma_start3A_50 = tpu.memref_squeeze %dma_start3A_49 : memref<1x128x128xf32, #tpu.memory_space<hbm>> -> memref<128x128xf32, #tpu.memory_space<hbm>>
      %dma_start3A_51 = arith.constant 0 : i32
      %dma_start3A_52 = tpu.memref_slice %arg8[%arg0, %add3A_29, %dma_start3A_51] : memref<2x10112x128xf32, #tpu.memory_space<hbm>> -> memref<1x128x128xf32, #tpu.memory_space<hbm>>
      %dma_start3A_53 = tpu.memref_squeeze %dma_start3A_52 : memref<1x128x128xf32, #tpu.memory_space<hbm>> -> memref<128x128xf32, #tpu.memory_space<hbm>>
      %dma_start3A_54 = arith.constant 0 : i32
      %dma_start3A_55 = arith.constant 0 : i32
      %dma_start3A_56 = tpu.memref_slice %arg11[%dma_start3A_54, %dma_start3A_55] : memref<128x128xf32, #tpu.memory_space<vmem>> -> memref<128x128xf32, #tpu.memory_space<vmem>>
      tpu.enqueue_dma source(%dma_start3A_56 : memref<128x128xf32, #tpu.memory_space<vmem>>) target(%dma_start3A_53 : memref<128x128xf32, #tpu.memory_space<hbm>>) target_semaphore(%run_scoped3A : memref<!tpu.dma_semaphore, #tpu.memory_space<semaphore_mem>>)
      %dma_wait3A = arith.constant 0 : i32
      %dma_wait3A_57 = arith.constant 0 : i32
      %dma_wait3A_58 = tpu.memref_slice %arg11[%dma_wait3A, %dma_wait3A_57] : memref<128x128xf32, #tpu.memory_space<vmem>> -> memref<128x128xf32, #tpu.memory_space<vmem>>
      %dma_wait3A_59 = arith.constant 0 : i32
      %dma_wait3A_60 = tpu.memref_slice %arg8[%arg0, %add3A_29, %dma_wait3A_59] : memref<2x10112x128xf32, #tpu.memory_space<hbm>> -> memref<1x128x128xf32, #tpu.memory_space<hbm>>
      %dma_wait3A_61 = tpu.memref_squeeze %dma_wait3A_60 : memref<1x128x128xf32, #tpu.memory_space<hbm>> -> memref<128x128xf32, #tpu.memory_space<hbm>>
      %dma_wait3A_62 = arith.constant 0 : i32
      %dma_wait3A_63 = tpu.memref_slice %arg8[%arg0, %add3A_29, %dma_wait3A_62] : memref<2x10112x128xf32, #tpu.memory_space<hbm>> -> memref<1x128x128xf32, #tpu.memory_space<hbm>>
      %dma_wait3A_64 = tpu.memref_squeeze %dma_wait3A_63 : memref<1x128x128xf32, #tpu.memory_space<hbm>> -> memref<128x128xf32, #tpu.memory_space<hbm>>
      %dma_wait3A_65 = arith.constant 0 : i32
      %dma_wait3A_66 = arith.constant 0 : i32
      %dma_wait3A_67 = tpu.memref_slice %arg11[%dma_wait3A_65, %dma_wait3A_66] : memref<128x128xf32, #tpu.memory_space<vmem>> -> memref<128x128xf32, #tpu.memory_space<vmem>>
      tpu.wait_dma2 semaphore(%run_scoped3A : memref<!tpu.dma_semaphore, #tpu.memory_space<semaphore_mem>>) src(%dma_wait3A_67 : memref<128x128xf32, #tpu.memory_space<vmem>>) dst(%dma_wait3A_64 : memref<128x128xf32, #tpu.memory_space<hbm>>)
      tpu.yield
    }) : () -> ()
    %mul3A_30 = arith.constant 632 : i32
    %mul3A_31 = arith.muli %arg1, %mul3A_30 : i32
    %add3A_32 = arith.constant 128 : i32
    %add3A_33 = arith.addi %mul3A_31, %add3A_32 : i32
    "tpu.region"() ({
      %run_scoped3A = tpu.sem_alloc : memref<!tpu.dma_semaphore, #tpu.memory_space<semaphore_mem>>
      %dma_start3A = arith.constant 0 : i32
      %dma_start3A_46 = arith.constant 0 : i32
      %dma_start3A_47 = tpu.memref_slice %arg11[%dma_start3A, %dma_start3A_46] : memref<128x128xf32, #tpu.memory_space<vmem>> -> memref<128x128xf32, #tpu.memory_space<vmem>>
      %dma_start3A_48 = arith.constant 0 : i32
      %dma_start3A_49 = tpu.memref_slice %arg13[%add3A_33, %dma_start3A_48] : memref<10112x128xf32, #tpu.memory_space<vmem_shared>> -> memref<128x128xf32, #tpu.memory_space<vmem_shared>>
      %dma_start3A_50 = arith.constant 0 : i32
      %dma_start3A_51 = arith.constant 0 : i32
      %dma_start3A_52 = tpu.memref_slice %arg11[%dma_start3A_50, %dma_start3A_51] : memref<128x128xf32, #tpu.memory_space<vmem>> -> memref<128x128xf32, #tpu.memory_space<vmem>>
      %dma_start3A_53 = arith.constant 0 : i32
      %dma_start3A_54 = tpu.memref_slice %arg13[%add3A_33, %dma_start3A_53] : memref<10112x128xf32, #tpu.memory_space<vmem_shared>> -> memref<128x128xf32, #tpu.memory_space<vmem_shared>>
      tpu.enqueue_dma source(%dma_start3A_54 : memref<128x128xf32, #tpu.memory_space<vmem_shared>>) target(%dma_start3A_52 : memref<128x128xf32, #tpu.memory_space<vmem>>) target_semaphore(%run_scoped3A : memref<!tpu.dma_semaphore, #tpu.memory_space<semaphore_mem>>)
      %dma_wait3A = arith.constant 0 : i32
      %dma_wait3A_55 = arith.constant 0 : i32
      %dma_wait3A_56 = tpu.memref_slice %arg11[%dma_wait3A, %dma_wait3A_55] : memref<128x128xf32, #tpu.memory_space<vmem>> -> memref<128x128xf32, #tpu.memory_space<vmem>>
      %dma_wait3A_57 = arith.constant 0 : i32
      %dma_wait3A_58 = tpu.memref_slice %arg13[%add3A_33, %dma_wait3A_57] : memref<10112x128xf32, #tpu.memory_space<vmem_shared>> -> memref<128x128xf32, #tpu.memory_space<vmem_shared>>
      %dma_wait3A_59 = arith.constant 0 : i32
      %dma_wait3A_60 = arith.constant 0 : i32
      %dma_wait3A_61 = tpu.memref_slice %arg11[%dma_wait3A_59, %dma_wait3A_60] : memref<128x128xf32, #tpu.memory_space<vmem>> -> memref<128x128xf32, #tpu.memory_space<vmem>>
      %dma_wait3A_62 = arith.constant 0 : i32
      %dma_wait3A_63 = tpu.memref_slice %arg13[%add3A_33, %dma_wait3A_62] : memref<10112x128xf32, #tpu.memory_space<vmem_shared>> -> memref<128x128xf32, #tpu.memory_space<vmem_shared>>
      tpu.wait_dma2 semaphore(%run_scoped3A : memref<!tpu.dma_semaphore, #tpu.memory_space<semaphore_mem>>) src(%dma_wait3A_63 : memref<128x128xf32, #tpu.memory_space<vmem_shared>>) dst(%dma_wait3A_61 : memref<128x128xf32, #tpu.memory_space<vmem>>)
      tpu.yield
    }) : () -> ()
    "tpu.region"() ({
      %run_scoped3A = tpu.sem_alloc : memref<!tpu.dma_semaphore, #tpu.memory_space<semaphore_mem>>
      %dma_start3A = arith.constant 0 : i32
      %dma_start3A_46 = arith.constant 0 : i32
      %dma_start3A_47 = tpu.memref_slice %arg11[%dma_start3A, %dma_start3A_46] : memref<128x128xf32, #tpu.memory_space<vmem>> -> memref<128x128xf32, #tpu.memory_space<vmem>>
      %dma_start3A_48 = arith.constant 0 : i32
      %dma_start3A_49 = tpu.memref_slice %arg8[%arg0, %add3A_33, %dma_start3A_48] : memref<2x10112x128xf32, #tpu.memory_space<hbm>> -> memref<1x128x128xf32, #tpu.memory_space<hbm>>
      %dma_start3A_50 = tpu.memref_squeeze %dma_start3A_49 : memref<1x128x128xf32, #tpu.memory_space<hbm>> -> memref<128x128xf32, #tpu.memory_space<hbm>>
      %dma_start3A_51 = arith.constant 0 : i32
      %dma_start3A_52 = tpu.memref_slice %arg8[%arg0, %add3A_33, %dma_start3A_51] : memref<2x10112x128xf32, #tpu.memory_space<hbm>> -> memref<1x128x128xf32, #tpu.memory_space<hbm>>
      %dma_start3A_53 = tpu.memref_squeeze %dma_start3A_52 : memref<1x128x128xf32, #tpu.memory_space<hbm>> -> memref<128x128xf32, #tpu.memory_space<hbm>>
      %dma_start3A_54 = arith.constant 0 : i32
      %dma_start3A_55 = arith.constant 0 : i32
      %dma_start3A_56 = tpu.memref_slice %arg11[%dma_start3A_54, %dma_start3A_55] : memref<128x128xf32, #tpu.memory_space<vmem>> -> memref<128x128xf32, #tpu.memory_space<vmem>>
      tpu.enqueue_dma source(%dma_start3A_56 : memref<128x128xf32, #tpu.memory_space<vmem>>) target(%dma_start3A_53 : memref<128x128xf32, #tpu.memory_space<hbm>>) target_semaphore(%run_scoped3A : memref<!tpu.dma_semaphore, #tpu.memory_space<semaphore_mem>>)
      %dma_wait3A = arith.constant 0 : i32
      %dma_wait3A_57 = arith.constant 0 : i32
      %dma_wait3A_58 = tpu.memref_slice %arg11[%dma_wait3A, %dma_wait3A_57] : memref<128x128xf32, #tpu.memory_space<vmem>> -> memref<128x128xf32, #tpu.memory_space<vmem>>
      %dma_wait3A_59 = arith.constant 0 : i32
      %dma_wait3A_60 = tpu.memref_slice %arg8[%arg0, %add3A_33, %dma_wait3A_59] : memref<2x10112x128xf32, #tpu.memory_space<hbm>> -> memref<1x128x128xf32, #tpu.memory_space<hbm>>
      %dma_wait3A_61 = tpu.memref_squeeze %dma_wait3A_60 : memref<1x128x128xf32, #tpu.memory_space<hbm>> -> memref<128x128xf32, #tpu.memory_space<hbm>>
      %dma_wait3A_62 = arith.constant 0 : i32
      %dma_wait3A_63 = tpu.memref_slice %arg8[%arg0, %add3A_33, %dma_wait3A_62] : memref<2x10112x128xf32, #tpu.memory_space<hbm>> -> memref<1x128x128xf32, #tpu.memory_space<hbm>>
      %dma_wait3A_64 = tpu.memref_squeeze %dma_wait3A_63 : memref<1x128x128xf32, #tpu.memory_space<hbm>> -> memref<128x128xf32, #tpu.memory_space<hbm>>
      %dma_wait3A_65 = arith.constant 0 : i32
      %dma_wait3A_66 = arith.constant 0 : i32
      %dma_wait3A_67 = tpu.memref_slice %arg11[%dma_wait3A_65, %dma_wait3A_66] : memref<128x128xf32, #tpu.memory_space<vmem>> -> memref<128x128xf32, #tpu.memory_space<vmem>>
      tpu.wait_dma2 semaphore(%run_scoped3A : memref<!tpu.dma_semaphore, #tpu.memory_space<semaphore_mem>>) src(%dma_wait3A_67 : memref<128x128xf32, #tpu.memory_space<vmem>>) dst(%dma_wait3A_64 : memref<128x128xf32, #tpu.memory_space<hbm>>)
      tpu.yield
    }) : () -> ()
    %mul3A_34 = arith.constant 632 : i32
    %mul3A_35 = arith.muli %arg1, %mul3A_34 : i32
    %add3A_36 = arith.constant 256 : i32
    %add3A_37 = arith.addi %mul3A_35, %add3A_36 : i32
    "tpu.region"() ({
      %run_scoped3A = tpu.sem_alloc : memref<!tpu.dma_semaphore, #tpu.memory_space<semaphore_mem>>
      %dma_start3A = arith.constant 0 : i32
      %dma_start3A_46 = arith.constant 0 : i32
      %dma_start3A_47 = tpu.memref_slice %arg11[%dma_start3A, %dma_start3A_46] : memref<128x128xf32, #tpu.memory_space<vmem>> -> memref<128x128xf32, #tpu.memory_space<vmem>>
      %dma_start3A_48 = arith.constant 0 : i32
      %dma_start3A_49 = tpu.memref_slice %arg13[%add3A_37, %dma_start3A_48] : memref<10112x128xf32, #tpu.memory_space<vmem_shared>> -> memref<128x128xf32, #tpu.memory_space<vmem_shared>>
      %dma_start3A_50 = arith.constant 0 : i32
      %dma_start3A_51 = arith.constant 0 : i32
      %dma_start3A_52 = tpu.memref_slice %arg11[%dma_start3A_50, %dma_start3A_51] : memref<128x128xf32, #tpu.memory_space<vmem>> -> memref<128x128xf32, #tpu.memory_space<vmem>>
      %dma_start3A_53 = arith.constant 0 : i32
      %dma_start3A_54 = tpu.memref_slice %arg13[%add3A_37, %dma_start3A_53] : memref<10112x128xf32, #tpu.memory_space<vmem_shared>> -> memref<128x128xf32, #tpu.memory_space<vmem_shared>>
      tpu.enqueue_dma source(%dma_start3A_54 : memref<128x128xf32, #tpu.memory_space<vmem_shared>>) target(%dma_start3A_52 : memref<128x128xf32, #tpu.memory_space<vmem>>) target_semaphore(%run_scoped3A : memref<!tpu.dma_semaphore, #tpu.memory_space<semaphore_mem>>)
      %dma_wait3A = arith.constant 0 : i32
      %dma_wait3A_55 = arith.constant 0 : i32
      %dma_wait3A_56 = tpu.memref_slice %arg11[%dma_wait3A, %dma_wait3A_55] : memref<128x128xf32, #tpu.memory_space<vmem>> -> memref<128x128xf32, #tpu.memory_space<vmem>>
      %dma_wait3A_57 = arith.constant 0 : i32
      %dma_wait3A_58 = tpu.memref_slice %arg13[%add3A_37, %dma_wait3A_57] : memref<10112x128xf32, #tpu.memory_space<vmem_shared>> -> memref<128x128xf32, #tpu.memory_space<vmem_shared>>
      %dma_wait3A_59 = arith.constant 0 : i32
      %dma_wait3A_60 = arith.constant 0 : i32
      %dma_wait3A_61 = tpu.memref_slice %arg11[%dma_wait3A_59, %dma_wait3A_60] : memref<128x128xf32, #tpu.memory_space<vmem>> -> memref<128x128xf32, #tpu.memory_space<vmem>>
      %dma_wait3A_62 = arith.constant 0 : i32
      %dma_wait3A_63 = tpu.memref_slice %arg13[%add3A_37, %dma_wait3A_62] : memref<10112x128xf32, #tpu.memory_space<vmem_shared>> -> memref<128x128xf32, #tpu.memory_space<vmem_shared>>
      tpu.wait_dma2 semaphore(%run_scoped3A : memref<!tpu.dma_semaphore, #tpu.memory_space<semaphore_mem>>) src(%dma_wait3A_63 : memref<128x128xf32, #tpu.memory_space<vmem_shared>>) dst(%dma_wait3A_61 : memref<128x128xf32, #tpu.memory_space<vmem>>)
      tpu.yield
    }) : () -> ()
    "tpu.region"() ({
      %run_scoped3A = tpu.sem_alloc : memref<!tpu.dma_semaphore, #tpu.memory_space<semaphore_mem>>
      %dma_start3A = arith.constant 0 : i32
      %dma_start3A_46 = arith.constant 0 : i32
      %dma_start3A_47 = tpu.memref_slice %arg11[%dma_start3A, %dma_start3A_46] : memref<128x128xf32, #tpu.memory_space<vmem>> -> memref<128x128xf32, #tpu.memory_space<vmem>>
      %dma_start3A_48 = arith.constant 0 : i32
      %dma_start3A_49 = tpu.memref_slice %arg8[%arg0, %add3A_37, %dma_start3A_48] : memref<2x10112x128xf32, #tpu.memory_space<hbm>> -> memref<1x128x128xf32, #tpu.memory_space<hbm>>
      %dma_start3A_50 = tpu.memref_squeeze %dma_start3A_49 : memref<1x128x128xf32, #tpu.memory_space<hbm>> -> memref<128x128xf32, #tpu.memory_space<hbm>>
      %dma_start3A_51 = arith.constant 0 : i32
      %dma_start3A_52 = tpu.memref_slice %arg8[%arg0, %add3A_37, %dma_start3A_51] : memref<2x10112x128xf32, #tpu.memory_space<hbm>> -> memref<1x128x128xf32, #tpu.memory_space<hbm>>
      %dma_start3A_53 = tpu.memref_squeeze %dma_start3A_52 : memref<1x128x128xf32, #tpu.memory_space<hbm>> -> memref<128x128xf32, #tpu.memory_space<hbm>>
      %dma_start3A_54 = arith.constant 0 : i32
      %dma_start3A_55 = arith.constant 0 : i32
      %dma_start3A_56 = tpu.memref_slice %arg11[%dma_start3A_54, %dma_start3A_55] : memref<128x128xf32, #tpu.memory_space<vmem>> -> memref<128x128xf32, #tpu.memory_space<vmem>>
      tpu.enqueue_dma source(%dma_start3A_56 : memref<128x128xf32, #tpu.memory_space<vmem>>) target(%dma_start3A_53 : memref<128x128xf32, #tpu.memory_space<hbm>>) target_semaphore(%run_scoped3A : memref<!tpu.dma_semaphore, #tpu.memory_space<semaphore_mem>>)
      %dma_wait3A = arith.constant 0 : i32
      %dma_wait3A_57 = arith.constant 0 : i32
      %dma_wait3A_58 = tpu.memref_slice %arg11[%dma_wait3A, %dma_wait3A_57] : memref<128x128xf32, #tpu.memory_space<vmem>> -> memref<128x128xf32, #tpu.memory_space<vmem>>
      %dma_wait3A_59 = arith.constant 0 : i32
      %dma_wait3A_60 = tpu.memref_slice %arg8[%arg0, %add3A_37, %dma_wait3A_59] : memref<2x10112x128xf32, #tpu.memory_space<hbm>> -> memref<1x128x128xf32, #tpu.memory_space<hbm>>
      %dma_wait3A_61 = tpu.memref_squeeze %dma_wait3A_60 : memref<1x128x128xf32, #tpu.memory_space<hbm>> -> memref<128x128xf32, #tpu.memory_space<hbm>>
      %dma_wait3A_62 = arith.constant 0 : i32
      %dma_wait3A_63 = tpu.memref_slice %arg8[%arg0, %add3A_37, %dma_wait3A_62] : memref<2x10112x128xf32, #tpu.memory_space<hbm>> -> memref<1x128x128xf32, #tpu.memory_space<hbm>>
      %dma_wait3A_64 = tpu.memref_squeeze %dma_wait3A_63 : memref<1x128x128xf32, #tpu.memory_space<hbm>> -> memref<128x128xf32, #tpu.memory_space<hbm>>
      %dma_wait3A_65 = arith.constant 0 : i32
      %dma_wait3A_66 = arith.constant 0 : i32
      %dma_wait3A_67 = tpu.memref_slice %arg11[%dma_wait3A_65, %dma_wait3A_66] : memref<128x128xf32, #tpu.memory_space<vmem>> -> memref<128x128xf32, #tpu.memory_space<vmem>>
      tpu.wait_dma2 semaphore(%run_scoped3A : memref<!tpu.dma_semaphore, #tpu.memory_space<semaphore_mem>>) src(%dma_wait3A_67 : memref<128x128xf32, #tpu.memory_space<vmem>>) dst(%dma_wait3A_64 : memref<128x128xf32, #tpu.memory_space<hbm>>)
      tpu.yield
    }) : () -> ()
    %mul3A_38 = arith.constant 632 : i32
    %mul3A_39 = arith.muli %arg1, %mul3A_38 : i32
    %add3A_40 = arith.constant 384 : i32
    %add3A_41 = arith.addi %mul3A_39, %add3A_40 : i32
    "tpu.region"() ({
      %run_scoped3A = tpu.sem_alloc : memref<!tpu.dma_semaphore, #tpu.memory_space<semaphore_mem>>
      %dma_start3A = arith.constant 0 : i32
      %dma_start3A_46 = arith.constant 0 : i32
      %dma_start3A_47 = tpu.memref_slice %arg11[%dma_start3A, %dma_start3A_46] : memref<128x128xf32, #tpu.memory_space<vmem>> -> memref<128x128xf32, #tpu.memory_space<vmem>>
      %dma_start3A_48 = arith.constant 0 : i32
      %dma_start3A_49 = tpu.memref_slice %arg13[%add3A_41, %dma_start3A_48] : memref<10112x128xf32, #tpu.memory_space<vmem_shared>> -> memref<128x128xf32, #tpu.memory_space<vmem_shared>>
      %dma_start3A_50 = arith.constant 0 : i32
      %dma_start3A_51 = arith.constant 0 : i32
      %dma_start3A_52 = tpu.memref_slice %arg11[%dma_start3A_50, %dma_start3A_51] : memref<128x128xf32, #tpu.memory_space<vmem>> -> memref<128x128xf32, #tpu.memory_space<vmem>>
      %dma_start3A_53 = arith.constant 0 : i32
      %dma_start3A_54 = tpu.memref_slice %arg13[%add3A_41, %dma_start3A_53] : memref<10112x128xf32, #tpu.memory_space<vmem_shared>> -> memref<128x128xf32, #tpu.memory_space<vmem_shared>>
      tpu.enqueue_dma source(%dma_start3A_54 : memref<128x128xf32, #tpu.memory_space<vmem_shared>>) target(%dma_start3A_52 : memref<128x128xf32, #tpu.memory_space<vmem>>) target_semaphore(%run_scoped3A : memref<!tpu.dma_semaphore, #tpu.memory_space<semaphore_mem>>)
      %dma_wait3A = arith.constant 0 : i32
      %dma_wait3A_55 = arith.constant 0 : i32
      %dma_wait3A_56 = tpu.memref_slice %arg11[%dma_wait3A, %dma_wait3A_55] : memref<128x128xf32, #tpu.memory_space<vmem>> -> memref<128x128xf32, #tpu.memory_space<vmem>>
      %dma_wait3A_57 = arith.constant 0 : i32
      %dma_wait3A_58 = tpu.memref_slice %arg13[%add3A_41, %dma_wait3A_57] : memref<10112x128xf32, #tpu.memory_space<vmem_shared>> -> memref<128x128xf32, #tpu.memory_space<vmem_shared>>
      %dma_wait3A_59 = arith.constant 0 : i32
      %dma_wait3A_60 = arith.constant 0 : i32
      %dma_wait3A_61 = tpu.memref_slice %arg11[%dma_wait3A_59, %dma_wait3A_60] : memref<128x128xf32, #tpu.memory_space<vmem>> -> memref<128x128xf32, #tpu.memory_space<vmem>>
      %dma_wait3A_62 = arith.constant 0 : i32
      %dma_wait3A_63 = tpu.memref_slice %arg13[%add3A_41, %dma_wait3A_62] : memref<10112x128xf32, #tpu.memory_space<vmem_shared>> -> memref<128x128xf32, #tpu.memory_space<vmem_shared>>
      tpu.wait_dma2 semaphore(%run_scoped3A : memref<!tpu.dma_semaphore, #tpu.memory_space<semaphore_mem>>) src(%dma_wait3A_63 : memref<128x128xf32, #tpu.memory_space<vmem_shared>>) dst(%dma_wait3A_61 : memref<128x128xf32, #tpu.memory_space<vmem>>)
      tpu.yield
    }) : () -> ()
    "tpu.region"() ({
      %run_scoped3A = tpu.sem_alloc : memref<!tpu.dma_semaphore, #tpu.memory_space<semaphore_mem>>
      %dma_start3A = arith.constant 0 : i32
      %dma_start3A_46 = arith.constant 0 : i32
      %dma_start3A_47 = tpu.memref_slice %arg11[%dma_start3A, %dma_start3A_46] : memref<128x128xf32, #tpu.memory_space<vmem>> -> memref<128x128xf32, #tpu.memory_space<vmem>>
      %dma_start3A_48 = arith.constant 0 : i32
      %dma_start3A_49 = tpu.memref_slice %arg8[%arg0, %add3A_41, %dma_start3A_48] : memref<2x10112x128xf32, #tpu.memory_space<hbm>> -> memref<1x128x128xf32, #tpu.memory_space<hbm>>
      %dma_start3A_50 = tpu.memref_squeeze %dma_start3A_49 : memref<1x128x128xf32, #tpu.memory_space<hbm>> -> memref<128x128xf32, #tpu.memory_space<hbm>>
      %dma_start3A_51 = arith.constant 0 : i32
      %dma_start3A_52 = tpu.memref_slice %arg8[%arg0, %add3A_41, %dma_start3A_51] : memref<2x10112x128xf32, #tpu.memory_space<hbm>> -> memref<1x128x128xf32, #tpu.memory_space<hbm>>
      %dma_start3A_53 = tpu.memref_squeeze %dma_start3A_52 : memref<1x128x128xf32, #tpu.memory_space<hbm>> -> memref<128x128xf32, #tpu.memory_space<hbm>>
      %dma_start3A_54 = arith.constant 0 : i32
      %dma_start3A_55 = arith.constant 0 : i32
      %dma_start3A_56 = tpu.memref_slice %arg11[%dma_start3A_54, %dma_start3A_55] : memref<128x128xf32, #tpu.memory_space<vmem>> -> memref<128x128xf32, #tpu.memory_space<vmem>>
      tpu.enqueue_dma source(%dma_start3A_56 : memref<128x128xf32, #tpu.memory_space<vmem>>) target(%dma_start3A_53 : memref<128x128xf32, #tpu.memory_space<hbm>>) target_semaphore(%run_scoped3A : memref<!tpu.dma_semaphore, #tpu.memory_space<semaphore_mem>>)
      %dma_wait3A = arith.constant 0 : i32
      %dma_wait3A_57 = arith.constant 0 : i32
      %dma_wait3A_58 = tpu.memref_slice %arg11[%dma_wait3A, %dma_wait3A_57] : memref<128x128xf32, #tpu.memory_space<vmem>> -> memref<128x128xf32, #tpu.memory_space<vmem>>
      %dma_wait3A_59 = arith.constant 0 : i32
      %dma_wait3A_60 = tpu.memref_slice %arg8[%arg0, %add3A_41, %dma_wait3A_59] : memref<2x10112x128xf32, #tpu.memory_space<hbm>> -> memref<1x128x128xf32, #tpu.memory_space<hbm>>
      %dma_wait3A_61 = tpu.memref_squeeze %dma_wait3A_60 : memref<1x128x128xf32, #tpu.memory_space<hbm>> -> memref<128x128xf32, #tpu.memory_space<hbm>>
      %dma_wait3A_62 = arith.constant 0 : i32
      %dma_wait3A_63 = tpu.memref_slice %arg8[%arg0, %add3A_41, %dma_wait3A_62] : memref<2x10112x128xf32, #tpu.memory_space<hbm>> -> memref<1x128x128xf32, #tpu.memory_space<hbm>>
      %dma_wait3A_64 = tpu.memref_squeeze %dma_wait3A_63 : memref<1x128x128xf32, #tpu.memory_space<hbm>> -> memref<128x128xf32, #tpu.memory_space<hbm>>
      %dma_wait3A_65 = arith.constant 0 : i32
      %dma_wait3A_66 = arith.constant 0 : i32
      %dma_wait3A_67 = tpu.memref_slice %arg11[%dma_wait3A_65, %dma_wait3A_66] : memref<128x128xf32, #tpu.memory_space<vmem>> -> memref<128x128xf32, #tpu.memory_space<vmem>>
      tpu.wait_dma2 semaphore(%run_scoped3A : memref<!tpu.dma_semaphore, #tpu.memory_space<semaphore_mem>>) src(%dma_wait3A_67 : memref<128x128xf32, #tpu.memory_space<vmem>>) dst(%dma_wait3A_64 : memref<128x128xf32, #tpu.memory_space<hbm>>)
      tpu.yield
    }) : () -> ()
    %mul3A_42 = arith.constant 632 : i32
    %mul3A_43 = arith.muli %arg1, %mul3A_42 : i32
    %add3A_44 = arith.constant 512 : i32
    %add3A_45 = arith.addi %mul3A_43, %add3A_44 : i32
    "tpu.region"() ({
      %run_scoped3A = tpu.sem_alloc : memref<!tpu.dma_semaphore, #tpu.memory_space<semaphore_mem>>
      %dma_start3A = arith.constant 0 : i32
      %dma_start3A_46 = arith.constant 0 : i32
      %dma_start3A_47 = tpu.memref_slice %arg11[%dma_start3A, %dma_start3A_46] : memref<128x128xf32, #tpu.memory_space<vmem>> -> memref<120x128xf32, #tpu.memory_space<vmem>>
      %dma_start3A_48 = arith.constant 0 : i32
      %dma_start3A_49 = tpu.memref_slice %arg13[%add3A_45, %dma_start3A_48] : memref<10112x128xf32, #tpu.memory_space<vmem_shared>> -> memref<120x128xf32, #tpu.memory_space<vmem_shared>>
      %dma_start3A_50 = arith.constant 0 : i32
      %dma_start3A_51 = arith.constant 0 : i32
      %dma_start3A_52 = tpu.memref_slice %arg11[%dma_start3A_50, %dma_start3A_51] : memref<128x128xf32, #tpu.memory_space<vmem>> -> memref<120x128xf32, #tpu.memory_space<vmem>>
      %dma_start3A_53 = arith.constant 0 : i32
      %dma_start3A_54 = tpu.memref_slice %arg13[%add3A_45, %dma_start3A_53] : memref<10112x128xf32, #tpu.memory_space<vmem_shared>> -> memref<120x128xf32, #tpu.memory_space<vmem_shared>>
      tpu.enqueue_dma source(%dma_start3A_54 : memref<120x128xf32, #tpu.memory_space<vmem_shared>>) target(%dma_start3A_52 : memref<120x128xf32, #tpu.memory_space<vmem>>) target_semaphore(%run_scoped3A : memref<!tpu.dma_semaphore, #tpu.memory_space<semaphore_mem>>)
      %dma_wait3A = arith.constant 0 : i32
      %dma_wait3A_55 = arith.constant 0 : i32
      %dma_wait3A_56 = tpu.memref_slice %arg11[%dma_wait3A, %dma_wait3A_55] : memref<128x128xf32, #tpu.memory_space<vmem>> -> memref<120x128xf32, #tpu.memory_space<vmem>>
      %dma_wait3A_57 = arith.constant 0 : i32
      %dma_wait3A_58 = tpu.memref_slice %arg13[%add3A_45, %dma_wait3A_57] : memref<10112x128xf32, #tpu.memory_space<vmem_shared>> -> memref<120x128xf32, #tpu.memory_space<vmem_shared>>
      %dma_wait3A_59 = arith.constant 0 : i32
      %dma_wait3A_60 = arith.constant 0 : i32
      %dma_wait3A_61 = tpu.memref_slice %arg11[%dma_wait3A_59, %dma_wait3A_60] : memref<128x128xf32, #tpu.memory_space<vmem>> -> memref<120x128xf32, #tpu.memory_space<vmem>>
      %dma_wait3A_62 = arith.constant 0 : i32
      %dma_wait3A_63 = tpu.memref_slice %arg13[%add3A_45, %dma_wait3A_62] : memref<10112x128xf32, #tpu.memory_space<vmem_shared>> -> memref<120x128xf32, #tpu.memory_space<vmem_shared>>
      tpu.wait_dma2 semaphore(%run_scoped3A : memref<!tpu.dma_semaphore, #tpu.memory_space<semaphore_mem>>) src(%dma_wait3A_63 : memref<120x128xf32, #tpu.memory_space<vmem_shared>>) dst(%dma_wait3A_61 : memref<120x128xf32, #tpu.memory_space<vmem>>)
      tpu.yield
    }) : () -> ()
    "tpu.region"() ({
      %run_scoped3A = tpu.sem_alloc : memref<!tpu.dma_semaphore, #tpu.memory_space<semaphore_mem>>
      %dma_start3A = arith.constant 0 : i32
      %dma_start3A_46 = arith.constant 0 : i32
      %dma_start3A_47 = tpu.memref_slice %arg11[%dma_start3A, %dma_start3A_46] : memref<128x128xf32, #tpu.memory_space<vmem>> -> memref<120x128xf32, #tpu.memory_space<vmem>>
      %dma_start3A_48 = arith.constant 0 : i32
      %dma_start3A_49 = tpu.memref_slice %arg8[%arg0, %add3A_45, %dma_start3A_48] : memref<2x10112x128xf32, #tpu.memory_space<hbm>> -> memref<1x120x128xf32, #tpu.memory_space<hbm>>
      %dma_start3A_50 = tpu.memref_squeeze %dma_start3A_49 : memref<1x120x128xf32, #tpu.memory_space<hbm>> -> memref<120x128xf32, #tpu.memory_space<hbm>>
      %dma_start3A_51 = arith.constant 0 : i32
      %dma_start3A_52 = tpu.memref_slice %arg8[%arg0, %add3A_45, %dma_start3A_51] : memref<2x10112x128xf32, #tpu.memory_space<hbm>> -> memref<1x120x128xf32, #tpu.memory_space<hbm>>
      %dma_start3A_53 = tpu.memref_squeeze %dma_start3A_52 : memref<1x120x128xf32, #tpu.memory_space<hbm>> -> memref<120x128xf32, #tpu.memory_space<hbm>>
      %dma_start3A_54 = arith.constant 0 : i32
      %dma_start3A_55 = arith.constant 0 : i32
      %dma_start3A_56 = tpu.memref_slice %arg11[%dma_start3A_54, %dma_start3A_55] : memref<128x128xf32, #tpu.memory_space<vmem>> -> memref<120x128xf32, #tpu.memory_space<vmem>>
      tpu.enqueue_dma source(%dma_start3A_56 : memref<120x128xf32, #tpu.memory_space<vmem>>) target(%dma_start3A_53 : memref<120x128xf32, #tpu.memory_space<hbm>>) target_semaphore(%run_scoped3A : memref<!tpu.dma_semaphore, #tpu.memory_space<semaphore_mem>>)
      %dma_wait3A = arith.constant 0 : i32
      %dma_wait3A_57 = arith.constant 0 : i32
      %dma_wait3A_58 = tpu.memref_slice %arg11[%dma_wait3A, %dma_wait3A_57] : memref<128x128xf32, #tpu.memory_space<vmem>> -> memref<120x128xf32, #tpu.memory_space<vmem>>
      %dma_wait3A_59 = arith.constant 0 : i32
      %dma_wait3A_60 = tpu.memref_slice %arg8[%arg0, %add3A_45, %dma_wait3A_59] : memref<2x10112x128xf32, #tpu.memory_space<hbm>> -> memref<1x120x128xf32, #tpu.memory_space<hbm>>
      %dma_wait3A_61 = tpu.memref_squeeze %dma_wait3A_60 : memref<1x120x128xf32, #tpu.memory_space<hbm>> -> memref<120x128xf32, #tpu.memory_space<hbm>>
      %dma_wait3A_62 = arith.constant 0 : i32
      %dma_wait3A_63 = tpu.memref_slice %arg8[%arg0, %add3A_45, %dma_wait3A_62] : memref<2x10112x128xf32, #tpu.memory_space<hbm>> -> memref<1x120x128xf32, #tpu.memory_space<hbm>>
      %dma_wait3A_64 = tpu.memref_squeeze %dma_wait3A_63 : memref<1x120x128xf32, #tpu.memory_space<hbm>> -> memref<120x128xf32, #tpu.memory_space<hbm>>
      %dma_wait3A_65 = arith.constant 0 : i32
      %dma_wait3A_66 = arith.constant 0 : i32
      %dma_wait3A_67 = tpu.memref_slice %arg11[%dma_wait3A_65, %dma_wait3A_66] : memref<128x128xf32, #tpu.memory_space<vmem>> -> memref<120x128xf32, #tpu.memory_space<vmem>>
      tpu.wait_dma2 semaphore(%run_scoped3A : memref<!tpu.dma_semaphore, #tpu.memory_space<semaphore_mem>>) src(%dma_wait3A_67 : memref<120x128xf32, #tpu.memory_space<vmem>>) dst(%dma_wait3A_64 : memref<120x128xf32, #tpu.memory_space<hbm>>)
      tpu.yield
    }) : () -> ()
    return
  }
}

#map = affine_map<(d0, d1) -> (0, 0, 0)>
#map1 = affine_map<(d0, d1) -> (0)>
module attributes {stable_mosaic.version = 14 : i64} {
  func.func @_sc_cnt_body(%arg0: i32, %arg1: i32, %arg2: memref<16x112x128xi32, #tpu.memory_space<hbm>>, %arg3: memref<16x48x128xi32, #tpu.memory_space<hbm>>, %arg4: memref<327680xf32, #tpu.memory_space<hbm>>, %arg5: memref<8x128xi32, #tpu.memory_space<vmem>>, %arg6: memref<10240xf32, #tpu.memory_space<vmem>>, %arg7: memref<!tpu.dma_semaphore, #tpu.memory_space<semaphore_mem>>) attributes {dimension_semantics = [#tpu.dimension_semantics<core_parallel>, #tpu.dimension_semantics<subcore_parallel>], iteration_bounds = array<i64: 2, 16>, scalar_prefetch = 0 : i64, scratch_operands = 3 : i64, tpu.core_type = #tpu.core_type<sc_vector_subcore>, window_params = [{transform_indices = #map}, {transform_indices = #map}, {transform_indices = #map1}]} {
    %mul3A = arith.constant 2 : i32
    %mul3A_0 = arith.muli %arg1, %mul3A : i32
    %add3A = arith.addi %mul3A_0, %arg0 : i32
    %scan3A = arith.constant 0 : i32
    %scan3A_1 = arith.constant 0 : i32
    %scan3A_2 = arith.constant 640 : i32
    %scan3A_3 = arith.addi %scan3A_1, %scan3A_2 : i32
    %scan3A_4 = arith.constant 1 : i32
    %scan3A_5 = scf.for %scan3A_19 = %scan3A_1 to %scan3A_3 step %scan3A_4 iter_args(%scan3A_20 = %scan3A) -> (i32)  : i32 {
      %broadcast_in_dim3A_21 = arith.constant 0.000000e+00 : f32
      %broadcast_in_dim3A_22 = vector.broadcast %broadcast_in_dim3A_21 : f32 to vector<16xf32>
      %mul3A_23 = arith.constant 16 : i32
      %mul3A_24 = arith.muli %scan3A_19, %mul3A_23 : i32
      %swap3A = arith.index_cast %mul3A_24 : i32 to index
      %swap3A_25 = tpu.vector_load %arg6[%swap3A] {strides = array<i32>} : memref<10240xf32, #tpu.memory_space<vmem>>, vector<16xf32>,
      tpu.vector_store %arg6[%swap3A], %broadcast_in_dim3A_22 {strides = array<i32>} : memref<10240xf32, #tpu.memory_space<vmem>>, vector<16xf32>,
      %scan3A_26 = arith.constant 0 : i32
      scf.yield %scan3A_26 : i32
    }
    %scan3A_6 = arith.constant 640 : i32
    %broadcast_in_dim3A = arith.constant 1.000000e+00 : f32
    %broadcast_in_dim3A_7 = vector.broadcast %broadcast_in_dim3A : f32 to vector<16xf32>
    %eq3A = arith.constant 0 : i32
    %eq3A_8 = arith.cmpi eq, %arg0, %eq3A : i32
    %convert_element_type3A = arith.extui %eq3A_8 : i1 to i32
    %cond3A = arith.constant 0 : i32
    %cond3A_9 = arith.cmpi ne, %convert_element_type3A, %cond3A : i32
    scf.if %cond3A_9 {
      %scan3A_19 = arith.constant 0 : i32
      %scan3A_20 = arith.constant 0 : i32
      %scan3A_21 = arith.constant 14 : i32
      %scan3A_22 = arith.addi %scan3A_20, %scan3A_21 : i32
      %scan3A_23 = arith.constant 1 : i32
      %scan3A_24 = scf.for %scan3A_26 = %scan3A_20 to %scan3A_22 step %scan3A_23 iter_args(%scan3A_27 = %scan3A_19) -> (i32)  : i32 {
        %mul3A_28 = arith.constant 8 : i32
        %mul3A_29 = arith.muli %scan3A_26, %mul3A_28 : i32
        "tpu.region"() ({
          %run_scoped3A = tpu.sem_alloc : memref<!tpu.dma_semaphore, #tpu.memory_space<semaphore_mem>>
          %dma_start3A = arith.constant 0 : i32
          %dma_start3A_38 = tpu.memref_slice %arg2[%arg1, %mul3A_29, %dma_start3A] : memref<16x112x128xi32, #tpu.memory_space<hbm>> -> memref<1x8x128xi32, #tpu.memory_space<hbm>>
          %dma_start3A_39 = tpu.memref_squeeze %dma_start3A_38 : memref<1x8x128xi32, #tpu.memory_space<hbm>> -> memref<8x128xi32, #tpu.memory_space<hbm>>
          %dma_start3A_40 = arith.constant 0 : i32
          %dma_start3A_41 = tpu.memref_slice %arg2[%arg1, %mul3A_29, %dma_start3A_40] : memref<16x112x128xi32, #tpu.memory_space<hbm>> -> memref<1x8x128xi32, #tpu.memory_space<hbm>>
          %dma_start3A_42 = tpu.memref_squeeze %dma_start3A_41 : memref<1x8x128xi32, #tpu.memory_space<hbm>> -> memref<8x128xi32, #tpu.memory_space<hbm>>
          tpu.enqueue_dma source(%dma_start3A_42 : memref<8x128xi32, #tpu.memory_space<hbm>>) target(%arg5 : memref<8x128xi32, #tpu.memory_space<vmem>>) target_semaphore(%run_scoped3A : memref<!tpu.dma_semaphore, #tpu.memory_space<semaphore_mem>>)
          %dma_wait3A = arith.constant 0 : i32
          %dma_wait3A_43 = tpu.memref_slice %arg2[%arg1, %mul3A_29, %dma_wait3A] : memref<16x112x128xi32, #tpu.memory_space<hbm>> -> memref<1x8x128xi32, #tpu.memory_space<hbm>>
          %dma_wait3A_44 = tpu.memref_squeeze %dma_wait3A_43 : memref<1x8x128xi32, #tpu.memory_space<hbm>> -> memref<8x128xi32, #tpu.memory_space<hbm>>
          %dma_wait3A_45 = arith.constant 0 : i32
          %dma_wait3A_46 = tpu.memref_slice %arg2[%arg1, %mul3A_29, %dma_wait3A_45] : memref<16x112x128xi32, #tpu.memory_space<hbm>> -> memref<1x8x128xi32, #tpu.memory_space<hbm>>
          %dma_wait3A_47 = tpu.memref_squeeze %dma_wait3A_46 : memref<1x8x128xi32, #tpu.memory_space<hbm>> -> memref<8x128xi32, #tpu.memory_space<hbm>>
          tpu.wait_dma2 semaphore(%run_scoped3A : memref<!tpu.dma_semaphore, #tpu.memory_space<semaphore_mem>>) src(%dma_wait3A_47 : memref<8x128xi32, #tpu.memory_space<hbm>>) dst(%arg5 : memref<8x128xi32, #tpu.memory_space<vmem>>)
          tpu.yield
        }) : () -> ()
        %scan3A_30 = arith.constant 0 : i32
        %scan3A_31 = arith.constant 0 : i32
        %scan3A_32 = arith.constant 8 : i32
        %scan3A_33 = arith.addi %scan3A_31, %scan3A_32 : i32
        %scan3A_34 = arith.constant 1 : i32
        %scan3A_35 = scf.for %scan3A_38 = %scan3A_31 to %scan3A_33 step %scan3A_34 iter_args(%scan3A_39 = %scan3A_30) -> (i32)  : i32 {
          %get3A = arith.index_cast %scan3A_38 : i32 to index
          %get3A_40 = arith.constant 0 : index
          %get3A_41 = tpu.vector_load %arg5[%get3A, %get3A_40] {strides = array<i32>} : memref<8x128xi32, #tpu.memory_space<vmem>>, vector<16xi32>,
          tpu.vector_store_idx %arg6[%get3A_41], %broadcast_in_dim3A_7 {add = true} : memref<10240xf32, #tpu.memory_space<vmem>>[vector<16xi32>], vector<16xf32>,
          %get3A_42 = arith.index_cast %scan3A_38 : i32 to index
          %get3A_43 = arith.constant 16 : index
          %get3A_44 = tpu.vector_load %arg5[%get3A_42, %get3A_43] {strides = array<i32>} : memref<8x128xi32, #tpu.memory_space<vmem>>, vector<16xi32>,
          tpu.vector_store_idx %arg6[%get3A_44], %broadcast_in_dim3A_7 {add = true} : memref<10240xf32, #tpu.memory_space<vmem>>[vector<16xi32>], vector<16xf32>,
          %get3A_45 = arith.index_cast %scan3A_38 : i32 to index
          %get3A_46 = arith.constant 32 : index
          %get3A_47 = tpu.vector_load %arg5[%get3A_45, %get3A_46] {strides = array<i32>} : memref<8x128xi32, #tpu.memory_space<vmem>>, vector<16xi32>,
          tpu.vector_store_idx %arg6[%get3A_47], %broadcast_in_dim3A_7 {add = true} : memref<10240xf32, #tpu.memory_space<vmem>>[vector<16xi32>], vector<16xf32>,
          %get3A_48 = arith.index_cast %scan3A_38 : i32 to index
          %get3A_49 = arith.constant 48 : index
          %get3A_50 = tpu.vector_load %arg5[%get3A_48, %get3A_49] {strides = array<i32>} : memref<8x128xi32, #tpu.memory_space<vmem>>, vector<16xi32>,
          tpu.vector_store_idx %arg6[%get3A_50], %broadcast_in_dim3A_7 {add = true} : memref<10240xf32, #tpu.memory_space<vmem>>[vector<16xi32>], vector<16xf32>,
          %get3A_51 = arith.index_cast %scan3A_38 : i32 to index
          %get3A_52 = arith.constant 64 : index
          %get3A_53 = tpu.vector_load %arg5[%get3A_51, %get3A_52] {strides = array<i32>} : memref<8x128xi32, #tpu.memory_space<vmem>>, vector<16xi32>,
          tpu.vector_store_idx %arg6[%get3A_53], %broadcast_in_dim3A_7 {add = true} : memref<10240xf32, #tpu.memory_space<vmem>>[vector<16xi32>], vector<16xf32>,
          %get3A_54 = arith.index_cast %scan3A_38 : i32 to index
          %get3A_55 = arith.constant 80 : index
          %get3A_56 = tpu.vector_load %arg5[%get3A_54, %get3A_55] {strides = array<i32>} : memref<8x128xi32, #tpu.memory_space<vmem>>, vector<16xi32>,
          tpu.vector_store_idx %arg6[%get3A_56], %broadcast_in_dim3A_7 {add = true} : memref<10240xf32, #tpu.memory_space<vmem>>[vector<16xi32>], vector<16xf32>,
          %get3A_57 = arith.index_cast %scan3A_38 : i32 to index
          %get3A_58 = arith.constant 96 : index
          %get3A_59 = tpu.vector_load %arg5[%get3A_57, %get3A_58] {strides = array<i32>} : memref<8x128xi32, #tpu.memory_space<vmem>>, vector<16xi32>,
          tpu.vector_store_idx %arg6[%get3A_59], %broadcast_in_dim3A_7 {add = true} : memref<10240xf32, #tpu.memory_space<vmem>>[vector<16xi32>], vector<16xf32>,
          %get3A_60 = arith.index_cast %scan3A_38 : i32 to index
          %get3A_61 = arith.constant 112 : index
          %get3A_62 = tpu.vector_load %arg5[%get3A_60, %get3A_61] {strides = array<i32>} : memref<8x128xi32, #tpu.memory_space<vmem>>, vector<16xi32>,
          tpu.vector_store_idx %arg6[%get3A_62], %broadcast_in_dim3A_7 {add = true} : memref<10240xf32, #tpu.memory_space<vmem>>[vector<16xi32>], vector<16xf32>,
          %scan3A_63 = arith.constant 0 : i32
          scf.yield %scan3A_63 : i32
        }
        %scan3A_36 = arith.constant 8 : i32
        %scan3A_37 = arith.constant 0 : i32
        scf.yield %scan3A_37 : i32
      }
      %scan3A_25 = arith.constant 14 : i32
    } else {
    }
    %eq3A_10 = arith.constant 1 : i32
    %eq3A_11 = arith.cmpi eq, %arg0, %eq3A_10 : i32
    %convert_element_type3A_12 = arith.extui %eq3A_11 : i1 to i32
    %cond3A_13 = arith.constant 0 : i32
    %cond3A_14 = arith.cmpi ne, %convert_element_type3A_12, %cond3A_13 : i32
    scf.if %cond3A_14 {
      %scan3A_19 = arith.constant 0 : i32
      %scan3A_20 = arith.constant 0 : i32
      %scan3A_21 = arith.constant 6 : i32
      %scan3A_22 = arith.addi %scan3A_20, %scan3A_21 : i32
      %scan3A_23 = arith.constant 1 : i32
      %scan3A_24 = scf.for %scan3A_26 = %scan3A_20 to %scan3A_22 step %scan3A_23 iter_args(%scan3A_27 = %scan3A_19) -> (i32)  : i32 {
        %mul3A_28 = arith.constant 8 : i32
        %mul3A_29 = arith.muli %scan3A_26, %mul3A_28 : i32
        "tpu.region"() ({
          %run_scoped3A = tpu.sem_alloc : memref<!tpu.dma_semaphore, #tpu.memory_space<semaphore_mem>>
          %dma_start3A = arith.constant 0 : i32
          %dma_start3A_38 = tpu.memref_slice %arg3[%arg1, %mul3A_29, %dma_start3A] : memref<16x48x128xi32, #tpu.memory_space<hbm>> -> memref<1x8x128xi32, #tpu.memory_space<hbm>>
          %dma_start3A_39 = tpu.memref_squeeze %dma_start3A_38 : memref<1x8x128xi32, #tpu.memory_space<hbm>> -> memref<8x128xi32, #tpu.memory_space<hbm>>
          %dma_start3A_40 = arith.constant 0 : i32
          %dma_start3A_41 = tpu.memref_slice %arg3[%arg1, %mul3A_29, %dma_start3A_40] : memref<16x48x128xi32, #tpu.memory_space<hbm>> -> memref<1x8x128xi32, #tpu.memory_space<hbm>>
          %dma_start3A_42 = tpu.memref_squeeze %dma_start3A_41 : memref<1x8x128xi32, #tpu.memory_space<hbm>> -> memref<8x128xi32, #tpu.memory_space<hbm>>
          tpu.enqueue_dma source(%dma_start3A_42 : memref<8x128xi32, #tpu.memory_space<hbm>>) target(%arg5 : memref<8x128xi32, #tpu.memory_space<vmem>>) target_semaphore(%run_scoped3A : memref<!tpu.dma_semaphore, #tpu.memory_space<semaphore_mem>>)
          %dma_wait3A = arith.constant 0 : i32
          %dma_wait3A_43 = tpu.memref_slice %arg3[%arg1, %mul3A_29, %dma_wait3A] : memref<16x48x128xi32, #tpu.memory_space<hbm>> -> memref<1x8x128xi32, #tpu.memory_space<hbm>>
          %dma_wait3A_44 = tpu.memref_squeeze %dma_wait3A_43 : memref<1x8x128xi32, #tpu.memory_space<hbm>> -> memref<8x128xi32, #tpu.memory_space<hbm>>
          %dma_wait3A_45 = arith.constant 0 : i32
          %dma_wait3A_46 = tpu.memref_slice %arg3[%arg1, %mul3A_29, %dma_wait3A_45] : memref<16x48x128xi32, #tpu.memory_space<hbm>> -> memref<1x8x128xi32, #tpu.memory_space<hbm>>
          %dma_wait3A_47 = tpu.memref_squeeze %dma_wait3A_46 : memref<1x8x128xi32, #tpu.memory_space<hbm>> -> memref<8x128xi32, #tpu.memory_space<hbm>>
          tpu.wait_dma2 semaphore(%run_scoped3A : memref<!tpu.dma_semaphore, #tpu.memory_space<semaphore_mem>>) src(%dma_wait3A_47 : memref<8x128xi32, #tpu.memory_space<hbm>>) dst(%arg5 : memref<8x128xi32, #tpu.memory_space<vmem>>)
          tpu.yield
        }) : () -> ()
        %scan3A_30 = arith.constant 0 : i32
        %scan3A_31 = arith.constant 0 : i32
        %scan3A_32 = arith.constant 8 : i32
        %scan3A_33 = arith.addi %scan3A_31, %scan3A_32 : i32
        %scan3A_34 = arith.constant 1 : i32
        %scan3A_35 = scf.for %scan3A_38 = %scan3A_31 to %scan3A_33 step %scan3A_34 iter_args(%scan3A_39 = %scan3A_30) -> (i32)  : i32 {
          %get3A = arith.index_cast %scan3A_38 : i32 to index
          %get3A_40 = arith.constant 0 : index
          %get3A_41 = tpu.vector_load %arg5[%get3A, %get3A_40] {strides = array<i32>} : memref<8x128xi32, #tpu.memory_space<vmem>>, vector<16xi32>,
          tpu.vector_store_idx %arg6[%get3A_41], %broadcast_in_dim3A_7 {add = true} : memref<10240xf32, #tpu.memory_space<vmem>>[vector<16xi32>], vector<16xf32>,
          %get3A_42 = arith.index_cast %scan3A_38 : i32 to index
          %get3A_43 = arith.constant 16 : index
          %get3A_44 = tpu.vector_load %arg5[%get3A_42, %get3A_43] {strides = array<i32>} : memref<8x128xi32, #tpu.memory_space<vmem>>, vector<16xi32>,
          tpu.vector_store_idx %arg6[%get3A_44], %broadcast_in_dim3A_7 {add = true} : memref<10240xf32, #tpu.memory_space<vmem>>[vector<16xi32>], vector<16xf32>,
          %get3A_45 = arith.index_cast %scan3A_38 : i32 to index
          %get3A_46 = arith.constant 32 : index
          %get3A_47 = tpu.vector_load %arg5[%get3A_45, %get3A_46] {strides = array<i32>} : memref<8x128xi32, #tpu.memory_space<vmem>>, vector<16xi32>,
          tpu.vector_store_idx %arg6[%get3A_47], %broadcast_in_dim3A_7 {add = true} : memref<10240xf32, #tpu.memory_space<vmem>>[vector<16xi32>], vector<16xf32>,
          %get3A_48 = arith.index_cast %scan3A_38 : i32 to index
          %get3A_49 = arith.constant 48 : index
          %get3A_50 = tpu.vector_load %arg5[%get3A_48, %get3A_49] {strides = array<i32>} : memref<8x128xi32, #tpu.memory_space<vmem>>, vector<16xi32>,
          tpu.vector_store_idx %arg6[%get3A_50], %broadcast_in_dim3A_7 {add = true} : memref<10240xf32, #tpu.memory_space<vmem>>[vector<16xi32>], vector<16xf32>,
          %get3A_51 = arith.index_cast %scan3A_38 : i32 to index
          %get3A_52 = arith.constant 64 : index
          %get3A_53 = tpu.vector_load %arg5[%get3A_51, %get3A_52] {strides = array<i32>} : memref<8x128xi32, #tpu.memory_space<vmem>>, vector<16xi32>,
          tpu.vector_store_idx %arg6[%get3A_53], %broadcast_in_dim3A_7 {add = true} : memref<10240xf32, #tpu.memory_space<vmem>>[vector<16xi32>], vector<16xf32>,
          %get3A_54 = arith.index_cast %scan3A_38 : i32 to index
          %get3A_55 = arith.constant 80 : index
          %get3A_56 = tpu.vector_load %arg5[%get3A_54, %get3A_55] {strides = array<i32>} : memref<8x128xi32, #tpu.memory_space<vmem>>, vector<16xi32>,
          tpu.vector_store_idx %arg6[%get3A_56], %broadcast_in_dim3A_7 {add = true} : memref<10240xf32, #tpu.memory_space<vmem>>[vector<16xi32>], vector<16xf32>,
          %get3A_57 = arith.index_cast %scan3A_38 : i32 to index
          %get3A_58 = arith.constant 96 : index
          %get3A_59 = tpu.vector_load %arg5[%get3A_57, %get3A_58] {strides = array<i32>} : memref<8x128xi32, #tpu.memory_space<vmem>>, vector<16xi32>,
          tpu.vector_store_idx %arg6[%get3A_59], %broadcast_in_dim3A_7 {add = true} : memref<10240xf32, #tpu.memory_space<vmem>>[vector<16xi32>], vector<16xf32>,
          %get3A_60 = arith.index_cast %scan3A_38 : i32 to index
          %get3A_61 = arith.constant 112 : index
          %get3A_62 = tpu.vector_load %arg5[%get3A_60, %get3A_61] {strides = array<i32>} : memref<8x128xi32, #tpu.memory_space<vmem>>, vector<16xi32>,
          tpu.vector_store_idx %arg6[%get3A_62], %broadcast_in_dim3A_7 {add = true} : memref<10240xf32, #tpu.memory_space<vmem>>[vector<16xi32>], vector<16xf32>,
          %scan3A_63 = arith.constant 0 : i32
          scf.yield %scan3A_63 : i32
        }
        %scan3A_36 = arith.constant 8 : i32
        %scan3A_37 = arith.constant 0 : i32
        scf.yield %scan3A_37 : i32
      }
      %scan3A_25 = arith.constant 6 : i32
    } else {
    }
    %mul3A_15 = arith.constant 80 : i32
    %mul3A_16 = arith.muli %add3A, %mul3A_15 : i32
    %mul3A_17 = arith.constant 128 : i32
    %mul3A_18 = arith.muli %mul3A_16, %mul3A_17 : i32
    "tpu.region"() ({
      %run_scoped3A = tpu.sem_alloc : memref<!tpu.dma_semaphore, #tpu.memory_space<semaphore_mem>>
      %dma_start3A = tpu.memref_slice %arg4[%mul3A_18] : memref<327680xf32, #tpu.memory_space<hbm>> -> memref<10240xf32, #tpu.memory_space<hbm>>
      %dma_start3A_19 = tpu.memref_slice %arg4[%mul3A_18] : memref<327680xf32, #tpu.memory_space<hbm>> -> memref<10240xf32, #tpu.memory_space<hbm>>
      tpu.enqueue_dma source(%arg6 : memref<10240xf32, #tpu.memory_space<vmem>>) target(%dma_start3A_19 : memref<10240xf32, #tpu.memory_space<hbm>>) target_semaphore(%run_scoped3A : memref<!tpu.dma_semaphore, #tpu.memory_space<semaphore_mem>>)
      %dma_wait3A = tpu.memref_slice %arg4[%mul3A_18] : memref<327680xf32, #tpu.memory_space<hbm>> -> memref<10240xf32, #tpu.memory_space<hbm>>
      %dma_wait3A_20 = tpu.memref_slice %arg4[%mul3A_18] : memref<327680xf32, #tpu.memory_space<hbm>> -> memref<10240xf32, #tpu.memory_space<hbm>>
      tpu.wait_dma2 semaphore(%run_scoped3A : memref<!tpu.dma_semaphore, #tpu.memory_space<semaphore_mem>>) src(%arg6 : memref<10240xf32, #tpu.memory_space<vmem>>) dst(%dma_wait3A_20 : memref<10240xf32, #tpu.memory_space<hbm>>)
      tpu.yield
    }) : () -> ()
    return
  }
}

#map = affine_map<(d0, d1) -> (0, 0)>
#map1 = affine_map<(d0, d1) -> (0, 0, 0)>
module attributes {stable_mosaic.version = 14 : i64} {
  func.func @_sc_agg_body(%arg0: i32, %arg1: i32, %arg2: memref<10000x128xf32, #tpu.memory_space<hbm>>, %arg3: memref<16x112x128xi32, #tpu.memory_space<hbm>>, %arg4: memref<16x112x128xi32, #tpu.memory_space<hbm>>, %arg5: memref<16x48x128xi32, #tpu.memory_space<hbm>>, %arg6: memref<16x48x128xi32, #tpu.memory_space<hbm>>, %arg7: memref<128x128xf32, #tpu.memory_space<hbm>>, %arg8: memref<2x10112x128xf32, #tpu.memory_space<hbm>>, %arg9: memref<8x128xi32, #tpu.memory_space<vmem>>, %arg10: memref<8x128xi32, #tpu.memory_space<vmem>>, %arg11: memref<128x128xf32, #tpu.memory_space<vmem>>, %arg12: memref<128x128xf32, #tpu.memory_space<vmem>>, %arg13: memref<10112x128xf32, #tpu.memory_space<vmem_shared>>, %arg14: memref<!tpu.dma_semaphore, #tpu.memory_space<semaphore_mem>>, %arg15: memref<!tpu.dma_semaphore, #tpu.memory_space<semaphore_mem>>, %arg16: memref<!tpu.dma_semaphore, #tpu.memory_space<semaphore_mem>>, %arg17: memref<!tpu.dma_semaphore, #tpu.memory_space<semaphore_mem>>) attributes {dimension_semantics = [#tpu.dimension_semantics<core_parallel>, #tpu.dimension_semantics<subcore_parallel>], iteration_bounds = array<i64: 2, 16>, scalar_prefetch = 0 : i64, scratch_operands = 9 : i64, tpu.core_type = #tpu.core_type<sc_vector_subcore>, window_params = [{transform_indices = #map}, {transform_indices = #map1}, {transform_indices = #map1}, {transform_indices = #map1}, {transform_indices = #map1}, {transform_indices = #map}, {transform_indices = #map1}]} {
    "tpu.region"() ({
      %run_scoped3A = tpu.sem_alloc : memref<!tpu.dma_semaphore, #tpu.memory_space<semaphore_mem>>
      tpu.enqueue_dma source(%arg7 : memref<128x128xf32, #tpu.memory_space<hbm>>) target(%arg11 : memref<128x128xf32, #tpu.memory_space<vmem>>) target_semaphore(%run_scoped3A : memref<!tpu.dma_semaphore, #tpu.memory_space<semaphore_mem>>)
      tpu.wait_dma2 semaphore(%run_scoped3A : memref<!tpu.dma_semaphore, #tpu.memory_space<semaphore_mem>>) src(%arg7 : memref<128x128xf32, #tpu.memory_space<hbm>>) dst(%arg11 : memref<128x128xf32, #tpu.memory_space<vmem>>)
      tpu.yield
    }) : () -> ()
    %mul3A = arith.constant 632 : i32
    %mul3A_0 = arith.muli %arg1, %mul3A : i32
    %add3A = arith.constant 0 : i32
    %add3A_1 = arith.addi %mul3A_0, %add3A : i32
    "tpu.region"() ({
      %run_scoped3A = tpu.sem_alloc : memref<!tpu.dma_semaphore, #tpu.memory_space<semaphore_mem>>
      %dma_start3A = arith.constant 0 : i32
      %dma_start3A_46 = tpu.memref_slice %arg13[%add3A_1, %dma_start3A] : memref<10112x128xf32, #tpu.memory_space<vmem_shared>> -> memref<128x128xf32, #tpu.memory_space<vmem_shared>>
      %dma_start3A_47 = arith.constant 0 : i32
      %dma_start3A_48 = tpu.memref_slice %arg13[%add3A_1, %dma_start3A_47] : memref<10112x128xf32, #tpu.memory_space<vmem_shared>> -> memref<128x128xf32, #tpu.memory_space<vmem_shared>>
      tpu.enqueue_dma source(%arg11 : memref<128x128xf32, #tpu.memory_space<vmem>>) target(%dma_start3A_48 : memref<128x128xf32, #tpu.memory_space<vmem_shared>>) target_semaphore(%run_scoped3A : memref<!tpu.dma_semaphore, #tpu.memory_space<semaphore_mem>>)
      %dma_wait3A = arith.constant 0 : i32
      %dma_wait3A_49 = tpu.memref_slice %arg13[%add3A_1, %dma_wait3A] : memref<10112x128xf32, #tpu.memory_space<vmem_shared>> -> memref<128x128xf32, #tpu.memory_space<vmem_shared>>
      %dma_wait3A_50 = arith.constant 0 : i32
      %dma_wait3A_51 = tpu.memref_slice %arg13[%add3A_1, %dma_wait3A_50] : memref<10112x128xf32, #tpu.memory_space<vmem_shared>> -> memref<128x128xf32, #tpu.memory_space<vmem_shared>>
      tpu.wait_dma2 semaphore(%run_scoped3A : memref<!tpu.dma_semaphore, #tpu.memory_space<semaphore_mem>>) src(%arg11 : memref<128x128xf32, #tpu.memory_space<vmem>>) dst(%dma_wait3A_51 : memref<128x128xf32, #tpu.memory_space<vmem_shared>>)
      tpu.yield
    }) : () -> ()
    %mul3A_2 = arith.constant 632 : i32
    %mul3A_3 = arith.muli %arg1, %mul3A_2 : i32
    %add3A_4 = arith.constant 128 : i32
    %add3A_5 = arith.addi %mul3A_3, %add3A_4 : i32
    "tpu.region"() ({
      %run_scoped3A = tpu.sem_alloc : memref<!tpu.dma_semaphore, #tpu.memory_space<semaphore_mem>>
      %dma_start3A = arith.constant 0 : i32
      %dma_start3A_46 = tpu.memref_slice %arg13[%add3A_5, %dma_start3A] : memref<10112x128xf32, #tpu.memory_space<vmem_shared>> -> memref<128x128xf32, #tpu.memory_space<vmem_shared>>
      %dma_start3A_47 = arith.constant 0 : i32
      %dma_start3A_48 = tpu.memref_slice %arg13[%add3A_5, %dma_start3A_47] : memref<10112x128xf32, #tpu.memory_space<vmem_shared>> -> memref<128x128xf32, #tpu.memory_space<vmem_shared>>
      tpu.enqueue_dma source(%arg11 : memref<128x128xf32, #tpu.memory_space<vmem>>) target(%dma_start3A_48 : memref<128x128xf32, #tpu.memory_space<vmem_shared>>) target_semaphore(%run_scoped3A : memref<!tpu.dma_semaphore, #tpu.memory_space<semaphore_mem>>)
      %dma_wait3A = arith.constant 0 : i32
      %dma_wait3A_49 = tpu.memref_slice %arg13[%add3A_5, %dma_wait3A] : memref<10112x128xf32, #tpu.memory_space<vmem_shared>> -> memref<128x128xf32, #tpu.memory_space<vmem_shared>>
      %dma_wait3A_50 = arith.constant 0 : i32
      %dma_wait3A_51 = tpu.memref_slice %arg13[%add3A_5, %dma_wait3A_50] : memref<10112x128xf32, #tpu.memory_space<vmem_shared>> -> memref<128x128xf32, #tpu.memory_space<vmem_shared>>
      tpu.wait_dma2 semaphore(%run_scoped3A : memref<!tpu.dma_semaphore, #tpu.memory_space<semaphore_mem>>) src(%arg11 : memref<128x128xf32, #tpu.memory_space<vmem>>) dst(%dma_wait3A_51 : memref<128x128xf32, #tpu.memory_space<vmem_shared>>)
      tpu.yield
    }) : () -> ()
    %mul3A_6 = arith.constant 632 : i32
    %mul3A_7 = arith.muli %arg1, %mul3A_6 : i32
    %add3A_8 = arith.constant 256 : i32
    %add3A_9 = arith.addi %mul3A_7, %add3A_8 : i32
    "tpu.region"() ({
      %run_scoped3A = tpu.sem_alloc : memref<!tpu.dma_semaphore, #tpu.memory_space<semaphore_mem>>
      %dma_start3A = arith.constant 0 : i32
      %dma_start3A_46 = tpu.memref_slice %arg13[%add3A_9, %dma_start3A] : memref<10112x128xf32, #tpu.memory_space<vmem_shared>> -> memref<128x128xf32, #tpu.memory_space<vmem_shared>>
      %dma_start3A_47 = arith.constant 0 : i32
      %dma_start3A_48 = tpu.memref_slice %arg13[%add3A_9, %dma_start3A_47] : memref<10112x128xf32, #tpu.memory_space<vmem_shared>> -> memref<128x128xf32, #tpu.memory_space<vmem_shared>>
      tpu.enqueue_dma source(%arg11 : memref<128x128xf32, #tpu.memory_space<vmem>>) target(%dma_start3A_48 : memref<128x128xf32, #tpu.memory_space<vmem_shared>>) target_semaphore(%run_scoped3A : memref<!tpu.dma_semaphore, #tpu.memory_space<semaphore_mem>>)
      %dma_wait3A = arith.constant 0 : i32
      %dma_wait3A_49 = tpu.memref_slice %arg13[%add3A_9, %dma_wait3A] : memref<10112x128xf32, #tpu.memory_space<vmem_shared>> -> memref<128x128xf32, #tpu.memory_space<vmem_shared>>
      %dma_wait3A_50 = arith.constant 0 : i32
      %dma_wait3A_51 = tpu.memref_slice %arg13[%add3A_9, %dma_wait3A_50] : memref<10112x128xf32, #tpu.memory_space<vmem_shared>> -> memref<128x128xf32, #tpu.memory_space<vmem_shared>>
      tpu.wait_dma2 semaphore(%run_scoped3A : memref<!tpu.dma_semaphore, #tpu.memory_space<semaphore_mem>>) src(%arg11 : memref<128x128xf32, #tpu.memory_space<vmem>>) dst(%dma_wait3A_51 : memref<128x128xf32, #tpu.memory_space<vmem_shared>>)
      tpu.yield
    }) : () -> ()
    %mul3A_10 = arith.constant 632 : i32
    %mul3A_11 = arith.muli %arg1, %mul3A_10 : i32
    %add3A_12 = arith.constant 384 : i32
    %add3A_13 = arith.addi %mul3A_11, %add3A_12 : i32
    "tpu.region"() ({
      %run_scoped3A = tpu.sem_alloc : memref<!tpu.dma_semaphore, #tpu.memory_space<semaphore_mem>>
      %dma_start3A = arith.constant 0 : i32
      %dma_start3A_46 = tpu.memref_slice %arg13[%add3A_13, %dma_start3A] : memref<10112x128xf32, #tpu.memory_space<vmem_shared>> -> memref<128x128xf32, #tpu.memory_space<vmem_shared>>
      %dma_start3A_47 = arith.constant 0 : i32
      %dma_start3A_48 = tpu.memref_slice %arg13[%add3A_13, %dma_start3A_47] : memref<10112x128xf32, #tpu.memory_space<vmem_shared>> -> memref<128x128xf32, #tpu.memory_space<vmem_shared>>
      tpu.enqueue_dma source(%arg11 : memref<128x128xf32, #tpu.memory_space<vmem>>) target(%dma_start3A_48 : memref<128x128xf32, #tpu.memory_space<vmem_shared>>) target_semaphore(%run_scoped3A : memref<!tpu.dma_semaphore, #tpu.memory_space<semaphore_mem>>)
      %dma_wait3A = arith.constant 0 : i32
      %dma_wait3A_49 = tpu.memref_slice %arg13[%add3A_13, %dma_wait3A] : memref<10112x128xf32, #tpu.memory_space<vmem_shared>> -> memref<128x128xf32, #tpu.memory_space<vmem_shared>>
      %dma_wait3A_50 = arith.constant 0 : i32
      %dma_wait3A_51 = tpu.memref_slice %arg13[%add3A_13, %dma_wait3A_50] : memref<10112x128xf32, #tpu.memory_space<vmem_shared>> -> memref<128x128xf32, #tpu.memory_space<vmem_shared>>
      tpu.wait_dma2 semaphore(%run_scoped3A : memref<!tpu.dma_semaphore, #tpu.memory_space<semaphore_mem>>) src(%arg11 : memref<128x128xf32, #tpu.memory_space<vmem>>) dst(%dma_wait3A_51 : memref<128x128xf32, #tpu.memory_space<vmem_shared>>)
      tpu.yield
    }) : () -> ()
    %mul3A_14 = arith.constant 632 : i32
    %mul3A_15 = arith.muli %arg1, %mul3A_14 : i32
    %add3A_16 = arith.constant 512 : i32
    %add3A_17 = arith.addi %mul3A_15, %add3A_16 : i32
    "tpu.region"() ({
      %run_scoped3A = tpu.sem_alloc : memref<!tpu.dma_semaphore, #tpu.memory_space<semaphore_mem>>
      %dma_start3A = arith.constant 0 : i32
      %dma_start3A_46 = arith.constant 0 : i32
      %dma_start3A_47 = tpu.memref_slice %arg11[%dma_start3A, %dma_start3A_46] : memref<128x128xf32, #tpu.memory_space<vmem>> -> memref<120x128xf32, #tpu.memory_space<vmem>>
      %dma_start3A_48 = arith.constant 0 : i32
      %dma_start3A_49 = tpu.memref_slice %arg13[%add3A_17, %dma_start3A_48] : memref<10112x128xf32, #tpu.memory_space<vmem_shared>> -> memref<120x128xf32, #tpu.memory_space<vmem_shared>>
      %dma_start3A_50 = arith.constant 0 : i32
      %dma_start3A_51 = tpu.memref_slice %arg13[%add3A_17, %dma_start3A_50] : memref<10112x128xf32, #tpu.memory_space<vmem_shared>> -> memref<120x128xf32, #tpu.memory_space<vmem_shared>>
      %dma_start3A_52 = arith.constant 0 : i32
      %dma_start3A_53 = arith.constant 0 : i32
      %dma_start3A_54 = tpu.memref_slice %arg11[%dma_start3A_52, %dma_start3A_53] : memref<128x128xf32, #tpu.memory_space<vmem>> -> memref<120x128xf32, #tpu.memory_space<vmem>>
      tpu.enqueue_dma source(%dma_start3A_54 : memref<120x128xf32, #tpu.memory_space<vmem>>) target(%dma_start3A_51 : memref<120x128xf32, #tpu.memory_space<vmem_shared>>) target_semaphore(%run_scoped3A : memref<!tpu.dma_semaphore, #tpu.memory_space<semaphore_mem>>)
      %dma_wait3A = arith.constant 0 : i32
      %dma_wait3A_55 = arith.constant 0 : i32
      %dma_wait3A_56 = tpu.memref_slice %arg11[%dma_wait3A, %dma_wait3A_55] : memref<128x128xf32, #tpu.memory_space<vmem>> -> memref<120x128xf32, #tpu.memory_space<vmem>>
      %dma_wait3A_57 = arith.constant 0 : i32
      %dma_wait3A_58 = tpu.memref_slice %arg13[%add3A_17, %dma_wait3A_57] : memref<10112x128xf32, #tpu.memory_space<vmem_shared>> -> memref<120x128xf32, #tpu.memory_space<vmem_shared>>
      %dma_wait3A_59 = arith.constant 0 : i32
      %dma_wait3A_60 = tpu.memref_slice %arg13[%add3A_17, %dma_wait3A_59] : memref<10112x128xf32, #tpu.memory_space<vmem_shared>> -> memref<120x128xf32, #tpu.memory_space<vmem_shared>>
      %dma_wait3A_61 = arith.constant 0 : i32
      %dma_wait3A_62 = arith.constant 0 : i32
      %dma_wait3A_63 = tpu.memref_slice %arg11[%dma_wait3A_61, %dma_wait3A_62] : memref<128x128xf32, #tpu.memory_space<vmem>> -> memref<120x128xf32, #tpu.memory_space<vmem>>
      tpu.wait_dma2 semaphore(%run_scoped3A : memref<!tpu.dma_semaphore, #tpu.memory_space<semaphore_mem>>) src(%dma_wait3A_63 : memref<120x128xf32, #tpu.memory_space<vmem>>) dst(%dma_wait3A_60 : memref<120x128xf32, #tpu.memory_space<vmem_shared>>)
      tpu.yield
    }) : () -> ()
    %barrier3A = arith.constant 0 : index
    tpu.barrier barrier_id(%barrier3A)
    %eq3A = arith.constant 0 : i32
    %eq3A_18 = arith.cmpi eq, %arg0, %eq3A : i32
    %convert_element_type3A = arith.extui %eq3A_18 : i1 to i32
    %cond3A = arith.constant 0 : i32
    %cond3A_19 = arith.cmpi ne, %convert_element_type3A, %cond3A : i32
    scf.if %cond3A_19 {
      %scan3A = arith.constant 0 : i32
      %scan3A_46 = arith.constant 0 : i32
      %scan3A_47 = arith.constant 14 : i32
      %scan3A_48 = arith.addi %scan3A_46, %scan3A_47 : i32
      %scan3A_49 = arith.constant 1 : i32
      %scan3A_50 = scf.for %scan3A_52 = %scan3A_46 to %scan3A_48 step %scan3A_49 iter_args(%scan3A_53 = %scan3A) -> (i32)  : i32 {
        %mul3A_54 = arith.constant 8 : i32
        %mul3A_55 = arith.muli %scan3A_52, %mul3A_54 : i32
        "tpu.region"() ({
          %run_scoped3A = tpu.sem_alloc : memref<!tpu.dma_semaphore, #tpu.memory_space<semaphore_mem>>
          %dma_start3A_281 = arith.constant 0 : i32
          %dma_start3A_282 = tpu.memref_slice %arg3[%arg1, %mul3A_55, %dma_start3A_281] : memref<16x112x128xi32, #tpu.memory_space<hbm>> -> memref<1x8x128xi32, #tpu.memory_space<hbm>>
          %dma_start3A_283 = tpu.memref_squeeze %dma_start3A_282 : memref<1x8x128xi32, #tpu.memory_space<hbm>> -> memref<8x128xi32, #tpu.memory_space<hbm>>
          %dma_start3A_284 = arith.constant 0 : i32
          %dma_start3A_285 = tpu.memref_slice %arg3[%arg1, %mul3A_55, %dma_start3A_284] : memref<16x112x128xi32, #tpu.memory_space<hbm>> -> memref<1x8x128xi32, #tpu.memory_space<hbm>>
          %dma_start3A_286 = tpu.memref_squeeze %dma_start3A_285 : memref<1x8x128xi32, #tpu.memory_space<hbm>> -> memref<8x128xi32, #tpu.memory_space<hbm>>
          tpu.enqueue_dma source(%dma_start3A_286 : memref<8x128xi32, #tpu.memory_space<hbm>>) target(%arg9 : memref<8x128xi32, #tpu.memory_space<vmem>>) target_semaphore(%run_scoped3A : memref<!tpu.dma_semaphore, #tpu.memory_space<semaphore_mem>>)
          %dma_wait3A_287 = arith.constant 0 : i32
          %dma_wait3A_288 = tpu.memref_slice %arg3[%arg1, %mul3A_55, %dma_wait3A_287] : memref<16x112x128xi32, #tpu.memory_space<hbm>> -> memref<1x8x128xi32, #tpu.memory_space<hbm>>
          %dma_wait3A_289 = tpu.memref_squeeze %dma_wait3A_288 : memref<1x8x128xi32, #tpu.memory_space<hbm>> -> memref<8x128xi32, #tpu.memory_space<hbm>>
          %dma_wait3A_290 = arith.constant 0 : i32
          %dma_wait3A_291 = tpu.memref_slice %arg3[%arg1, %mul3A_55, %dma_wait3A_290] : memref<16x112x128xi32, #tpu.memory_space<hbm>> -> memref<1x8x128xi32, #tpu.memory_space<hbm>>
          %dma_wait3A_292 = tpu.memref_squeeze %dma_wait3A_291 : memref<1x8x128xi32, #tpu.memory_space<hbm>> -> memref<8x128xi32, #tpu.memory_space<hbm>>
          tpu.wait_dma2 semaphore(%run_scoped3A : memref<!tpu.dma_semaphore, #tpu.memory_space<semaphore_mem>>) src(%dma_wait3A_292 : memref<8x128xi32, #tpu.memory_space<hbm>>) dst(%arg9 : memref<8x128xi32, #tpu.memory_space<vmem>>)
          tpu.yield
        }) : () -> ()
        %mul3A_56 = arith.constant 8 : i32
        %mul3A_57 = arith.muli %scan3A_52, %mul3A_56 : i32
        "tpu.region"() ({
          %run_scoped3A = tpu.sem_alloc : memref<!tpu.dma_semaphore, #tpu.memory_space<semaphore_mem>>
          %dma_start3A_281 = arith.constant 0 : i32
          %dma_start3A_282 = tpu.memref_slice %arg4[%arg1, %mul3A_57, %dma_start3A_281] : memref<16x112x128xi32, #tpu.memory_space<hbm>> -> memref<1x8x128xi32, #tpu.memory_space<hbm>>
          %dma_start3A_283 = tpu.memref_squeeze %dma_start3A_282 : memref<1x8x128xi32, #tpu.memory_space<hbm>> -> memref<8x128xi32, #tpu.memory_space<hbm>>
          %dma_start3A_284 = arith.constant 0 : i32
          %dma_start3A_285 = tpu.memref_slice %arg4[%arg1, %mul3A_57, %dma_start3A_284] : memref<16x112x128xi32, #tpu.memory_space<hbm>> -> memref<1x8x128xi32, #tpu.memory_space<hbm>>
          %dma_start3A_286 = tpu.memref_squeeze %dma_start3A_285 : memref<1x8x128xi32, #tpu.memory_space<hbm>> -> memref<8x128xi32, #tpu.memory_space<hbm>>
          tpu.enqueue_dma source(%dma_start3A_286 : memref<8x128xi32, #tpu.memory_space<hbm>>) target(%arg10 : memref<8x128xi32, #tpu.memory_space<vmem>>) target_semaphore(%run_scoped3A : memref<!tpu.dma_semaphore, #tpu.memory_space<semaphore_mem>>)
          %dma_wait3A_287 = arith.constant 0 : i32
          %dma_wait3A_288 = tpu.memref_slice %arg4[%arg1, %mul3A_57, %dma_wait3A_287] : memref<16x112x128xi32, #tpu.memory_space<hbm>> -> memref<1x8x128xi32, #tpu.memory_space<hbm>>
          %dma_wait3A_289 = tpu.memref_squeeze %dma_wait3A_288 : memref<1x8x128xi32, #tpu.memory_space<hbm>> -> memref<8x128xi32, #tpu.memory_space<hbm>>
          %dma_wait3A_290 = arith.constant 0 : i32
          %dma_wait3A_291 = tpu.memref_slice %arg4[%arg1, %mul3A_57, %dma_wait3A_290] : memref<16x112x128xi32, #tpu.memory_space<hbm>> -> memref<1x8x128xi32, #tpu.memory_space<hbm>>
          %dma_wait3A_292 = tpu.memref_squeeze %dma_wait3A_291 : memref<1x8x128xi32, #tpu.memory_space<hbm>> -> memref<8x128xi32, #tpu.memory_space<hbm>>
          tpu.wait_dma2 semaphore(%run_scoped3A : memref<!tpu.dma_semaphore, #tpu.memory_space<semaphore_mem>>) src(%dma_wait3A_292 : memref<8x128xi32, #tpu.memory_space<hbm>>) dst(%arg10 : memref<8x128xi32, #tpu.memory_space<vmem>>)
          tpu.yield
        }) : () -> ()
        %dma_start3A = arith.constant 0 : i32
        %dma_start3A_58 = arith.constant 0 : i32
        %dma_start3A_59 = tpu.memref_slice %arg9[%dma_start3A, %dma_start3A_58] : memref<8x128xi32, #tpu.memory_space<vmem>> -> memref<1x128xi32, #tpu.memory_space<vmem>>
        %dma_start3A_60 = tpu.memref_squeeze %dma_start3A_59 : memref<1x128xi32, #tpu.memory_space<vmem>> -> memref<128xi32, #tpu.memory_space<vmem>>
        %dma_start3A_61 = arith.constant 0 : i32
        %dma_start3A_62 = arith.constant 0 : i32
        %dma_start3A_63 = tpu.memref_slice %arg2[%dma_start3A_61, %dma_start3A_62] : memref<10000x128xf32, #tpu.memory_space<hbm>> -> memref<10000x128xf32, #tpu.memory_space<hbm>>
        tpu.enqueue_indirect_dma source(%dma_start3A_63 : memref<10000x128xf32, #tpu.memory_space<hbm>>) target(%arg11 : memref<128x128xf32, #tpu.memory_space<vmem>>) offsets(%dma_start3A_60 : memref<128xi32, #tpu.memory_space<vmem>>) semaphore(%arg14 : memref<!tpu.dma_semaphore, #tpu.memory_space<semaphore_mem>>)
        %dma_start3A_64 = arith.constant 1 : i32
        %dma_start3A_65 = arith.constant 0 : i32
        %dma_start3A_66 = tpu.memref_slice %arg9[%dma_start3A_64, %dma_start3A_65] : memref<8x128xi32, #tpu.memory_space<vmem>> -> memref<1x128xi32, #tpu.memory_space<vmem>>
        %dma_start3A_67 = tpu.memref_squeeze %dma_start3A_66 : memref<1x128xi32, #tpu.memory_space<vmem>> -> memref<128xi32, #tpu.memory_space<vmem>>
        %dma_start3A_68 = arith.constant 0 : i32
        %dma_start3A_69 = arith.constant 0 : i32
        %dma_start3A_70 = tpu.memref_slice %arg2[%dma_start3A_68, %dma_start3A_69] : memref<10000x128xf32, #tpu.memory_space<hbm>> -> memref<10000x128xf32, #tpu.memory_space<hbm>>
        tpu.enqueue_indirect_dma source(%dma_start3A_70 : memref<10000x128xf32, #tpu.memory_space<hbm>>) target(%arg12 : memref<128x128xf32, #tpu.memory_space<vmem>>) offsets(%dma_start3A_67 : memref<128xi32, #tpu.memory_space<vmem>>) semaphore(%arg15 : memref<!tpu.dma_semaphore, #tpu.memory_space<semaphore_mem>>)
        %dma_wait3A = arith.constant 0 : i32
        %dma_wait3A_71 = arith.constant 0 : i32
        %dma_wait3A_72 = tpu.memref_slice %arg9[%dma_wait3A, %dma_wait3A_71] : memref<8x128xi32, #tpu.memory_space<vmem>> -> memref<1x128xi32, #tpu.memory_space<vmem>>
        %dma_wait3A_73 = tpu.memref_squeeze %dma_wait3A_72 : memref<1x128xi32, #tpu.memory_space<vmem>> -> memref<128xi32, #tpu.memory_space<vmem>>
        %dma_wait3A_74 = arith.constant 0 : i32
        %dma_wait3A_75 = arith.constant 0 : i32
        %dma_wait3A_76 = tpu.memref_slice %arg2[%dma_wait3A_74, %dma_wait3A_75] : memref<10000x128xf32, #tpu.memory_space<hbm>> -> memref<10000x128xf32, #tpu.memory_space<hbm>>
        tpu.wait_indirect_dma semaphore(%arg14 : memref<!tpu.dma_semaphore, #tpu.memory_space<semaphore_mem>>) src(%dma_wait3A_76 : memref<10000x128xf32, #tpu.memory_space<hbm>>) dst(%arg11 : memref<128x128xf32, #tpu.memory_space<vmem>>)
        %dma_start3A_77 = arith.constant 0 : i32
        %dma_start3A_78 = arith.constant 0 : i32
        %dma_start3A_79 = tpu.memref_slice %arg10[%dma_start3A_77, %dma_start3A_78] : memref<8x128xi32, #tpu.memory_space<vmem>> -> memref<1x128xi32, #tpu.memory_space<vmem>>
        %dma_start3A_80 = tpu.memref_squeeze %dma_start3A_79 : memref<1x128xi32, #tpu.memory_space<vmem>> -> memref<128xi32, #tpu.memory_space<vmem>>
        %dma_start3A_81 = arith.constant 0 : i32
        %dma_start3A_82 = arith.constant 0 : i32
        %dma_start3A_83 = tpu.memref_slice %arg13[%dma_start3A_81, %dma_start3A_82] : memref<10112x128xf32, #tpu.memory_space<vmem_shared>> -> memref<10112x128xf32, #tpu.memory_space<vmem_shared>>
        tpu.enqueue_indirect_dma source(%arg11 : memref<128x128xf32, #tpu.memory_space<vmem>>) target(%dma_start3A_83 : memref<10112x128xf32, #tpu.memory_space<vmem_shared>>) offsets(%dma_start3A_80 : memref<128xi32, #tpu.memory_space<vmem>>) semaphore(%arg16 : memref<!tpu.dma_semaphore, #tpu.memory_space<semaphore_mem>>) {add = true}
        %dma_wait3A_84 = arith.constant 0 : i32
        %dma_wait3A_85 = arith.constant 0 : i32
        %dma_wait3A_86 = tpu.memref_slice %arg10[%dma_wait3A_84, %dma_wait3A_85] : memref<8x128xi32, #tpu.memory_space<vmem>> -> memref<1x128xi32, #tpu.memory_space<vmem>>
        %dma_wait3A_87 = tpu.memref_squeeze %dma_wait3A_86 : memref<1x128xi32, #tpu.memory_space<vmem>> -> memref<128xi32, #tpu.memory_space<vmem>>
        %dma_wait3A_88 = arith.constant 0 : i32
        %dma_wait3A_89 = arith.constant 0 : i32
        %dma_wait3A_90 = tpu.memref_slice %arg13[%dma_wait3A_88, %dma_wait3A_89] : memref<10112x128xf32, #tpu.memory_space<vmem_shared>> -> memref<10112x128xf32, #tpu.memory_space<vmem_shared>>
        tpu.wait_indirect_dma semaphore(%arg16 : memref<!tpu.dma_semaphore, #tpu.memory_space<semaphore_mem>>) src(%arg11 : memref<128x128xf32, #tpu.memory_space<vmem>>) dst(%dma_wait3A_90 : memref<10112x128xf32, #tpu.memory_space<vmem_shared>>)
        %dma_start3A_91 = arith.constant 2 : i32
        %dma_start3A_92 = arith.constant 0 : i32
        %dma_start3A_93 = tpu.memref_slice %arg9[%dma_start3A_91, %dma_start3A_92] : memref<8x128xi32, #tpu.memory_space<vmem>> -> memref<1x128xi32, #tpu.memory_space<vmem>>
        %dma_start3A_94 = tpu.memref_squeeze %dma_start3A_93 : memref<1x128xi32, #tpu.memory_space<vmem>> -> memref<128xi32, #tpu.memory_space<vmem>>
        %dma_start3A_95 = arith.constant 0 : i32
        %dma_start3A_96 = arith.constant 0 : i32
        %dma_start3A_97 = tpu.memref_slice %arg2[%dma_start3A_95, %dma_start3A_96] : memref<10000x128xf32, #tpu.memory_space<hbm>> -> memref<10000x128xf32, #tpu.memory_space<hbm>>
        tpu.enqueue_indirect_dma source(%dma_start3A_97 : memref<10000x128xf32, #tpu.memory_space<hbm>>) target(%arg11 : memref<128x128xf32, #tpu.memory_space<vmem>>) offsets(%dma_start3A_94 : memref<128xi32, #tpu.memory_space<vmem>>) semaphore(%arg14 : memref<!tpu.dma_semaphore, #tpu.memory_space<semaphore_mem>>)
        %dma_wait3A_98 = arith.constant 1 : i32
        %dma_wait3A_99 = arith.constant 0 : i32
        %dma_wait3A_100 = tpu.memref_slice %arg9[%dma_wait3A_98, %dma_wait3A_99] : memref<8x128xi32, #tpu.memory_space<vmem>> -> memref<1x128xi32, #tpu.memory_space<vmem>>
        %dma_wait3A_101 = tpu.memref_squeeze %dma_wait3A_100 : memref<1x128xi32, #tpu.memory_space<vmem>> -> memref<128xi32, #tpu.memory_space<vmem>>
        %dma_wait3A_102 = arith.constant 0 : i32
        %dma_wait3A_103 = arith.constant 0 : i32
        %dma_wait3A_104 = tpu.memref_slice %arg2[%dma_wait3A_102, %dma_wait3A_103] : memref<10000x128xf32, #tpu.memory_space<hbm>> -> memref<10000x128xf32, #tpu.memory_space<hbm>>
        tpu.wait_indirect_dma semaphore(%arg15 : memref<!tpu.dma_semaphore, #tpu.memory_space<semaphore_mem>>) src(%dma_wait3A_104 : memref<10000x128xf32, #tpu.memory_space<hbm>>) dst(%arg12 : memref<128x128xf32, #tpu.memory_space<vmem>>)
        %dma_start3A_105 = arith.constant 1 : i32
        %dma_start3A_106 = arith.constant 0 : i32
        %dma_start3A_107 = tpu.memref_slice %arg10[%dma_start3A_105, %dma_start3A_106] : memref<8x128xi32, #tpu.memory_space<vmem>> -> memref<1x128xi32, #tpu.memory_space<vmem>>
        %dma_start3A_108 = tpu.memref_squeeze %dma_start3A_107 : memref<1x128xi32, #tpu.memory_space<vmem>> -> memref<128xi32, #tpu.memory_space<vmem>>
        %dma_start3A_109 = arith.constant 0 : i32
        %dma_start3A_110 = arith.constant 0 : i32
        %dma_start3A_111 = tpu.memref_slice %arg13[%dma_start3A_109, %dma_start3A_110] : memref<10112x128xf32, #tpu.memory_space<vmem_shared>> -> memref<10112x128xf32, #tpu.memory_space<vmem_shared>>
        tpu.enqueue_indirect_dma source(%arg12 : memref<128x128xf32, #tpu.memory_space<vmem>>) target(%dma_start3A_111 : memref<10112x128xf32, #tpu.memory_space<vmem_shared>>) offsets(%dma_start3A_108 : memref<128xi32, #tpu.memory_space<vmem>>) semaphore(%arg17 : memref<!tpu.dma_semaphore, #tpu.memory_space<semaphore_mem>>) {add = true}
        %dma_wait3A_112 = arith.constant 1 : i32
        %dma_wait3A_113 = arith.constant 0 : i32
        %dma_wait3A_114 = tpu.memref_slice %arg10[%dma_wait3A_112, %dma_wait3A_113] : memref<8x128xi32, #tpu.memory_space<vmem>> -> memref<1x128xi32, #tpu.memory_space<vmem>>
        %dma_wait3A_115 = tpu.memref_squeeze %dma_wait3A_114 : memref<1x128xi32, #tpu.memory_space<vmem>> -> memref<128xi32, #tpu.memory_space<vmem>>
        %dma_wait3A_116 = arith.constant 0 : i32
        %dma_wait3A_117 = arith.constant 0 : i32
        %dma_wait3A_118 = tpu.memref_slice %arg13[%dma_wait3A_116, %dma_wait3A_117] : memref<10112x128xf32, #tpu.memory_space<vmem_shared>> -> memref<10112x128xf32, #tpu.memory_space<vmem_shared>>
        tpu.wait_indirect_dma semaphore(%arg17 : memref<!tpu.dma_semaphore, #tpu.memory_space<semaphore_mem>>) src(%arg12 : memref<128x128xf32, #tpu.memory_space<vmem>>) dst(%dma_wait3A_118 : memref<10112x128xf32, #tpu.memory_space<vmem_shared>>)
        %dma_start3A_119 = arith.constant 3 : i32
        %dma_start3A_120 = arith.constant 0 : i32
        %dma_start3A_121 = tpu.memref_slice %arg9[%dma_start3A_119, %dma_start3A_120] : memref<8x128xi32, #tpu.memory_space<vmem>> -> memref<1x128xi32, #tpu.memory_space<vmem>>
        %dma_start3A_122 = tpu.memref_squeeze %dma_start3A_121 : memref<1x128xi32, #tpu.memory_space<vmem>> -> memref<128xi32, #tpu.memory_space<vmem>>
        %dma_start3A_123 = arith.constant 0 : i32
        %dma_start3A_124 = arith.constant 0 : i32
        %dma_start3A_125 = tpu.memref_slice %arg2[%dma_start3A_123, %dma_start3A_124] : memref<10000x128xf32, #tpu.memory_space<hbm>> -> memref<10000x128xf32, #tpu.memory_space<hbm>>
        tpu.enqueue_indirect_dma source(%dma_start3A_125 : memref<10000x128xf32, #tpu.memory_space<hbm>>) target(%arg12 : memref<128x128xf32, #tpu.memory_space<vmem>>) offsets(%dma_start3A_122 : memref<128xi32, #tpu.memory_space<vmem>>) semaphore(%arg15 : memref<!tpu.dma_semaphore, #tpu.memory_space<semaphore_mem>>)
        %dma_wait3A_126 = arith.constant 2 : i32
        %dma_wait3A_127 = arith.constant 0 : i32
        %dma_wait3A_128 = tpu.memref_slice %arg9[%dma_wait3A_126, %dma_wait3A_127] : memref<8x128xi32, #tpu.memory_space<vmem>> -> memref<1x128xi32, #tpu.memory_space<vmem>>
        %dma_wait3A_129 = tpu.memref_squeeze %dma_wait3A_128 : memref<1x128xi32, #tpu.memory_space<vmem>> -> memref<128xi32, #tpu.memory_space<vmem>>
        %dma_wait3A_130 = arith.constant 0 : i32
        %dma_wait3A_131 = arith.constant 0 : i32
        %dma_wait3A_132 = tpu.memref_slice %arg2[%dma_wait3A_130, %dma_wait3A_131] : memref<10000x128xf32, #tpu.memory_space<hbm>> -> memref<10000x128xf32, #tpu.memory_space<hbm>>
        tpu.wait_indirect_dma semaphore(%arg14 : memref<!tpu.dma_semaphore, #tpu.memory_space<semaphore_mem>>) src(%dma_wait3A_132 : memref<10000x128xf32, #tpu.memory_space<hbm>>) dst(%arg11 : memref<128x128xf32, #tpu.memory_space<vmem>>)
        %dma_start3A_133 = arith.constant 2 : i32
        %dma_start3A_134 = arith.constant 0 : i32
        %dma_start3A_135 = tpu.memref_slice %arg10[%dma_start3A_133, %dma_start3A_134] : memref<8x128xi32, #tpu.memory_space<vmem>> -> memref<1x128xi32, #tpu.memory_space<vmem>>
        %dma_start3A_136 = tpu.memref_squeeze %dma_start3A_135 : memref<1x128xi32, #tpu.memory_space<vmem>> -> memref<128xi32, #tpu.memory_space<vmem>>
        %dma_start3A_137 = arith.constant 0 : i32
        %dma_start3A_138 = arith.constant 0 : i32
        %dma_start3A_139 = tpu.memref_slice %arg13[%dma_start3A_137, %dma_start3A_138] : memref<10112x128xf32, #tpu.memory_space<vmem_shared>> -> memref<10112x128xf32, #tpu.memory_space<vmem_shared>>
        tpu.enqueue_indirect_dma source(%arg11 : memref<128x128xf32, #tpu.memory_space<vmem>>) target(%dma_start3A_139 : memref<10112x128xf32, #tpu.memory_space<vmem_shared>>) offsets(%dma_start3A_136 : memref<128xi32, #tpu.memory_space<vmem>>) semaphore(%arg16 : memref<!tpu.dma_semaphore, #tpu.memory_space<semaphore_mem>>) {add = true}
        %dma_wait3A_140 = arith.constant 2 : i32
        %dma_wait3A_141 = arith.constant 0 : i32
        %dma_wait3A_142 = tpu.memref_slice %arg10[%dma_wait3A_140, %dma_wait3A_141] : memref<8x128xi32, #tpu.memory_space<vmem>> -> memref<1x128xi32, #tpu.memory_space<vmem>>
        %dma_wait3A_143 = tpu.memref_squeeze %dma_wait3A_142 : memref<1x128xi32, #tpu.memory_space<vmem>> -> memref<128xi32, #tpu.memory_space<vmem>>
        %dma_wait3A_144 = arith.constant 0 : i32
        %dma_wait3A_145 = arith.constant 0 : i32
        %dma_wait3A_146 = tpu.memref_slice %arg13[%dma_wait3A_144, %dma_wait3A_145] : memref<10112x128xf32, #tpu.memory_space<vmem_shared>> -> memref<10112x128xf32, #tpu.memory_space<vmem_shared>>
        tpu.wait_indirect_dma semaphore(%arg16 : memref<!tpu.dma_semaphore, #tpu.memory_space<semaphore_mem>>) src(%arg11 : memref<128x128xf32, #tpu.memory_space<vmem>>) dst(%dma_wait3A_146 : memref<10112x128xf32, #tpu.memory_space<vmem_shared>>)
        %dma_start3A_147 = arith.constant 4 : i32
        %dma_start3A_148 = arith.constant 0 : i32
        %dma_start3A_149 = tpu.memref_slice %arg9[%dma_start3A_147, %dma_start3A_148] : memref<8x128xi32, #tpu.memory_space<vmem>> -> memref<1x128xi32, #tpu.memory_space<vmem>>
        %dma_start3A_150 = tpu.memref_squeeze %dma_start3A_149 : memref<1x128xi32, #tpu.memory_space<vmem>> -> memref<128xi32, #tpu.memory_space<vmem>>
        %dma_start3A_151 = arith.constant 0 : i32
        %dma_start3A_152 = arith.constant 0 : i32
        %dma_start3A_153 = tpu.memref_slice %arg2[%dma_start3A_151, %dma_start3A_152] : memref<10000x128xf32, #tpu.memory_space<hbm>> -> memref<10000x128xf32, #tpu.memory_space<hbm>>
        tpu.enqueue_indirect_dma source(%dma_start3A_153 : memref<10000x128xf32, #tpu.memory_space<hbm>>) target(%arg11 : memref<128x128xf32, #tpu.memory_space<vmem>>) offsets(%dma_start3A_150 : memref<128xi32, #tpu.memory_space<vmem>>) semaphore(%arg14 : memref<!tpu.dma_semaphore, #tpu.memory_space<semaphore_mem>>)
        %dma_wait3A_154 = arith.constant 3 : i32
        %dma_wait3A_155 = arith.constant 0 : i32
        %dma_wait3A_156 = tpu.memref_slice %arg9[%dma_wait3A_154, %dma_wait3A_155] : memref<8x128xi32, #tpu.memory_space<vmem>> -> memref<1x128xi32, #tpu.memory_space<vmem>>
        %dma_wait3A_157 = tpu.memref_squeeze %dma_wait3A_156 : memref<1x128xi32, #tpu.memory_space<vmem>> -> memref<128xi32, #tpu.memory_space<vmem>>
        %dma_wait3A_158 = arith.constant 0 : i32
        %dma_wait3A_159 = arith.constant 0 : i32
        %dma_wait3A_160 = tpu.memref_slice %arg2[%dma_wait3A_158, %dma_wait3A_159] : memref<10000x128xf32, #tpu.memory_space<hbm>> -> memref<10000x128xf32, #tpu.memory_space<hbm>>
        tpu.wait_indirect_dma semaphore(%arg15 : memref<!tpu.dma_semaphore, #tpu.memory_space<semaphore_mem>>) src(%dma_wait3A_160 : memref<10000x128xf32, #tpu.memory_space<hbm>>) dst(%arg12 : memref<128x128xf32, #tpu.memory_space<vmem>>)
        %dma_start3A_161 = arith.constant 3 : i32
        %dma_start3A_162 = arith.constant 0 : i32
        %dma_start3A_163 = tpu.memref_slice %arg10[%dma_start3A_161, %dma_start3A_162] : memref<8x128xi32, #tpu.memory_space<vmem>> -> memref<1x128xi32, #tpu.memory_space<vmem>>
        %dma_start3A_164 = tpu.memref_squeeze %dma_start3A_163 : memref<1x128xi32, #tpu.memory_space<vmem>> -> memref<128xi32, #tpu.memory_space<vmem>>
        %dma_start3A_165 = arith.constant 0 : i32
        %dma_start3A_166 = arith.constant 0 : i32
        %dma_start3A_167 = tpu.memref_slice %arg13[%dma_start3A_165, %dma_start3A_166] : memref<10112x128xf32, #tpu.memory_space<vmem_shared>> -> memref<10112x128xf32, #tpu.memory_space<vmem_shared>>
        tpu.enqueue_indirect_dma source(%arg12 : memref<128x128xf32, #tpu.memory_space<vmem>>) target(%dma_start3A_167 : memref<10112x128xf32, #tpu.memory_space<vmem_shared>>) offsets(%dma_start3A_164 : memref<128xi32, #tpu.memory_space<vmem>>) semaphore(%arg17 : memref<!tpu.dma_semaphore, #tpu.memory_space<semaphore_mem>>) {add = true}
        %dma_wait3A_168 = arith.constant 3 : i32
        %dma_wait3A_169 = arith.constant 0 : i32
        %dma_wait3A_170 = tpu.memref_slice %arg10[%dma_wait3A_168, %dma_wait3A_169] : memref<8x128xi32, #tpu.memory_space<vmem>> -> memref<1x128xi32, #tpu.memory_space<vmem>>
        %dma_wait3A_171 = tpu.memref_squeeze %dma_wait3A_170 : memref<1x128xi32, #tpu.memory_space<vmem>> -> memref<128xi32, #tpu.memory_space<vmem>>
        %dma_wait3A_172 = arith.constant 0 : i32
        %dma_wait3A_173 = arith.constant 0 : i32
        %dma_wait3A_174 = tpu.memref_slice %arg13[%dma_wait3A_172, %dma_wait3A_173] : memref<10112x128xf32, #tpu.memory_space<vmem_shared>> -> memref<10112x128xf32, #tpu.memory_space<vmem_shared>>
        tpu.wait_indirect_dma semaphore(%arg17 : memref<!tpu.dma_semaphore, #tpu.memory_space<semaphore_mem>>) src(%arg12 : memref<128x128xf32, #tpu.memory_space<vmem>>) dst(%dma_wait3A_174 : memref<10112x128xf32, #tpu.memory_space<vmem_shared>>)
        %dma_start3A_175 = arith.constant 5 : i32
        %dma_start3A_176 = arith.constant 0 : i32
        %dma_start3A_177 = tpu.memref_slice %arg9[%dma_start3A_175, %dma_start3A_176] : memref<8x128xi32, #tpu.memory_space<vmem>> -> memref<1x128xi32, #tpu.memory_space<vmem>>
        %dma_start3A_178 = tpu.memref_squeeze %dma_start3A_177 : memref<1x128xi32, #tpu.memory_space<vmem>> -> memref<128xi32, #tpu.memory_space<vmem>>
        %dma_start3A_179 = arith.constant 0 : i32
        %dma_start3A_180 = arith.constant 0 : i32
        %dma_start3A_181 = tpu.memref_slice %arg2[%dma_start3A_179, %dma_start3A_180] : memref<10000x128xf32, #tpu.memory_space<hbm>> -> memref<10000x128xf32, #tpu.memory_space<hbm>>
        tpu.enqueue_indirect_dma source(%dma_start3A_181 : memref<10000x128xf32, #tpu.memory_space<hbm>>) target(%arg12 : memref<128x128xf32, #tpu.memory_space<vmem>>) offsets(%dma_start3A_178 : memref<128xi32, #tpu.memory_space<vmem>>) semaphore(%arg15 : memref<!tpu.dma_semaphore, #tpu.memory_space<semaphore_mem>>)
        %dma_wait3A_182 = arith.constant 4 : i32
        %dma_wait3A_183 = arith.constant 0 : i32
        %dma_wait3A_184 = tpu.memref_slice %arg9[%dma_wait3A_182, %dma_wait3A_183] : memref<8x128xi32, #tpu.memory_space<vmem>> -> memref<1x128xi32, #tpu.memory_space<vmem>>
        %dma_wait3A_185 = tpu.memref_squeeze %dma_wait3A_184 : memref<1x128xi32, #tpu.memory_space<vmem>> -> memref<128xi32, #tpu.memory_space<vmem>>
        %dma_wait3A_186 = arith.constant 0 : i32
        %dma_wait3A_187 = arith.constant 0 : i32
        %dma_wait3A_188 = tpu.memref_slice %arg2[%dma_wait3A_186, %dma_wait3A_187] : memref<10000x128xf32, #tpu.memory_space<hbm>> -> memref<10000x128xf32, #tpu.memory_space<hbm>>
        tpu.wait_indirect_dma semaphore(%arg14 : memref<!tpu.dma_semaphore, #tpu.memory_space<semaphore_mem>>) src(%dma_wait3A_188 : memref<10000x128xf32, #tpu.memory_space<hbm>>) dst(%arg11 : memref<128x128xf32, #tpu.memory_space<vmem>>)
        %dma_start3A_189 = arith.constant 4 : i32
        %dma_start3A_190 = arith.constant 0 : i32
        %dma_start3A_191 = tpu.memref_slice %arg10[%dma_start3A_189, %dma_start3A_190] : memref<8x128xi32, #tpu.memory_space<vmem>> -> memref<1x128xi32, #tpu.memory_space<vmem>>
        %dma_start3A_192 = tpu.memref_squeeze %dma_start3A_191 : memref<1x128xi32, #tpu.memory_space<vmem>> -> memref<128xi32, #tpu.memory_space<vmem>>
        %dma_start3A_193 = arith.constant 0 : i32
        %dma_start3A_194 = arith.constant 0 : i32
        %dma_start3A_195 = tpu.memref_slice %arg13[%dma_start3A_193, %dma_start3A_194] : memref<10112x128xf32, #tpu.memory_space<vmem_shared>> -> memref<10112x128xf32, #tpu.memory_space<vmem_shared>>
        tpu.enqueue_indirect_dma source(%arg11 : memref<128x128xf32, #tpu.memory_space<vmem>>) target(%dma_start3A_195 : memref<10112x128xf32, #tpu.memory_space<vmem_shared>>) offsets(%dma_start3A_192 : memref<128xi32, #tpu.memory_space<vmem>>) semaphore(%arg16 : memref<!tpu.dma_semaphore, #tpu.memory_space<semaphore_mem>>) {add = true}
        %dma_wait3A_196 = arith.constant 4 : i32
        %dma_wait3A_197 = arith.constant 0 : i32
        %dma_wait3A_198 = tpu.memref_slice %arg10[%dma_wait3A_196, %dma_wait3A_197] : memref<8x128xi32, #tpu.memory_space<vmem>> -> memref<1x128xi32, #tpu.memory_space<vmem>>
        %dma_wait3A_199 = tpu.memref_squeeze %dma_wait3A_198 : memref<1x128xi32, #tpu.memory_space<vmem>> -> memref<128xi32, #tpu.memory_space<vmem>>
        %dma_wait3A_200 = arith.constant 0 : i32
        %dma_wait3A_201 = arith.constant 0 : i32
        %dma_wait3A_202 = tpu.memref_slice %arg13[%dma_wait3A_200, %dma_wait3A_201] : memref<10112x128xf32, #tpu.memory_space<vmem_shared>> -> memref<10112x128xf32, #tpu.memory_space<vmem_shared>>
        tpu.wait_indirect_dma semaphore(%arg16 : memref<!tpu.dma_semaphore, #tpu.memory_space<semaphore_mem>>) src(%arg11 : memref<128x128xf32, #tpu.memory_space<vmem>>) dst(%dma_wait3A_202 : memref<10112x128xf32, #tpu.memory_space<vmem_shared>>)
        %dma_start3A_203 = arith.constant 6 : i32
        %dma_start3A_204 = arith.constant 0 : i32
        %dma_start3A_205 = tpu.memref_slice %arg9[%dma_start3A_203, %dma_start3A_204] : memref<8x128xi32, #tpu.memory_space<vmem>> -> memref<1x128xi32, #tpu.memory_space<vmem>>
        %dma_start3A_206 = tpu.memref_squeeze %dma_start3A_205 : memref<1x128xi32, #tpu.memory_space<vmem>> -> memref<128xi32, #tpu.memory_space<vmem>>
        %dma_start3A_207 = arith.constant 0 : i32
        %dma_start3A_208 = arith.constant 0 : i32
        %dma_start3A_209 = tpu.memref_slice %arg2[%dma_start3A_207, %dma_start3A_208] : memref<10000x128xf32, #tpu.memory_space<hbm>> -> memref<10000x128xf32, #tpu.memory_space<hbm>>
        tpu.enqueue_indirect_dma source(%dma_start3A_209 : memref<10000x128xf32, #tpu.memory_space<hbm>>) target(%arg11 : memref<128x128xf32, #tpu.memory_space<vmem>>) offsets(%dma_start3A_206 : memref<128xi32, #tpu.memory_space<vmem>>) semaphore(%arg14 : memref<!tpu.dma_semaphore, #tpu.memory_space<semaphore_mem>>)
        %dma_wait3A_210 = arith.constant 5 : i32
        %dma_wait3A_211 = arith.constant 0 : i32
        %dma_wait3A_212 = tpu.memref_slice %arg9[%dma_wait3A_210, %dma_wait3A_211] : memref<8x128xi32, #tpu.memory_space<vmem>> -> memref<1x128xi32, #tpu.memory_space<vmem>>
        %dma_wait3A_213 = tpu.memref_squeeze %dma_wait3A_212 : memref<1x128xi32, #tpu.memory_space<vmem>> -> memref<128xi32, #tpu.memory_space<vmem>>
        %dma_wait3A_214 = arith.constant 0 : i32
        %dma_wait3A_215 = arith.constant 0 : i32
        %dma_wait3A_216 = tpu.memref_slice %arg2[%dma_wait3A_214, %dma_wait3A_215] : memref<10000x128xf32, #tpu.memory_space<hbm>> -> memref<10000x128xf32, #tpu.memory_space<hbm>>
        tpu.wait_indirect_dma semaphore(%arg15 : memref<!tpu.dma_semaphore, #tpu.memory_space<semaphore_mem>>) src(%dma_wait3A_216 : memref<10000x128xf32, #tpu.memory_space<hbm>>) dst(%arg12 : memref<128x128xf32, #tpu.memory_space<vmem>>)
        %dma_start3A_217 = arith.constant 5 : i32
        %dma_start3A_218 = arith.constant 0 : i32
        %dma_start3A_219 = tpu.memref_slice %arg10[%dma_start3A_217, %dma_start3A_218] : memref<8x128xi32, #tpu.memory_space<vmem>> -> memref<1x128xi32, #tpu.memory_space<vmem>>
        %dma_start3A_220 = tpu.memref_squeeze %dma_start3A_219 : memref<1x128xi32, #tpu.memory_space<vmem>> -> memref<128xi32, #tpu.memory_space<vmem>>
        %dma_start3A_221 = arith.constant 0 : i32
        %dma_start3A_222 = arith.constant 0 : i32
        %dma_start3A_223 = tpu.memref_slice %arg13[%dma_start3A_221, %dma_start3A_222] : memref<10112x128xf32, #tpu.memory_space<vmem_shared>> -> memref<10112x128xf32, #tpu.memory_space<vmem_shared>>
        tpu.enqueue_indirect_dma source(%arg12 : memref<128x128xf32, #tpu.memory_space<vmem>>) target(%dma_start3A_223 : memref<10112x128xf32, #tpu.memory_space<vmem_shared>>) offsets(%dma_start3A_220 : memref<128xi32, #tpu.memory_space<vmem>>) semaphore(%arg17 : memref<!tpu.dma_semaphore, #tpu.memory_space<semaphore_mem>>) {add = true}
        %dma_wait3A_224 = arith.constant 5 : i32
        %dma_wait3A_225 = arith.constant 0 : i32
        %dma_wait3A_226 = tpu.memref_slice %arg10[%dma_wait3A_224, %dma_wait3A_225] : memref<8x128xi32, #tpu.memory_space<vmem>> -> memref<1x128xi32, #tpu.memory_space<vmem>>
        %dma_wait3A_227 = tpu.memref_squeeze %dma_wait3A_226 : memref<1x128xi32, #tpu.memory_space<vmem>> -> memref<128xi32, #tpu.memory_space<vmem>>
        %dma_wait3A_228 = arith.constant 0 : i32
        %dma_wait3A_229 = arith.constant 0 : i32
        %dma_wait3A_230 = tpu.memref_slice %arg13[%dma_wait3A_228, %dma_wait3A_229] : memref<10112x128xf32, #tpu.memory_space<vmem_shared>> -> memref<10112x128xf32, #tpu.memory_space<vmem_shared>>
        tpu.wait_indirect_dma semaphore(%arg17 : memref<!tpu.dma_semaphore, #tpu.memory_space<semaphore_mem>>) src(%arg12 : memref<128x128xf32, #tpu.memory_space<vmem>>) dst(%dma_wait3A_230 : memref<10112x128xf32, #tpu.memory_space<vmem_shared>>)
        %dma_start3A_231 = arith.constant 7 : i32
        %dma_start3A_232 = arith.constant 0 : i32
        %dma_start3A_233 = tpu.memref_slice %arg9[%dma_start3A_231, %dma_start3A_232] : memref<8x128xi32, #tpu.memory_space<vmem>> -> memref<1x128xi32, #tpu.memory_space<vmem>>
        %dma_start3A_234 = tpu.memref_squeeze %dma_start3A_233 : memref<1x128xi32, #tpu.memory_space<vmem>> -> memref<128xi32, #tpu.memory_space<vmem>>
        %dma_start3A_235 = arith.constant 0 : i32
        %dma_start3A_236 = arith.constant 0 : i32
        %dma_start3A_237 = tpu.memref_slice %arg2[%dma_start3A_235, %dma_start3A_236] : memref<10000x128xf32, #tpu.memory_space<hbm>> -> memref<10000x128xf32, #tpu.memory_space<hbm>>
        tpu.enqueue_indirect_dma source(%dma_start3A_237 : memref<10000x128xf32, #tpu.memory_space<hbm>>) target(%arg12 : memref<128x128xf32, #tpu.memory_space<vmem>>) offsets(%dma_start3A_234 : memref<128xi32, #tpu.memory_space<vmem>>) semaphore(%arg15 : memref<!tpu.dma_semaphore, #tpu.memory_space<semaphore_mem>>)
        %dma_wait3A_238 = arith.constant 6 : i32
        %dma_wait3A_239 = arith.constant 0 : i32
        %dma_wait3A_240 = tpu.memref_slice %arg9[%dma_wait3A_238, %dma_wait3A_239] : memref<8x128xi32, #tpu.memory_space<vmem>> -> memref<1x128xi32, #tpu.memory_space<vmem>>
        %dma_wait3A_241 = tpu.memref_squeeze %dma_wait3A_240 : memref<1x128xi32, #tpu.memory_space<vmem>> -> memref<128xi32, #tpu.memory_space<vmem>>
        %dma_wait3A_242 = arith.constant 0 : i32
        %dma_wait3A_243 = arith.constant 0 : i32
        %dma_wait3A_244 = tpu.memref_slice %arg2[%dma_wait3A_242, %dma_wait3A_243] : memref<10000x128xf32, #tpu.memory_space<hbm>> -> memref<10000x128xf32, #tpu.memory_space<hbm>>
        tpu.wait_indirect_dma semaphore(%arg14 : memref<!tpu.dma_semaphore, #tpu.memory_space<semaphore_mem>>) src(%dma_wait3A_244 : memref<10000x128xf32, #tpu.memory_space<hbm>>) dst(%arg11 : memref<128x128xf32, #tpu.memory_space<vmem>>)
        %dma_start3A_245 = arith.constant 6 : i32
        %dma_start3A_246 = arith.constant 0 : i32
        %dma_start3A_247 = tpu.memref_slice %arg10[%dma_start3A_245, %dma_start3A_246] : memref<8x128xi32, #tpu.memory_space<vmem>> -> memref<1x128xi32, #tpu.memory_space<vmem>>
        %dma_start3A_248 = tpu.memref_squeeze %dma_start3A_247 : memref<1x128xi32, #tpu.memory_space<vmem>> -> memref<128xi32, #tpu.memory_space<vmem>>
        %dma_start3A_249 = arith.constant 0 : i32
        %dma_start3A_250 = arith.constant 0 : i32
        %dma_start3A_251 = tpu.memref_slice %arg13[%dma_start3A_249, %dma_start3A_250] : memref<10112x128xf32, #tpu.memory_space<vmem_shared>> -> memref<10112x128xf32, #tpu.memory_space<vmem_shared>>
        tpu.enqueue_indirect_dma source(%arg11 : memref<128x128xf32, #tpu.memory_space<vmem>>) target(%dma_start3A_251 : memref<10112x128xf32, #tpu.memory_space<vmem_shared>>) offsets(%dma_start3A_248 : memref<128xi32, #tpu.memory_space<vmem>>) semaphore(%arg16 : memref<!tpu.dma_semaphore, #tpu.memory_space<semaphore_mem>>) {add = true}
        %dma_wait3A_252 = arith.constant 7 : i32
        %dma_wait3A_253 = arith.constant 0 : i32
        %dma_wait3A_254 = tpu.memref_slice %arg9[%dma_wait3A_252, %dma_wait3A_253] : memref<8x128xi32, #tpu.memory_space<vmem>> -> memref<1x128xi32, #tpu.memory_space<vmem>>
        %dma_wait3A_255 = tpu.memref_squeeze %dma_wait3A_254 : memref<1x128xi32, #tpu.memory_space<vmem>> -> memref<128xi32, #tpu.memory_space<vmem>>
        %dma_wait3A_256 = arith.constant 0 : i32
        %dma_wait3A_257 = arith.constant 0 : i32
        %dma_wait3A_258 = tpu.memref_slice %arg2[%dma_wait3A_256, %dma_wait3A_257] : memref<10000x128xf32, #tpu.memory_space<hbm>> -> memref<10000x128xf32, #tpu.memory_space<hbm>>
        tpu.wait_indirect_dma semaphore(%arg15 : memref<!tpu.dma_semaphore, #tpu.memory_space<semaphore_mem>>) src(%dma_wait3A_258 : memref<10000x128xf32, #tpu.memory_space<hbm>>) dst(%arg12 : memref<128x128xf32, #tpu.memory_space<vmem>>)
        %dma_start3A_259 = arith.constant 7 : i32
        %dma_start3A_260 = arith.constant 0 : i32
        %dma_start3A_261 = tpu.memref_slice %arg10[%dma_start3A_259, %dma_start3A_260] : memref<8x128xi32, #tpu.memory_space<vmem>> -> memref<1x128xi32, #tpu.memory_space<vmem>>
        %dma_start3A_262 = tpu.memref_squeeze %dma_start3A_261 : memref<1x128xi32, #tpu.memory_space<vmem>> -> memref<128xi32, #tpu.memory_space<vmem>>
        %dma_start3A_263 = arith.constant 0 : i32
        %dma_start3A_264 = arith.constant 0 : i32
        %dma_start3A_265 = tpu.memref_slice %arg13[%dma_start3A_263, %dma_start3A_264] : memref<10112x128xf32, #tpu.memory_space<vmem_shared>> -> memref<10112x128xf32, #tpu.memory_space<vmem_shared>>
        tpu.enqueue_indirect_dma source(%arg12 : memref<128x128xf32, #tpu.memory_space<vmem>>) target(%dma_start3A_265 : memref<10112x128xf32, #tpu.memory_space<vmem_shared>>) offsets(%dma_start3A_262 : memref<128xi32, #tpu.memory_space<vmem>>) semaphore(%arg17 : memref<!tpu.dma_semaphore, #tpu.memory_space<semaphore_mem>>) {add = true}
        %dma_wait3A_266 = arith.constant 6 : i32
        %dma_wait3A_267 = arith.constant 0 : i32
        %dma_wait3A_268 = tpu.memref_slice %arg10[%dma_wait3A_266, %dma_wait3A_267] : memref<8x128xi32, #tpu.memory_space<vmem>> -> memref<1x128xi32, #tpu.memory_space<vmem>>
        %dma_wait3A_269 = tpu.memref_squeeze %dma_wait3A_268 : memref<1x128xi32, #tpu.memory_space<vmem>> -> memref<128xi32, #tpu.memory_space<vmem>>
        %dma_wait3A_270 = arith.constant 0 : i32
        %dma_wait3A_271 = arith.constant 0 : i32
        %dma_wait3A_272 = tpu.memref_slice %arg13[%dma_wait3A_270, %dma_wait3A_271] : memref<10112x128xf32, #tpu.memory_space<vmem_shared>> -> memref<10112x128xf32, #tpu.memory_space<vmem_shared>>
        tpu.wait_indirect_dma semaphore(%arg16 : memref<!tpu.dma_semaphore, #tpu.memory_space<semaphore_mem>>) src(%arg11 : memref<128x128xf32, #tpu.memory_space<vmem>>) dst(%dma_wait3A_272 : memref<10112x128xf32, #tpu.memory_space<vmem_shared>>)
        %dma_wait3A_273 = arith.constant 7 : i32
        %dma_wait3A_274 = arith.constant 0 : i32
        %dma_wait3A_275 = tpu.memref_slice %arg10[%dma_wait3A_273, %dma_wait3A_274] : memref<8x128xi32, #tpu.memory_space<vmem>> -> memref<1x128xi32, #tpu.memory_space<vmem>>
        %dma_wait3A_276 = tpu.memref_squeeze %dma_wait3A_275 : memref<1x128xi32, #tpu.memory_space<vmem>> -> memref<128xi32, #tpu.memory_space<vmem>>
        %dma_wait3A_277 = arith.constant 0 : i32
        %dma_wait3A_278 = arith.constant 0 : i32
        %dma_wait3A_279 = tpu.memref_slice %arg13[%dma_wait3A_277, %dma_wait3A_278] : memref<10112x128xf32, #tpu.memory_space<vmem_shared>> -> memref<10112x128xf32, #tpu.memory_space<vmem_shared>>
        tpu.wait_indirect_dma semaphore(%arg17 : memref<!tpu.dma_semaphore, #tpu.memory_space<semaphore_mem>>) src(%arg12 : memref<128x128xf32, #tpu.memory_space<vmem>>) dst(%dma_wait3A_279 : memref<10112x128xf32, #tpu.memory_space<vmem_shared>>)
        %scan3A_280 = arith.constant 0 : i32
        scf.yield %scan3A_280 : i32
      }
      %scan3A_51 = arith.constant 14 : i32
    } else {
    }
    %eq3A_20 = arith.constant 1 : i32
    %eq3A_21 = arith.cmpi eq, %arg0, %eq3A_20 : i32
    %convert_element_type3A_22 = arith.extui %eq3A_21 : i1 to i32
    %cond3A_23 = arith.constant 0 : i32
    %cond3A_24 = arith.cmpi ne, %convert_element_type3A_22, %cond3A_23 : i32
    scf.if %cond3A_24 {
      %scan3A = arith.constant 0 : i32
      %scan3A_46 = arith.constant 0 : i32
      %scan3A_47 = arith.constant 6 : i32
      %scan3A_48 = arith.addi %scan3A_46, %scan3A_47 : i32
      %scan3A_49 = arith.constant 1 : i32
      %scan3A_50 = scf.for %scan3A_52 = %scan3A_46 to %scan3A_48 step %scan3A_49 iter_args(%scan3A_53 = %scan3A) -> (i32)  : i32 {
        %mul3A_54 = arith.constant 8 : i32
        %mul3A_55 = arith.muli %scan3A_52, %mul3A_54 : i32
        "tpu.region"() ({
          %run_scoped3A = tpu.sem_alloc : memref<!tpu.dma_semaphore, #tpu.memory_space<semaphore_mem>>
          %dma_start3A_281 = arith.constant 0 : i32
          %dma_start3A_282 = tpu.memref_slice %arg5[%arg1, %mul3A_55, %dma_start3A_281] : memref<16x48x128xi32, #tpu.memory_space<hbm>> -> memref<1x8x128xi32, #tpu.memory_space<hbm>>
          %dma_start3A_283 = tpu.memref_squeeze %dma_start3A_282 : memref<1x8x128xi32, #tpu.memory_space<hbm>> -> memref<8x128xi32, #tpu.memory_space<hbm>>
          %dma_start3A_284 = arith.constant 0 : i32
          %dma_start3A_285 = tpu.memref_slice %arg5[%arg1, %mul3A_55, %dma_start3A_284] : memref<16x48x128xi32, #tpu.memory_space<hbm>> -> memref<1x8x128xi32, #tpu.memory_space<hbm>>
          %dma_start3A_286 = tpu.memref_squeeze %dma_start3A_285 : memref<1x8x128xi32, #tpu.memory_space<hbm>> -> memref<8x128xi32, #tpu.memory_space<hbm>>
          tpu.enqueue_dma source(%dma_start3A_286 : memref<8x128xi32, #tpu.memory_space<hbm>>) target(%arg9 : memref<8x128xi32, #tpu.memory_space<vmem>>) target_semaphore(%run_scoped3A : memref<!tpu.dma_semaphore, #tpu.memory_space<semaphore_mem>>)
          %dma_wait3A_287 = arith.constant 0 : i32
          %dma_wait3A_288 = tpu.memref_slice %arg5[%arg1, %mul3A_55, %dma_wait3A_287] : memref<16x48x128xi32, #tpu.memory_space<hbm>> -> memref<1x8x128xi32, #tpu.memory_space<hbm>>
          %dma_wait3A_289 = tpu.memref_squeeze %dma_wait3A_288 : memref<1x8x128xi32, #tpu.memory_space<hbm>> -> memref<8x128xi32, #tpu.memory_space<hbm>>
          %dma_wait3A_290 = arith.constant 0 : i32
          %dma_wait3A_291 = tpu.memref_slice %arg5[%arg1, %mul3A_55, %dma_wait3A_290] : memref<16x48x128xi32, #tpu.memory_space<hbm>> -> memref<1x8x128xi32, #tpu.memory_space<hbm>>
          %dma_wait3A_292 = tpu.memref_squeeze %dma_wait3A_291 : memref<1x8x128xi32, #tpu.memory_space<hbm>> -> memref<8x128xi32, #tpu.memory_space<hbm>>
          tpu.wait_dma2 semaphore(%run_scoped3A : memref<!tpu.dma_semaphore, #tpu.memory_space<semaphore_mem>>) src(%dma_wait3A_292 : memref<8x128xi32, #tpu.memory_space<hbm>>) dst(%arg9 : memref<8x128xi32, #tpu.memory_space<vmem>>)
          tpu.yield
        }) : () -> ()
        %mul3A_56 = arith.constant 8 : i32
        %mul3A_57 = arith.muli %scan3A_52, %mul3A_56 : i32
        "tpu.region"() ({
          %run_scoped3A = tpu.sem_alloc : memref<!tpu.dma_semaphore, #tpu.memory_space<semaphore_mem>>
          %dma_start3A_281 = arith.constant 0 : i32
          %dma_start3A_282 = tpu.memref_slice %arg6[%arg1, %mul3A_57, %dma_start3A_281] : memref<16x48x128xi32, #tpu.memory_space<hbm>> -> memref<1x8x128xi32, #tpu.memory_space<hbm>>
          %dma_start3A_283 = tpu.memref_squeeze %dma_start3A_282 : memref<1x8x128xi32, #tpu.memory_space<hbm>> -> memref<8x128xi32, #tpu.memory_space<hbm>>
          %dma_start3A_284 = arith.constant 0 : i32
          %dma_start3A_285 = tpu.memref_slice %arg6[%arg1, %mul3A_57, %dma_start3A_284] : memref<16x48x128xi32, #tpu.memory_space<hbm>> -> memref<1x8x128xi32, #tpu.memory_space<hbm>>
          %dma_start3A_286 = tpu.memref_squeeze %dma_start3A_285 : memref<1x8x128xi32, #tpu.memory_space<hbm>> -> memref<8x128xi32, #tpu.memory_space<hbm>>
          tpu.enqueue_dma source(%dma_start3A_286 : memref<8x128xi32, #tpu.memory_space<hbm>>) target(%arg10 : memref<8x128xi32, #tpu.memory_space<vmem>>) target_semaphore(%run_scoped3A : memref<!tpu.dma_semaphore, #tpu.memory_space<semaphore_mem>>)
          %dma_wait3A_287 = arith.constant 0 : i32
          %dma_wait3A_288 = tpu.memref_slice %arg6[%arg1, %mul3A_57, %dma_wait3A_287] : memref<16x48x128xi32, #tpu.memory_space<hbm>> -> memref<1x8x128xi32, #tpu.memory_space<hbm>>
          %dma_wait3A_289 = tpu.memref_squeeze %dma_wait3A_288 : memref<1x8x128xi32, #tpu.memory_space<hbm>> -> memref<8x128xi32, #tpu.memory_space<hbm>>
          %dma_wait3A_290 = arith.constant 0 : i32
          %dma_wait3A_291 = tpu.memref_slice %arg6[%arg1, %mul3A_57, %dma_wait3A_290] : memref<16x48x128xi32, #tpu.memory_space<hbm>> -> memref<1x8x128xi32, #tpu.memory_space<hbm>>
          %dma_wait3A_292 = tpu.memref_squeeze %dma_wait3A_291 : memref<1x8x128xi32, #tpu.memory_space<hbm>> -> memref<8x128xi32, #tpu.memory_space<hbm>>
          tpu.wait_dma2 semaphore(%run_scoped3A : memref<!tpu.dma_semaphore, #tpu.memory_space<semaphore_mem>>) src(%dma_wait3A_292 : memref<8x128xi32, #tpu.memory_space<hbm>>) dst(%arg10 : memref<8x128xi32, #tpu.memory_space<vmem>>)
          tpu.yield
        }) : () -> ()
        %dma_start3A = arith.constant 0 : i32
        %dma_start3A_58 = arith.constant 0 : i32
        %dma_start3A_59 = tpu.memref_slice %arg9[%dma_start3A, %dma_start3A_58] : memref<8x128xi32, #tpu.memory_space<vmem>> -> memref<1x128xi32, #tpu.memory_space<vmem>>
        %dma_start3A_60 = tpu.memref_squeeze %dma_start3A_59 : memref<1x128xi32, #tpu.memory_space<vmem>> -> memref<128xi32, #tpu.memory_space<vmem>>
        %dma_start3A_61 = arith.constant 0 : i32
        %dma_start3A_62 = arith.constant 0 : i32
        %dma_start3A_63 = tpu.memref_slice %arg2[%dma_start3A_61, %dma_start3A_62] : memref<10000x128xf32, #tpu.memory_space<hbm>> -> memref<10000x128xf32, #tpu.memory_space<hbm>>
        tpu.enqueue_indirect_dma source(%dma_start3A_63 : memref<10000x128xf32, #tpu.memory_space<hbm>>) target(%arg11 : memref<128x128xf32, #tpu.memory_space<vmem>>) offsets(%dma_start3A_60 : memref<128xi32, #tpu.memory_space<vmem>>) semaphore(%arg14 : memref<!tpu.dma_semaphore, #tpu.memory_space<semaphore_mem>>)
        %dma_start3A_64 = arith.constant 1 : i32
        %dma_start3A_65 = arith.constant 0 : i32
        %dma_start3A_66 = tpu.memref_slice %arg9[%dma_start3A_64, %dma_start3A_65] : memref<8x128xi32, #tpu.memory_space<vmem>> -> memref<1x128xi32, #tpu.memory_space<vmem>>
        %dma_start3A_67 = tpu.memref_squeeze %dma_start3A_66 : memref<1x128xi32, #tpu.memory_space<vmem>> -> memref<128xi32, #tpu.memory_space<vmem>>
        %dma_start3A_68 = arith.constant 0 : i32
        %dma_start3A_69 = arith.constant 0 : i32
        %dma_start3A_70 = tpu.memref_slice %arg2[%dma_start3A_68, %dma_start3A_69] : memref<10000x128xf32, #tpu.memory_space<hbm>> -> memref<10000x128xf32, #tpu.memory_space<hbm>>
        tpu.enqueue_indirect_dma source(%dma_start3A_70 : memref<10000x128xf32, #tpu.memory_space<hbm>>) target(%arg12 : memref<128x128xf32, #tpu.memory_space<vmem>>) offsets(%dma_start3A_67 : memref<128xi32, #tpu.memory_space<vmem>>) semaphore(%arg15 : memref<!tpu.dma_semaphore, #tpu.memory_space<semaphore_mem>>)
        %dma_wait3A = arith.constant 0 : i32
        %dma_wait3A_71 = arith.constant 0 : i32
        %dma_wait3A_72 = tpu.memref_slice %arg9[%dma_wait3A, %dma_wait3A_71] : memref<8x128xi32, #tpu.memory_space<vmem>> -> memref<1x128xi32, #tpu.memory_space<vmem>>
        %dma_wait3A_73 = tpu.memref_squeeze %dma_wait3A_72 : memref<1x128xi32, #tpu.memory_space<vmem>> -> memref<128xi32, #tpu.memory_space<vmem>>
        %dma_wait3A_74 = arith.constant 0 : i32
        %dma_wait3A_75 = arith.constant 0 : i32
        %dma_wait3A_76 = tpu.memref_slice %arg2[%dma_wait3A_74, %dma_wait3A_75] : memref<10000x128xf32, #tpu.memory_space<hbm>> -> memref<10000x128xf32, #tpu.memory_space<hbm>>
        tpu.wait_indirect_dma semaphore(%arg14 : memref<!tpu.dma_semaphore, #tpu.memory_space<semaphore_mem>>) src(%dma_wait3A_76 : memref<10000x128xf32, #tpu.memory_space<hbm>>) dst(%arg11 : memref<128x128xf32, #tpu.memory_space<vmem>>)
        %dma_start3A_77 = arith.constant 0 : i32
        %dma_start3A_78 = arith.constant 0 : i32
        %dma_start3A_79 = tpu.memref_slice %arg10[%dma_start3A_77, %dma_start3A_78] : memref<8x128xi32, #tpu.memory_space<vmem>> -> memref<1x128xi32, #tpu.memory_space<vmem>>
        %dma_start3A_80 = tpu.memref_squeeze %dma_start3A_79 : memref<1x128xi32, #tpu.memory_space<vmem>> -> memref<128xi32, #tpu.memory_space<vmem>>
        %dma_start3A_81 = arith.constant 0 : i32
        %dma_start3A_82 = arith.constant 0 : i32
        %dma_start3A_83 = tpu.memref_slice %arg13[%dma_start3A_81, %dma_start3A_82] : memref<10112x128xf32, #tpu.memory_space<vmem_shared>> -> memref<10112x128xf32, #tpu.memory_space<vmem_shared>>
        tpu.enqueue_indirect_dma source(%arg11 : memref<128x128xf32, #tpu.memory_space<vmem>>) target(%dma_start3A_83 : memref<10112x128xf32, #tpu.memory_space<vmem_shared>>) offsets(%dma_start3A_80 : memref<128xi32, #tpu.memory_space<vmem>>) semaphore(%arg16 : memref<!tpu.dma_semaphore, #tpu.memory_space<semaphore_mem>>) {add = true}
        %dma_wait3A_84 = arith.constant 0 : i32
        %dma_wait3A_85 = arith.constant 0 : i32
        %dma_wait3A_86 = tpu.memref_slice %arg10[%dma_wait3A_84, %dma_wait3A_85] : memref<8x128xi32, #tpu.memory_space<vmem>> -> memref<1x128xi32, #tpu.memory_space<vmem>>
        %dma_wait3A_87 = tpu.memref_squeeze %dma_wait3A_86 : memref<1x128xi32, #tpu.memory_space<vmem>> -> memref<128xi32, #tpu.memory_space<vmem>>
        %dma_wait3A_88 = arith.constant 0 : i32
        %dma_wait3A_89 = arith.constant 0 : i32
        %dma_wait3A_90 = tpu.memref_slice %arg13[%dma_wait3A_88, %dma_wait3A_89] : memref<10112x128xf32, #tpu.memory_space<vmem_shared>> -> memref<10112x128xf32, #tpu.memory_space<vmem_shared>>
        tpu.wait_indirect_dma semaphore(%arg16 : memref<!tpu.dma_semaphore, #tpu.memory_space<semaphore_mem>>) src(%arg11 : memref<128x128xf32, #tpu.memory_space<vmem>>) dst(%dma_wait3A_90 : memref<10112x128xf32, #tpu.memory_space<vmem_shared>>)
        %dma_start3A_91 = arith.constant 2 : i32
        %dma_start3A_92 = arith.constant 0 : i32
        %dma_start3A_93 = tpu.memref_slice %arg9[%dma_start3A_91, %dma_start3A_92] : memref<8x128xi32, #tpu.memory_space<vmem>> -> memref<1x128xi32, #tpu.memory_space<vmem>>
        %dma_start3A_94 = tpu.memref_squeeze %dma_start3A_93 : memref<1x128xi32, #tpu.memory_space<vmem>> -> memref<128xi32, #tpu.memory_space<vmem>>
        %dma_start3A_95 = arith.constant 0 : i32
        %dma_start3A_96 = arith.constant 0 : i32
        %dma_start3A_97 = tpu.memref_slice %arg2[%dma_start3A_95, %dma_start3A_96] : memref<10000x128xf32, #tpu.memory_space<hbm>> -> memref<10000x128xf32, #tpu.memory_space<hbm>>
        tpu.enqueue_indirect_dma source(%dma_start3A_97 : memref<10000x128xf32, #tpu.memory_space<hbm>>) target(%arg11 : memref<128x128xf32, #tpu.memory_space<vmem>>) offsets(%dma_start3A_94 : memref<128xi32, #tpu.memory_space<vmem>>) semaphore(%arg14 : memref<!tpu.dma_semaphore, #tpu.memory_space<semaphore_mem>>)
        %dma_wait3A_98 = arith.constant 1 : i32
        %dma_wait3A_99 = arith.constant 0 : i32
        %dma_wait3A_100 = tpu.memref_slice %arg9[%dma_wait3A_98, %dma_wait3A_99] : memref<8x128xi32, #tpu.memory_space<vmem>> -> memref<1x128xi32, #tpu.memory_space<vmem>>
        %dma_wait3A_101 = tpu.memref_squeeze %dma_wait3A_100 : memref<1x128xi32, #tpu.memory_space<vmem>> -> memref<128xi32, #tpu.memory_space<vmem>>
        %dma_wait3A_102 = arith.constant 0 : i32
        %dma_wait3A_103 = arith.constant 0 : i32
        %dma_wait3A_104 = tpu.memref_slice %arg2[%dma_wait3A_102, %dma_wait3A_103] : memref<10000x128xf32, #tpu.memory_space<hbm>> -> memref<10000x128xf32, #tpu.memory_space<hbm>>
        tpu.wait_indirect_dma semaphore(%arg15 : memref<!tpu.dma_semaphore, #tpu.memory_space<semaphore_mem>>) src(%dma_wait3A_104 : memref<10000x128xf32, #tpu.memory_space<hbm>>) dst(%arg12 : memref<128x128xf32, #tpu.memory_space<vmem>>)
        %dma_start3A_105 = arith.constant 1 : i32
        %dma_start3A_106 = arith.constant 0 : i32
        %dma_start3A_107 = tpu.memref_slice %arg10[%dma_start3A_105, %dma_start3A_106] : memref<8x128xi32, #tpu.memory_space<vmem>> -> memref<1x128xi32, #tpu.memory_space<vmem>>
        %dma_start3A_108 = tpu.memref_squeeze %dma_start3A_107 : memref<1x128xi32, #tpu.memory_space<vmem>> -> memref<128xi32, #tpu.memory_space<vmem>>
        %dma_start3A_109 = arith.constant 0 : i32
        %dma_start3A_110 = arith.constant 0 : i32
        %dma_start3A_111 = tpu.memref_slice %arg13[%dma_start3A_109, %dma_start3A_110] : memref<10112x128xf32, #tpu.memory_space<vmem_shared>> -> memref<10112x128xf32, #tpu.memory_space<vmem_shared>>
        tpu.enqueue_indirect_dma source(%arg12 : memref<128x128xf32, #tpu.memory_space<vmem>>) target(%dma_start3A_111 : memref<10112x128xf32, #tpu.memory_space<vmem_shared>>) offsets(%dma_start3A_108 : memref<128xi32, #tpu.memory_space<vmem>>) semaphore(%arg17 : memref<!tpu.dma_semaphore, #tpu.memory_space<semaphore_mem>>) {add = true}
        %dma_wait3A_112 = arith.constant 1 : i32
        %dma_wait3A_113 = arith.constant 0 : i32
        %dma_wait3A_114 = tpu.memref_slice %arg10[%dma_wait3A_112, %dma_wait3A_113] : memref<8x128xi32, #tpu.memory_space<vmem>> -> memref<1x128xi32, #tpu.memory_space<vmem>>
        %dma_wait3A_115 = tpu.memref_squeeze %dma_wait3A_114 : memref<1x128xi32, #tpu.memory_space<vmem>> -> memref<128xi32, #tpu.memory_space<vmem>>
        %dma_wait3A_116 = arith.constant 0 : i32
        %dma_wait3A_117 = arith.constant 0 : i32
        %dma_wait3A_118 = tpu.memref_slice %arg13[%dma_wait3A_116, %dma_wait3A_117] : memref<10112x128xf32, #tpu.memory_space<vmem_shared>> -> memref<10112x128xf32, #tpu.memory_space<vmem_shared>>
        tpu.wait_indirect_dma semaphore(%arg17 : memref<!tpu.dma_semaphore, #tpu.memory_space<semaphore_mem>>) src(%arg12 : memref<128x128xf32, #tpu.memory_space<vmem>>) dst(%dma_wait3A_118 : memref<10112x128xf32, #tpu.memory_space<vmem_shared>>)
        %dma_start3A_119 = arith.constant 3 : i32
        %dma_start3A_120 = arith.constant 0 : i32
        %dma_start3A_121 = tpu.memref_slice %arg9[%dma_start3A_119, %dma_start3A_120] : memref<8x128xi32, #tpu.memory_space<vmem>> -> memref<1x128xi32, #tpu.memory_space<vmem>>
        %dma_start3A_122 = tpu.memref_squeeze %dma_start3A_121 : memref<1x128xi32, #tpu.memory_space<vmem>> -> memref<128xi32, #tpu.memory_space<vmem>>
        %dma_start3A_123 = arith.constant 0 : i32
        %dma_start3A_124 = arith.constant 0 : i32
        %dma_start3A_125 = tpu.memref_slice %arg2[%dma_start3A_123, %dma_start3A_124] : memref<10000x128xf32, #tpu.memory_space<hbm>> -> memref<10000x128xf32, #tpu.memory_space<hbm>>
        tpu.enqueue_indirect_dma source(%dma_start3A_125 : memref<10000x128xf32, #tpu.memory_space<hbm>>) target(%arg12 : memref<128x128xf32, #tpu.memory_space<vmem>>) offsets(%dma_start3A_122 : memref<128xi32, #tpu.memory_space<vmem>>) semaphore(%arg15 : memref<!tpu.dma_semaphore, #tpu.memory_space<semaphore_mem>>)
        %dma_wait3A_126 = arith.constant 2 : i32
        %dma_wait3A_127 = arith.constant 0 : i32
        %dma_wait3A_128 = tpu.memref_slice %arg9[%dma_wait3A_126, %dma_wait3A_127] : memref<8x128xi32, #tpu.memory_space<vmem>> -> memref<1x128xi32, #tpu.memory_space<vmem>>
        %dma_wait3A_129 = tpu.memref_squeeze %dma_wait3A_128 : memref<1x128xi32, #tpu.memory_space<vmem>> -> memref<128xi32, #tpu.memory_space<vmem>>
        %dma_wait3A_130 = arith.constant 0 : i32
        %dma_wait3A_131 = arith.constant 0 : i32
        %dma_wait3A_132 = tpu.memref_slice %arg2[%dma_wait3A_130, %dma_wait3A_131] : memref<10000x128xf32, #tpu.memory_space<hbm>> -> memref<10000x128xf32, #tpu.memory_space<hbm>>
        tpu.wait_indirect_dma semaphore(%arg14 : memref<!tpu.dma_semaphore, #tpu.memory_space<semaphore_mem>>) src(%dma_wait3A_132 : memref<10000x128xf32, #tpu.memory_space<hbm>>) dst(%arg11 : memref<128x128xf32, #tpu.memory_space<vmem>>)
        %dma_start3A_133 = arith.constant 2 : i32
        %dma_start3A_134 = arith.constant 0 : i32
        %dma_start3A_135 = tpu.memref_slice %arg10[%dma_start3A_133, %dma_start3A_134] : memref<8x128xi32, #tpu.memory_space<vmem>> -> memref<1x128xi32, #tpu.memory_space<vmem>>
        %dma_start3A_136 = tpu.memref_squeeze %dma_start3A_135 : memref<1x128xi32, #tpu.memory_space<vmem>> -> memref<128xi32, #tpu.memory_space<vmem>>
        %dma_start3A_137 = arith.constant 0 : i32
        %dma_start3A_138 = arith.constant 0 : i32
        %dma_start3A_139 = tpu.memref_slice %arg13[%dma_start3A_137, %dma_start3A_138] : memref<10112x128xf32, #tpu.memory_space<vmem_shared>> -> memref<10112x128xf32, #tpu.memory_space<vmem_shared>>
        tpu.enqueue_indirect_dma source(%arg11 : memref<128x128xf32, #tpu.memory_space<vmem>>) target(%dma_start3A_139 : memref<10112x128xf32, #tpu.memory_space<vmem_shared>>) offsets(%dma_start3A_136 : memref<128xi32, #tpu.memory_space<vmem>>) semaphore(%arg16 : memref<!tpu.dma_semaphore, #tpu.memory_space<semaphore_mem>>) {add = true}
        %dma_wait3A_140 = arith.constant 2 : i32
        %dma_wait3A_141 = arith.constant 0 : i32
        %dma_wait3A_142 = tpu.memref_slice %arg10[%dma_wait3A_140, %dma_wait3A_141] : memref<8x128xi32, #tpu.memory_space<vmem>> -> memref<1x128xi32, #tpu.memory_space<vmem>>
        %dma_wait3A_143 = tpu.memref_squeeze %dma_wait3A_142 : memref<1x128xi32, #tpu.memory_space<vmem>> -> memref<128xi32, #tpu.memory_space<vmem>>
        %dma_wait3A_144 = arith.constant 0 : i32
        %dma_wait3A_145 = arith.constant 0 : i32
        %dma_wait3A_146 = tpu.memref_slice %arg13[%dma_wait3A_144, %dma_wait3A_145] : memref<10112x128xf32, #tpu.memory_space<vmem_shared>> -> memref<10112x128xf32, #tpu.memory_space<vmem_shared>>
        tpu.wait_indirect_dma semaphore(%arg16 : memref<!tpu.dma_semaphore, #tpu.memory_space<semaphore_mem>>) src(%arg11 : memref<128x128xf32, #tpu.memory_space<vmem>>) dst(%dma_wait3A_146 : memref<10112x128xf32, #tpu.memory_space<vmem_shared>>)
        %dma_start3A_147 = arith.constant 4 : i32
        %dma_start3A_148 = arith.constant 0 : i32
        %dma_start3A_149 = tpu.memref_slice %arg9[%dma_start3A_147, %dma_start3A_148] : memref<8x128xi32, #tpu.memory_space<vmem>> -> memref<1x128xi32, #tpu.memory_space<vmem>>
        %dma_start3A_150 = tpu.memref_squeeze %dma_start3A_149 : memref<1x128xi32, #tpu.memory_space<vmem>> -> memref<128xi32, #tpu.memory_space<vmem>>
        %dma_start3A_151 = arith.constant 0 : i32
        %dma_start3A_152 = arith.constant 0 : i32
        %dma_start3A_153 = tpu.memref_slice %arg2[%dma_start3A_151, %dma_start3A_152] : memref<10000x128xf32, #tpu.memory_space<hbm>> -> memref<10000x128xf32, #tpu.memory_space<hbm>>
        tpu.enqueue_indirect_dma source(%dma_start3A_153 : memref<10000x128xf32, #tpu.memory_space<hbm>>) target(%arg11 : memref<128x128xf32, #tpu.memory_space<vmem>>) offsets(%dma_start3A_150 : memref<128xi32, #tpu.memory_space<vmem>>) semaphore(%arg14 : memref<!tpu.dma_semaphore, #tpu.memory_space<semaphore_mem>>)
        %dma_wait3A_154 = arith.constant 3 : i32
        %dma_wait3A_155 = arith.constant 0 : i32
        %dma_wait3A_156 = tpu.memref_slice %arg9[%dma_wait3A_154, %dma_wait3A_155] : memref<8x128xi32, #tpu.memory_space<vmem>> -> memref<1x128xi32, #tpu.memory_space<vmem>>
        %dma_wait3A_157 = tpu.memref_squeeze %dma_wait3A_156 : memref<1x128xi32, #tpu.memory_space<vmem>> -> memref<128xi32, #tpu.memory_space<vmem>>
        %dma_wait3A_158 = arith.constant 0 : i32
        %dma_wait3A_159 = arith.constant 0 : i32
        %dma_wait3A_160 = tpu.memref_slice %arg2[%dma_wait3A_158, %dma_wait3A_159] : memref<10000x128xf32, #tpu.memory_space<hbm>> -> memref<10000x128xf32, #tpu.memory_space<hbm>>
        tpu.wait_indirect_dma semaphore(%arg15 : memref<!tpu.dma_semaphore, #tpu.memory_space<semaphore_mem>>) src(%dma_wait3A_160 : memref<10000x128xf32, #tpu.memory_space<hbm>>) dst(%arg12 : memref<128x128xf32, #tpu.memory_space<vmem>>)
        %dma_start3A_161 = arith.constant 3 : i32
        %dma_start3A_162 = arith.constant 0 : i32
        %dma_start3A_163 = tpu.memref_slice %arg10[%dma_start3A_161, %dma_start3A_162] : memref<8x128xi32, #tpu.memory_space<vmem>> -> memref<1x128xi32, #tpu.memory_space<vmem>>
        %dma_start3A_164 = tpu.memref_squeeze %dma_start3A_163 : memref<1x128xi32, #tpu.memory_space<vmem>> -> memref<128xi32, #tpu.memory_space<vmem>>
        %dma_start3A_165 = arith.constant 0 : i32
        %dma_start3A_166 = arith.constant 0 : i32
        %dma_start3A_167 = tpu.memref_slice %arg13[%dma_start3A_165, %dma_start3A_166] : memref<10112x128xf32, #tpu.memory_space<vmem_shared>> -> memref<10112x128xf32, #tpu.memory_space<vmem_shared>>
        tpu.enqueue_indirect_dma source(%arg12 : memref<128x128xf32, #tpu.memory_space<vmem>>) target(%dma_start3A_167 : memref<10112x128xf32, #tpu.memory_space<vmem_shared>>) offsets(%dma_start3A_164 : memref<128xi32, #tpu.memory_space<vmem>>) semaphore(%arg17 : memref<!tpu.dma_semaphore, #tpu.memory_space<semaphore_mem>>) {add = true}
        %dma_wait3A_168 = arith.constant 3 : i32
        %dma_wait3A_169 = arith.constant 0 : i32
        %dma_wait3A_170 = tpu.memref_slice %arg10[%dma_wait3A_168, %dma_wait3A_169] : memref<8x128xi32, #tpu.memory_space<vmem>> -> memref<1x128xi32, #tpu.memory_space<vmem>>
        %dma_wait3A_171 = tpu.memref_squeeze %dma_wait3A_170 : memref<1x128xi32, #tpu.memory_space<vmem>> -> memref<128xi32, #tpu.memory_space<vmem>>
        %dma_wait3A_172 = arith.constant 0 : i32
        %dma_wait3A_173 = arith.constant 0 : i32
        %dma_wait3A_174 = tpu.memref_slice %arg13[%dma_wait3A_172, %dma_wait3A_173] : memref<10112x128xf32, #tpu.memory_space<vmem_shared>> -> memref<10112x128xf32, #tpu.memory_space<vmem_shared>>
        tpu.wait_indirect_dma semaphore(%arg17 : memref<!tpu.dma_semaphore, #tpu.memory_space<semaphore_mem>>) src(%arg12 : memref<128x128xf32, #tpu.memory_space<vmem>>) dst(%dma_wait3A_174 : memref<10112x128xf32, #tpu.memory_space<vmem_shared>>)
        %dma_start3A_175 = arith.constant 5 : i32
        %dma_start3A_176 = arith.constant 0 : i32
        %dma_start3A_177 = tpu.memref_slice %arg9[%dma_start3A_175, %dma_start3A_176] : memref<8x128xi32, #tpu.memory_space<vmem>> -> memref<1x128xi32, #tpu.memory_space<vmem>>
        %dma_start3A_178 = tpu.memref_squeeze %dma_start3A_177 : memref<1x128xi32, #tpu.memory_space<vmem>> -> memref<128xi32, #tpu.memory_space<vmem>>
        %dma_start3A_179 = arith.constant 0 : i32
        %dma_start3A_180 = arith.constant 0 : i32
        %dma_start3A_181 = tpu.memref_slice %arg2[%dma_start3A_179, %dma_start3A_180] : memref<10000x128xf32, #tpu.memory_space<hbm>> -> memref<10000x128xf32, #tpu.memory_space<hbm>>
        tpu.enqueue_indirect_dma source(%dma_start3A_181 : memref<10000x128xf32, #tpu.memory_space<hbm>>) target(%arg12 : memref<128x128xf32, #tpu.memory_space<vmem>>) offsets(%dma_start3A_178 : memref<128xi32, #tpu.memory_space<vmem>>) semaphore(%arg15 : memref<!tpu.dma_semaphore, #tpu.memory_space<semaphore_mem>>)
        %dma_wait3A_182 = arith.constant 4 : i32
        %dma_wait3A_183 = arith.constant 0 : i32
        %dma_wait3A_184 = tpu.memref_slice %arg9[%dma_wait3A_182, %dma_wait3A_183] : memref<8x128xi32, #tpu.memory_space<vmem>> -> memref<1x128xi32, #tpu.memory_space<vmem>>
        %dma_wait3A_185 = tpu.memref_squeeze %dma_wait3A_184 : memref<1x128xi32, #tpu.memory_space<vmem>> -> memref<128xi32, #tpu.memory_space<vmem>>
        %dma_wait3A_186 = arith.constant 0 : i32
        %dma_wait3A_187 = arith.constant 0 : i32
        %dma_wait3A_188 = tpu.memref_slice %arg2[%dma_wait3A_186, %dma_wait3A_187] : memref<10000x128xf32, #tpu.memory_space<hbm>> -> memref<10000x128xf32, #tpu.memory_space<hbm>>
        tpu.wait_indirect_dma semaphore(%arg14 : memref<!tpu.dma_semaphore, #tpu.memory_space<semaphore_mem>>) src(%dma_wait3A_188 : memref<10000x128xf32, #tpu.memory_space<hbm>>) dst(%arg11 : memref<128x128xf32, #tpu.memory_space<vmem>>)
        %dma_start3A_189 = arith.constant 4 : i32
        %dma_start3A_190 = arith.constant 0 : i32
        %dma_start3A_191 = tpu.memref_slice %arg10[%dma_start3A_189, %dma_start3A_190] : memref<8x128xi32, #tpu.memory_space<vmem>> -> memref<1x128xi32, #tpu.memory_space<vmem>>
        %dma_start3A_192 = tpu.memref_squeeze %dma_start3A_191 : memref<1x128xi32, #tpu.memory_space<vmem>> -> memref<128xi32, #tpu.memory_space<vmem>>
        %dma_start3A_193 = arith.constant 0 : i32
        %dma_start3A_194 = arith.constant 0 : i32
        %dma_start3A_195 = tpu.memref_slice %arg13[%dma_start3A_193, %dma_start3A_194] : memref<10112x128xf32, #tpu.memory_space<vmem_shared>> -> memref<10112x128xf32, #tpu.memory_space<vmem_shared>>
        tpu.enqueue_indirect_dma source(%arg11 : memref<128x128xf32, #tpu.memory_space<vmem>>) target(%dma_start3A_195 : memref<10112x128xf32, #tpu.memory_space<vmem_shared>>) offsets(%dma_start3A_192 : memref<128xi32, #tpu.memory_space<vmem>>) semaphore(%arg16 : memref<!tpu.dma_semaphore, #tpu.memory_space<semaphore_mem>>) {add = true}
        %dma_wait3A_196 = arith.constant 4 : i32
        %dma_wait3A_197 = arith.constant 0 : i32
        %dma_wait3A_198 = tpu.memref_slice %arg10[%dma_wait3A_196, %dma_wait3A_197] : memref<8x128xi32, #tpu.memory_space<vmem>> -> memref<1x128xi32, #tpu.memory_space<vmem>>
        %dma_wait3A_199 = tpu.memref_squeeze %dma_wait3A_198 : memref<1x128xi32, #tpu.memory_space<vmem>> -> memref<128xi32, #tpu.memory_space<vmem>>
        %dma_wait3A_200 = arith.constant 0 : i32
        %dma_wait3A_201 = arith.constant 0 : i32
        %dma_wait3A_202 = tpu.memref_slice %arg13[%dma_wait3A_200, %dma_wait3A_201] : memref<10112x128xf32, #tpu.memory_space<vmem_shared>> -> memref<10112x128xf32, #tpu.memory_space<vmem_shared>>
        tpu.wait_indirect_dma semaphore(%arg16 : memref<!tpu.dma_semaphore, #tpu.memory_space<semaphore_mem>>) src(%arg11 : memref<128x128xf32, #tpu.memory_space<vmem>>) dst(%dma_wait3A_202 : memref<10112x128xf32, #tpu.memory_space<vmem_shared>>)
        %dma_start3A_203 = arith.constant 6 : i32
        %dma_start3A_204 = arith.constant 0 : i32
        %dma_start3A_205 = tpu.memref_slice %arg9[%dma_start3A_203, %dma_start3A_204] : memref<8x128xi32, #tpu.memory_space<vmem>> -> memref<1x128xi32, #tpu.memory_space<vmem>>
        %dma_start3A_206 = tpu.memref_squeeze %dma_start3A_205 : memref<1x128xi32, #tpu.memory_space<vmem>> -> memref<128xi32, #tpu.memory_space<vmem>>
        %dma_start3A_207 = arith.constant 0 : i32
        %dma_start3A_208 = arith.constant 0 : i32
        %dma_start3A_209 = tpu.memref_slice %arg2[%dma_start3A_207, %dma_start3A_208] : memref<10000x128xf32, #tpu.memory_space<hbm>> -> memref<10000x128xf32, #tpu.memory_space<hbm>>
        tpu.enqueue_indirect_dma source(%dma_start3A_209 : memref<10000x128xf32, #tpu.memory_space<hbm>>) target(%arg11 : memref<128x128xf32, #tpu.memory_space<vmem>>) offsets(%dma_start3A_206 : memref<128xi32, #tpu.memory_space<vmem>>) semaphore(%arg14 : memref<!tpu.dma_semaphore, #tpu.memory_space<semaphore_mem>>)
        %dma_wait3A_210 = arith.constant 5 : i32
        %dma_wait3A_211 = arith.constant 0 : i32
        %dma_wait3A_212 = tpu.memref_slice %arg9[%dma_wait3A_210, %dma_wait3A_211] : memref<8x128xi32, #tpu.memory_space<vmem>> -> memref<1x128xi32, #tpu.memory_space<vmem>>
        %dma_wait3A_213 = tpu.memref_squeeze %dma_wait3A_212 : memref<1x128xi32, #tpu.memory_space<vmem>> -> memref<128xi32, #tpu.memory_space<vmem>>
        %dma_wait3A_214 = arith.constant 0 : i32
        %dma_wait3A_215 = arith.constant 0 : i32
        %dma_wait3A_216 = tpu.memref_slice %arg2[%dma_wait3A_214, %dma_wait3A_215] : memref<10000x128xf32, #tpu.memory_space<hbm>> -> memref<10000x128xf32, #tpu.memory_space<hbm>>
        tpu.wait_indirect_dma semaphore(%arg15 : memref<!tpu.dma_semaphore, #tpu.memory_space<semaphore_mem>>) src(%dma_wait3A_216 : memref<10000x128xf32, #tpu.memory_space<hbm>>) dst(%arg12 : memref<128x128xf32, #tpu.memory_space<vmem>>)
        %dma_start3A_217 = arith.constant 5 : i32
        %dma_start3A_218 = arith.constant 0 : i32
        %dma_start3A_219 = tpu.memref_slice %arg10[%dma_start3A_217, %dma_start3A_218] : memref<8x128xi32, #tpu.memory_space<vmem>> -> memref<1x128xi32, #tpu.memory_space<vmem>>
        %dma_start3A_220 = tpu.memref_squeeze %dma_start3A_219 : memref<1x128xi32, #tpu.memory_space<vmem>> -> memref<128xi32, #tpu.memory_space<vmem>>
        %dma_start3A_221 = arith.constant 0 : i32
        %dma_start3A_222 = arith.constant 0 : i32
        %dma_start3A_223 = tpu.memref_slice %arg13[%dma_start3A_221, %dma_start3A_222] : memref<10112x128xf32, #tpu.memory_space<vmem_shared>> -> memref<10112x128xf32, #tpu.memory_space<vmem_shared>>
        tpu.enqueue_indirect_dma source(%arg12 : memref<128x128xf32, #tpu.memory_space<vmem>>) target(%dma_start3A_223 : memref<10112x128xf32, #tpu.memory_space<vmem_shared>>) offsets(%dma_start3A_220 : memref<128xi32, #tpu.memory_space<vmem>>) semaphore(%arg17 : memref<!tpu.dma_semaphore, #tpu.memory_space<semaphore_mem>>) {add = true}
        %dma_wait3A_224 = arith.constant 5 : i32
        %dma_wait3A_225 = arith.constant 0 : i32
        %dma_wait3A_226 = tpu.memref_slice %arg10[%dma_wait3A_224, %dma_wait3A_225] : memref<8x128xi32, #tpu.memory_space<vmem>> -> memref<1x128xi32, #tpu.memory_space<vmem>>
        %dma_wait3A_227 = tpu.memref_squeeze %dma_wait3A_226 : memref<1x128xi32, #tpu.memory_space<vmem>> -> memref<128xi32, #tpu.memory_space<vmem>>
        %dma_wait3A_228 = arith.constant 0 : i32
        %dma_wait3A_229 = arith.constant 0 : i32
        %dma_wait3A_230 = tpu.memref_slice %arg13[%dma_wait3A_228, %dma_wait3A_229] : memref<10112x128xf32, #tpu.memory_space<vmem_shared>> -> memref<10112x128xf32, #tpu.memory_space<vmem_shared>>
        tpu.wait_indirect_dma semaphore(%arg17 : memref<!tpu.dma_semaphore, #tpu.memory_space<semaphore_mem>>) src(%arg12 : memref<128x128xf32, #tpu.memory_space<vmem>>) dst(%dma_wait3A_230 : memref<10112x128xf32, #tpu.memory_space<vmem_shared>>)
        %dma_start3A_231 = arith.constant 7 : i32
        %dma_start3A_232 = arith.constant 0 : i32
        %dma_start3A_233 = tpu.memref_slice %arg9[%dma_start3A_231, %dma_start3A_232] : memref<8x128xi32, #tpu.memory_space<vmem>> -> memref<1x128xi32, #tpu.memory_space<vmem>>
        %dma_start3A_234 = tpu.memref_squeeze %dma_start3A_233 : memref<1x128xi32, #tpu.memory_space<vmem>> -> memref<128xi32, #tpu.memory_space<vmem>>
        %dma_start3A_235 = arith.constant 0 : i32
        %dma_start3A_236 = arith.constant 0 : i32
        %dma_start3A_237 = tpu.memref_slice %arg2[%dma_start3A_235, %dma_start3A_236] : memref<10000x128xf32, #tpu.memory_space<hbm>> -> memref<10000x128xf32, #tpu.memory_space<hbm>>
        tpu.enqueue_indirect_dma source(%dma_start3A_237 : memref<10000x128xf32, #tpu.memory_space<hbm>>) target(%arg12 : memref<128x128xf32, #tpu.memory_space<vmem>>) offsets(%dma_start3A_234 : memref<128xi32, #tpu.memory_space<vmem>>) semaphore(%arg15 : memref<!tpu.dma_semaphore, #tpu.memory_space<semaphore_mem>>)
        %dma_wait3A_238 = arith.constant 6 : i32
        %dma_wait3A_239 = arith.constant 0 : i32
        %dma_wait3A_240 = tpu.memref_slice %arg9[%dma_wait3A_238, %dma_wait3A_239] : memref<8x128xi32, #tpu.memory_space<vmem>> -> memref<1x128xi32, #tpu.memory_space<vmem>>
        %dma_wait3A_241 = tpu.memref_squeeze %dma_wait3A_240 : memref<1x128xi32, #tpu.memory_space<vmem>> -> memref<128xi32, #tpu.memory_space<vmem>>
        %dma_wait3A_242 = arith.constant 0 : i32
        %dma_wait3A_243 = arith.constant 0 : i32
        %dma_wait3A_244 = tpu.memref_slice %arg2[%dma_wait3A_242, %dma_wait3A_243] : memref<10000x128xf32, #tpu.memory_space<hbm>> -> memref<10000x128xf32, #tpu.memory_space<hbm>>
        tpu.wait_indirect_dma semaphore(%arg14 : memref<!tpu.dma_semaphore, #tpu.memory_space<semaphore_mem>>) src(%dma_wait3A_244 : memref<10000x128xf32, #tpu.memory_space<hbm>>) dst(%arg11 : memref<128x128xf32, #tpu.memory_space<vmem>>)
        %dma_start3A_245 = arith.constant 6 : i32
        %dma_start3A_246 = arith.constant 0 : i32
        %dma_start3A_247 = tpu.memref_slice %arg10[%dma_start3A_245, %dma_start3A_246] : memref<8x128xi32, #tpu.memory_space<vmem>> -> memref<1x128xi32, #tpu.memory_space<vmem>>
        %dma_start3A_248 = tpu.memref_squeeze %dma_start3A_247 : memref<1x128xi32, #tpu.memory_space<vmem>> -> memref<128xi32, #tpu.memory_space<vmem>>
        %dma_start3A_249 = arith.constant 0 : i32
        %dma_start3A_250 = arith.constant 0 : i32
        %dma_start3A_251 = tpu.memref_slice %arg13[%dma_start3A_249, %dma_start3A_250] : memref<10112x128xf32, #tpu.memory_space<vmem_shared>> -> memref<10112x128xf32, #tpu.memory_space<vmem_shared>>
        tpu.enqueue_indirect_dma source(%arg11 : memref<128x128xf32, #tpu.memory_space<vmem>>) target(%dma_start3A_251 : memref<10112x128xf32, #tpu.memory_space<vmem_shared>>) offsets(%dma_start3A_248 : memref<128xi32, #tpu.memory_space<vmem>>) semaphore(%arg16 : memref<!tpu.dma_semaphore, #tpu.memory_space<semaphore_mem>>) {add = true}
        %dma_wait3A_252 = arith.constant 7 : i32
        %dma_wait3A_253 = arith.constant 0 : i32
        %dma_wait3A_254 = tpu.memref_slice %arg9[%dma_wait3A_252, %dma_wait3A_253] : memref<8x128xi32, #tpu.memory_space<vmem>> -> memref<1x128xi32, #tpu.memory_space<vmem>>
        %dma_wait3A_255 = tpu.memref_squeeze %dma_wait3A_254 : memref<1x128xi32, #tpu.memory_space<vmem>> -> memref<128xi32, #tpu.memory_space<vmem>>
        %dma_wait3A_256 = arith.constant 0 : i32
        %dma_wait3A_257 = arith.constant 0 : i32
        %dma_wait3A_258 = tpu.memref_slice %arg2[%dma_wait3A_256, %dma_wait3A_257] : memref<10000x128xf32, #tpu.memory_space<hbm>> -> memref<10000x128xf32, #tpu.memory_space<hbm>>
        tpu.wait_indirect_dma semaphore(%arg15 : memref<!tpu.dma_semaphore, #tpu.memory_space<semaphore_mem>>) src(%dma_wait3A_258 : memref<10000x128xf32, #tpu.memory_space<hbm>>) dst(%arg12 : memref<128x128xf32, #tpu.memory_space<vmem>>)
        %dma_start3A_259 = arith.constant 7 : i32
        %dma_start3A_260 = arith.constant 0 : i32
        %dma_start3A_261 = tpu.memref_slice %arg10[%dma_start3A_259, %dma_start3A_260] : memref<8x128xi32, #tpu.memory_space<vmem>> -> memref<1x128xi32, #tpu.memory_space<vmem>>
        %dma_start3A_262 = tpu.memref_squeeze %dma_start3A_261 : memref<1x128xi32, #tpu.memory_space<vmem>> -> memref<128xi32, #tpu.memory_space<vmem>>
        %dma_start3A_263 = arith.constant 0 : i32
        %dma_start3A_264 = arith.constant 0 : i32
        %dma_start3A_265 = tpu.memref_slice %arg13[%dma_start3A_263, %dma_start3A_264] : memref<10112x128xf32, #tpu.memory_space<vmem_shared>> -> memref<10112x128xf32, #tpu.memory_space<vmem_shared>>
        tpu.enqueue_indirect_dma source(%arg12 : memref<128x128xf32, #tpu.memory_space<vmem>>) target(%dma_start3A_265 : memref<10112x128xf32, #tpu.memory_space<vmem_shared>>) offsets(%dma_start3A_262 : memref<128xi32, #tpu.memory_space<vmem>>) semaphore(%arg17 : memref<!tpu.dma_semaphore, #tpu.memory_space<semaphore_mem>>) {add = true}
        %dma_wait3A_266 = arith.constant 6 : i32
        %dma_wait3A_267 = arith.constant 0 : i32
        %dma_wait3A_268 = tpu.memref_slice %arg10[%dma_wait3A_266, %dma_wait3A_267] : memref<8x128xi32, #tpu.memory_space<vmem>> -> memref<1x128xi32, #tpu.memory_space<vmem>>
        %dma_wait3A_269 = tpu.memref_squeeze %dma_wait3A_268 : memref<1x128xi32, #tpu.memory_space<vmem>> -> memref<128xi32, #tpu.memory_space<vmem>>
        %dma_wait3A_270 = arith.constant 0 : i32
        %dma_wait3A_271 = arith.constant 0 : i32
        %dma_wait3A_272 = tpu.memref_slice %arg13[%dma_wait3A_270, %dma_wait3A_271] : memref<10112x128xf32, #tpu.memory_space<vmem_shared>> -> memref<10112x128xf32, #tpu.memory_space<vmem_shared>>
        tpu.wait_indirect_dma semaphore(%arg16 : memref<!tpu.dma_semaphore, #tpu.memory_space<semaphore_mem>>) src(%arg11 : memref<128x128xf32, #tpu.memory_space<vmem>>) dst(%dma_wait3A_272 : memref<10112x128xf32, #tpu.memory_space<vmem_shared>>)
        %dma_wait3A_273 = arith.constant 7 : i32
        %dma_wait3A_274 = arith.constant 0 : i32
        %dma_wait3A_275 = tpu.memref_slice %arg10[%dma_wait3A_273, %dma_wait3A_274] : memref<8x128xi32, #tpu.memory_space<vmem>> -> memref<1x128xi32, #tpu.memory_space<vmem>>
        %dma_wait3A_276 = tpu.memref_squeeze %dma_wait3A_275 : memref<1x128xi32, #tpu.memory_space<vmem>> -> memref<128xi32, #tpu.memory_space<vmem>>
        %dma_wait3A_277 = arith.constant 0 : i32
        %dma_wait3A_278 = arith.constant 0 : i32
        %dma_wait3A_279 = tpu.memref_slice %arg13[%dma_wait3A_277, %dma_wait3A_278] : memref<10112x128xf32, #tpu.memory_space<vmem_shared>> -> memref<10112x128xf32, #tpu.memory_space<vmem_shared>>
        tpu.wait_indirect_dma semaphore(%arg17 : memref<!tpu.dma_semaphore, #tpu.memory_space<semaphore_mem>>) src(%arg12 : memref<128x128xf32, #tpu.memory_space<vmem>>) dst(%dma_wait3A_279 : memref<10112x128xf32, #tpu.memory_space<vmem_shared>>)
        %scan3A_280 = arith.constant 0 : i32
        scf.yield %scan3A_280 : i32
      }
      %scan3A_51 = arith.constant 6 : i32
    } else {
    }
    %barrier3A_25 = arith.constant 0 : index
    tpu.barrier barrier_id(%barrier3A_25)
    %mul3A_26 = arith.constant 632 : i32
    %mul3A_27 = arith.muli %arg1, %mul3A_26 : i32
    %add3A_28 = arith.constant 0 : i32
    %add3A_29 = arith.addi %mul3A_27, %add3A_28 : i32
    "tpu.region"() ({
      %run_scoped3A = tpu.sem_alloc : memref<!tpu.dma_semaphore, #tpu.memory_space<semaphore_mem>>
      %dma_start3A = arith.constant 0 : i32
      %dma_start3A_46 = arith.constant 0 : i32
      %dma_start3A_47 = tpu.memref_slice %arg11[%dma_start3A, %dma_start3A_46] : memref<128x128xf32, #tpu.memory_space<vmem>> -> memref<128x128xf32, #tpu.memory_space<vmem>>
      %dma_start3A_48 = arith.constant 0 : i32
      %dma_start3A_49 = tpu.memref_slice %arg13[%add3A_29, %dma_start3A_48] : memref<10112x128xf32, #tpu.memory_space<vmem_shared>> -> memref<128x128xf32, #tpu.memory_space<vmem_shared>>
      %dma_start3A_50 = arith.constant 0 : i32
      %dma_start3A_51 = arith.constant 0 : i32
      %dma_start3A_52 = tpu.memref_slice %arg11[%dma_start3A_50, %dma_start3A_51] : memref<128x128xf32, #tpu.memory_space<vmem>> -> memref<128x128xf32, #tpu.memory_space<vmem>>
      %dma_start3A_53 = arith.constant 0 : i32
      %dma_start3A_54 = tpu.memref_slice %arg13[%add3A_29, %dma_start3A_53] : memref<10112x128xf32, #tpu.memory_space<vmem_shared>> -> memref<128x128xf32, #tpu.memory_space<vmem_shared>>
      tpu.enqueue_dma source(%dma_start3A_54 : memref<128x128xf32, #tpu.memory_space<vmem_shared>>) target(%dma_start3A_52 : memref<128x128xf32, #tpu.memory_space<vmem>>) target_semaphore(%run_scoped3A : memref<!tpu.dma_semaphore, #tpu.memory_space<semaphore_mem>>)
      %dma_wait3A = arith.constant 0 : i32
      %dma_wait3A_55 = arith.constant 0 : i32
      %dma_wait3A_56 = tpu.memref_slice %arg11[%dma_wait3A, %dma_wait3A_55] : memref<128x128xf32, #tpu.memory_space<vmem>> -> memref<128x128xf32, #tpu.memory_space<vmem>>
      %dma_wait3A_57 = arith.constant 0 : i32
      %dma_wait3A_58 = tpu.memref_slice %arg13[%add3A_29, %dma_wait3A_57] : memref<10112x128xf32, #tpu.memory_space<vmem_shared>> -> memref<128x128xf32, #tpu.memory_space<vmem_shared>>
      %dma_wait3A_59 = arith.constant 0 : i32
      %dma_wait3A_60 = arith.constant 0 : i32
      %dma_wait3A_61 = tpu.memref_slice %arg11[%dma_wait3A_59, %dma_wait3A_60] : memref<128x128xf32, #tpu.memory_space<vmem>> -> memref<128x128xf32, #tpu.memory_space<vmem>>
      %dma_wait3A_62 = arith.constant 0 : i32
      %dma_wait3A_63 = tpu.memref_slice %arg13[%add3A_29, %dma_wait3A_62] : memref<10112x128xf32, #tpu.memory_space<vmem_shared>> -> memref<128x128xf32, #tpu.memory_space<vmem_shared>>
      tpu.wait_dma2 semaphore(%run_scoped3A : memref<!tpu.dma_semaphore, #tpu.memory_space<semaphore_mem>>) src(%dma_wait3A_63 : memref<128x128xf32, #tpu.memory_space<vmem_shared>>) dst(%dma_wait3A_61 : memref<128x128xf32, #tpu.memory_space<vmem>>)
      tpu.yield
    }) : () -> ()
    "tpu.region"() ({
      %run_scoped3A = tpu.sem_alloc : memref<!tpu.dma_semaphore, #tpu.memory_space<semaphore_mem>>
      %dma_start3A = arith.constant 0 : i32
      %dma_start3A_46 = arith.constant 0 : i32
      %dma_start3A_47 = tpu.memref_slice %arg11[%dma_start3A, %dma_start3A_46] : memref<128x128xf32, #tpu.memory_space<vmem>> -> memref<128x128xf32, #tpu.memory_space<vmem>>
      %dma_start3A_48 = arith.constant 0 : i32
      %dma_start3A_49 = tpu.memref_slice %arg8[%arg0, %add3A_29, %dma_start3A_48] : memref<2x10112x128xf32, #tpu.memory_space<hbm>> -> memref<1x128x128xf32, #tpu.memory_space<hbm>>
      %dma_start3A_50 = tpu.memref_squeeze %dma_start3A_49 : memref<1x128x128xf32, #tpu.memory_space<hbm>> -> memref<128x128xf32, #tpu.memory_space<hbm>>
      %dma_start3A_51 = arith.constant 0 : i32
      %dma_start3A_52 = tpu.memref_slice %arg8[%arg0, %add3A_29, %dma_start3A_51] : memref<2x10112x128xf32, #tpu.memory_space<hbm>> -> memref<1x128x128xf32, #tpu.memory_space<hbm>>
      %dma_start3A_53 = tpu.memref_squeeze %dma_start3A_52 : memref<1x128x128xf32, #tpu.memory_space<hbm>> -> memref<128x128xf32, #tpu.memory_space<hbm>>
      %dma_start3A_54 = arith.constant 0 : i32
      %dma_start3A_55 = arith.constant 0 : i32
      %dma_start3A_56 = tpu.memref_slice %arg11[%dma_start3A_54, %dma_start3A_55] : memref<128x128xf32, #tpu.memory_space<vmem>> -> memref<128x128xf32, #tpu.memory_space<vmem>>
      tpu.enqueue_dma source(%dma_start3A_56 : memref<128x128xf32, #tpu.memory_space<vmem>>) target(%dma_start3A_53 : memref<128x128xf32, #tpu.memory_space<hbm>>) target_semaphore(%run_scoped3A : memref<!tpu.dma_semaphore, #tpu.memory_space<semaphore_mem>>)
      %dma_wait3A = arith.constant 0 : i32
      %dma_wait3A_57 = arith.constant 0 : i32
      %dma_wait3A_58 = tpu.memref_slice %arg11[%dma_wait3A, %dma_wait3A_57] : memref<128x128xf32, #tpu.memory_space<vmem>> -> memref<128x128xf32, #tpu.memory_space<vmem>>
      %dma_wait3A_59 = arith.constant 0 : i32
      %dma_wait3A_60 = tpu.memref_slice %arg8[%arg0, %add3A_29, %dma_wait3A_59] : memref<2x10112x128xf32, #tpu.memory_space<hbm>> -> memref<1x128x128xf32, #tpu.memory_space<hbm>>
      %dma_wait3A_61 = tpu.memref_squeeze %dma_wait3A_60 : memref<1x128x128xf32, #tpu.memory_space<hbm>> -> memref<128x128xf32, #tpu.memory_space<hbm>>
      %dma_wait3A_62 = arith.constant 0 : i32
      %dma_wait3A_63 = tpu.memref_slice %arg8[%arg0, %add3A_29, %dma_wait3A_62] : memref<2x10112x128xf32, #tpu.memory_space<hbm>> -> memref<1x128x128xf32, #tpu.memory_space<hbm>>
      %dma_wait3A_64 = tpu.memref_squeeze %dma_wait3A_63 : memref<1x128x128xf32, #tpu.memory_space<hbm>> -> memref<128x128xf32, #tpu.memory_space<hbm>>
      %dma_wait3A_65 = arith.constant 0 : i32
      %dma_wait3A_66 = arith.constant 0 : i32
      %dma_wait3A_67 = tpu.memref_slice %arg11[%dma_wait3A_65, %dma_wait3A_66] : memref<128x128xf32, #tpu.memory_space<vmem>> -> memref<128x128xf32, #tpu.memory_space<vmem>>
      tpu.wait_dma2 semaphore(%run_scoped3A : memref<!tpu.dma_semaphore, #tpu.memory_space<semaphore_mem>>) src(%dma_wait3A_67 : memref<128x128xf32, #tpu.memory_space<vmem>>) dst(%dma_wait3A_64 : memref<128x128xf32, #tpu.memory_space<hbm>>)
      tpu.yield
    }) : () -> ()
    %mul3A_30 = arith.constant 632 : i32
    %mul3A_31 = arith.muli %arg1, %mul3A_30 : i32
    %add3A_32 = arith.constant 128 : i32
    %add3A_33 = arith.addi %mul3A_31, %add3A_32 : i32
    "tpu.region"() ({
      %run_scoped3A = tpu.sem_alloc : memref<!tpu.dma_semaphore, #tpu.memory_space<semaphore_mem>>
      %dma_start3A = arith.constant 0 : i32
      %dma_start3A_46 = arith.constant 0 : i32
      %dma_start3A_47 = tpu.memref_slice %arg11[%dma_start3A, %dma_start3A_46] : memref<128x128xf32, #tpu.memory_space<vmem>> -> memref<128x128xf32, #tpu.memory_space<vmem>>
      %dma_start3A_48 = arith.constant 0 : i32
      %dma_start3A_49 = tpu.memref_slice %arg13[%add3A_33, %dma_start3A_48] : memref<10112x128xf32, #tpu.memory_space<vmem_shared>> -> memref<128x128xf32, #tpu.memory_space<vmem_shared>>
      %dma_start3A_50 = arith.constant 0 : i32
      %dma_start3A_51 = arith.constant 0 : i32
      %dma_start3A_52 = tpu.memref_slice %arg11[%dma_start3A_50, %dma_start3A_51] : memref<128x128xf32, #tpu.memory_space<vmem>> -> memref<128x128xf32, #tpu.memory_space<vmem>>
      %dma_start3A_53 = arith.constant 0 : i32
      %dma_start3A_54 = tpu.memref_slice %arg13[%add3A_33, %dma_start3A_53] : memref<10112x128xf32, #tpu.memory_space<vmem_shared>> -> memref<128x128xf32, #tpu.memory_space<vmem_shared>>
      tpu.enqueue_dma source(%dma_start3A_54 : memref<128x128xf32, #tpu.memory_space<vmem_shared>>) target(%dma_start3A_52 : memref<128x128xf32, #tpu.memory_space<vmem>>) target_semaphore(%run_scoped3A : memref<!tpu.dma_semaphore, #tpu.memory_space<semaphore_mem>>)
      %dma_wait3A = arith.constant 0 : i32
      %dma_wait3A_55 = arith.constant 0 : i32
      %dma_wait3A_56 = tpu.memref_slice %arg11[%dma_wait3A, %dma_wait3A_55] : memref<128x128xf32, #tpu.memory_space<vmem>> -> memref<128x128xf32, #tpu.memory_space<vmem>>
      %dma_wait3A_57 = arith.constant 0 : i32
      %dma_wait3A_58 = tpu.memref_slice %arg13[%add3A_33, %dma_wait3A_57] : memref<10112x128xf32, #tpu.memory_space<vmem_shared>> -> memref<128x128xf32, #tpu.memory_space<vmem_shared>>
      %dma_wait3A_59 = arith.constant 0 : i32
      %dma_wait3A_60 = arith.constant 0 : i32
      %dma_wait3A_61 = tpu.memref_slice %arg11[%dma_wait3A_59, %dma_wait3A_60] : memref<128x128xf32, #tpu.memory_space<vmem>> -> memref<128x128xf32, #tpu.memory_space<vmem>>
      %dma_wait3A_62 = arith.constant 0 : i32
      %dma_wait3A_63 = tpu.memref_slice %arg13[%add3A_33, %dma_wait3A_62] : memref<10112x128xf32, #tpu.memory_space<vmem_shared>> -> memref<128x128xf32, #tpu.memory_space<vmem_shared>>
      tpu.wait_dma2 semaphore(%run_scoped3A : memref<!tpu.dma_semaphore, #tpu.memory_space<semaphore_mem>>) src(%dma_wait3A_63 : memref<128x128xf32, #tpu.memory_space<vmem_shared>>) dst(%dma_wait3A_61 : memref<128x128xf32, #tpu.memory_space<vmem>>)
      tpu.yield
    }) : () -> ()
    "tpu.region"() ({
      %run_scoped3A = tpu.sem_alloc : memref<!tpu.dma_semaphore, #tpu.memory_space<semaphore_mem>>
      %dma_start3A = arith.constant 0 : i32
      %dma_start3A_46 = arith.constant 0 : i32
      %dma_start3A_47 = tpu.memref_slice %arg11[%dma_start3A, %dma_start3A_46] : memref<128x128xf32, #tpu.memory_space<vmem>> -> memref<128x128xf32, #tpu.memory_space<vmem>>
      %dma_start3A_48 = arith.constant 0 : i32
      %dma_start3A_49 = tpu.memref_slice %arg8[%arg0, %add3A_33, %dma_start3A_48] : memref<2x10112x128xf32, #tpu.memory_space<hbm>> -> memref<1x128x128xf32, #tpu.memory_space<hbm>>
      %dma_start3A_50 = tpu.memref_squeeze %dma_start3A_49 : memref<1x128x128xf32, #tpu.memory_space<hbm>> -> memref<128x128xf32, #tpu.memory_space<hbm>>
      %dma_start3A_51 = arith.constant 0 : i32
      %dma_start3A_52 = tpu.memref_slice %arg8[%arg0, %add3A_33, %dma_start3A_51] : memref<2x10112x128xf32, #tpu.memory_space<hbm>> -> memref<1x128x128xf32, #tpu.memory_space<hbm>>
      %dma_start3A_53 = tpu.memref_squeeze %dma_start3A_52 : memref<1x128x128xf32, #tpu.memory_space<hbm>> -> memref<128x128xf32, #tpu.memory_space<hbm>>
      %dma_start3A_54 = arith.constant 0 : i32
      %dma_start3A_55 = arith.constant 0 : i32
      %dma_start3A_56 = tpu.memref_slice %arg11[%dma_start3A_54, %dma_start3A_55] : memref<128x128xf32, #tpu.memory_space<vmem>> -> memref<128x128xf32, #tpu.memory_space<vmem>>
      tpu.enqueue_dma source(%dma_start3A_56 : memref<128x128xf32, #tpu.memory_space<vmem>>) target(%dma_start3A_53 : memref<128x128xf32, #tpu.memory_space<hbm>>) target_semaphore(%run_scoped3A : memref<!tpu.dma_semaphore, #tpu.memory_space<semaphore_mem>>)
      %dma_wait3A = arith.constant 0 : i32
      %dma_wait3A_57 = arith.constant 0 : i32
      %dma_wait3A_58 = tpu.memref_slice %arg11[%dma_wait3A, %dma_wait3A_57] : memref<128x128xf32, #tpu.memory_space<vmem>> -> memref<128x128xf32, #tpu.memory_space<vmem>>
      %dma_wait3A_59 = arith.constant 0 : i32
      %dma_wait3A_60 = tpu.memref_slice %arg8[%arg0, %add3A_33, %dma_wait3A_59] : memref<2x10112x128xf32, #tpu.memory_space<hbm>> -> memref<1x128x128xf32, #tpu.memory_space<hbm>>
      %dma_wait3A_61 = tpu.memref_squeeze %dma_wait3A_60 : memref<1x128x128xf32, #tpu.memory_space<hbm>> -> memref<128x128xf32, #tpu.memory_space<hbm>>
      %dma_wait3A_62 = arith.constant 0 : i32
      %dma_wait3A_63 = tpu.memref_slice %arg8[%arg0, %add3A_33, %dma_wait3A_62] : memref<2x10112x128xf32, #tpu.memory_space<hbm>> -> memref<1x128x128xf32, #tpu.memory_space<hbm>>
      %dma_wait3A_64 = tpu.memref_squeeze %dma_wait3A_63 : memref<1x128x128xf32, #tpu.memory_space<hbm>> -> memref<128x128xf32, #tpu.memory_space<hbm>>
      %dma_wait3A_65 = arith.constant 0 : i32
      %dma_wait3A_66 = arith.constant 0 : i32
      %dma_wait3A_67 = tpu.memref_slice %arg11[%dma_wait3A_65, %dma_wait3A_66] : memref<128x128xf32, #tpu.memory_space<vmem>> -> memref<128x128xf32, #tpu.memory_space<vmem>>
      tpu.wait_dma2 semaphore(%run_scoped3A : memref<!tpu.dma_semaphore, #tpu.memory_space<semaphore_mem>>) src(%dma_wait3A_67 : memref<128x128xf32, #tpu.memory_space<vmem>>) dst(%dma_wait3A_64 : memref<128x128xf32, #tpu.memory_space<hbm>>)
      tpu.yield
    }) : () -> ()
    %mul3A_34 = arith.constant 632 : i32
    %mul3A_35 = arith.muli %arg1, %mul3A_34 : i32
    %add3A_36 = arith.constant 256 : i32
    %add3A_37 = arith.addi %mul3A_35, %add3A_36 : i32
    "tpu.region"() ({
      %run_scoped3A = tpu.sem_alloc : memref<!tpu.dma_semaphore, #tpu.memory_space<semaphore_mem>>
      %dma_start3A = arith.constant 0 : i32
      %dma_start3A_46 = arith.constant 0 : i32
      %dma_start3A_47 = tpu.memref_slice %arg11[%dma_start3A, %dma_start3A_46] : memref<128x128xf32, #tpu.memory_space<vmem>> -> memref<128x128xf32, #tpu.memory_space<vmem>>
      %dma_start3A_48 = arith.constant 0 : i32
      %dma_start3A_49 = tpu.memref_slice %arg13[%add3A_37, %dma_start3A_48] : memref<10112x128xf32, #tpu.memory_space<vmem_shared>> -> memref<128x128xf32, #tpu.memory_space<vmem_shared>>
      %dma_start3A_50 = arith.constant 0 : i32
      %dma_start3A_51 = arith.constant 0 : i32
      %dma_start3A_52 = tpu.memref_slice %arg11[%dma_start3A_50, %dma_start3A_51] : memref<128x128xf32, #tpu.memory_space<vmem>> -> memref<128x128xf32, #tpu.memory_space<vmem>>
      %dma_start3A_53 = arith.constant 0 : i32
      %dma_start3A_54 = tpu.memref_slice %arg13[%add3A_37, %dma_start3A_53] : memref<10112x128xf32, #tpu.memory_space<vmem_shared>> -> memref<128x128xf32, #tpu.memory_space<vmem_shared>>
      tpu.enqueue_dma source(%dma_start3A_54 : memref<128x128xf32, #tpu.memory_space<vmem_shared>>) target(%dma_start3A_52 : memref<128x128xf32, #tpu.memory_space<vmem>>) target_semaphore(%run_scoped3A : memref<!tpu.dma_semaphore, #tpu.memory_space<semaphore_mem>>)
      %dma_wait3A = arith.constant 0 : i32
      %dma_wait3A_55 = arith.constant 0 : i32
      %dma_wait3A_56 = tpu.memref_slice %arg11[%dma_wait3A, %dma_wait3A_55] : memref<128x128xf32, #tpu.memory_space<vmem>> -> memref<128x128xf32, #tpu.memory_space<vmem>>
      %dma_wait3A_57 = arith.constant 0 : i32
      %dma_wait3A_58 = tpu.memref_slice %arg13[%add3A_37, %dma_wait3A_57] : memref<10112x128xf32, #tpu.memory_space<vmem_shared>> -> memref<128x128xf32, #tpu.memory_space<vmem_shared>>
      %dma_wait3A_59 = arith.constant 0 : i32
      %dma_wait3A_60 = arith.constant 0 : i32
      %dma_wait3A_61 = tpu.memref_slice %arg11[%dma_wait3A_59, %dma_wait3A_60] : memref<128x128xf32, #tpu.memory_space<vmem>> -> memref<128x128xf32, #tpu.memory_space<vmem>>
      %dma_wait3A_62 = arith.constant 0 : i32
      %dma_wait3A_63 = tpu.memref_slice %arg13[%add3A_37, %dma_wait3A_62] : memref<10112x128xf32, #tpu.memory_space<vmem_shared>> -> memref<128x128xf32, #tpu.memory_space<vmem_shared>>
      tpu.wait_dma2 semaphore(%run_scoped3A : memref<!tpu.dma_semaphore, #tpu.memory_space<semaphore_mem>>) src(%dma_wait3A_63 : memref<128x128xf32, #tpu.memory_space<vmem_shared>>) dst(%dma_wait3A_61 : memref<128x128xf32, #tpu.memory_space<vmem>>)
      tpu.yield
    }) : () -> ()
    "tpu.region"() ({
      %run_scoped3A = tpu.sem_alloc : memref<!tpu.dma_semaphore, #tpu.memory_space<semaphore_mem>>
      %dma_start3A = arith.constant 0 : i32
      %dma_start3A_46 = arith.constant 0 : i32
      %dma_start3A_47 = tpu.memref_slice %arg11[%dma_start3A, %dma_start3A_46] : memref<128x128xf32, #tpu.memory_space<vmem>> -> memref<128x128xf32, #tpu.memory_space<vmem>>
      %dma_start3A_48 = arith.constant 0 : i32
      %dma_start3A_49 = tpu.memref_slice %arg8[%arg0, %add3A_37, %dma_start3A_48] : memref<2x10112x128xf32, #tpu.memory_space<hbm>> -> memref<1x128x128xf32, #tpu.memory_space<hbm>>
      %dma_start3A_50 = tpu.memref_squeeze %dma_start3A_49 : memref<1x128x128xf32, #tpu.memory_space<hbm>> -> memref<128x128xf32, #tpu.memory_space<hbm>>
      %dma_start3A_51 = arith.constant 0 : i32
      %dma_start3A_52 = tpu.memref_slice %arg8[%arg0, %add3A_37, %dma_start3A_51] : memref<2x10112x128xf32, #tpu.memory_space<hbm>> -> memref<1x128x128xf32, #tpu.memory_space<hbm>>
      %dma_start3A_53 = tpu.memref_squeeze %dma_start3A_52 : memref<1x128x128xf32, #tpu.memory_space<hbm>> -> memref<128x128xf32, #tpu.memory_space<hbm>>
      %dma_start3A_54 = arith.constant 0 : i32
      %dma_start3A_55 = arith.constant 0 : i32
      %dma_start3A_56 = tpu.memref_slice %arg11[%dma_start3A_54, %dma_start3A_55] : memref<128x128xf32, #tpu.memory_space<vmem>> -> memref<128x128xf32, #tpu.memory_space<vmem>>
      tpu.enqueue_dma source(%dma_start3A_56 : memref<128x128xf32, #tpu.memory_space<vmem>>) target(%dma_start3A_53 : memref<128x128xf32, #tpu.memory_space<hbm>>) target_semaphore(%run_scoped3A : memref<!tpu.dma_semaphore, #tpu.memory_space<semaphore_mem>>)
      %dma_wait3A = arith.constant 0 : i32
      %dma_wait3A_57 = arith.constant 0 : i32
      %dma_wait3A_58 = tpu.memref_slice %arg11[%dma_wait3A, %dma_wait3A_57] : memref<128x128xf32, #tpu.memory_space<vmem>> -> memref<128x128xf32, #tpu.memory_space<vmem>>
      %dma_wait3A_59 = arith.constant 0 : i32
      %dma_wait3A_60 = tpu.memref_slice %arg8[%arg0, %add3A_37, %dma_wait3A_59] : memref<2x10112x128xf32, #tpu.memory_space<hbm>> -> memref<1x128x128xf32, #tpu.memory_space<hbm>>
      %dma_wait3A_61 = tpu.memref_squeeze %dma_wait3A_60 : memref<1x128x128xf32, #tpu.memory_space<hbm>> -> memref<128x128xf32, #tpu.memory_space<hbm>>
      %dma_wait3A_62 = arith.constant 0 : i32
      %dma_wait3A_63 = tpu.memref_slice %arg8[%arg0, %add3A_37, %dma_wait3A_62] : memref<2x10112x128xf32, #tpu.memory_space<hbm>> -> memref<1x128x128xf32, #tpu.memory_space<hbm>>
      %dma_wait3A_64 = tpu.memref_squeeze %dma_wait3A_63 : memref<1x128x128xf32, #tpu.memory_space<hbm>> -> memref<128x128xf32, #tpu.memory_space<hbm>>
      %dma_wait3A_65 = arith.constant 0 : i32
      %dma_wait3A_66 = arith.constant 0 : i32
      %dma_wait3A_67 = tpu.memref_slice %arg11[%dma_wait3A_65, %dma_wait3A_66] : memref<128x128xf32, #tpu.memory_space<vmem>> -> memref<128x128xf32, #tpu.memory_space<vmem>>
      tpu.wait_dma2 semaphore(%run_scoped3A : memref<!tpu.dma_semaphore, #tpu.memory_space<semaphore_mem>>) src(%dma_wait3A_67 : memref<128x128xf32, #tpu.memory_space<vmem>>) dst(%dma_wait3A_64 : memref<128x128xf32, #tpu.memory_space<hbm>>)
      tpu.yield
    }) : () -> ()
    %mul3A_38 = arith.constant 632 : i32
    %mul3A_39 = arith.muli %arg1, %mul3A_38 : i32
    %add3A_40 = arith.constant 384 : i32
    %add3A_41 = arith.addi %mul3A_39, %add3A_40 : i32
    "tpu.region"() ({
      %run_scoped3A = tpu.sem_alloc : memref<!tpu.dma_semaphore, #tpu.memory_space<semaphore_mem>>
      %dma_start3A = arith.constant 0 : i32
      %dma_start3A_46 = arith.constant 0 : i32
      %dma_start3A_47 = tpu.memref_slice %arg11[%dma_start3A, %dma_start3A_46] : memref<128x128xf32, #tpu.memory_space<vmem>> -> memref<128x128xf32, #tpu.memory_space<vmem>>
      %dma_start3A_48 = arith.constant 0 : i32
      %dma_start3A_49 = tpu.memref_slice %arg13[%add3A_41, %dma_start3A_48] : memref<10112x128xf32, #tpu.memory_space<vmem_shared>> -> memref<128x128xf32, #tpu.memory_space<vmem_shared>>
      %dma_start3A_50 = arith.constant 0 : i32
      %dma_start3A_51 = arith.constant 0 : i32
      %dma_start3A_52 = tpu.memref_slice %arg11[%dma_start3A_50, %dma_start3A_51] : memref<128x128xf32, #tpu.memory_space<vmem>> -> memref<128x128xf32, #tpu.memory_space<vmem>>
      %dma_start3A_53 = arith.constant 0 : i32
      %dma_start3A_54 = tpu.memref_slice %arg13[%add3A_41, %dma_start3A_53] : memref<10112x128xf32, #tpu.memory_space<vmem_shared>> -> memref<128x128xf32, #tpu.memory_space<vmem_shared>>
      tpu.enqueue_dma source(%dma_start3A_54 : memref<128x128xf32, #tpu.memory_space<vmem_shared>>) target(%dma_start3A_52 : memref<128x128xf32, #tpu.memory_space<vmem>>) target_semaphore(%run_scoped3A : memref<!tpu.dma_semaphore, #tpu.memory_space<semaphore_mem>>)
      %dma_wait3A = arith.constant 0 : i32
      %dma_wait3A_55 = arith.constant 0 : i32
      %dma_wait3A_56 = tpu.memref_slice %arg11[%dma_wait3A, %dma_wait3A_55] : memref<128x128xf32, #tpu.memory_space<vmem>> -> memref<128x128xf32, #tpu.memory_space<vmem>>
      %dma_wait3A_57 = arith.constant 0 : i32
      %dma_wait3A_58 = tpu.memref_slice %arg13[%add3A_41, %dma_wait3A_57] : memref<10112x128xf32, #tpu.memory_space<vmem_shared>> -> memref<128x128xf32, #tpu.memory_space<vmem_shared>>
      %dma_wait3A_59 = arith.constant 0 : i32
      %dma_wait3A_60 = arith.constant 0 : i32
      %dma_wait3A_61 = tpu.memref_slice %arg11[%dma_wait3A_59, %dma_wait3A_60] : memref<128x128xf32, #tpu.memory_space<vmem>> -> memref<128x128xf32, #tpu.memory_space<vmem>>
      %dma_wait3A_62 = arith.constant 0 : i32
      %dma_wait3A_63 = tpu.memref_slice %arg13[%add3A_41, %dma_wait3A_62] : memref<10112x128xf32, #tpu.memory_space<vmem_shared>> -> memref<128x128xf32, #tpu.memory_space<vmem_shared>>
      tpu.wait_dma2 semaphore(%run_scoped3A : memref<!tpu.dma_semaphore, #tpu.memory_space<semaphore_mem>>) src(%dma_wait3A_63 : memref<128x128xf32, #tpu.memory_space<vmem_shared>>) dst(%dma_wait3A_61 : memref<128x128xf32, #tpu.memory_space<vmem>>)
      tpu.yield
    }) : () -> ()
    "tpu.region"() ({
      %run_scoped3A = tpu.sem_alloc : memref<!tpu.dma_semaphore, #tpu.memory_space<semaphore_mem>>
      %dma_start3A = arith.constant 0 : i32
      %dma_start3A_46 = arith.constant 0 : i32
      %dma_start3A_47 = tpu.memref_slice %arg11[%dma_start3A, %dma_start3A_46] : memref<128x128xf32, #tpu.memory_space<vmem>> -> memref<128x128xf32, #tpu.memory_space<vmem>>
      %dma_start3A_48 = arith.constant 0 : i32
      %dma_start3A_49 = tpu.memref_slice %arg8[%arg0, %add3A_41, %dma_start3A_48] : memref<2x10112x128xf32, #tpu.memory_space<hbm>> -> memref<1x128x128xf32, #tpu.memory_space<hbm>>
      %dma_start3A_50 = tpu.memref_squeeze %dma_start3A_49 : memref<1x128x128xf32, #tpu.memory_space<hbm>> -> memref<128x128xf32, #tpu.memory_space<hbm>>
      %dma_start3A_51 = arith.constant 0 : i32
      %dma_start3A_52 = tpu.memref_slice %arg8[%arg0, %add3A_41, %dma_start3A_51] : memref<2x10112x128xf32, #tpu.memory_space<hbm>> -> memref<1x128x128xf32, #tpu.memory_space<hbm>>
      %dma_start3A_53 = tpu.memref_squeeze %dma_start3A_52 : memref<1x128x128xf32, #tpu.memory_space<hbm>> -> memref<128x128xf32, #tpu.memory_space<hbm>>
      %dma_start3A_54 = arith.constant 0 : i32
      %dma_start3A_55 = arith.constant 0 : i32
      %dma_start3A_56 = tpu.memref_slice %arg11[%dma_start3A_54, %dma_start3A_55] : memref<128x128xf32, #tpu.memory_space<vmem>> -> memref<128x128xf32, #tpu.memory_space<vmem>>
      tpu.enqueue_dma source(%dma_start3A_56 : memref<128x128xf32, #tpu.memory_space<vmem>>) target(%dma_start3A_53 : memref<128x128xf32, #tpu.memory_space<hbm>>) target_semaphore(%run_scoped3A : memref<!tpu.dma_semaphore, #tpu.memory_space<semaphore_mem>>)
      %dma_wait3A = arith.constant 0 : i32
      %dma_wait3A_57 = arith.constant 0 : i32
      %dma_wait3A_58 = tpu.memref_slice %arg11[%dma_wait3A, %dma_wait3A_57] : memref<128x128xf32, #tpu.memory_space<vmem>> -> memref<128x128xf32, #tpu.memory_space<vmem>>
      %dma_wait3A_59 = arith.constant 0 : i32
      %dma_wait3A_60 = tpu.memref_slice %arg8[%arg0, %add3A_41, %dma_wait3A_59] : memref<2x10112x128xf32, #tpu.memory_space<hbm>> -> memref<1x128x128xf32, #tpu.memory_space<hbm>>
      %dma_wait3A_61 = tpu.memref_squeeze %dma_wait3A_60 : memref<1x128x128xf32, #tpu.memory_space<hbm>> -> memref<128x128xf32, #tpu.memory_space<hbm>>
      %dma_wait3A_62 = arith.constant 0 : i32
      %dma_wait3A_63 = tpu.memref_slice %arg8[%arg0, %add3A_41, %dma_wait3A_62] : memref<2x10112x128xf32, #tpu.memory_space<hbm>> -> memref<1x128x128xf32, #tpu.memory_space<hbm>>
      %dma_wait3A_64 = tpu.memref_squeeze %dma_wait3A_63 : memref<1x128x128xf32, #tpu.memory_space<hbm>> -> memref<128x128xf32, #tpu.memory_space<hbm>>
      %dma_wait3A_65 = arith.constant 0 : i32
      %dma_wait3A_66 = arith.constant 0 : i32
      %dma_wait3A_67 = tpu.memref_slice %arg11[%dma_wait3A_65, %dma_wait3A_66] : memref<128x128xf32, #tpu.memory_space<vmem>> -> memref<128x128xf32, #tpu.memory_space<vmem>>
      tpu.wait_dma2 semaphore(%run_scoped3A : memref<!tpu.dma_semaphore, #tpu.memory_space<semaphore_mem>>) src(%dma_wait3A_67 : memref<128x128xf32, #tpu.memory_space<vmem>>) dst(%dma_wait3A_64 : memref<128x128xf32, #tpu.memory_space<hbm>>)
      tpu.yield
    }) : () -> ()
    %mul3A_42 = arith.constant 632 : i32
    %mul3A_43 = arith.muli %arg1, %mul3A_42 : i32
    %add3A_44 = arith.constant 512 : i32
    %add3A_45 = arith.addi %mul3A_43, %add3A_44 : i32
    "tpu.region"() ({
      %run_scoped3A = tpu.sem_alloc : memref<!tpu.dma_semaphore, #tpu.memory_space<semaphore_mem>>
      %dma_start3A = arith.constant 0 : i32
      %dma_start3A_46 = arith.constant 0 : i32
      %dma_start3A_47 = tpu.memref_slice %arg11[%dma_start3A, %dma_start3A_46] : memref<128x128xf32, #tpu.memory_space<vmem>> -> memref<120x128xf32, #tpu.memory_space<vmem>>
      %dma_start3A_48 = arith.constant 0 : i32
      %dma_start3A_49 = tpu.memref_slice %arg13[%add3A_45, %dma_start3A_48] : memref<10112x128xf32, #tpu.memory_space<vmem_shared>> -> memref<120x128xf32, #tpu.memory_space<vmem_shared>>
      %dma_start3A_50 = arith.constant 0 : i32
      %dma_start3A_51 = arith.constant 0 : i32
      %dma_start3A_52 = tpu.memref_slice %arg11[%dma_start3A_50, %dma_start3A_51] : memref<128x128xf32, #tpu.memory_space<vmem>> -> memref<120x128xf32, #tpu.memory_space<vmem>>
      %dma_start3A_53 = arith.constant 0 : i32
      %dma_start3A_54 = tpu.memref_slice %arg13[%add3A_45, %dma_start3A_53] : memref<10112x128xf32, #tpu.memory_space<vmem_shared>> -> memref<120x128xf32, #tpu.memory_space<vmem_shared>>
      tpu.enqueue_dma source(%dma_start3A_54 : memref<120x128xf32, #tpu.memory_space<vmem_shared>>) target(%dma_start3A_52 : memref<120x128xf32, #tpu.memory_space<vmem>>) target_semaphore(%run_scoped3A : memref<!tpu.dma_semaphore, #tpu.memory_space<semaphore_mem>>)
      %dma_wait3A = arith.constant 0 : i32
      %dma_wait3A_55 = arith.constant 0 : i32
      %dma_wait3A_56 = tpu.memref_slice %arg11[%dma_wait3A, %dma_wait3A_55] : memref<128x128xf32, #tpu.memory_space<vmem>> -> memref<120x128xf32, #tpu.memory_space<vmem>>
      %dma_wait3A_57 = arith.constant 0 : i32
      %dma_wait3A_58 = tpu.memref_slice %arg13[%add3A_45, %dma_wait3A_57] : memref<10112x128xf32, #tpu.memory_space<vmem_shared>> -> memref<120x128xf32, #tpu.memory_space<vmem_shared>>
      %dma_wait3A_59 = arith.constant 0 : i32
      %dma_wait3A_60 = arith.constant 0 : i32
      %dma_wait3A_61 = tpu.memref_slice %arg11[%dma_wait3A_59, %dma_wait3A_60] : memref<128x128xf32, #tpu.memory_space<vmem>> -> memref<120x128xf32, #tpu.memory_space<vmem>>
      %dma_wait3A_62 = arith.constant 0 : i32
      %dma_wait3A_63 = tpu.memref_slice %arg13[%add3A_45, %dma_wait3A_62] : memref<10112x128xf32, #tpu.memory_space<vmem_shared>> -> memref<120x128xf32, #tpu.memory_space<vmem_shared>>
      tpu.wait_dma2 semaphore(%run_scoped3A : memref<!tpu.dma_semaphore, #tpu.memory_space<semaphore_mem>>) src(%dma_wait3A_63 : memref<120x128xf32, #tpu.memory_space<vmem_shared>>) dst(%dma_wait3A_61 : memref<120x128xf32, #tpu.memory_space<vmem>>)
      tpu.yield
    }) : () -> ()
    "tpu.region"() ({
      %run_scoped3A = tpu.sem_alloc : memref<!tpu.dma_semaphore, #tpu.memory_space<semaphore_mem>>
      %dma_start3A = arith.constant 0 : i32
      %dma_start3A_46 = arith.constant 0 : i32
      %dma_start3A_47 = tpu.memref_slice %arg11[%dma_start3A, %dma_start3A_46] : memref<128x128xf32, #tpu.memory_space<vmem>> -> memref<120x128xf32, #tpu.memory_space<vmem>>
      %dma_start3A_48 = arith.constant 0 : i32
      %dma_start3A_49 = tpu.memref_slice %arg8[%arg0, %add3A_45, %dma_start3A_48] : memref<2x10112x128xf32, #tpu.memory_space<hbm>> -> memref<1x120x128xf32, #tpu.memory_space<hbm>>
      %dma_start3A_50 = tpu.memref_squeeze %dma_start3A_49 : memref<1x120x128xf32, #tpu.memory_space<hbm>> -> memref<120x128xf32, #tpu.memory_space<hbm>>
      %dma_start3A_51 = arith.constant 0 : i32
      %dma_start3A_52 = tpu.memref_slice %arg8[%arg0, %add3A_45, %dma_start3A_51] : memref<2x10112x128xf32, #tpu.memory_space<hbm>> -> memref<1x120x128xf32, #tpu.memory_space<hbm>>
      %dma_start3A_53 = tpu.memref_squeeze %dma_start3A_52 : memref<1x120x128xf32, #tpu.memory_space<hbm>> -> memref<120x128xf32, #tpu.memory_space<hbm>>
      %dma_start3A_54 = arith.constant 0 : i32
      %dma_start3A_55 = arith.constant 0 : i32
      %dma_start3A_56 = tpu.memref_slice %arg11[%dma_start3A_54, %dma_start3A_55] : memref<128x128xf32, #tpu.memory_space<vmem>> -> memref<120x128xf32, #tpu.memory_space<vmem>>
      tpu.enqueue_dma source(%dma_start3A_56 : memref<120x128xf32, #tpu.memory_space<vmem>>) target(%dma_start3A_53 : memref<120x128xf32, #tpu.memory_space<hbm>>) target_semaphore(%run_scoped3A : memref<!tpu.dma_semaphore, #tpu.memory_space<semaphore_mem>>)
      %dma_wait3A = arith.constant 0 : i32
      %dma_wait3A_57 = arith.constant 0 : i32
      %dma_wait3A_58 = tpu.memref_slice %arg11[%dma_wait3A, %dma_wait3A_57] : memref<128x128xf32, #tpu.memory_space<vmem>> -> memref<120x128xf32, #tpu.memory_space<vmem>>
      %dma_wait3A_59 = arith.constant 0 : i32
      %dma_wait3A_60 = tpu.memref_slice %arg8[%arg0, %add3A_45, %dma_wait3A_59] : memref<2x10112x128xf32, #tpu.memory_space<hbm>> -> memref<1x120x128xf32, #tpu.memory_space<hbm>>
      %dma_wait3A_61 = tpu.memref_squeeze %dma_wait3A_60 : memref<1x120x128xf32, #tpu.memory_space<hbm>> -> memref<120x128xf32, #tpu.memory_space<hbm>>
      %dma_wait3A_62 = arith.constant 0 : i32
      %dma_wait3A_63 = tpu.memref_slice %arg8[%arg0, %add3A_45, %dma_wait3A_62] : memref<2x10112x128xf32, #tpu.memory_space<hbm>> -> memref<1x120x128xf32, #tpu.memory_space<hbm>>
      %dma_wait3A_64 = tpu.memref_squeeze %dma_wait3A_63 : memref<1x120x128xf32, #tpu.memory_space<hbm>> -> memref<120x128xf32, #tpu.memory_space<hbm>>
      %dma_wait3A_65 = arith.constant 0 : i32
      %dma_wait3A_66 = arith.constant 0 : i32
      %dma_wait3A_67 = tpu.memref_slice %arg11[%dma_wait3A_65, %dma_wait3A_66] : memref<128x128xf32, #tpu.memory_space<vmem>> -> memref<120x128xf32, #tpu.memory_space<vmem>>
      tpu.wait_dma2 semaphore(%run_scoped3A : memref<!tpu.dma_semaphore, #tpu.memory_space<semaphore_mem>>) src(%dma_wait3A_67 : memref<120x128xf32, #tpu.memory_space<vmem>>) dst(%dma_wait3A_64 : memref<120x128xf32, #tpu.memory_space<hbm>>)
      tpu.yield
    }) : () -> ()
    return
  }
}

module attributes {stable_mosaic.version = 14 : i64} {
  func.func @body(%arg0: i32, %arg1: memref<32x80x128xf32, #tpu.memory_space<vmem>>, %arg2: memref<80x128xf32, #tpu.memory_space<vmem>>) attributes {dimension_semantics = [#tpu.dimension_semantics<arbitrary>], iteration_bounds = array<i64: 1>, scalar_prefetch = 0 : i64, scratch_operands = 0 : i64, tpu.core_type = #tpu.core_type<tc>, window_params = [{pipeline_mode = #tpu.pipeline_mode<synchronous>, transform_indices = @transform_0, window_bounds = array<i64: 32, 80, 128>}, {pipeline_mode = #tpu.pipeline_mode<synchronous>, transform_indices = @transform_1, window_bounds = array<i64: 80, 128>}]} {
    %get3A = arith.constant 0 : index
    %get3A_0 = arith.constant 0 : index
    %get3A_1 = arith.constant 0 : index
    %get3A_2 = vector.load %arg1[%get3A, %get3A_0, %get3A_1] : memref<32x80x128xf32, #tpu.memory_space<vmem>>, vector<32x80x128xf32>
    %reduce_sum3A = arith.constant dense<0.000000e+00> : vector<80x128xf32>
    %reduce_sum3A_3 = vector.multi_reduction <add>, %get3A_2, %reduce_sum3A [0] : vector<32x80x128xf32> to vector<80x128xf32>
    %max3A = arith.constant 1.000000e+00 : f32
    %max3A_4 = vector.broadcast %max3A : f32 to vector<80x128xf32>
    %max3A_5 = arith.maximumf %reduce_sum3A_3, %max3A_4 : vector<80x128xf32>
    %div3A = arith.constant 1.000000e+00 : f32
    %div3A_6 = vector.broadcast %div3A : f32 to vector<80x128xf32>
    %div3A_7 = arith.divf %div3A_6, %max3A_5 : vector<80x128xf32>
    %swap3A = arith.constant 0 : index
    %swap3A_8 = arith.constant 0 : index
    %swap3A_9 = vector.load %arg2[%swap3A, %swap3A_8] : memref<80x128xf32, #tpu.memory_space<vmem>>, vector<80x128xf32>
    tpu.vector_store %arg2[%swap3A, %swap3A_8], %div3A_7 {strides = array<i32>} : memref<80x128xf32, #tpu.memory_space<vmem>>, vector<80x128xf32>,
    return
  }
  func.func @transform_0(%arg0: i32) -> (i32, i32, i32) {
    %c0_i32 = arith.constant 0 : i32
    %c0_i32_0 = arith.constant 0 : i32
    %c0_i32_1 = arith.constant 0 : i32
    %c0_i32_2 = arith.constant 0 : i32
    return %c0_i32, %c0_i32_0, %c0_i32_1 : i32, i32, i32
  }
  func.func @transform_1(%arg0: i32) -> (i32, i32) {
    %c0_i32 = arith.constant 0 : i32
    %c0_i32_0 = arith.constant 0 : i32
    %c0_i32_1 = arith.constant 0 : i32
    return %c0_i32, %c0_i32_0 : i32, i32
  }
}

module attributes {stable_mosaic.version = 14 : i64} {
  func.func @body(%arg0: i32, %arg1: memref<2x400x128xf32, #tpu.memory_space<vmem>>, %arg2: memref<400x1xf32, #tpu.memory_space<vmem>>, %arg3: memref<400x128xf32, #tpu.memory_space<vmem>>, %arg4: memref<128x128xf32, #tpu.memory_space<vmem>>, %arg5: memref<1x128xf32, #tpu.memory_space<vmem>>, %arg6: memref<128x128xf32, #tpu.memory_space<vmem>>, %arg7: memref<400x128xf32, #tpu.memory_space<vmem>>) attributes {dimension_semantics = [#tpu.dimension_semantics<arbitrary>], iteration_bounds = array<i64: 25>, scalar_prefetch = 0 : i64, scratch_operands = 0 : i64, tpu.core_type = #tpu.core_type<tc>, window_params = [{transform_indices = @transform_0, window_bounds = array<i64: 2, 400, 128>}, {transform_indices = @transform_1, window_bounds = array<i64: 400, 1>}, {transform_indices = @transform_2, window_bounds = array<i64: 400, 128>}, {pipeline_mode = #tpu.pipeline_mode<synchronous>, transform_indices = @transform_3, window_bounds = array<i64: 128, 128>}, {pipeline_mode = #tpu.pipeline_mode<synchronous>, transform_indices = @transform_4, window_bounds = array<i64: 1, 128>}, {pipeline_mode = #tpu.pipeline_mode<synchronous>, transform_indices = @transform_5, window_bounds = array<i64: 128, 128>}, {transform_indices = @transform_6, window_bounds = array<i64: 400, 128>}]} {
    %get3A = arith.constant 0 : index
    %get3A_0 = arith.constant 0 : index
    %get3A_1 = arith.constant 0 : index
    %get3A_2 = vector.load %arg1[%get3A, %get3A_0, %get3A_1] : memref<2x400x128xf32, #tpu.memory_space<vmem>>, vector<1x400x128xf32>
    %get3A_3 = vector.shape_cast %get3A_2 : vector<1x400x128xf32> to vector<400x128xf32>
    %get3A_4 = arith.constant 1 : index
    %get3A_5 = arith.constant 0 : index
    %get3A_6 = arith.constant 0 : index
    %get3A_7 = vector.load %arg1[%get3A_4, %get3A_5, %get3A_6] : memref<2x400x128xf32, #tpu.memory_space<vmem>>, vector<1x400x128xf32>
    %get3A_8 = vector.shape_cast %get3A_7 : vector<1x400x128xf32> to vector<400x128xf32>
    %add3A = arith.addf %get3A_3, %get3A_8 : vector<400x128xf32>
    %get3A_9 = arith.constant 0 : index
    %get3A_10 = arith.constant 0 : index
    %get3A_11 = vector.load %arg2[%get3A_9, %get3A_10] : memref<400x1xf32, #tpu.memory_space<vmem>>, vector<400x1xf32>
    %mul3A = vector.broadcast %get3A_11 : vector<400x1xf32> to vector<400x128xf32>
    %mul3A_12 = arith.mulf %add3A, %mul3A : vector<400x128xf32>
    %get3A_13 = arith.constant 0 : index
    %get3A_14 = arith.constant 0 : index
    %get3A_15 = vector.load %arg4[%get3A_13, %get3A_14] : memref<128x128xf32, #tpu.memory_space<vmem>>, vector<128x128xf32>
    %dot_general3A = arith.constant dense<0.000000e+00> : vector<400x128xf32>
    %dot_general3A_16 = tpu.matmul %mul3A_12, %get3A_15, %dot_general3A {dimension_numbers = #tpu.dot_dimension_numbers<[1], [1], [0], [0], [0, 0, 1, 0], [], []>, transpose_lhs_hint = false} : vector<400x128xf32>, vector<128x128xf32>, vector<400x128xf32> -> vector<400x128xf32>
    %get3A_17 = arith.constant 0 : index
    %get3A_18 = arith.constant 0 : index
    %get3A_19 = vector.load %arg3[%get3A_17, %get3A_18] : memref<400x128xf32, #tpu.memory_space<vmem>>, vector<400x128xf32>
    %get3A_20 = arith.constant 0 : index
    %get3A_21 = arith.constant 0 : index
    %get3A_22 = vector.load %arg6[%get3A_20, %get3A_21] : memref<128x128xf32, #tpu.memory_space<vmem>>, vector<128x128xf32>
    %dot_general3A_23 = arith.constant dense<0.000000e+00> : vector<400x128xf32>
    %dot_general3A_24 = tpu.matmul %get3A_19, %get3A_22, %dot_general3A_23 {dimension_numbers = #tpu.dot_dimension_numbers<[1], [1], [0], [0], [0, 0, 1, 0], [], []>, transpose_lhs_hint = false} : vector<400x128xf32>, vector<128x128xf32>, vector<400x128xf32> -> vector<400x128xf32>
    %add3A_25 = arith.addf %dot_general3A_16, %dot_general3A_24 : vector<400x128xf32>
    %get3A_26 = arith.constant 0 : index
    %get3A_27 = arith.constant 0 : index
    %get3A_28 = vector.load %arg5[%get3A_26, %get3A_27] : memref<1x128xf32, #tpu.memory_space<vmem>>, vector<1x128xf32>
    %add3A_29 = vector.broadcast %get3A_28 : vector<1x128xf32> to vector<400x128xf32>
    %add3A_30 = arith.addf %add3A_25, %add3A_29 : vector<400x128xf32>
    %max3A = arith.constant 0.000000e+00 : f32
    %max3A_31 = vector.broadcast %max3A : f32 to vector<400x128xf32>
    %max3A_32 = arith.maximumf %add3A_30, %max3A_31 : vector<400x128xf32>
    %swap3A = arith.constant 0 : index
    %swap3A_33 = arith.constant 0 : index
    %swap3A_34 = vector.load %arg7[%swap3A, %swap3A_33] : memref<400x128xf32, #tpu.memory_space<vmem>>, vector<400x128xf32>
    tpu.vector_store %arg7[%swap3A, %swap3A_33], %max3A_32 {strides = array<i32>} : memref<400x128xf32, #tpu.memory_space<vmem>>, vector<400x128xf32>,
    return
  }
  func.func @transform_0(%arg0: i32) -> (i32, i32, i32) {
    %c0_i32 = arith.constant 0 : i32
    %c0_i32_0 = arith.constant 0 : i32
    %c0_i32_1 = arith.constant 0 : i32
    return %c0_i32, %arg0, %c0_i32_0 : i32, i32, i32
  }
  func.func @transform_1(%arg0: i32) -> (i32, i32) {
    %c0_i32 = arith.constant 0 : i32
    %c0_i32_0 = arith.constant 0 : i32
    return %arg0, %c0_i32 : i32, i32
  }
  func.func @transform_2(%arg0: i32) -> (i32, i32) {
    %c0_i32 = arith.constant 0 : i32
    %c0_i32_0 = arith.constant 0 : i32
    return %arg0, %c0_i32 : i32, i32
  }
  func.func @transform_3(%arg0: i32) -> (i32, i32) {
    %c0_i32 = arith.constant 0 : i32
    %c0_i32_0 = arith.constant 0 : i32
    %c0_i32_1 = arith.constant 0 : i32
    return %c0_i32, %c0_i32_0 : i32, i32
  }
  func.func @transform_4(%arg0: i32) -> (i32, i32) {
    %c0_i32 = arith.constant 0 : i32
    %c0_i32_0 = arith.constant 0 : i32
    %c0_i32_1 = arith.constant 0 : i32
    return %c0_i32, %c0_i32_0 : i32, i32
  }
  func.func @transform_5(%arg0: i32) -> (i32, i32) {
    %c0_i32 = arith.constant 0 : i32
    %c0_i32_0 = arith.constant 0 : i32
    %c0_i32_1 = arith.constant 0 : i32
    return %c0_i32, %c0_i32_0 : i32, i32
  }
  func.func @transform_6(%arg0: i32) -> (i32, i32) {
    %c0_i32 = arith.constant 0 : i32
    %c0_i32_0 = arith.constant 0 : i32
    return %arg0, %c0_i32 : i32, i32
  }
}

module attributes {stable_mosaic.version = 14 : i64} {
  func.func @body(%arg0: i32, %arg1: memref<2x400x128xf32, #tpu.memory_space<vmem>>, %arg2: memref<400x1xf32, #tpu.memory_space<vmem>>, %arg3: memref<400x128xf32, #tpu.memory_space<vmem>>, %arg4: memref<128x128xf32, #tpu.memory_space<vmem>>, %arg5: memref<1x128xf32, #tpu.memory_space<vmem>>, %arg6: memref<128x128xf32, #tpu.memory_space<vmem>>, %arg7: memref<1x128xf32, #tpu.memory_space<vmem>>, %arg8: memref<1x1xf32, #tpu.memory_space<vmem>>, %arg9: memref<400x1xf32, #tpu.memory_space<vmem>>) attributes {dimension_semantics = [#tpu.dimension_semantics<arbitrary>], iteration_bounds = array<i64: 25>, scalar_prefetch = 0 : i64, scratch_operands = 0 : i64, tpu.core_type = #tpu.core_type<tc>, window_params = [{transform_indices = @transform_0, window_bounds = array<i64: 2, 400, 128>}, {transform_indices = @transform_1, window_bounds = array<i64: 400, 1>}, {transform_indices = @transform_2, window_bounds = array<i64: 400, 128>}, {pipeline_mode = #tpu.pipeline_mode<synchronous>, transform_indices = @transform_3, window_bounds = array<i64: 128, 128>}, {pipeline_mode = #tpu.pipeline_mode<synchronous>, transform_indices = @transform_4, window_bounds = array<i64: 1, 128>}, {pipeline_mode = #tpu.pipeline_mode<synchronous>, transform_indices = @transform_5, window_bounds = array<i64: 128, 128>}, {pipeline_mode = #tpu.pipeline_mode<synchronous>, transform_indices = @transform_6, window_bounds = array<i64: 1, 128>}, {pipeline_mode = #tpu.pipeline_mode<synchronous>, transform_indices = @transform_7, window_bounds = array<i64: 1, 1>}, {transform_indices = @transform_8, window_bounds = array<i64: 400, 1>}]} {
    %get3A = arith.constant 0 : index
    %get3A_0 = arith.constant 0 : index
    %get3A_1 = arith.constant 0 : index
    %get3A_2 = vector.load %arg1[%get3A, %get3A_0, %get3A_1] : memref<2x400x128xf32, #tpu.memory_space<vmem>>, vector<1x400x128xf32>
    %get3A_3 = vector.shape_cast %get3A_2 : vector<1x400x128xf32> to vector<400x128xf32>
    %get3A_4 = arith.constant 1 : index
    %get3A_5 = arith.constant 0 : index
    %get3A_6 = arith.constant 0 : index
    %get3A_7 = vector.load %arg1[%get3A_4, %get3A_5, %get3A_6] : memref<2x400x128xf32, #tpu.memory_space<vmem>>, vector<1x400x128xf32>
    %get3A_8 = vector.shape_cast %get3A_7 : vector<1x400x128xf32> to vector<400x128xf32>
    %add3A = arith.addf %get3A_3, %get3A_8 : vector<400x128xf32>
    %get3A_9 = arith.constant 0 : index
    %get3A_10 = arith.constant 0 : index
    %get3A_11 = vector.load %arg2[%get3A_9, %get3A_10] : memref<400x1xf32, #tpu.memory_space<vmem>>, vector<400x1xf32>
    %mul3A = vector.broadcast %get3A_11 : vector<400x1xf32> to vector<400x128xf32>
    %mul3A_12 = arith.mulf %add3A, %mul3A : vector<400x128xf32>
    %get3A_13 = arith.constant 0 : index
    %get3A_14 = arith.constant 0 : index
    %get3A_15 = vector.load %arg4[%get3A_13, %get3A_14] : memref<128x128xf32, #tpu.memory_space<vmem>>, vector<128x128xf32>
    %dot_general3A = arith.constant dense<0.000000e+00> : vector<400x128xf32>
    %dot_general3A_16 = tpu.matmul %mul3A_12, %get3A_15, %dot_general3A {dimension_numbers = #tpu.dot_dimension_numbers<[1], [1], [0], [0], [0, 0, 1, 0], [], []>, transpose_lhs_hint = false} : vector<400x128xf32>, vector<128x128xf32>, vector<400x128xf32> -> vector<400x128xf32>
    %get3A_17 = arith.constant 0 : index
    %get3A_18 = arith.constant 0 : index
    %get3A_19 = vector.load %arg3[%get3A_17, %get3A_18] : memref<400x128xf32, #tpu.memory_space<vmem>>, vector<400x128xf32>
    %get3A_20 = arith.constant 0 : index
    %get3A_21 = arith.constant 0 : index
    %get3A_22 = vector.load %arg6[%get3A_20, %get3A_21] : memref<128x128xf32, #tpu.memory_space<vmem>>, vector<128x128xf32>
    %dot_general3A_23 = arith.constant dense<0.000000e+00> : vector<400x128xf32>
    %dot_general3A_24 = tpu.matmul %get3A_19, %get3A_22, %dot_general3A_23 {dimension_numbers = #tpu.dot_dimension_numbers<[1], [1], [0], [0], [0, 0, 1, 0], [], []>, transpose_lhs_hint = false} : vector<400x128xf32>, vector<128x128xf32>, vector<400x128xf32> -> vector<400x128xf32>
    %add3A_25 = arith.addf %dot_general3A_16, %dot_general3A_24 : vector<400x128xf32>
    %get3A_26 = arith.constant 0 : index
    %get3A_27 = arith.constant 0 : index
    %get3A_28 = vector.load %arg5[%get3A_26, %get3A_27] : memref<1x128xf32, #tpu.memory_space<vmem>>, vector<1x128xf32>
    %add3A_29 = vector.broadcast %get3A_28 : vector<1x128xf32> to vector<400x128xf32>
    %add3A_30 = arith.addf %add3A_25, %add3A_29 : vector<400x128xf32>
    %max3A = arith.constant 0.000000e+00 : f32
    %max3A_31 = vector.broadcast %max3A : f32 to vector<400x128xf32>
    %max3A_32 = arith.maximumf %add3A_30, %max3A_31 : vector<400x128xf32>
    %get3A_33 = arith.constant 0 : index
    %get3A_34 = arith.constant 0 : index
    %get3A_35 = vector.load %arg7[%get3A_33, %get3A_34] : memref<1x128xf32, #tpu.memory_space<vmem>>, vector<1x128xf32>
    %mul3A_36 = vector.broadcast %get3A_35 : vector<1x128xf32> to vector<400x128xf32>
    %mul3A_37 = arith.mulf %max3A_32, %mul3A_36 : vector<400x128xf32>
    %reduce_sum3A = arith.constant dense<0.000000e+00> : vector<400xf32>
    %reduce_sum3A_38 = vector.multi_reduction <add>, %mul3A_37, %reduce_sum3A [1] : vector<400x128xf32> to vector<400xf32>
    %get3A_39 = arith.constant 0 : index
    %get3A_40 = arith.constant 0 : index
    %get3A_41 = vector.load %arg8[%get3A_39, %get3A_40] : memref<1x1xf32, #tpu.memory_space<vmem>>, vector<1x1xf32>
    %get3A_42 = vector.extract %get3A_41[0, 0] : f32 from vector<1x1xf32>
    %add3A_43 = vector.broadcast %get3A_42 : f32 to vector<400xf32>
    %add3A_44 = arith.addf %reduce_sum3A_38, %add3A_43 : vector<400xf32>
    %reshape3A = vector.shape_cast %add3A_44 : vector<400xf32> to vector<400x1xf32>
    %swap3A = arith.constant 0 : index
    %swap3A_45 = arith.constant 0 : index
    %swap3A_46 = vector.load %arg9[%swap3A, %swap3A_45] : memref<400x1xf32, #tpu.memory_space<vmem>>, vector<400x1xf32>
    tpu.vector_store %arg9[%swap3A, %swap3A_45], %reshape3A {strides = array<i32>} : memref<400x1xf32, #tpu.memory_space<vmem>>, vector<400x1xf32>,
    return
  }
  func.func @transform_0(%arg0: i32) -> (i32, i32, i32) {
    %c0_i32 = arith.constant 0 : i32
    %c0_i32_0 = arith.constant 0 : i32
    %c0_i32_1 = arith.constant 0 : i32
    return %c0_i32, %arg0, %c0_i32_0 : i32, i32, i32
  }
  func.func @transform_1(%arg0: i32) -> (i32, i32) {
    %c0_i32 = arith.constant 0 : i32
    %c0_i32_0 = arith.constant 0 : i32
    return %arg0, %c0_i32 : i32, i32
  }
  func.func @transform_2(%arg0: i32) -> (i32, i32) {
    %c0_i32 = arith.constant 0 : i32
    %c0_i32_0 = arith.constant 0 : i32
    return %arg0, %c0_i32 : i32, i32
  }
  func.func @transform_3(%arg0: i32) -> (i32, i32) {
    %c0_i32 = arith.constant 0 : i32
    %c0_i32_0 = arith.constant 0 : i32
    %c0_i32_1 = arith.constant 0 : i32
    return %c0_i32, %c0_i32_0 : i32, i32
  }
  func.func @transform_4(%arg0: i32) -> (i32, i32) {
    %c0_i32 = arith.constant 0 : i32
    %c0_i32_0 = arith.constant 0 : i32
    %c0_i32_1 = arith.constant 0 : i32
    return %c0_i32, %c0_i32_0 : i32, i32
  }
  func.func @transform_5(%arg0: i32) -> (i32, i32) {
    %c0_i32 = arith.constant 0 : i32
    %c0_i32_0 = arith.constant 0 : i32
    %c0_i32_1 = arith.constant 0 : i32
    return %c0_i32, %c0_i32_0 : i32, i32
  }
  func.func @transform_6(%arg0: i32) -> (i32, i32) {
    %c0_i32 = arith.constant 0 : i32
    %c0_i32_0 = arith.constant 0 : i32
    %c0_i32_1 = arith.constant 0 : i32
    return %c0_i32, %c0_i32_0 : i32, i32
  }
  func.func @transform_7(%arg0: i32) -> (i32, i32) {
    %c0_i32 = arith.constant 0 : i32
    %c0_i32_0 = arith.constant 0 : i32
    %c0_i32_1 = arith.constant 0 : i32
    return %c0_i32, %c0_i32_0 : i32, i32
  }
  func.func @transform_8(%arg0: i32) -> (i32, i32) {
    %c0_i32 = arith.constant 0 : i32
    %c0_i32_0 = arith.constant 0 : i32
    return %arg0, %c0_i32 : i32, i32
  }
}

</mosaic_0001>

<sc_bundles>
// kernel: kernel.11.cloned.1.call-start
scs
__scs_entry_jumppad:
0x0: {  	(pc) =	sbr.rel $0x88, $3  }
0x1: {  	(tag) =	ssettag $0x0;
	lr =	simm.s32 $0x1  }
0x2: {  	[smem:$0x3F97] =	sst lr;
	_ =	strace $0xD0000000  }
0x3: {  	_ = 	snop  }
0x4: {  	_ = 	snop  }
0x5: {  	_ = 	snop  }
0x6: {  	_ = 	snop  }
0x7: {  	_ = 	snop  }
__scs_overlays_trampoline_lowered:
0x8: {  	[smem:$0x3FA6] =	sst s0  }
0x9: {  	[smem:$0x3FA7] =	sst s1  }
0xa: {  	[smem:$0x3FA8] =	sst s2  }
0xb: {  	[smem:$0x3FA9] =	sst s3  }
0xc: {  	[smem:$0x3FAA] =	sst s4  }
0xd: {  	[smem:$0x3FAB] =	sst s5  }
0xe: {  	[smem:$0x3FAC] =	sst s6  }
0xf: {  	[smem:$0x3FAD] =	sst s7  }
0x10: {  	[smem:$0x3FAE] =	sst s8  }
0x11: {  	[smem:$0x3FAF] =	sst s9;
	s0 =	simm.s32 @!p0 $0x0  }
0x12: {  	s1 =	sld [smem:$0x3F95];
	s0 =	simm.s32 @p0 $0x1  }
0x13: {  	[smem:$0x3FB0] =	sst s0;
	s0 =	simm.s32 @!p1 $0x0  }
0x14: {  	s2 =	sld [smem:$0x3F94];
	s0 =	simm.s32 @p1 $0x1  }
0x15: {  	[smem:$0x3FB1] =	sst s0;
	s0 =	simm.s32 @!p2 $0x0  }
0x16: {  	s3 =	sld [smem:$0x3FDB];
	s0 =	simm.s32 @p2 $0x1  }
0x17: {  	s4 =	simm.s32 $0x1BF5;
	[smem:$0x3FB3] =	sst s0  }
0x18: {  	s0 =	sld [smem:$0x3F96];
	_ =	swait.ge [sflag:s4], $0x0  }
0x19: {  	s7 =	sld [smem:$0x3F97]  }
0x1a: {  	s8 =	sadd.s32 $0xFFFFE003, lr  }
0x1b: {  	s9 =	sadd.s32 $0xFFFFFEF7, lr;
	s5 =	simm.s32 $0xFFFFFFFF;
	p2 =	slt.u32 s8, $0xFFFFF086  }
0x1c: {  	p1 =	slt.u32 s9, $0xF7A;
	s5 =	simm.s32 @!p2 $0x0  }
0x1d: {  	s5 =	simm.s32 @p1 $0x1;
	p0 =	seq.s32 s7, s2  }
0x1e: {  	s7 =	smul.u32 @!p0 $0xF7A, s2;
	p2 =	seq.s32 @!p0 s5, $0x0  }
0x1f: {  	s9 =	smul.u32 $0xF7A, s1;
	s8 =	simm.s32 @!p0 $0x1BF5;
	p2 =	por !p2, p0  }
0x20: {  	[sflag:s8] =	ssyncset.s32 @!p0 $0xFFFFF086;
	s6 =	sadd.s32 @!p0 s3, s7;
	s7 =	simm.s32 @!p0 $0x108  }
0x21: {  	s3 =	sadd.s32 s3, s9;
	s6 =	sadd.s32 @!p0 $0x88, s6;
	s7 =	simm.s32 @p2 $0x1082  }
0x22: {  	[simem:s7], [sflag:s8] =	dma.local @!p0 [hbm:s6], $0xF7A  }
0x23: {  	s9 =	sor.u32 $0xD0000000, s2;
	s6 =	simm.s32 $0x108;
	_ =	swait.ge @!p0 [sflag:s8], $0x0  }
0x24: {  	s3 =	sadd.s32 $0x88, s3;
	s6 =	simm.s32 @!p1 $0x1082;
	[sflag:s4] =	ssyncset.s32 $0xFFFFF086  }
0x25: {  	[simem:s6], [sflag:s4] =	dma.local [hbm:s3], $0xF7A  }
0x26: {  	[smem:$0x3F97] =	sst s1;
	(tag) =	ssettag s2;
	_ =	strace s9  }
0x27: {  	s1 =	sld [smem:$0x3FA7]  }
0x28: {  	s2 =	sld [smem:$0x3FA8]  }
0x29: {  	s4 =	sld [smem:$0x3FAA]  }
0x2a: {  	p0 =	seq.s32 s5, $0x0;
	s5 =	sld [smem:$0x3FAB]  }
0x2b: {  	s6 =	sld [smem:$0x3FAC]  }
0x2c: {  	s7 =	sld [smem:$0x3FAD]  }
0x2d: {  	s3 =	simm.s32 $0x108;
	s8 =	sld [smem:$0x3FAE]  }
0x2e: {  	s3 =	simm.s32 @!p0 $0x1082;
	s9 =	sld [smem:$0x3FAF]  }
0x2f: {  	lr =	sadd.s32 s0, s3;
	s0 =	sld [smem:$0x3FA6]  }
0x30: {  	s3 =	sld [smem:$0x3FA9]  }
0x31: {  	[smem:$0x3FB2] =	sst s10  }
0x32: {  	s10 =	sld [smem:$0x3FB0];
	_ =	sdelay $0x3  }
0x33: {  	p0 =	seq.s32 s10, $0x1;
	s10 =	sld [smem:$0x3FB2];
	_ =	sdelay $0x3  }
0x34: {  	[smem:$0x3FB2] =	sst s10  }
0x35: {  	s10 =	sld [smem:$0x3FB1];
	_ =	sdelay $0x3  }
0x36: {  	p1 =	seq.s32 s10, $0x1;
	s10 =	sld [smem:$0x3FB2];
	_ =	sdelay $0x3  }
0x37: {  	[smem:$0x3FB2] =	sst s10  }
0x38: {  	s10 =	sld [smem:$0x3FB3]  }
0x39: {  	_ = 	snop;
	(pc) =	sbr.ind lr, $3  }
0x3a: {  	_ = 	snop  }
0x3b: {  	_ = 	snop  }
0x3c: {  	p2 =	seq.s32 s10, $0x1;
	s10 =	sld [smem:$0x3FB2]  }
0x3d: {  	_ =	shalt  }
0x3e: {  	_ =	shalt  }
0x3f: {  	_ =	shalt  }
0x40: {  	_ =	shalt  }
0x41: {  	_ =	shalt  }
0x42: {  	_ =	shalt  }
0x43: {  	_ =	shalt  }
0x44: {  	_ =	shalt  }
0x45: {  	_ =	shalt  }
0x46: {  	_ =	shalt  }
0x47: {  	_ =	shalt  }
0x48: {  	_ =	shalt  }
0x49: {  	_ =	shalt  }
0x4a: {  	_ =	shalt  }
0x4b: {  	_ =	shalt  }
0x4c: {  	_ =	shalt  }
0x4d: {  	_ =	shalt  }
0x4e: {  	_ =	shalt  }
0x4f: {  	_ =	shalt  }
0x50: {  	_ =	shalt  }
0x51: {  	_ =	shalt  }
0x52: {  	_ =	shalt  }
0x53: {  	_ =	shalt  }
0x54: {  	_ =	shalt  }
0x55: {  	_ =	shalt  }
0x56: {  	_ =	shalt  }
0x57: {  	_ =	shalt  }
0x58: {  	_ =	shalt  }
0x59: {  	_ =	shalt  }
0x5a: {  	_ =	shalt  }
0x5b: {  	_ =	shalt  }
0x5c: {  	_ =	shalt  }
0x5d: {  	_ =	shalt  }
0x5e: {  	_ =	shalt  }
0x5f: {  	_ =	shalt  }
0x60: {  	_ =	shalt  }
0x61: {  	_ =	shalt  }
0x62: {  	_ =	shalt  }
0x63: {  	_ =	shalt  }
0x64: {  	_ =	shalt  }
0x65: {  	_ =	shalt  }
0x66: {  	_ =	shalt  }
0x67: {  	_ =	shalt  }
0x68: {  	_ =	shalt  }
0x69: {  	_ =	shalt  }
0x6a: {  	_ =	shalt  }
0x6b: {  	_ =	shalt  }
0x6c: {  	_ =	shalt  }
0x6d: {  	_ =	shalt  }
0x6e: {  	_ =	shalt  }
0x6f: {  	_ =	shalt  }
0x70: {  	_ =	shalt  }
0x71: {  	_ =	shalt  }
0x72: {  	_ =	shalt  }
0x73: {  	_ =	shalt  }
0x74: {  	_ =	shalt  }
0x75: {  	_ =	shalt  }
0x76: {  	_ =	shalt  }
0x77: {  	_ =	shalt  }
0x78: {  	_ =	shalt  }
0x79: {  	_ =	shalt  }
0x7a: {  	_ =	shalt  }
0x7b: {  	_ =	shalt  }
0x7c: {  	_ =	shalt  }
0x7d: {  	_ =	shalt  }
0x7e: {  	_ =	shalt  }
0x7f: {  	_ =	shalt  }
0x80: {  	_ =	shalt  }
0x81: {  	_ =	shalt  }
0x82: {  	_ =	shalt  }
0x83: {  	_ =	shalt  }
0x84: {  	_ =	shalt  }
0x85: {  	_ =	shalt  }
0x86: {  	_ =	shalt  }
0x87: {  	_ =	shalt  }
.Lfunc_end0:
.L_simem_size_0:
called_computation.1_lowered:
.L_overlay_start_0:
0x88: {  	s2 =	sld [smem:$0x3FD9]  }
0x89: {  	s3 =	sld [smem:$0x3FFE];
	_ =	sdelay $0x1  }
0x8a: {  	s1 =	srdreg.scid  }
0x8b: {  	s0 =	sand.u32 $0x1, s1  }
0x8c: {  	s17 =	sshll.u32 s0, $0xA;
	s2 =	sadd.s32 s3, s2  }
0x8d: {  	s2 =	sadd.s32 s2, s17  }
0x8e: {  	[smem:$0x3FBE] =	sst s2  }
0x8f: {  	_ = 	snop  }
0x90: {  	s18 =	sld [smem:$0x3FC9];
	(tm) =	ssettm $0x1  }
0x91: {  	s19 =	sld [smem:$0x3FFB];
	_ =	sdelay $0x3  }
0x92: {  	_ =	strace s19  }
0x93: {  	s2 =	sld [smem:$0x3FFC];
	_ =	sdelay $0x3  }
0x94: {  	_ =	strace s2  }
0x95: {  	s2 =	sld [smem:$0x3FFD];
	_ =	sdelay $0x3  }
0x96: {  	_ =	strace s2  }
0x97: {  	_ =	strace $0x8FFFFFFF  }
0x98: {  	s20 =	sld [smem:$0x3FDB];
	_ =	sdelay $0x1  }
0x99: {  	s4 =	simm.s32 $_scs_section_size  }
0x9a: {  	s5 =	simm.s32 $_size__tile_overlayer_lowered;
	s6 =	simm.s32 $_tile_overlayer_lowered  }
0x9b: {  	s7 =	simm.s32 $0x1BFF;
	s21 =	sshll.u32 s6, $0x1;
	s4 =	sadd.s32 s4, s20  }
0x9c: {  	s22 =	simm.s32 $0x0;
	s5 =	sshll.u32 s5, $0x1;
	s6 =	sadd.s32 s21, s4  }
0x9d: {  	[timem:s22], [sflag:s7] =	dma.local [hbm:s6], s5  }
0x9e: {  	_ =	swait.ge [sflag:s7], s5  }
0x9f: {  	s5 =	ssub.s32 $0x0, s5;
	[sflag:s7] =	ssyncset.done $0x0  }
0xa0: {  	[sflag:s7] =	ssyncadd.s32 s5;
	_ =	sdelay $0x1  }
0xa1: {  	s23 =	simm.s32 $0x1B8B  }
0xa2: {  	_ =	swait.ge [sflag:s23], $0x1  }
0xa3: {  	[sflag:s23] =	ssyncset.done $0x0  }
0xa4: {  	[sflag:s23] =	ssyncadd.s32 $0xFFFFFFFF  }
0xa5: {  	s5 =	sld [smem:$0x0]  }
0xa6: {  	s6 =	sand.u32 $0xFFFFFFFE, s1  }
0xa7: {  	p0 =	sne.s32 s1, s6  }
0xa8: {  	s6 =	sshll.u32 @p0 s6, $0xE  }
0xa9: {  	s6 =	sadd.s32 @p0 $0x11B8D, s6;
	s7 =	sshll.u32 @p0 s5, $0x11  }
0xaa: {  	s6 =	sor.u32 @p0 s7, s6  }
0xab: {  	[sflag:s6] =	ssyncadd.remote.s32 @p0 $0x1;
	_ =	sdelay $0x1  }
0xac: {  	s6 =	simm.s32 @p0 $0x1B8D  }
0xad: {  	_ =	swait.eq @p0 [sflag:s6], $0x1  }
0xae: {  	[sflag:s6] =	ssyncadd.s32 @p0 $0xFFFFFFFF  }
0xaf: {  	s7 =	sshll.u32 @!p0 s1, $0xE  }
0xb0: {  	s7 =	sor.u32 @!p0 $0x4000, s7;
	s6 =	simm.s32 @!p0 $0x1B8D  }
0xb1: {  	s5 =	sshll.u32 @!p0 s5, $0x11;
	s7 =	sadd.s32 @!p0 $0x11B8D, s7;
	_ =	swait.eq @!p0 [sflag:s6], $0x1  }
0xb2: {  	s5 =	sor.u32 @!p0 s5, s7;
	[sflag:s6] =	ssyncadd.s32 @!p0 $0xFFFFFFFF  }
0xb3: {  	s25 =	simm.s32 $0x1B8E;
	s24 =	sld [smem:$0x3FFE];
	[sflag:s5] =	ssyncadd.remote.s32 @!p0 $0x1  }
0xb4: {  	s26 =	simm.s32 $execute0_lowered;
	[smem:$0x3FD2] =	sst s25  }
0xb5: {  	s6 =	sshll.u32 s26, $0x1;
	_ =	strace $0x80000049;
	[dreg:$0x1] =	wrdreg $0xFFFFFFFF  }
0xb6: {  	s28 =	simm.s32 $_size_execute0_lowered;
	s4 =	sadd.s32 s4, s6;
	[dreg:$0x0] =	wrdreg $0x0  }
0xb7: {  	s6 =	sshll.u32 s28, $0x1;
	[dreg:$0x2] =	wrdreg s4  }
0xb8: {  	[dreg:$0x3] =	wrdreg s6  }
0xb9: {  	[dreg:$0x4] =	wrdreg $0xC0  }
0xba: {  	_ =	task [dreg:s22], $0x5FFFF  }
0xbb: {  	[dreg:$0x1] =	wrdreg $0xFFFFFFFF  }
0xbc: {  	[dreg:$0x0] =	wrdreg $0x60  }
0xbd: {  	[dreg:$0x2] =	wrdreg s18  }
0xbe: {  	[dreg:$0x3] =	wrdreg s24  }
0xbf: {  	[dreg:$0x4] =	wrdreg $0x88000  }
0xc0: {  	[dreg:$0x5] =	wrdreg $0xA  }
0xc1: {  	_ =	task.clear_ibuf [dreg:s22], $0x6FFFF;
	_ =	strace $0x90000049  }
0xc2: {  	s29 =	simm.s32 $0xA;
	_ =	strace $0x8000004B  }
0xc3: {  	_ =	swait.ge [sflag:s29], $0x1  }
0xc4: {  	[sflag:s29] =	ssyncadd.s32 $0xFFFFFFFF  }
0xc5: {  	_ =	strace $0x9000004B  }
0xc6: {  	_ =	sfence  }
0xc7: {  	s30 =	sld [smem:$0x0];
	_ =	sdelay $0x2  }
0xc8: {  	s31 =	sshll.u32 s1, $0xD;
	s1 =	sshrl.u32 s1, $0x2  }
0xc9: {  	s4 =	sand.u32 $0x4000, s31;
	s1 =	sadd.s32 s1, s30  }
0xca: {  	s0 =	sor.u32 s4, s0;
	s1 =	sshll.u32 s1, $0x11  }
0xcb: {  	s0 =	sor.u32 s1, s0  }
0xcc: {  	s0 =	sadd.s32 $0x8F2B, s0  }
0xcd: {  	[sflag:s0] =	ssyncadd.remote.s32 $0x1  }
0xce: {  	_ =	sfence.sel $0xFFFF  }
0xcf: {  	[dreg:$0x0] =	wrdreg $0xFFFFFFFF;
	(pc) =	sbr.abs _section_cstart, $3  }
0xd0: {  	[dreg:$0x1] =	wrdreg $0xFFFFFFFF  }
0xd1: {  	_ =	task.clear_ibuf [dreg:s22], $0x2FFFF;
	_ =	strace $0x9FFFFFFF  }
0xd2: {  	(tm) =	ssettm $0x7FFFFFFF  }
0xd3: {  	_ =	shalt  }
tec
execute0_lowered:
.L_overlay_start_1:
0x0: {  	(tag) =	ssettag $0x1  }
0x1: {  	s2 =	rddreg [dreg:$0x0]  }
0x2: {  	s0 =	rddreg [dreg:$0x1]  }
0x3: {  	s3 =	rddreg [dreg:$0x2];
	s9 =	stileid.u32;
	s4 =	simm.s32 $0x0  }
0x4: {  	s6 =	srdreg.scid;
	s28 =	simm.s32 $0x2;
	s1 =	smul.u32 $0x700, s9  }
0x5: {  	s29 =	simm.s32 $0x480;
	s30 =	simm.s32 $0x4;
	s5 =	smul.u32 $0x300, s9  }
0x6: {  	s31 =	simm.s32 $0x180;
	[smem:$0x7FF] =	sst s4;
	s7 =	smul.u32 $0x4F000, s9  }
0x7: {  	s6 =	sand.u32 $0x1, s6;
	s8 =	sadd.s32 $0x20000, s0;
	s9 =	smul.u32 $0x13C00, s9  }
0x8: {  	_ =	strace $0x8000004A;
	[dreg:$0x7] =	wrdreg s8;
	s23 =	ssub.s32 $0x2, s6  }
0x9: {  	s11 =	smul.u32 $0x13C000, s6;
	p0 =	seq.s32 s6, $0x1;
	s1 =	sadd.s32 s1, s0  }
0xa: {  	s5 =	sadd.s32 s5, s0;
	s0 =	sadd.s32 $0x20800, s0;
	s10 =	sshrl.u32 s23, $0x1  }
0xb: {  	s7 =	sshrl.u32 s7, $0x2;
	s24 =	sadd.s32 $0x4000, s9;
	s25 =	sadd.s32 $0x8000, s9  }
0xc: {  	s26 =	sadd.s32 $0xC000, s9;
	s13 =	sadd.s32 $0x10000, s9;
	s8 =	ssub.s32 s23, s10  }
0xd: {  	s7 =	sadd.s32 s7, s3;
	s14 =	sadd.s32 s24, s3;
	s12 =	sadd.s32 s25, s3  }
0xe: {  	s16 =	sadd.s32 s26, s3;
	s15 =	sadd.s32 s13, s3;
	s9 =	sadd.s32 s9, s11  }
0xf: {  	s18 =	sadd.s32 s11, s25;
	s20 =	sadd.s32 s11, s26;
	[dreg:$0x8] =	wrdreg s7  }
0x10: {  	s22 =	sadd.s32 s11, s13;
	s25 =	sadd.s32 $0x10000, s5;
	[dreg:$0xa] =	wrdreg s12  }
0x11: {  	s13 =	simm.s32 $0x300;
	[dreg:$0xc] =	wrdreg s15;
	s15 =	sshrl.u32 s9, $0x3  }
0x12: {  	s7 =	sadd.s32 s11, s24;
	s10 =	smov.u32 s16;
	s19 =	sshrl.u32 s18, $0x3  }
0x13: {  	s21 =	sshrl.u32 s20, $0x3;
	s23 =	sshrl.u32 s22, $0x3;
	s24 =	sadd.s32 $0x2000, s1  }
0x14: {  	s26 =	smax.u32 s8, $0x1;
	s8 =	smov.u32 s14;
	s18 =	sadd.s32 $0x9000, s1  }
0x15: {  	[dreg:$0x5] =	wrdreg s25;
	s20 =	simm.s32 $0x5;
	s22 =	simm.s32 $0x80  }
0x16: {  	s25 =	simm.s32 $0x3;
	s1 =	simm.s32 $0x200;
	[dreg:$0x4] =	wrdreg s24  }
0x17: {  	s11 =	simm.s32 $0x280;
	s12 =	simm.s32 $0x600;
	[dreg:$0x12] =	wrdreg s26  }
0x18: {  	s14 =	simm.s32 $0x680;
	s16 =	simm.s32 $0x700;
	s9 =	rddreg [dreg:$0xc]  }
0x19: {  	s6 =	sadd.s32 s0, s15;
	s17 =	sshrl.u32 s7, $0x3;
	[dreg:$0x9] =	wrdreg s8  }
0x1a: {  	s7 =	sadd.s32 $0x13000, s5;
	s24 =	simm.s32 $0x1;
	[dreg:$0xb] =	wrdreg s10  }
0x1b: {  	s26 =	simm.s32 $0x100;
	s5 =	simm.s32 $0x580;
	[dreg:$0xd] =	wrdreg s6  }
0x1c: {  	s15 =	simm.s32 $0x380;
	s6 =	sadd.s32 s0, s17;
	[dreg:$0x6] =	wrdreg s7  }
.Ltmp0:
0x1d: {  	s17 =	simm.s32 $0x0;
	s9 =	smov.u32 s9;
	(pc) =	sbr.rel .LBB2_1-.Ltmp0, $4  }
0x1e: {  	[dreg:$0xe] =	wrdreg s6;
	s6 =	sadd.s32 s0, s19;
	s19 =	simm.s32 $0x800  }
0x1f: {  	[dreg:$0xf] =	wrdreg s6;
	s6 =	sadd.s32 s0, s21;
	s0 =	sadd.s32 s0, s23  }
0x20: {  	s21 =	simm.s32 $0x400;
	s23 =	simm.s32 $0x4800;
	[dreg:$0x10] =	wrdreg s6  }
0x21: {  	[dreg:$0x11] =	wrdreg s0;
	s0 =	simm.s32 $0x500;
	s6 =	simm.s32 $0x780  }
.LBB2_7:
0x22: {  	s7 =	sadd.s32 s8, s9;
	[sflag:s30] =	ssyncadd.s32 $0xFFFFC000  }
0x23: {  	[tilespmem:s4], [sflag:$0x5] =	stream.linear.gather [hbm4b:s7+s4], $0x400, $0x38;
	[tilespmem:$0x1C400] =	vst v63  }
0x24: {  	_ =	swait.ge [sflag:s20], $0x400  }
0x25: {  	s17 =	rddreg [dreg:$0x5];
	[sflag:s20] =	ssyncset.done $0x0  }
0x26: {  	s7 =	sadd.s32 s8, s17;
	[sflag:s20] =	ssyncadd.s32 $0xFFFFFC00  }
0x27: {  	[tilespmem:s21], [sflag:$0x5] =	stream.linear.gather [hbm4b:s7+s4], $0x400, $0x38;
	[tilespmem:$0x1C400] =	vst v63  }
0x28: {  	_ =	swait.ge [sflag:s20], $0x400  }
0x29: {  	[sflag:s20] =	ssyncset.done $0x0  }
0x2a: {  	[sflag:s20] =	ssyncadd.s32 $0xFFFFFC00  }
0x2b: {  	[tilespmem:s19], [sflag:$0x1] =	stream.indirect.gather [hbm4b:s2+s22], $0x80, s4, s22, $0xb8;
	[tilespmem:$0x1C400] =	vst v63  }
0x2c: {  	_ = 	snop  }
0x2d: {  	[tilespmem:s23], [sflag:$0x2] =	stream.indirect.gather [hbm4b:s2+s22], $0x80, s22, s22, $0xb8;
	[tilespmem:$0x1C400] =	vst v63  }
0x2e: {  	_ =	swait.ge [sflag:s24], $0x4000  }
0x2f: {  	[sflag:s24] =	ssyncset.done $0x0  }
0x30: {  	[sflag:s24] =	ssyncadd.s32 $0xFFFFC000  }
0x31: {  	[spmem:s3] =	stream.indirect.scatter.add.f32 [tilespmem:s19], [sflag:$0x3], $0x80, s21, s22, $0xb8;
	[tilespmem:$0x1C400] =	vst v63  }
0x32: {  	_ =	swait.ge [sflag:s25], $0x4000  }
0x33: {  	[sflag:s25] =	ssyncset.done $0x0  }
0x34: {  	[sflag:s25] =	ssyncadd.s32 $0xFFFFC000  }
0x35: {  	[tilespmem:s19], [sflag:$0x1] =	stream.indirect.gather [hbm4b:s2+s22], $0x80, s26, s22, $0xb8;
	[tilespmem:$0x1C400] =	vst v63  }
0x36: {  	_ =	swait.ge [sflag:s28], $0x4000  }
0x37: {  	[sflag:s28] =	ssyncset.done $0x0  }
0x38: {  	[sflag:s28] =	ssyncadd.s32 $0xFFFFC000  }
0x39: {  	[spmem:s3] =	stream.indirect.scatter.add.f32 [tilespmem:s23], [sflag:$0x4], $0x80, s29, s22, $0xb8;
	[tilespmem:$0x1C400] =	vst v63  }
0x3a: {  	_ =	swait.ge [sflag:s30], $0x4000  }
0x3b: {  	[sflag:s30] =	ssyncset.done $0x0  }
0x3c: {  	[sflag:s30] =	ssyncadd.s32 $0xFFFFC000  }
0x3d: {  	[tilespmem:s23], [sflag:$0x2] =	stream.indirect.gather [hbm4b:s2+s22], $0x80, s31, s22, $0xb8;
	[tilespmem:$0x1C400] =	vst v63  }
0x3e: {  	_ =	swait.ge [sflag:s24], $0x4000  }
0x3f: {  	[sflag:s24] =	ssyncset.done $0x0  }
0x40: {  	[sflag:s24] =	ssyncadd.s32 $0xFFFFC000  }
0x41: {  	[spmem:s3] =	stream.indirect.scatter.add.f32 [tilespmem:s19], [sflag:$0x3], $0x80, s0, s22, $0xb8;
	[tilespmem:$0x1C400] =	vst v63  }
0x42: {  	_ =	swait.ge [sflag:s25], $0x4000  }
0x43: {  	[sflag:s25] =	ssyncset.done $0x0  }
0x44: {  	[sflag:s25] =	ssyncadd.s32 $0xFFFFC000  }
0x45: {  	[tilespmem:s19], [sflag:$0x1] =	stream.indirect.gather [hbm4b:s2+s22], $0x80, s1, s22, $0xb8;
	[tilespmem:$0x1C400] =	vst v63  }
0x46: {  	_ =	swait.ge [sflag:s28], $0x4000  }
0x47: {  	[sflag:s28] =	ssyncset.done $0x0  }
0x48: {  	[sflag:s28] =	ssyncadd.s32 $0xFFFFC000  }
0x49: {  	[spmem:s3] =	stream.indirect.scatter.add.f32 [tilespmem:s23], [sflag:$0x4], $0x80, s5, s22, $0xb8;
	[tilespmem:$0x1C400] =	vst v63  }
0x4a: {  	_ =	swait.ge [sflag:s30], $0x4000  }
0x4b: {  	[sflag:s30] =	ssyncset.done $0x0  }
0x4c: {  	[sflag:s30] =	ssyncadd.s32 $0xFFFFC000  }
0x4d: {  	[tilespmem:s23], [sflag:$0x2] =	stream.indirect.gather [hbm4b:s2+s22], $0x80, s11, s22, $0xb8;
	[tilespmem:$0x1C400] =	vst v63  }
0x4e: {  	_ =	swait.ge [sflag:s24], $0x4000  }
0x4f: {  	[sflag:s24] =	ssyncset.done $0x0  }
0x50: {  	[sflag:s24] =	ssyncadd.s32 $0xFFFFC000  }
0x51: {  	[spmem:s3] =	stream.indirect.scatter.add.f32 [tilespmem:s19], [sflag:$0x3], $0x80, s12, s22, $0xb8;
	[tilespmem:$0x1C400] =	vst v63  }
0x52: {  	_ =	swait.ge [sflag:s25], $0x4000  }
0x53: {  	[sflag:s25] =	ssyncset.done $0x0  }
0x54: {  	[sflag:s25] =	ssyncadd.s32 $0xFFFFC000  }
0x55: {  	[tilespmem:s19], [sflag:$0x1] =	stream.indirect.gather [hbm4b:s2+s22], $0x80, s13, s22, $0xb8;
	[tilespmem:$0x1C400] =	vst v63  }
0x56: {  	_ =	swait.ge [sflag:s28], $0x4000  }
0x57: {  	[sflag:s28] =	ssyncset.done $0x0  }
0x58: {  	[sflag:s28] =	ssyncadd.s32 $0xFFFFC000  }
0x59: {  	[spmem:s3] =	stream.indirect.scatter.add.f32 [tilespmem:s23], [sflag:$0x4], $0x80, s14, s22, $0xb8;
	[tilespmem:$0x1C400] =	vst v63  }
0x5a: {  	_ =	swait.ge [sflag:s30], $0x4000  }
0x5b: {  	[sflag:s30] =	ssyncset.done $0x0  }
0x5c: {  	[sflag:s30] =	ssyncadd.s32 $0xFFFFC000  }
0x5d: {  	[tilespmem:s23], [sflag:$0x2] =	stream.indirect.gather [hbm4b:s2+s22], $0x80, s15, s22, $0xb8;
	[tilespmem:$0x1C400] =	vst v63  }
0x5e: {  	_ =	swait.ge [sflag:s24], $0x4000  }
0x5f: {  	[sflag:s24] =	ssyncset.done $0x0  }
0x60: {  	[sflag:s24] =	ssyncadd.s32 $0xFFFFC000  }
0x61: {  	[spmem:s3] =	stream.indirect.scatter.add.f32 [tilespmem:s19], [sflag:$0x3], $0x80, s16, s22, $0xb8;
	[tilespmem:$0x1C400] =	vst v63  }
0x62: {  	_ =	swait.ge [sflag:s28], $0x4000  }
0x63: {  	[sflag:s28] =	ssyncset.done $0x0  }
0x64: {  	[sflag:s28] =	ssyncadd.s32 $0xFFFFC000  }
0x65: {  	[spmem:s3] =	stream.indirect.scatter.add.f32 [tilespmem:s23], [sflag:$0x4], $0x80, s6, s22, $0xb8;
	[tilespmem:$0x1C400] =	vst v63  }
0x66: {  	_ =	swait.ge [sflag:s25], $0x4000  }
0x67: {  	[sflag:s25] =	ssyncset.done $0x0  }
0x68: {  	[sflag:s25] =	ssyncadd.s32 $0xFFFFC000  }
0x69: {  	_ =	swait.ge [sflag:s30], $0x4000  }
0x6a: {  	[sflag:s30] =	ssyncset.done $0x0  }
0x6b: {  	s17 =	rddreg [dreg:$0x13];
	[sflag:s30] =	ssyncadd.s32 $0xFFFFC000  }
.LBB2_8:
0x6c: {  	[bflag:$0x0] =	sbarrier.arrive $0xFFFF  }
0x6d: {  	s7 =	rddreg [dreg:$0x8]  }
0x6e: {  	[tilespmem:s19], [sflag:$0x5] =	stream.linear.gather [spmem:s7], $0x4000, $0x38;
	[tilespmem:$0x1C400] =	vst v63  }
0x6f: {  	_ =	swait.ge [sflag:s20], $0x4000  }
0x70: {  	[sflag:s20] =	ssyncset.done $0x0  }
0x71: {  	s9 =	rddreg [dreg:$0xd];
	[sflag:s20] =	ssyncadd.s32 $0xFFFFC000  }
0x72: {  	[hbm4b:s9+s4] =	stream.linear.scatter [tilespmem:s19], [sflag:$0x5], $0x4000, $0x38;
	[tilespmem:$0x1C400] =	vst v63  }
0x73: {  	_ =	swait.ge [sflag:s20], $0x4000  }
0x74: {  	[sflag:s20] =	ssyncset.done $0x0  }
0x75: {  	s8 =	rddreg [dreg:$0x9];
	[sflag:s20] =	ssyncadd.s32 $0xFFFFC000  }
0x76: {  	[tilespmem:s19], [sflag:$0x5] =	stream.linear.gather [spmem:s8], $0x4000, $0x38;
	[tilespmem:$0x1C400] =	vst v63  }
0x77: {  	_ =	swait.ge [sflag:s20], $0x4000  }
0x78: {  	[sflag:s20] =	ssyncset.done $0x0  }
0x79: {  	s10 =	rddreg [dreg:$0xe];
	[sflag:s20] =	ssyncadd.s32 $0xFFFFC000  }
0x7a: {  	[hbm4b:s10+s4] =	stream.linear.scatter [tilespmem:s19], [sflag:$0x5], $0x4000, $0x38;
	[tilespmem:$0x1C400] =	vst v63  }
0x7b: {  	_ =	swait.ge [sflag:s20], $0x4000  }
0x7c: {  	[sflag:s20] =	ssyncset.done $0x0  }
0x7d: {  	s9 =	rddreg [dreg:$0xa];
	[sflag:s20] =	ssyncadd.s32 $0xFFFFC000  }
0x7e: {  	[tilespmem:s19], [sflag:$0x5] =	stream.linear.gather [spmem:s9], $0x4000, $0x38;
	[tilespmem:$0x1C400] =	vst v63  }
0x7f: {  	_ =	swait.ge [sflag:s20], $0x4000  }
0x80: {  	[sflag:s20] =	ssyncset.done $0x0  }
0x81: {  	s10 =	rddreg [dreg:$0xf];
	[sflag:s20] =	ssyncadd.s32 $0xFFFFC000  }
0x82: {  	[hbm4b:s10+s4] =	stream.linear.scatter [tilespmem:s19], [sflag:$0x5], $0x4000, $0x38;
	[tilespmem:$0x1C400] =	vst v63  }
0x83: {  	_ =	swait.ge [sflag:s20], $0x4000  }
0x84: {  	[sflag:s20] =	ssyncset.done $0x0  }
0x85: {  	s10 =	rddreg [dreg:$0xb];
	[sflag:s20] =	ssyncadd.s32 $0xFFFFC000  }
0x86: {  	[tilespmem:s19], [sflag:$0x5] =	stream.linear.gather [spmem:s10], $0x4000, $0x38;
	[tilespmem:$0x1C400] =	vst v63  }
0x87: {  	_ =	swait.ge [sflag:s20], $0x4000  }
0x88: {  	[sflag:s20] =	ssyncset.done $0x0  }
0x89: {  	s9 =	rddreg [dreg:$0x10];
	[sflag:s20] =	ssyncadd.s32 $0xFFFFC000  }
0x8a: {  	[hbm4b:s9+s4] =	stream.linear.scatter [tilespmem:s19], [sflag:$0x5], $0x4000, $0x38;
	[tilespmem:$0x1C400] =	vst v63  }
0x8b: {  	_ =	swait.ge [sflag:s20], $0x4000  }
0x8c: {  	[sflag:s20] =	ssyncset.done $0x0  }
0x8d: {  	s7 =	rddreg [dreg:$0xc];
	[sflag:s20] =	ssyncadd.s32 $0xFFFFC000  }
0x8e: {  	[tilespmem:s19], [sflag:$0x5] =	stream.linear.gather [spmem:s7], $0x3C00, $0x38;
	[tilespmem:$0x1C400] =	vst v63  }
0x8f: {  	_ =	swait.ge [sflag:s20], $0x3C00  }
0x90: {  	[sflag:s20] =	ssyncset.done $0x0  }
0x91: {  	s9 =	smov.u32 s7;
	s7 =	rddreg [dreg:$0x11];
	[sflag:s20] =	ssyncadd.s32 $0xFFFFC400  }
0x92: {  	[hbm4b:s7+s4] =	stream.linear.scatter [tilespmem:s19], [sflag:$0x5], $0x3C00, $0x38;
	[tilespmem:$0x1C400] =	vst v63  }
0x93: {  	_ =	swait.ge [sflag:s20], $0x3C00  }
0x94: {  	s17 =	sadd.s32 $0x1, s17;
	s7 =	rddreg [dreg:$0x12]  }
0x95: {  	p1 =	sne.s32 s17, s7  }
.Ltmp1:
0x96: {  	_ = 	snop;
	(pc) =	sbr.rel @!p1 .LBB2_9-.Ltmp1, $3  }
0x97: {  	_ =	sdelay $0x1  }
0x98: {  	[sflag:s20] =	ssyncset.done $0x0  }
0x99: {  	[sflag:s20] =	ssyncadd.s32 $0xFFFFC400  }
.LBB2_1:
0x9a: {  	[dreg:$0x13] =	wrdreg s17  }
0x9b: {  	s7 =	rddreg [dreg:$0x7]  }
0x9c: {  	[tilespmem:s19], [sflag:$0x5] =	stream.linear.gather [hbm4b:s7+s4], $0x4000, $0x38;
	[tilespmem:$0x1C400] =	vst v63  }
0x9d: {  	_ =	swait.ge [sflag:s20], $0x4000  }
0x9e: {  	[sflag:s20] =	ssyncset.done $0x0  }
0x9f: {  	s17 =	rddreg [dreg:$0x8];
	[sflag:s20] =	ssyncadd.s32 $0xFFFFC000  }
0xa0: {  	[spmem:s17] =	stream.linear.scatter [tilespmem:s19], [sflag:$0x5], $0x4000, $0x38;
	[tilespmem:$0x1C400] =	vst v63  }
0xa1: {  	_ =	swait.ge [sflag:s20], $0x4000  }
0xa2: {  	[sflag:s20] =	ssyncset.done $0x0  }
0xa3: {  	[sflag:s20] =	ssyncadd.s32 $0xFFFFC000  }
0xa4: {  	[spmem:s8] =	stream.linear.scatter [tilespmem:s19], [sflag:$0x5], $0x4000, $0x38;
	[tilespmem:$0x1C400] =	vst v63  }
0xa5: {  	_ =	swait.ge [sflag:s20], $0x4000  }
0xa6: {  	[sflag:s20] =	ssyncset.done $0x0  }
0xa7: {  	s17 =	rddreg [dreg:$0xa];
	[sflag:s20] =	ssyncadd.s32 $0xFFFFC000  }
0xa8: {  	[spmem:s17] =	stream.linear.scatter [tilespmem:s19], [sflag:$0x5], $0x4000, $0x38;
	[tilespmem:$0x1C400] =	vst v63  }
0xa9: {  	_ =	swait.ge [sflag:s20], $0x4000  }
0xaa: {  	[sflag:s20] =	ssyncset.done $0x0  }
0xab: {  	[sflag:s20] =	ssyncadd.s32 $0xFFFFC000  }
0xac: {  	[spmem:s10] =	stream.linear.scatter [tilespmem:s19], [sflag:$0x5], $0x4000, $0x38;
	[tilespmem:$0x1C400] =	vst v63  }
0xad: {  	_ =	swait.ge [sflag:s20], $0x4000  }
0xae: {  	[sflag:s20] =	ssyncset.done $0x0  }
0xaf: {  	[sflag:s20] =	ssyncadd.s32 $0xFFFFC000  }
0xb0: {  	[spmem:s9] =	stream.linear.scatter [tilespmem:s19], [sflag:$0x5], $0x3C00, $0x38;
	[tilespmem:$0x1C400] =	vst v63  }
.Ltmp2:
0xb1: {  	_ =	swait.ge [sflag:s20], $0x3C00;
	(pc) =	sbr.rel @!p0 .LBB2_2-.Ltmp2, $3  }
0xb2: {  	[sflag:s20] =	ssyncset.done $0x0  }
0xb3: {  	[sflag:s20] =	ssyncadd.s32 $0xFFFFC400  }
0xb4: {  	[bflag:$0x0] =	sbarrier.arrive $0xFFFF;
	_ =	sdelay $0x1  }
0xb5: {  	s9 =	rddreg [dreg:$0x6]  }
0xb6: {  	s7 =	sadd.s32 $0x0, s9  }
0xb7: {  	[tilespmem:s4], [sflag:$0x5] =	stream.linear.gather [hbm4b:s7+s4], $0x400, $0x38;
	[tilespmem:$0x1C400] =	vst v63  }
0xb8: {  	_ =	swait.ge [sflag:s20], $0x400  }
0xb9: {  	s17 =	rddreg [dreg:$0x5];
	[sflag:s20] =	ssyncset.done $0x0  }
0xba: {  	[sflag:s20] =	ssyncadd.s32 $0xFFFFFC00;
	s7 =	sadd.s32 $0x0, s17  }
0xbb: {  	[tilespmem:s21], [sflag:$0x5] =	stream.linear.gather [hbm4b:s7+s4], $0x400, $0x38;
	[tilespmem:$0x1C400] =	vst v63  }
0xbc: {  	_ =	swait.ge [sflag:s20], $0x400  }
0xbd: {  	[sflag:s20] =	ssyncset.done $0x0  }
0xbe: {  	[sflag:s20] =	ssyncadd.s32 $0xFFFFFC00  }
0xbf: {  	[tilespmem:s19], [sflag:$0x1] =	stream.indirect.gather [hbm4b:s2+s22], $0x80, s4, s22, $0xb8;
	[tilespmem:$0x1C400] =	vst v63  }
0xc0: {  	_ = 	snop  }
0xc1: {  	[tilespmem:s23], [sflag:$0x2] =	stream.indirect.gather [hbm4b:s2+s22], $0x80, s22, s22, $0xb8;
	[tilespmem:$0x1C400] =	vst v63  }
0xc2: {  	_ =	swait.ge [sflag:s24], $0x4000  }
0xc3: {  	[sflag:s24] =	ssyncset.done $0x0  }
0xc4: {  	[sflag:s24] =	ssyncadd.s32 $0xFFFFC000  }
0xc5: {  	[spmem:s3] =	stream.indirect.scatter.add.f32 [tilespmem:s19], [sflag:$0x3], $0x80, s21, s22, $0xb8;
	[tilespmem:$0x1C400] =	vst v63  }
0xc6: {  	_ =	swait.ge [sflag:s25], $0x4000  }
0xc7: {  	[sflag:s25] =	ssyncset.done $0x0  }
0xc8: {  	[sflag:s25] =	ssyncadd.s32 $0xFFFFC000  }
0xc9: {  	[tilespmem:s19], [sflag:$0x1] =	stream.indirect.gather [hbm4b:s2+s22], $0x80, s26, s22, $0xb8;
	[tilespmem:$0x1C400] =	vst v63  }
0xca: {  	_ =	swait.ge [sflag:s28], $0x4000  }
0xcb: {  	[sflag:s28] =	ssyncset.done $0x0  }
0xcc: {  	[sflag:s28] =	ssyncadd.s32 $0xFFFFC000  }
0xcd: {  	[spmem:s3] =	stream.indirect.scatter.add.f32 [tilespmem:s23], [sflag:$0x4], $0x80, s29, s22, $0xb8;
	[tilespmem:$0x1C400] =	vst v63  }
0xce: {  	_ =	swait.ge [sflag:s30], $0x4000  }
0xcf: {  	[sflag:s30] =	ssyncset.done $0x0  }
0xd0: {  	[sflag:s30] =	ssyncadd.s32 $0xFFFFC000  }
0xd1: {  	[tilespmem:s23], [sflag:$0x2] =	stream.indirect.gather [hbm4b:s2+s22], $0x80, s31, s22, $0xb8;
	[tilespmem:$0x1C400] =	vst v63  }
0xd2: {  	_ =	swait.ge [sflag:s24], $0x4000  }
0xd3: {  	[sflag:s24] =	ssyncset.done $0x0  }
0xd4: {  	[sflag:s24] =	ssyncadd.s32 $0xFFFFC000  }
0xd5: {  	[spmem:s3] =	stream.indirect.scatter.add.f32 [tilespmem:s19], [sflag:$0x3], $0x80, s0, s22, $0xb8;
	[tilespmem:$0x1C400] =	vst v63  }
0xd6: {  	_ =	swait.ge [sflag:s25], $0x4000  }
0xd7: {  	[sflag:s25] =	ssyncset.done $0x0  }
0xd8: {  	[sflag:s25] =	ssyncadd.s32 $0xFFFFC000  }
0xd9: {  	[tilespmem:s19], [sflag:$0x1] =	stream.indirect.gather [hbm4b:s2+s22], $0x80, s1, s22, $0xb8;
	[tilespmem:$0x1C400] =	vst v63  }
0xda: {  	_ =	swait.ge [sflag:s28], $0x4000  }
0xdb: {  	[sflag:s28] =	ssyncset.done $0x0  }
0xdc: {  	[sflag:s28] =	ssyncadd.s32 $0xFFFFC000  }
0xdd: {  	[spmem:s3] =	stream.indirect.scatter.add.f32 [tilespmem:s23], [sflag:$0x4], $0x80, s5, s22, $0xb8;
	[tilespmem:$0x1C400] =	vst v63  }
0xde: {  	_ =	swait.ge [sflag:s30], $0x4000  }
0xdf: {  	[sflag:s30] =	ssyncset.done $0x0  }
0xe0: {  	[sflag:s30] =	ssyncadd.s32 $0xFFFFC000  }
0xe1: {  	[tilespmem:s23], [sflag:$0x2] =	stream.indirect.gather [hbm4b:s2+s22], $0x80, s11, s22, $0xb8;
	[tilespmem:$0x1C400] =	vst v63  }
0xe2: {  	_ =	swait.ge [sflag:s24], $0x4000  }
0xe3: {  	[sflag:s24] =	ssyncset.done $0x0  }
0xe4: {  	[sflag:s24] =	ssyncadd.s32 $0xFFFFC000  }
0xe5: {  	[spmem:s3] =	stream.indirect.scatter.add.f32 [tilespmem:s19], [sflag:$0x3], $0x80, s12, s22, $0xb8;
	[tilespmem:$0x1C400] =	vst v63  }
0xe6: {  	_ =	swait.ge [sflag:s25], $0x4000  }
0xe7: {  	[sflag:s25] =	ssyncset.done $0x0  }
0xe8: {  	[sflag:s25] =	ssyncadd.s32 $0xFFFFC000  }
0xe9: {  	[tilespmem:s19], [sflag:$0x1] =	stream.indirect.gather [hbm4b:s2+s22], $0x80, s13, s22, $0xb8;
	[tilespmem:$0x1C400] =	vst v63  }
0xea: {  	_ =	swait.ge [sflag:s28], $0x4000  }
0xeb: {  	[sflag:s28] =	ssyncset.done $0x0  }
0xec: {  	[sflag:s28] =	ssyncadd.s32 $0xFFFFC000  }
0xed: {  	[spmem:s3] =	stream.indirect.scatter.add.f32 [tilespmem:s23], [sflag:$0x4], $0x80, s14, s22, $0xb8;
	[tilespmem:$0x1C400] =	vst v63  }
0xee: {  	_ =	swait.ge [sflag:s30], $0x4000  }
0xef: {  	[sflag:s30] =	ssyncset.done $0x0  }
0xf0: {  	[sflag:s30] =	ssyncadd.s32 $0xFFFFC000  }
0xf1: {  	[tilespmem:s23], [sflag:$0x2] =	stream.indirect.gather [hbm4b:s2+s22], $0x80, s15, s22, $0xb8;
	[tilespmem:$0x1C400] =	vst v63  }
0xf2: {  	_ =	swait.ge [sflag:s24], $0x4000  }
0xf3: {  	[sflag:s24] =	ssyncset.done $0x0  }
0xf4: {  	[sflag:s24] =	ssyncadd.s32 $0xFFFFC000  }
0xf5: {  	[spmem:s3] =	stream.indirect.scatter.add.f32 [tilespmem:s19], [sflag:$0x3], $0x80, s16, s22, $0xb8;
	[tilespmem:$0x1C400] =	vst v63  }
0xf6: {  	_ =	swait.ge [sflag:s28], $0x4000  }
0xf7: {  	[sflag:s28] =	ssyncset.done $0x0  }
0xf8: {  	[sflag:s28] =	ssyncadd.s32 $0xFFFFC000  }
0xf9: {  	[spmem:s3] =	stream.indirect.scatter.add.f32 [tilespmem:s23], [sflag:$0x4], $0x80, s6, s22, $0xb8;
	[tilespmem:$0x1C400] =	vst v63  }
0xfa: {  	_ =	swait.ge [sflag:s25], $0x4000  }
0xfb: {  	[sflag:s25] =	ssyncset.done $0x0  }
0xfc: {  	[sflag:s25] =	ssyncadd.s32 $0xFFFFC000  }
0xfd: {  	_ =	swait.ge [sflag:s30], $0x4000  }
0xfe: {  	s8 =	simm.s32 $0x80;
	s10 =	simm.s32 $0x100;
	[sflag:s30] =	ssyncset.done $0x0  }
.LBB2_6:
0xff: {  	s7 =	sadd.s32 s8, s9;
	[sflag:s30] =	ssyncadd.s32 $0xFFFFC000  }
0x100: {  	[tilespmem:s4], [sflag:$0x5] =	stream.linear.gather [hbm4b:s7+s4], $0x400, $0x38;
	[tilespmem:$0x1C400] =	vst v63  }
0x101: {  	s17 =	smov.u32 s10;
	s9 =	sadd.s32 $0x80, s10;
	_ =	swait.ge [sflag:s20], $0x400  }
0x102: {  	p1 =	sne.s32 s10, $0x280;
	s10 =	rddreg [dreg:$0x5];
	[sflag:s20] =	ssyncset.done $0x0  }
0x103: {  	[sflag:s20] =	ssyncadd.s32 $0xFFFFFC00;
	s7 =	sadd.s32 s8, s10  }
0x104: {  	[tilespmem:s21], [sflag:$0x5] =	stream.linear.gather [hbm4b:s7+s4], $0x400, $0x38;
	[tilespmem:$0x1C400] =	vst v63  }
0x105: {  	_ =	swait.ge [sflag:s20], $0x400  }
0x106: {  	[sflag:s20] =	ssyncset.done $0x0  }
0x107: {  	[sflag:s20] =	ssyncadd.s32 $0xFFFFFC00  }
0x108: {  	[tilespmem:s19], [sflag:$0x1] =	stream.indirect.gather [hbm4b:s2+s22], $0x80, s4, s22, $0xb8;
	[tilespmem:$0x1C400] =	vst v63  }
0x109: {  	_ = 	snop  }
0x10a: {  	[tilespmem:s23], [sflag:$0x2] =	stream.indirect.gather [hbm4b:s2+s22], $0x80, s22, s22, $0xb8;
	[tilespmem:$0x1C400] =	vst v63  }
0x10b: {  	_ =	swait.ge [sflag:s24], $0x4000  }
0x10c: {  	[sflag:s24] =	ssyncset.done $0x0  }
0x10d: {  	[sflag:s24] =	ssyncadd.s32 $0xFFFFC000  }
0x10e: {  	[spmem:s3] =	stream.indirect.scatter.add.f32 [tilespmem:s19], [sflag:$0x3], $0x80, s21, s22, $0xb8;
	[tilespmem:$0x1C400] =	vst v63  }
0x10f: {  	_ =	swait.ge [sflag:s25], $0x4000  }
0x110: {  	[sflag:s25] =	ssyncset.done $0x0  }
0x111: {  	[sflag:s25] =	ssyncadd.s32 $0xFFFFC000  }
0x112: {  	[tilespmem:s19], [sflag:$0x1] =	stream.indirect.gather [hbm4b:s2+s22], $0x80, s26, s22, $0xb8;
	[tilespmem:$0x1C400] =	vst v63  }
0x113: {  	_ =	swait.ge [sflag:s28], $0x4000  }
0x114: {  	[sflag:s28] =	ssyncset.done $0x0  }
0x115: {  	[sflag:s28] =	ssyncadd.s32 $0xFFFFC000  }
0x116: {  	[spmem:s3] =	stream.indirect.scatter.add.f32 [tilespmem:s23], [sflag:$0x4], $0x80, s29, s22, $0xb8;
	[tilespmem:$0x1C400] =	vst v63  }
0x117: {  	_ =	swait.ge [sflag:s30], $0x4000  }
0x118: {  	[sflag:s30] =	ssyncset.done $0x0  }
0x119: {  	[sflag:s30] =	ssyncadd.s32 $0xFFFFC000  }
0x11a: {  	[tilespmem:s23], [sflag:$0x2] =	stream.indirect.gather [hbm4b:s2+s22], $0x80, s31, s22, $0xb8;
	[tilespmem:$0x1C400] =	vst v63  }
0x11b: {  	_ =	swait.ge [sflag:s24], $0x4000  }
0x11c: {  	[sflag:s24] =	ssyncset.done $0x0  }
0x11d: {  	[sflag:s24] =	ssyncadd.s32 $0xFFFFC000  }
0x11e: {  	[spmem:s3] =	stream.indirect.scatter.add.f32 [tilespmem:s19], [sflag:$0x3], $0x80, s0, s22, $0xb8;
	[tilespmem:$0x1C400] =	vst v63  }
0x11f: {  	_ =	swait.ge [sflag:s25], $0x4000  }
0x120: {  	[sflag:s25] =	ssyncset.done $0x0  }
0x121: {  	[sflag:s25] =	ssyncadd.s32 $0xFFFFC000  }
0x122: {  	[tilespmem:s19], [sflag:$0x1] =	stream.indirect.gather [hbm4b:s2+s22], $0x80, s1, s22, $0xb8;
	[tilespmem:$0x1C400] =	vst v63  }
0x123: {  	_ =	swait.ge [sflag:s28], $0x4000  }
0x124: {  	[sflag:s28] =	ssyncset.done $0x0  }
0x125: {  	[sflag:s28] =	ssyncadd.s32 $0xFFFFC000  }
0x126: {  	[spmem:s3] =	stream.indirect.scatter.add.f32 [tilespmem:s23], [sflag:$0x4], $0x80, s5, s22, $0xb8;
	[tilespmem:$0x1C400] =	vst v63  }
0x127: {  	_ =	swait.ge [sflag:s30], $0x4000  }
0x128: {  	[sflag:s30] =	ssyncset.done $0x0  }
0x129: {  	[sflag:s30] =	ssyncadd.s32 $0xFFFFC000  }
0x12a: {  	[tilespmem:s23], [sflag:$0x2] =	stream.indirect.gather [hbm4b:s2+s22], $0x80, s11, s22, $0xb8;
	[tilespmem:$0x1C400] =	vst v63  }
0x12b: {  	_ =	swait.ge [sflag:s24], $0x4000  }
0x12c: {  	[sflag:s24] =	ssyncset.done $0x0  }
0x12d: {  	[sflag:s24] =	ssyncadd.s32 $0xFFFFC000  }
0x12e: {  	[spmem:s3] =	stream.indirect.scatter.add.f32 [tilespmem:s19], [sflag:$0x3], $0x80, s12, s22, $0xb8;
	[tilespmem:$0x1C400] =	vst v63  }
0x12f: {  	_ =	swait.ge [sflag:s25], $0x4000  }
0x130: {  	[sflag:s25] =	ssyncset.done $0x0  }
0x131: {  	[sflag:s25] =	ssyncadd.s32 $0xFFFFC000  }
0x132: {  	[tilespmem:s19], [sflag:$0x1] =	stream.indirect.gather [hbm4b:s2+s22], $0x80, s13, s22, $0xb8;
	[tilespmem:$0x1C400] =	vst v63  }
0x133: {  	_ =	swait.ge [sflag:s28], $0x4000  }
0x134: {  	[sflag:s28] =	ssyncset.done $0x0  }
0x135: {  	[sflag:s28] =	ssyncadd.s32 $0xFFFFC000  }
0x136: {  	[spmem:s3] =	stream.indirect.scatter.add.f32 [tilespmem:s23], [sflag:$0x4], $0x80, s14, s22, $0xb8;
	[tilespmem:$0x1C400] =	vst v63  }
0x137: {  	_ =	swait.ge [sflag:s30], $0x4000  }
0x138: {  	[sflag:s30] =	ssyncset.done $0x0  }
0x139: {  	[sflag:s30] =	ssyncadd.s32 $0xFFFFC000  }
0x13a: {  	[tilespmem:s23], [sflag:$0x2] =	stream.indirect.gather [hbm4b:s2+s22], $0x80, s15, s22, $0xb8;
	[tilespmem:$0x1C400] =	vst v63  }
0x13b: {  	_ =	swait.ge [sflag:s24], $0x4000  }
0x13c: {  	[sflag:s24] =	ssyncset.done $0x0  }
0x13d: {  	[sflag:s24] =	ssyncadd.s32 $0xFFFFC000  }
0x13e: {  	[spmem:s3] =	stream.indirect.scatter.add.f32 [tilespmem:s19], [sflag:$0x3], $0x80, s16, s22, $0xb8;
	[tilespmem:$0x1C400] =	vst v63  }
0x13f: {  	_ =	swait.ge [sflag:s28], $0x4000  }
0x140: {  	[sflag:s28] =	ssyncset.done $0x0  }
0x141: {  	[sflag:s28] =	ssyncadd.s32 $0xFFFFC000  }
0x142: {  	[spmem:s3] =	stream.indirect.scatter.add.f32 [tilespmem:s23], [sflag:$0x4], $0x80, s6, s22, $0xb8;
	[tilespmem:$0x1C400] =	vst v63  }
.Ltmp3:
0x143: {  	_ =	swait.ge [sflag:s25], $0x4000;
	(pc) =	sbr.rel @p1 .LBB2_6-.Ltmp3, $4  }
0x144: {  	[sflag:s25] =	ssyncset.done $0x0  }
0x145: {  	[sflag:s25] =	ssyncadd.s32 $0xFFFFC000  }
0x146: {  	s8 =	smov.u32 s17;
	_ =	swait.ge [sflag:s30], $0x4000  }
0x147: {  	s10 =	smov.u32 s9;
	[sflag:s30] =	ssyncset.done $0x0;
	s9 =	rddreg [dreg:$0x6]  }
.Ltmp4:
0x148: {  	_ = 	snop;
	(pc) =	sbr.rel .LBB2_7-.Ltmp4, $1  }
0x149: {  	_ =	sdelay $0x3  }
.LBB2_2:
0x14a: {  	s8 =	sadd.s32 $0x0, s18  }
0x14b: {  	[tilespmem:s4], [sflag:$0x5] =	stream.linear.gather [hbm4b:s8+s4], $0x400, $0x38;
	[tilespmem:$0x1C400] =	vst v63  }
0x14c: {  	_ =	swait.ge [sflag:s20], $0x400  }
0x14d: {  	s17 =	rddreg [dreg:$0x4];
	[sflag:s20] =	ssyncset.done $0x0  }
0x14e: {  	[sflag:s20] =	ssyncadd.s32 $0xFFFFFC00;
	s8 =	sadd.s32 $0x0, s17  }
0x14f: {  	[tilespmem:s21], [sflag:$0x5] =	stream.linear.gather [hbm4b:s8+s4], $0x400, $0x38;
	[tilespmem:$0x1C400] =	vst v63  }
0x150: {  	_ =	swait.ge [sflag:s20], $0x400  }
0x151: {  	[sflag:s20] =	ssyncset.done $0x0  }
0x152: {  	[sflag:s20] =	ssyncadd.s32 $0xFFFFFC00  }
0x153: {  	[tilespmem:s19], [sflag:$0x1] =	stream.indirect.gather [hbm4b:s2+s22], $0x80, s4, s22, $0xb8;
	[tilespmem:$0x1C400] =	vst v63  }
0x154: {  	_ = 	snop  }
0x155: {  	[tilespmem:s23], [sflag:$0x2] =	stream.indirect.gather [hbm4b:s2+s22], $0x80, s22, s22, $0xb8;
	[tilespmem:$0x1C400] =	vst v63  }
0x156: {  	_ =	swait.ge [sflag:s24], $0x4000  }
0x157: {  	[sflag:s24] =	ssyncset.done $0x0  }
0x158: {  	[sflag:s24] =	ssyncadd.s32 $0xFFFFC000  }
0x159: {  	[spmem:s3] =	stream.indirect.scatter.add.f32 [tilespmem:s19], [sflag:$0x3], $0x80, s21, s22, $0xb8;
	[tilespmem:$0x1C400] =	vst v63  }
0x15a: {  	_ =	swait.ge [sflag:s25], $0x4000  }
0x15b: {  	[sflag:s25] =	ssyncset.done $0x0  }
0x15c: {  	[sflag:s25] =	ssyncadd.s32 $0xFFFFC000  }
0x15d: {  	[tilespmem:s19], [sflag:$0x1] =	stream.indirect.gather [hbm4b:s2+s22], $0x80, s26, s22, $0xb8;
	[tilespmem:$0x1C400] =	vst v63  }
0x15e: {  	_ =	swait.ge [sflag:s28], $0x4000  }
0x15f: {  	[sflag:s28] =	ssyncset.done $0x0  }
0x160: {  	[sflag:s28] =	ssyncadd.s32 $0xFFFFC000  }
0x161: {  	[spmem:s3] =	stream.indirect.scatter.add.f32 [tilespmem:s23], [sflag:$0x4], $0x80, s29, s22, $0xb8;
	[tilespmem:$0x1C400] =	vst v63  }
0x162: {  	_ =	swait.ge [sflag:s30], $0x4000  }
0x163: {  	[sflag:s30] =	ssyncset.done $0x0  }
0x164: {  	[sflag:s30] =	ssyncadd.s32 $0xFFFFC000  }
0x165: {  	[tilespmem:s23], [sflag:$0x2] =	stream.indirect.gather [hbm4b:s2+s22], $0x80, s31, s22, $0xb8;
	[tilespmem:$0x1C400] =	vst v63  }
0x166: {  	_ =	swait.ge [sflag:s24], $0x4000  }
0x167: {  	[sflag:s24] =	ssyncset.done $0x0  }
0x168: {  	[sflag:s24] =	ssyncadd.s32 $0xFFFFC000  }
0x169: {  	[spmem:s3] =	stream.indirect.scatter.add.f32 [tilespmem:s19], [sflag:$0x3], $0x80, s0, s22, $0xb8;
	[tilespmem:$0x1C400] =	vst v63  }
0x16a: {  	_ =	swait.ge [sflag:s25], $0x4000  }
0x16b: {  	[sflag:s25] =	ssyncset.done $0x0  }
0x16c: {  	[sflag:s25] =	ssyncadd.s32 $0xFFFFC000  }
0x16d: {  	[tilespmem:s19], [sflag:$0x1] =	stream.indirect.gather [hbm4b:s2+s22], $0x80, s1, s22, $0xb8;
	[tilespmem:$0x1C400] =	vst v63  }
0x16e: {  	_ =	swait.ge [sflag:s28], $0x4000  }
0x16f: {  	[sflag:s28] =	ssyncset.done $0x0  }
0x170: {  	[sflag:s28] =	ssyncadd.s32 $0xFFFFC000  }
0x171: {  	[spmem:s3] =	stream.indirect.scatter.add.f32 [tilespmem:s23], [sflag:$0x4], $0x80, s5, s22, $0xb8;
	[tilespmem:$0x1C400] =	vst v63  }
0x172: {  	_ =	swait.ge [sflag:s30], $0x4000  }
0x173: {  	[sflag:s30] =	ssyncset.done $0x0  }
0x174: {  	[sflag:s30] =	ssyncadd.s32 $0xFFFFC000  }
0x175: {  	[tilespmem:s23], [sflag:$0x2] =	stream.indirect.gather [hbm4b:s2+s22], $0x80, s11, s22, $0xb8;
	[tilespmem:$0x1C400] =	vst v63  }
0x176: {  	_ =	swait.ge [sflag:s24], $0x4000  }
0x177: {  	[sflag:s24] =	ssyncset.done $0x0  }
0x178: {  	[sflag:s24] =	ssyncadd.s32 $0xFFFFC000  }
0x179: {  	[spmem:s3] =	stream.indirect.scatter.add.f32 [tilespmem:s19], [sflag:$0x3], $0x80, s12, s22, $0xb8;
	[tilespmem:$0x1C400] =	vst v63  }
0x17a: {  	_ =	swait.ge [sflag:s25], $0x4000  }
0x17b: {  	[sflag:s25] =	ssyncset.done $0x0  }
0x17c: {  	[sflag:s25] =	ssyncadd.s32 $0xFFFFC000  }
0x17d: {  	[tilespmem:s19], [sflag:$0x1] =	stream.indirect.gather [hbm4b:s2+s22], $0x80, s13, s22, $0xb8;
	[tilespmem:$0x1C400] =	vst v63  }
0x17e: {  	_ =	swait.ge [sflag:s28], $0x4000  }
0x17f: {  	[sflag:s28] =	ssyncset.done $0x0  }
0x180: {  	[sflag:s28] =	ssyncadd.s32 $0xFFFFC000  }
0x181: {  	[spmem:s3] =	stream.indirect.scatter.add.f32 [tilespmem:s23], [sflag:$0x4], $0x80, s14, s22, $0xb8;
	[tilespmem:$0x1C400] =	vst v63  }
0x182: {  	_ =	swait.ge [sflag:s30], $0x4000  }
0x183: {  	[sflag:s30] =	ssyncset.done $0x0  }
0x184: {  	[sflag:s30] =	ssyncadd.s32 $0xFFFFC000  }
0x185: {  	[tilespmem:s23], [sflag:$0x2] =	stream.indirect.gather [hbm4b:s2+s22], $0x80, s15, s22, $0xb8;
	[tilespmem:$0x1C400] =	vst v63  }
0x186: {  	_ =	swait.ge [sflag:s24], $0x4000  }
0x187: {  	[sflag:s24] =	ssyncset.done $0x0  }
0x188: {  	[sflag:s24] =	ssyncadd.s32 $0xFFFFC000  }
0x189: {  	[spmem:s3] =	stream.indirect.scatter.add.f32 [tilespmem:s19], [sflag:$0x3], $0x80, s16, s22, $0xb8;
	[tilespmem:$0x1C400] =	vst v63  }
0x18a: {  	_ =	swait.ge [sflag:s28], $0x4000  }
0x18b: {  	[sflag:s28] =	ssyncset.done $0x0  }
0x18c: {  	[sflag:s28] =	ssyncadd.s32 $0xFFFFC000  }
0x18d: {  	[spmem:s3] =	stream.indirect.scatter.add.f32 [tilespmem:s23], [sflag:$0x4], $0x80, s6, s22, $0xb8;
	[tilespmem:$0x1C400] =	vst v63  }
0x18e: {  	_ =	swait.ge [sflag:s25], $0x4000  }
0x18f: {  	[sflag:s25] =	ssyncset.done $0x0  }
0x190: {  	[sflag:s25] =	ssyncadd.s32 $0xFFFFC000  }
0x191: {  	_ =	swait.ge [sflag:s30], $0x4000  }
0x192: {  	s9 =	simm.s32 $0x100;
	s8 =	simm.s32 $0x80;
	[sflag:s30] =	ssyncset.done $0x0  }
.LBB2_3:
0x193: {  	s7 =	sadd.s32 s8, s18;
	[sflag:s30] =	ssyncadd.s32 $0xFFFFC000  }
0x194: {  	[tilespmem:s4], [sflag:$0x5] =	stream.linear.gather [hbm4b:s7+s4], $0x400, $0x38;
	[tilespmem:$0x1C400] =	vst v63  }
0x195: {  	s17 =	smov.u32 s9;
	s10 =	sadd.s32 $0x80, s9;
	_ =	swait.ge [sflag:s20], $0x400  }
0x196: {  	p1 =	seq.s32 s9, $0x680;
	s9 =	rddreg [dreg:$0x4];
	[sflag:s20] =	ssyncset.done $0x0  }
0x197: {  	[sflag:s20] =	ssyncadd.s32 $0xFFFFFC00;
	s7 =	sadd.s32 s8, s9  }
0x198: {  	[tilespmem:s21], [sflag:$0x5] =	stream.linear.gather [hbm4b:s7+s4], $0x400, $0x38;
	[tilespmem:$0x1C400] =	vst v63  }
0x199: {  	_ =	swait.ge [sflag:s20], $0x400  }
0x19a: {  	[sflag:s20] =	ssyncset.done $0x0  }
0x19b: {  	[sflag:s20] =	ssyncadd.s32 $0xFFFFFC00  }
0x19c: {  	[tilespmem:s19], [sflag:$0x1] =	stream.indirect.gather [hbm4b:s2+s22], $0x80, s4, s22, $0xb8;
	[tilespmem:$0x1C400] =	vst v63  }
0x19d: {  	_ = 	snop  }
0x19e: {  	[tilespmem:s23], [sflag:$0x2] =	stream.indirect.gather [hbm4b:s2+s22], $0x80, s22, s22, $0xb8;
	[tilespmem:$0x1C400] =	vst v63  }
0x19f: {  	_ =	swait.ge [sflag:s24], $0x4000  }
0x1a0: {  	[sflag:s24] =	ssyncset.done $0x0  }
0x1a1: {  	[sflag:s24] =	ssyncadd.s32 $0xFFFFC000  }
0x1a2: {  	[spmem:s3] =	stream.indirect.scatter.add.f32 [tilespmem:s19], [sflag:$0x3], $0x80, s21, s22, $0xb8;
	[tilespmem:$0x1C400] =	vst v63  }
0x1a3: {  	_ =	swait.ge [sflag:s25], $0x4000  }
0x1a4: {  	[sflag:s25] =	ssyncset.done $0x0  }
0x1a5: {  	[sflag:s25] =	ssyncadd.s32 $0xFFFFC000  }
0x1a6: {  	[tilespmem:s19], [sflag:$0x1] =	stream.indirect.gather [hbm4b:s2+s22], $0x80, s26, s22, $0xb8;
	[tilespmem:$0x1C400] =	vst v63  }
0x1a7: {  	_ =	swait.ge [sflag:s28], $0x4000  }
0x1a8: {  	[sflag:s28] =	ssyncset.done $0x0  }
0x1a9: {  	[sflag:s28] =	ssyncadd.s32 $0xFFFFC000  }
0x1aa: {  	[spmem:s3] =	stream.indirect.scatter.add.f32 [tilespmem:s23], [sflag:$0x4], $0x80, s29, s22, $0xb8;
	[tilespmem:$0x1C400] =	vst v63  }
0x1ab: {  	_ =	swait.ge [sflag:s30], $0x4000  }
0x1ac: {  	[sflag:s30] =	ssyncset.done $0x0  }
0x1ad: {  	[sflag:s30] =	ssyncadd.s32 $0xFFFFC000  }
0x1ae: {  	[tilespmem:s23], [sflag:$0x2] =	stream.indirect.gather [hbm4b:s2+s22], $0x80, s31, s22, $0xb8;
	[tilespmem:$0x1C400] =	vst v63  }
0x1af: {  	_ =	swait.ge [sflag:s24], $0x4000  }
0x1b0: {  	[sflag:s24] =	ssyncset.done $0x0  }
0x1b1: {  	[sflag:s24] =	ssyncadd.s32 $0xFFFFC000  }
0x1b2: {  	[spmem:s3] =	stream.indirect.scatter.add.f32 [tilespmem:s19], [sflag:$0x3], $0x80, s0, s22, $0xb8;
	[tilespmem:$0x1C400] =	vst v63  }
0x1b3: {  	_ =	swait.ge [sflag:s25], $0x4000  }
0x1b4: {  	[sflag:s25] =	ssyncset.done $0x0  }
0x1b5: {  	[sflag:s25] =	ssyncadd.s32 $0xFFFFC000  }
0x1b6: {  	[tilespmem:s19], [sflag:$0x1] =	stream.indirect.gather [hbm4b:s2+s22], $0x80, s1, s22, $0xb8;
	[tilespmem:$0x1C400] =	vst v63  }
0x1b7: {  	_ =	swait.ge [sflag:s28], $0x4000  }
0x1b8: {  	[sflag:s28] =	ssyncset.done $0x0  }
0x1b9: {  	[sflag:s28] =	ssyncadd.s32 $0xFFFFC000  }
0x1ba: {  	[spmem:s3] =	stream.indirect.scatter.add.f32 [tilespmem:s23], [sflag:$0x4], $0x80, s5, s22, $0xb8;
	[tilespmem:$0x1C400] =	vst v63  }
0x1bb: {  	_ =	swait.ge [sflag:s30], $0x4000  }
0x1bc: {  	[sflag:s30] =	ssyncset.done $0x0  }
0x1bd: {  	[sflag:s30] =	ssyncadd.s32 $0xFFFFC000  }
0x1be: {  	[tilespmem:s23], [sflag:$0x2] =	stream.indirect.gather [hbm4b:s2+s22], $0x80, s11, s22, $0xb8;
	[tilespmem:$0x1C400] =	vst v63  }
0x1bf: {  	_ =	swait.ge [sflag:s24], $0x4000  }
0x1c0: {  	[sflag:s24] =	ssyncset.done $0x0  }
0x1c1: {  	[sflag:s24] =	ssyncadd.s32 $0xFFFFC000  }
0x1c2: {  	[spmem:s3] =	stream.indirect.scatter.add.f32 [tilespmem:s19], [sflag:$0x3], $0x80, s12, s22, $0xb8;
	[tilespmem:$0x1C400] =	vst v63  }
0x1c3: {  	_ =	swait.ge [sflag:s25], $0x4000  }
0x1c4: {  	[sflag:s25] =	ssyncset.done $0x0  }
0x1c5: {  	[sflag:s25] =	ssyncadd.s32 $0xFFFFC000  }
0x1c6: {  	[tilespmem:s19], [sflag:$0x1] =	stream.indirect.gather [hbm4b:s2+s22], $0x80, s13, s22, $0xb8;
	[tilespmem:$0x1C400] =	vst v63  }
0x1c7: {  	_ =	swait.ge [sflag:s28], $0x4000  }
0x1c8: {  	[sflag:s28] =	ssyncset.done $0x0  }
0x1c9: {  	[sflag:s28] =	ssyncadd.s32 $0xFFFFC000  }
0x1ca: {  	[spmem:s3] =	stream.indirect.scatter.add.f32 [tilespmem:s23], [sflag:$0x4], $0x80, s14, s22, $0xb8;
	[tilespmem:$0x1C400] =	vst v63  }
0x1cb: {  	_ =	swait.ge [sflag:s30], $0x4000  }
0x1cc: {  	[sflag:s30] =	ssyncset.done $0x0  }
0x1cd: {  	[sflag:s30] =	ssyncadd.s32 $0xFFFFC000  }
0x1ce: {  	[tilespmem:s23], [sflag:$0x2] =	stream.indirect.gather [hbm4b:s2+s22], $0x80, s15, s22, $0xb8;
	[tilespmem:$0x1C400] =	vst v63  }
0x1cf: {  	_ =	swait.ge [sflag:s24], $0x4000  }
0x1d0: {  	[sflag:s24] =	ssyncset.done $0x0  }
0x1d1: {  	[sflag:s24] =	ssyncadd.s32 $0xFFFFC000  }
0x1d2: {  	[spmem:s3] =	stream.indirect.scatter.add.f32 [tilespmem:s19], [sflag:$0x3], $0x80, s16, s22, $0xb8;
	[tilespmem:$0x1C400] =	vst v63  }
0x1d3: {  	_ =	swait.ge [sflag:s28], $0x4000  }
0x1d4: {  	[sflag:s28] =	ssyncset.done $0x0  }
0x1d5: {  	[sflag:s28] =	ssyncadd.s32 $0xFFFFC000  }
0x1d6: {  	[spmem:s3] =	stream.indirect.scatter.add.f32 [tilespmem:s23], [sflag:$0x4], $0x80, s6, s22, $0xb8;
	[tilespmem:$0x1C400] =	vst v63  }
.Ltmp5:
0x1d7: {  	_ =	swait.ge [sflag:s25], $0x4000;
	(pc) =	sbr.rel @!p1 .LBB2_3-.Ltmp5, $4  }
0x1d8: {  	[sflag:s25] =	ssyncset.done $0x0  }
0x1d9: {  	[sflag:s25] =	ssyncadd.s32 $0xFFFFC000  }
0x1da: {  	_ =	swait.ge [sflag:s30], $0x4000  }
0x1db: {  	s8 =	smov.u32 s17;
	s9 =	smov.u32 s10;
	[sflag:s30] =	ssyncset.done $0x0  }
0x1dc: {  	s7 =	sadd.s32 s8, s18;
	[sflag:s30] =	ssyncadd.s32 $0xFFFFC000  }
0x1dd: {  	[tilespmem:s4], [sflag:$0x5] =	stream.linear.gather [hbm4b:s7+s4], $0x400, $0x38;
	[tilespmem:$0x1C400] =	vst v63  }
0x1de: {  	_ =	swait.ge [sflag:s20], $0x400  }
0x1df: {  	s17 =	rddreg [dreg:$0x4];
	[sflag:s20] =	ssyncset.done $0x0  }
0x1e0: {  	s7 =	sadd.s32 s8, s17;
	[sflag:s20] =	ssyncadd.s32 $0xFFFFFC00  }
0x1e1: {  	[tilespmem:s21], [sflag:$0x5] =	stream.linear.gather [hbm4b:s7+s4], $0x400, $0x38;
	[tilespmem:$0x1C400] =	vst v63  }
0x1e2: {  	_ =	swait.ge [sflag:s20], $0x400  }
0x1e3: {  	[sflag:s20] =	ssyncset.done $0x0  }
0x1e4: {  	[sflag:s20] =	ssyncadd.s32 $0xFFFFFC00  }
0x1e5: {  	[tilespmem:s19], [sflag:$0x1] =	stream.indirect.gather [hbm4b:s2+s22], $0x80, s4, s22, $0xb8;
	[tilespmem:$0x1C400] =	vst v63  }
0x1e6: {  	_ = 	snop  }
0x1e7: {  	[tilespmem:s23], [sflag:$0x2] =	stream.indirect.gather [hbm4b:s2+s22], $0x80, s22, s22, $0xb8;
	[tilespmem:$0x1C400] =	vst v63  }
0x1e8: {  	_ =	swait.ge [sflag:s24], $0x4000  }
0x1e9: {  	[sflag:s24] =	ssyncset.done $0x0  }
0x1ea: {  	[sflag:s24] =	ssyncadd.s32 $0xFFFFC000  }
0x1eb: {  	[spmem:s3] =	stream.indirect.scatter.add.f32 [tilespmem:s19], [sflag:$0x3], $0x80, s21, s22, $0xb8;
	[tilespmem:$0x1C400] =	vst v63  }
0x1ec: {  	_ =	swait.ge [sflag:s25], $0x4000  }
0x1ed: {  	[sflag:s25] =	ssyncset.done $0x0  }
0x1ee: {  	[sflag:s25] =	ssyncadd.s32 $0xFFFFC000  }
0x1ef: {  	[tilespmem:s19], [sflag:$0x1] =	stream.indirect.gather [hbm4b:s2+s22], $0x80, s26, s22, $0xb8;
	[tilespmem:$0x1C400] =	vst v63  }
0x1f0: {  	_ =	swait.ge [sflag:s28], $0x4000  }
0x1f1: {  	[sflag:s28] =	ssyncset.done $0x0  }
0x1f2: {  	[sflag:s28] =	ssyncadd.s32 $0xFFFFC000  }
0x1f3: {  	[spmem:s3] =	stream.indirect.scatter.add.f32 [tilespmem:s23], [sflag:$0x4], $0x80, s29, s22, $0xb8;
	[tilespmem:$0x1C400] =	vst v63  }
0x1f4: {  	_ =	swait.ge [sflag:s30], $0x4000  }
0x1f5: {  	[sflag:s30] =	ssyncset.done $0x0  }
0x1f6: {  	[sflag:s30] =	ssyncadd.s32 $0xFFFFC000  }
0x1f7: {  	[tilespmem:s23], [sflag:$0x2] =	stream.indirect.gather [hbm4b:s2+s22], $0x80, s31, s22, $0xb8;
	[tilespmem:$0x1C400] =	vst v63  }
0x1f8: {  	_ =	swait.ge [sflag:s24], $0x4000  }
0x1f9: {  	[sflag:s24] =	ssyncset.done $0x0  }
0x1fa: {  	[sflag:s24] =	ssyncadd.s32 $0xFFFFC000  }
0x1fb: {  	[spmem:s3] =	stream.indirect.scatter.add.f32 [tilespmem:s19], [sflag:$0x3], $0x80, s0, s22, $0xb8;
	[tilespmem:$0x1C400] =	vst v63  }
0x1fc: {  	_ =	swait.ge [sflag:s25], $0x4000  }
0x1fd: {  	[sflag:s25] =	ssyncset.done $0x0  }
0x1fe: {  	[sflag:s25] =	ssyncadd.s32 $0xFFFFC000  }
0x1ff: {  	[tilespmem:s19], [sflag:$0x1] =	stream.indirect.gather [hbm4b:s2+s22], $0x80, s1, s22, $0xb8;
	[tilespmem:$0x1C400] =	vst v63  }
0x200: {  	_ =	swait.ge [sflag:s28], $0x4000  }
0x201: {  	[sflag:s28] =	ssyncset.done $0x0  }
0x202: {  	[sflag:s28] =	ssyncadd.s32 $0xFFFFC000  }
0x203: {  	[spmem:s3] =	stream.indirect.scatter.add.f32 [tilespmem:s23], [sflag:$0x4], $0x80, s5, s22, $0xb8;
	[tilespmem:$0x1C400] =	vst v63  }
0x204: {  	_ =	swait.ge [sflag:s30], $0x4000  }
0x205: {  	[sflag:s30] =	ssyncset.done $0x0  }
0x206: {  	[sflag:s30] =	ssyncadd.s32 $0xFFFFC000  }
0x207: {  	[tilespmem:s23], [sflag:$0x2] =	stream.indirect.gather [hbm4b:s2+s22], $0x80, s11, s22, $0xb8;
	[tilespmem:$0x1C400] =	vst v63  }
0x208: {  	_ =	swait.ge [sflag:s24], $0x4000  }
0x209: {  	[sflag:s24] =	ssyncset.done $0x0  }
0x20a: {  	[sflag:s24] =	ssyncadd.s32 $0xFFFFC000  }
0x20b: {  	[spmem:s3] =	stream.indirect.scatter.add.f32 [tilespmem:s19], [sflag:$0x3], $0x80, s12, s22, $0xb8;
	[tilespmem:$0x1C400] =	vst v63  }
0x20c: {  	_ =	swait.ge [sflag:s25], $0x4000  }
0x20d: {  	[sflag:s25] =	ssyncset.done $0x0  }
0x20e: {  	[sflag:s25] =	ssyncadd.s32 $0xFFFFC000  }
0x20f: {  	[tilespmem:s19], [sflag:$0x1] =	stream.indirect.gather [hbm4b:s2+s22], $0x80, s13, s22, $0xb8;
	[tilespmem:$0x1C400] =	vst v63  }
0x210: {  	_ =	swait.ge [sflag:s28], $0x4000  }
0x211: {  	[sflag:s28] =	ssyncset.done $0x0  }
0x212: {  	[sflag:s28] =	ssyncadd.s32 $0xFFFFC000  }
0x213: {  	[spmem:s3] =	stream.indirect.scatter.add.f32 [tilespmem:s23], [sflag:$0x4], $0x80, s14, s22, $0xb8;
	[tilespmem:$0x1C400] =	vst v63  }
0x214: {  	_ =	swait.ge [sflag:s30], $0x4000  }
0x215: {  	[sflag:s30] =	ssyncset.done $0x0  }
0x216: {  	[sflag:s30] =	ssyncadd.s32 $0xFFFFC000  }
0x217: {  	[tilespmem:s23], [sflag:$0x2] =	stream.indirect.gather [hbm4b:s2+s22], $0x80, s15, s22, $0xb8;
	[tilespmem:$0x1C400] =	vst v63  }
0x218: {  	_ =	swait.ge [sflag:s24], $0x4000  }
0x219: {  	[sflag:s24] =	ssyncset.done $0x0  }
0x21a: {  	[sflag:s24] =	ssyncadd.s32 $0xFFFFC000  }
0x21b: {  	[spmem:s3] =	stream.indirect.scatter.add.f32 [tilespmem:s19], [sflag:$0x3], $0x80, s16, s22, $0xb8;
	[tilespmem:$0x1C400] =	vst v63  }
0x21c: {  	_ =	swait.ge [sflag:s28], $0x4000  }
0x21d: {  	[sflag:s28] =	ssyncset.done $0x0  }
0x21e: {  	[sflag:s28] =	ssyncadd.s32 $0xFFFFC000  }
0x21f: {  	[spmem:s3] =	stream.indirect.scatter.add.f32 [tilespmem:s23], [sflag:$0x4], $0x80, s6, s22, $0xb8;
	[tilespmem:$0x1C400] =	vst v63  }
0x220: {  	_ =	swait.ge [sflag:s25], $0x4000  }
.Ltmp6:
0x221: {  	[sflag:s25] =	ssyncset.done $0x0;
	(pc) =	sbr.rel .LBB2_8-.Ltmp6, $4  }
0x222: {  	[sflag:s25] =	ssyncadd.s32 $0xFFFFC000  }
0x223: {  	_ =	swait.ge [sflag:s30], $0x4000  }
0x224: {  	[sflag:s30] =	ssyncset.done $0x0  }
0x225: {  	s17 =	rddreg [dreg:$0x13];
	[sflag:s30] =	ssyncadd.s32 $0xFFFFC000  }
.LBB2_9:
0x226: {  	_ =	sfence.sel $0x180000  }
0x227: {  	[bflag:$0x0] =	sbarrier.arrive $0xFFFF  }
0x228: {  	_ =	strace $0x9000004A  }
0x229: {  	s0 =	stileid.u32;
	[bflag:$0x2] =	sbarrier.arrive $0xFFFF  }
0x22a: {  	p0 =	sne.s32 s0, $0x0;
	s0 =	rddreg [dreg:$0x3]  }
0x22b: {  	s0 =	sadd.s32 @!p0 $0x100000, s0  }
0x22c: {  	[sflag:s0] =	ssyncadd.tile.s32 @!p0 $0x1;
	_ =	shalt  }
.Lfunc_end2:
_tile_overlayer_lowered:
.L_overlay_start_2:
0x22d: {  	(tag) =	ssettag $0x2  }
0x22e: {  	s0 =	rddreg [dreg:$0x0];
	s2 =	stileid.u32  }
0x22f: {  	s1 =	rddreg [dreg:$0x1];
	p0 =	sne.s32 s2, $0x0  }
0x230: {  	s3 =	rddreg [dreg:$0x2];
	[bflag:$0x3] =	sbarrier.arrive $0xFFFF;
	s2 =	simm.s32 @!p0 $0x1C05  }
0x231: {  	[timem:s3], [sflag:s2] =	dma.local @!p0 [hbm:s0], s1  }
0x232: {  	s0 =	simm.s32 @!p0 $0x5  }
0x233: {  	_ =	swait.ge @!p0 [sflag:s0], s1  }
0x234: {  	s1 =	ssub.s32 @!p0 $0x0, s1;
	[sflag:s0] =	ssyncset.done @!p0 $0x0  }
0x235: {  	[sflag:s0] =	ssyncadd.s32 @!p0 s1  }
0x236: {  	[bflag:$0x3] =	sbarrier.arrive $0xFFFF  }
0x237: {  	_ =	shalt  }

// kernel: kernel.14.cloned.1.call-start
scs
__scs_entry_jumppad:
0x0: {  	(pc) =	sbr.rel $0x88, $3  }
0x1: {  	(tag) =	ssettag $0x0;
	lr =	simm.s32 $0x1  }
0x2: {  	[smem:$0x3F97] =	sst lr;
	_ =	strace $0xD0000000  }
0x3: {  	_ = 	snop  }
0x4: {  	_ = 	snop  }
0x5: {  	_ = 	snop  }
0x6: {  	_ = 	snop  }
0x7: {  	_ = 	snop  }
__scs_overlays_trampoline_lowered:
0x8: {  	[smem:$0x3FA6] =	sst s0  }
0x9: {  	[smem:$0x3FA7] =	sst s1  }
0xa: {  	[smem:$0x3FA8] =	sst s2  }
0xb: {  	[smem:$0x3FA9] =	sst s3  }
0xc: {  	[smem:$0x3FAA] =	sst s4  }
0xd: {  	[smem:$0x3FAB] =	sst s5  }
0xe: {  	[smem:$0x3FAC] =	sst s6  }
0xf: {  	[smem:$0x3FAD] =	sst s7  }
0x10: {  	[smem:$0x3FAE] =	sst s8  }
0x11: {  	[smem:$0x3FAF] =	sst s9;
	s0 =	simm.s32 @!p0 $0x0  }
0x12: {  	s1 =	sld [smem:$0x3F95];
	s0 =	simm.s32 @p0 $0x1  }
0x13: {  	[smem:$0x3FB0] =	sst s0;
	s0 =	simm.s32 @!p1 $0x0  }
0x14: {  	s2 =	sld [smem:$0x3F94];
	s0 =	simm.s32 @p1 $0x1  }
0x15: {  	[smem:$0x3FB1] =	sst s0;
	s0 =	simm.s32 @!p2 $0x0  }
0x16: {  	s3 =	sld [smem:$0x3FDB];
	s0 =	simm.s32 @p2 $0x1  }
0x17: {  	s4 =	simm.s32 $0x1BF5;
	[smem:$0x3FB3] =	sst s0  }
0x18: {  	s0 =	sld [smem:$0x3F96];
	_ =	swait.ge [sflag:s4], $0x0  }
0x19: {  	s7 =	sld [smem:$0x3F97]  }
0x1a: {  	s8 =	sadd.s32 $0xFFFFE003, lr  }
0x1b: {  	s9 =	sadd.s32 $0xFFFFFEF7, lr;
	s5 =	simm.s32 $0xFFFFFFFF;
	p2 =	slt.u32 s8, $0xFFFFF086  }
0x1c: {  	p1 =	slt.u32 s9, $0xF7A;
	s5 =	simm.s32 @!p2 $0x0  }
0x1d: {  	s5 =	simm.s32 @p1 $0x1;
	p0 =	seq.s32 s7, s2  }
0x1e: {  	s7 =	smul.u32 @!p0 $0xF7A, s2;
	p2 =	seq.s32 @!p0 s5, $0x0  }
0x1f: {  	s9 =	smul.u32 $0xF7A, s1;
	s8 =	simm.s32 @!p0 $0x1BF5;
	p2 =	por !p2, p0  }
0x20: {  	[sflag:s8] =	ssyncset.s32 @!p0 $0xFFFFF086;
	s6 =	sadd.s32 @!p0 s3, s7;
	s7 =	simm.s32 @!p0 $0x108  }
0x21: {  	s3 =	sadd.s32 s3, s9;
	s6 =	sadd.s32 @!p0 $0x88, s6;
	s7 =	simm.s32 @p2 $0x1082  }
0x22: {  	[simem:s7], [sflag:s8] =	dma.local @!p0 [hbm:s6], $0xF7A  }
0x23: {  	s9 =	sor.u32 $0xD0000000, s2;
	s6 =	simm.s32 $0x108;
	_ =	swait.ge @!p0 [sflag:s8], $0x0  }
0x24: {  	s3 =	sadd.s32 $0x88, s3;
	s6 =	simm.s32 @!p1 $0x1082;
	[sflag:s4] =	ssyncset.s32 $0xFFFFF086  }
0x25: {  	[simem:s6], [sflag:s4] =	dma.local [hbm:s3], $0xF7A  }
0x26: {  	[smem:$0x3F97] =	sst s1;
	(tag) =	ssettag s2;
	_ =	strace s9  }
0x27: {  	s1 =	sld [smem:$0x3FA7]  }
0x28: {  	s2 =	sld [smem:$0x3FA8]  }
0x29: {  	s4 =	sld [smem:$0x3FAA]  }
0x2a: {  	p0 =	seq.s32 s5, $0x0;
	s5 =	sld [smem:$0x3FAB]  }
0x2b: {  	s6 =	sld [smem:$0x3FAC]  }
0x2c: {  	s7 =	sld [smem:$0x3FAD]  }
0x2d: {  	s3 =	simm.s32 $0x108;
	s8 =	sld [smem:$0x3FAE]  }
0x2e: {  	s3 =	simm.s32 @!p0 $0x1082;
	s9 =	sld [smem:$0x3FAF]  }
0x2f: {  	lr =	sadd.s32 s0, s3;
	s0 =	sld [smem:$0x3FA6]  }
0x30: {  	s3 =	sld [smem:$0x3FA9]  }
0x31: {  	[smem:$0x3FB2] =	sst s10  }
0x32: {  	s10 =	sld [smem:$0x3FB0];
	_ =	sdelay $0x3  }
0x33: {  	p0 =	seq.s32 s10, $0x1;
	s10 =	sld [smem:$0x3FB2];
	_ =	sdelay $0x3  }
0x34: {  	[smem:$0x3FB2] =	sst s10  }
0x35: {  	s10 =	sld [smem:$0x3FB1];
	_ =	sdelay $0x3  }
0x36: {  	p1 =	seq.s32 s10, $0x1;
	s10 =	sld [smem:$0x3FB2];
	_ =	sdelay $0x3  }
0x37: {  	[smem:$0x3FB2] =	sst s10  }
0x38: {  	s10 =	sld [smem:$0x3FB3]  }
0x39: {  	_ = 	snop;
	(pc) =	sbr.ind lr, $3  }
0x3a: {  	_ = 	snop  }
0x3b: {  	_ = 	snop  }
0x3c: {  	p2 =	seq.s32 s10, $0x1;
	s10 =	sld [smem:$0x3FB2]  }
0x3d: {  	_ =	shalt  }
0x3e: {  	_ =	shalt  }
0x3f: {  	_ =	shalt  }
0x40: {  	_ =	shalt  }
0x41: {  	_ =	shalt  }
0x42: {  	_ =	shalt  }
0x43: {  	_ =	shalt  }
0x44: {  	_ =	shalt  }
0x45: {  	_ =	shalt  }
0x46: {  	_ =	shalt  }
0x47: {  	_ =	shalt  }
0x48: {  	_ =	shalt  }
0x49: {  	_ =	shalt  }
0x4a: {  	_ =	shalt  }
0x4b: {  	_ =	shalt  }
0x4c: {  	_ =	shalt  }
0x4d: {  	_ =	shalt  }
0x4e: {  	_ =	shalt  }
0x4f: {  	_ =	shalt  }
0x50: {  	_ =	shalt  }
0x51: {  	_ =	shalt  }
0x52: {  	_ =	shalt  }
0x53: {  	_ =	shalt  }
0x54: {  	_ =	shalt  }
0x55: {  	_ =	shalt  }
0x56: {  	_ =	shalt  }
0x57: {  	_ =	shalt  }
0x58: {  	_ =	shalt  }
0x59: {  	_ =	shalt  }
0x5a: {  	_ =	shalt  }
0x5b: {  	_ =	shalt  }
0x5c: {  	_ =	shalt  }
0x5d: {  	_ =	shalt  }
0x5e: {  	_ =	shalt  }
0x5f: {  	_ =	shalt  }
0x60: {  	_ =	shalt  }
0x61: {  	_ =	shalt  }
0x62: {  	_ =	shalt  }
0x63: {  	_ =	shalt  }
0x64: {  	_ =	shalt  }
0x65: {  	_ =	shalt  }
0x66: {  	_ =	shalt  }
0x67: {  	_ =	shalt  }
0x68: {  	_ =	shalt  }
0x69: {  	_ =	shalt  }
0x6a: {  	_ =	shalt  }
0x6b: {  	_ =	shalt  }
0x6c: {  	_ =	shalt  }
0x6d: {  	_ =	shalt  }
0x6e: {  	_ =	shalt  }
0x6f: {  	_ =	shalt  }
0x70: {  	_ =	shalt  }
0x71: {  	_ =	shalt  }
0x72: {  	_ =	shalt  }
0x73: {  	_ =	shalt  }
0x74: {  	_ =	shalt  }
0x75: {  	_ =	shalt  }
0x76: {  	_ =	shalt  }
0x77: {  	_ =	shalt  }
0x78: {  	_ =	shalt  }
0x79: {  	_ =	shalt  }
0x7a: {  	_ =	shalt  }
0x7b: {  	_ =	shalt  }
0x7c: {  	_ =	shalt  }
0x7d: {  	_ =	shalt  }
0x7e: {  	_ =	shalt  }
0x7f: {  	_ =	shalt  }
0x80: {  	_ =	shalt  }
0x81: {  	_ =	shalt  }
0x82: {  	_ =	shalt  }
0x83: {  	_ =	shalt  }
0x84: {  	_ =	shalt  }
0x85: {  	_ =	shalt  }
0x86: {  	_ =	shalt  }
0x87: {  	_ =	shalt  }
.Lfunc_end0:
.L_simem_size_0:
called_computation.2_lowered:
.L_overlay_start_0:
0x88: {  	s2 =	sld [smem:$0x3FD9]  }
0x89: {  	s3 =	sld [smem:$0x3FFE];
	_ =	sdelay $0x1  }
0x8a: {  	s1 =	srdreg.scid  }
0x8b: {  	s0 =	sand.u32 $0x1, s1  }
0x8c: {  	s16 =	sshll.u32 s0, $0xA;
	s2 =	sadd.s32 s3, s2  }
0x8d: {  	s2 =	sadd.s32 s2, s16  }
0x8e: {  	[smem:$0x3FBE] =	sst s2  }
0x8f: {  	_ = 	snop  }
0x90: {  	(tm) =	ssettm $0x1  }
0x91: {  	s17 =	sld [smem:$0x3FFB];
	_ =	sdelay $0x3  }
0x92: {  	_ =	strace s17  }
0x93: {  	s2 =	sld [smem:$0x3FFC];
	_ =	sdelay $0x3  }
0x94: {  	_ =	strace s2  }
0x95: {  	s2 =	sld [smem:$0x3FFD];
	_ =	sdelay $0x3  }
0x96: {  	_ =	strace s2  }
0x97: {  	_ =	strace $0x8FFFFFFF  }
0x98: {  	s18 =	sld [smem:$0x3FDB];
	_ =	sdelay $0x1  }
0x99: {  	s19 =	simm.s32 $_scs_section_size  }
0x9a: {  	s4 =	simm.s32 $_size__tile_overlayer_lowered;
	s5 =	simm.s32 $_tile_overlayer_lowered  }
0x9b: {  	s22 =	simm.s32 $0x1BFF;
	s21 =	sshll.u32 s5, $0x1;
	s2 =	sadd.s32 s19, s18  }
0x9c: {  	s6 =	simm.s32 $0x0;
	s20 =	sshll.u32 s4, $0x1;
	s4 =	sadd.s32 s21, s2  }
0x9d: {  	[timem:s6], [sflag:s22] =	dma.local [hbm:s4], s20  }
0x9e: {  	_ =	swait.ge [sflag:s22], s20  }
0x9f: {  	s3 =	ssub.s32 $0x0, s20;
	[sflag:s22] =	ssyncset.done $0x0  }
0xa0: {  	[sflag:s22] =	ssyncadd.s32 s3;
	_ =	sdelay $0x1  }
0xa1: {  	s23 =	simm.s32 $0x1B8B  }
0xa2: {  	_ =	swait.ge [sflag:s23], $0x1  }
0xa3: {  	[sflag:s23] =	ssyncset.done $0x0  }
0xa4: {  	s25 =	simm.s32 $0x1B8E;
	s24 =	sld [smem:$0x3FFE];
	[sflag:s23] =	ssyncadd.s32 $0xFFFFFFFF  }
0xa5: {  	s26 =	simm.s32 $execute0_lowered;
	[smem:$0x3FD2] =	sst s25  }
0xa6: {  	s4 =	sshll.u32 s26, $0x1;
	_ =	strace $0x8000004C;
	[dreg:$0x1] =	wrdreg $0xFFFFFFFF  }
0xa7: {  	s28 =	simm.s32 $_size_execute0_lowered;
	s2 =	sadd.s32 s2, s4;
	[dreg:$0x0] =	wrdreg $0x0  }
0xa8: {  	s4 =	sshll.u32 s28, $0x1;
	[dreg:$0x2] =	wrdreg s2  }
0xa9: {  	[dreg:$0x3] =	wrdreg s4  }
0xaa: {  	[dreg:$0x4] =	wrdreg $0xC0  }
0xab: {  	_ =	task [dreg:s6], $0x5FFFF  }
0xac: {  	[dreg:$0x1] =	wrdreg $0xFFFFFFFF  }
0xad: {  	[dreg:$0x0] =	wrdreg $0x60  }
0xae: {  	[dreg:$0x2] =	wrdreg s24  }
0xaf: {  	[dreg:$0x3] =	wrdreg $0x88000  }
0xb0: {  	[dreg:$0x4] =	wrdreg $0x9  }
0xb1: {  	_ =	task.clear_ibuf [dreg:s6], $0x5FFFF;
	_ =	strace $0x9000004C  }
0xb2: {  	s29 =	simm.s32 $0x9;
	_ =	strace $0x8000004E  }
0xb3: {  	_ =	swait.ge [sflag:s29], $0x1  }
0xb4: {  	[sflag:s29] =	ssyncadd.s32 $0xFFFFFFFF  }
0xb5: {  	_ =	strace $0x9000004E  }
0xb6: {  	_ =	sfence  }
0xb7: {  	s30 =	sld [smem:$0x0];
	_ =	sdelay $0x2  }
0xb8: {  	s31 =	sshll.u32 s1, $0xD;
	s1 =	sshrl.u32 s1, $0x2  }
0xb9: {  	s3 =	sand.u32 $0x4000, s31;
	s1 =	sadd.s32 s1, s30  }
0xba: {  	s0 =	sor.u32 s3, s0;
	s1 =	sshll.u32 s1, $0x11  }
0xbb: {  	s0 =	sor.u32 s1, s0  }
0xbc: {  	s0 =	sadd.s32 $0x8F2B, s0  }
0xbd: {  	[sflag:s0] =	ssyncadd.remote.s32 $0x1  }
0xbe: {  	_ =	sfence.sel $0xFFFF  }
0xbf: {  	[dreg:$0x0] =	wrdreg $0xFFFFFFFF;
	(pc) =	sbr.abs _section_cstart, $3  }
0xc0: {  	[dreg:$0x1] =	wrdreg $0xFFFFFFFF  }
0xc1: {  	_ =	task.clear_ibuf [dreg:s6], $0x2FFFF;
	_ =	strace $0x9FFFFFFF  }
0xc2: {  	(tm) =	ssettm $0x7FFFFFFF  }
0xc3: {  	_ =	shalt  }
tec
execute0_lowered:
.L_overlay_start_1:
0x0: {  	(tag) =	ssettag $0x1  }
0x1: {  	s0 =	rddreg [dreg:$0x0]  }
0x2: {  	s2 =	rddreg [dreg:$0x1]  }
0x3: {  	s3 =	simm.s32 $0x0;
	s9 =	stileid.u32;
	s6 =	srdreg.scid  }
0x4: {  	s28 =	simm.s32 $0x2;
	s29 =	simm.s32 $0x480;
	s1 =	smul.u32 $0x700, s9  }
0x5: {  	s30 =	simm.s32 $0x4;
	s31 =	simm.s32 $0x180;
	s5 =	smul.u32 $0x300, s9  }
0x6: {  	[smem:$0x7FF] =	sst s3;
	s4 =	sadd.s32 $0x20800, s0;
	s7 =	smul.u32 $0x4F000, s9  }
0x7: {  	s6 =	sand.u32 $0x1, s6;
	s8 =	sadd.s32 $0x20000, s0;
	s9 =	smul.u32 $0x13C00, s9  }
0x8: {  	_ =	strace $0x8000004D;
	[dreg:$0x6] =	wrdreg s8;
	s23 =	ssub.s32 $0x2, s6  }
0x9: {  	s11 =	smul.u32 $0x13C000, s6;
	p0 =	seq.s32 s6, $0x1;
	s1 =	sadd.s32 s1, s0  }
0xa: {  	s5 =	sadd.s32 s5, s0;
	s0 =	sadd.s32 $0x47A00, s0;
	s10 =	sshrl.u32 s23, $0x1  }
0xb: {  	s7 =	sshrl.u32 s7, $0x2;
	s24 =	sadd.s32 $0x4000, s9;
	s25 =	sadd.s32 $0x8000, s9  }
0xc: {  	s26 =	sadd.s32 $0xC000, s9;
	s13 =	sadd.s32 $0x10000, s9;
	s8 =	ssub.s32 s23, s10  }
0xd: {  	s7 =	sadd.s32 s7, s2;
	s14 =	sadd.s32 s24, s2;
	s12 =	sadd.s32 s25, s2  }
0xe: {  	s16 =	sadd.s32 s26, s2;
	s15 =	sadd.s32 s13, s2;
	s9 =	sadd.s32 s9, s11  }
0xf: {  	s18 =	sadd.s32 s11, s25;
	s20 =	sadd.s32 s11, s26;
	[dreg:$0x7] =	wrdreg s7  }
0x10: {  	s22 =	sadd.s32 s11, s13;
	s25 =	sadd.s32 $0x10000, s5;
	[dreg:$0x9] =	wrdreg s12  }
0x11: {  	s13 =	simm.s32 $0x300;
	[dreg:$0xb] =	wrdreg s15;
	s15 =	sshrl.u32 s9, $0x3  }
0x12: {  	s7 =	sadd.s32 s11, s24;
	s10 =	smov.u32 s16;
	s19 =	sshrl.u32 s18, $0x3  }
0x13: {  	s21 =	sshrl.u32 s20, $0x3;
	s23 =	sshrl.u32 s22, $0x3;
	s24 =	sadd.s32 $0x2000, s1  }
0x14: {  	s26 =	smax.u32 s8, $0x1;
	s8 =	smov.u32 s14;
	s18 =	sadd.s32 $0x9000, s1  }
0x15: {  	[dreg:$0x4] =	wrdreg s25;
	s20 =	simm.s32 $0x5;
	s22 =	simm.s32 $0x80  }
0x16: {  	s25 =	simm.s32 $0x3;
	s1 =	simm.s32 $0x200;
	[dreg:$0x3] =	wrdreg s24  }
0x17: {  	s11 =	simm.s32 $0x280;
	s12 =	simm.s32 $0x600;
	[dreg:$0x11] =	wrdreg s26  }
0x18: {  	s14 =	simm.s32 $0x680;
	s16 =	simm.s32 $0x700;
	s9 =	rddreg [dreg:$0xb]  }
0x19: {  	s6 =	sadd.s32 s0, s15;
	s17 =	sshrl.u32 s7, $0x3;
	[dreg:$0x8] =	wrdreg s8  }
0x1a: {  	s7 =	sadd.s32 $0x13000, s5;
	s24 =	simm.s32 $0x1;
	[dreg:$0xa] =	wrdreg s10  }
0x1b: {  	s26 =	simm.s32 $0x100;
	s5 =	simm.s32 $0x580;
	[dreg:$0xc] =	wrdreg s6  }
0x1c: {  	s15 =	simm.s32 $0x380;
	s6 =	sadd.s32 s0, s17;
	[dreg:$0x5] =	wrdreg s7  }
.Ltmp0:
0x1d: {  	s17 =	simm.s32 $0x0;
	s9 =	smov.u32 s9;
	(pc) =	sbr.rel .LBB2_1-.Ltmp0, $4  }
0x1e: {  	[dreg:$0xd] =	wrdreg s6;
	s6 =	sadd.s32 s0, s19;
	s19 =	simm.s32 $0x800  }
0x1f: {  	[dreg:$0xe] =	wrdreg s6;
	s6 =	sadd.s32 s0, s21;
	s0 =	sadd.s32 s0, s23  }
0x20: {  	s21 =	simm.s32 $0x400;
	s23 =	simm.s32 $0x4800;
	[dreg:$0xf] =	wrdreg s6  }
0x21: {  	[dreg:$0x10] =	wrdreg s0;
	s0 =	simm.s32 $0x500;
	s6 =	simm.s32 $0x780  }
.LBB2_7:
0x22: {  	s7 =	sadd.s32 s8, s9;
	[sflag:s30] =	ssyncadd.s32 $0xFFFFC000  }
0x23: {  	[tilespmem:s3], [sflag:$0x5] =	stream.linear.gather [hbm4b:s7+s3], $0x400, $0x38;
	[tilespmem:$0x1C400] =	vst v63  }
0x24: {  	_ =	swait.ge [sflag:s20], $0x400  }
0x25: {  	s17 =	rddreg [dreg:$0x4];
	[sflag:s20] =	ssyncset.done $0x0  }
0x26: {  	s7 =	sadd.s32 s8, s17;
	[sflag:s20] =	ssyncadd.s32 $0xFFFFFC00  }
0x27: {  	[tilespmem:s21], [sflag:$0x5] =	stream.linear.gather [hbm4b:s7+s3], $0x400, $0x38;
	[tilespmem:$0x1C400] =	vst v63  }
0x28: {  	_ =	swait.ge [sflag:s20], $0x400  }
0x29: {  	[sflag:s20] =	ssyncset.done $0x0  }
0x2a: {  	[sflag:s20] =	ssyncadd.s32 $0xFFFFFC00  }
0x2b: {  	[tilespmem:s19], [sflag:$0x1] =	stream.indirect.gather [hbm4b:s4+s22], $0x80, s3, s22, $0xb8;
	[tilespmem:$0x1C400] =	vst v63  }
0x2c: {  	_ = 	snop  }
0x2d: {  	[tilespmem:s23], [sflag:$0x2] =	stream.indirect.gather [hbm4b:s4+s22], $0x80, s22, s22, $0xb8;
	[tilespmem:$0x1C400] =	vst v63  }
0x2e: {  	_ =	swait.ge [sflag:s24], $0x4000  }
0x2f: {  	[sflag:s24] =	ssyncset.done $0x0  }
0x30: {  	[sflag:s24] =	ssyncadd.s32 $0xFFFFC000  }
0x31: {  	[spmem:s2] =	stream.indirect.scatter.add.f32 [tilespmem:s19], [sflag:$0x3], $0x80, s21, s22, $0xb8;
	[tilespmem:$0x1C400] =	vst v63  }
0x32: {  	_ =	swait.ge [sflag:s25], $0x4000  }
0x33: {  	[sflag:s25] =	ssyncset.done $0x0  }
0x34: {  	[sflag:s25] =	ssyncadd.s32 $0xFFFFC000  }
0x35: {  	[tilespmem:s19], [sflag:$0x1] =	stream.indirect.gather [hbm4b:s4+s22], $0x80, s26, s22, $0xb8;
	[tilespmem:$0x1C400] =	vst v63  }
0x36: {  	_ =	swait.ge [sflag:s28], $0x4000  }
0x37: {  	[sflag:s28] =	ssyncset.done $0x0  }
0x38: {  	[sflag:s28] =	ssyncadd.s32 $0xFFFFC000  }
0x39: {  	[spmem:s2] =	stream.indirect.scatter.add.f32 [tilespmem:s23], [sflag:$0x4], $0x80, s29, s22, $0xb8;
	[tilespmem:$0x1C400] =	vst v63  }
0x3a: {  	_ =	swait.ge [sflag:s30], $0x4000  }
0x3b: {  	[sflag:s30] =	ssyncset.done $0x0  }
0x3c: {  	[sflag:s30] =	ssyncadd.s32 $0xFFFFC000  }
0x3d: {  	[tilespmem:s23], [sflag:$0x2] =	stream.indirect.gather [hbm4b:s4+s22], $0x80, s31, s22, $0xb8;
	[tilespmem:$0x1C400] =	vst v63  }
0x3e: {  	_ =	swait.ge [sflag:s24], $0x4000  }
0x3f: {  	[sflag:s24] =	ssyncset.done $0x0  }
0x40: {  	[sflag:s24] =	ssyncadd.s32 $0xFFFFC000  }
0x41: {  	[spmem:s2] =	stream.indirect.scatter.add.f32 [tilespmem:s19], [sflag:$0x3], $0x80, s0, s22, $0xb8;
	[tilespmem:$0x1C400] =	vst v63  }
0x42: {  	_ =	swait.ge [sflag:s25], $0x4000  }
0x43: {  	[sflag:s25] =	ssyncset.done $0x0  }
0x44: {  	[sflag:s25] =	ssyncadd.s32 $0xFFFFC000  }
0x45: {  	[tilespmem:s19], [sflag:$0x1] =	stream.indirect.gather [hbm4b:s4+s22], $0x80, s1, s22, $0xb8;
	[tilespmem:$0x1C400] =	vst v63  }
0x46: {  	_ =	swait.ge [sflag:s28], $0x4000  }
0x47: {  	[sflag:s28] =	ssyncset.done $0x0  }
0x48: {  	[sflag:s28] =	ssyncadd.s32 $0xFFFFC000  }
0x49: {  	[spmem:s2] =	stream.indirect.scatter.add.f32 [tilespmem:s23], [sflag:$0x4], $0x80, s5, s22, $0xb8;
	[tilespmem:$0x1C400] =	vst v63  }
0x4a: {  	_ =	swait.ge [sflag:s30], $0x4000  }
0x4b: {  	[sflag:s30] =	ssyncset.done $0x0  }
0x4c: {  	[sflag:s30] =	ssyncadd.s32 $0xFFFFC000  }
0x4d: {  	[tilespmem:s23], [sflag:$0x2] =	stream.indirect.gather [hbm4b:s4+s22], $0x80, s11, s22, $0xb8;
	[tilespmem:$0x1C400] =	vst v63  }
0x4e: {  	_ =	swait.ge [sflag:s24], $0x4000  }
0x4f: {  	[sflag:s24] =	ssyncset.done $0x0  }
0x50: {  	[sflag:s24] =	ssyncadd.s32 $0xFFFFC000  }
0x51: {  	[spmem:s2] =	stream.indirect.scatter.add.f32 [tilespmem:s19], [sflag:$0x3], $0x80, s12, s22, $0xb8;
	[tilespmem:$0x1C400] =	vst v63  }
0x52: {  	_ =	swait.ge [sflag:s25], $0x4000  }
0x53: {  	[sflag:s25] =	ssyncset.done $0x0  }
0x54: {  	[sflag:s25] =	ssyncadd.s32 $0xFFFFC000  }
0x55: {  	[tilespmem:s19], [sflag:$0x1] =	stream.indirect.gather [hbm4b:s4+s22], $0x80, s13, s22, $0xb8;
	[tilespmem:$0x1C400] =	vst v63  }
0x56: {  	_ =	swait.ge [sflag:s28], $0x4000  }
0x57: {  	[sflag:s28] =	ssyncset.done $0x0  }
0x58: {  	[sflag:s28] =	ssyncadd.s32 $0xFFFFC000  }
0x59: {  	[spmem:s2] =	stream.indirect.scatter.add.f32 [tilespmem:s23], [sflag:$0x4], $0x80, s14, s22, $0xb8;
	[tilespmem:$0x1C400] =	vst v63  }
0x5a: {  	_ =	swait.ge [sflag:s30], $0x4000  }
0x5b: {  	[sflag:s30] =	ssyncset.done $0x0  }
0x5c: {  	[sflag:s30] =	ssyncadd.s32 $0xFFFFC000  }
0x5d: {  	[tilespmem:s23], [sflag:$0x2] =	stream.indirect.gather [hbm4b:s4+s22], $0x80, s15, s22, $0xb8;
	[tilespmem:$0x1C400] =	vst v63  }
0x5e: {  	_ =	swait.ge [sflag:s24], $0x4000  }
0x5f: {  	[sflag:s24] =	ssyncset.done $0x0  }
0x60: {  	[sflag:s24] =	ssyncadd.s32 $0xFFFFC000  }
0x61: {  	[spmem:s2] =	stream.indirect.scatter.add.f32 [tilespmem:s19], [sflag:$0x3], $0x80, s16, s22, $0xb8;
	[tilespmem:$0x1C400] =	vst v63  }
0x62: {  	_ =	swait.ge [sflag:s28], $0x4000  }
0x63: {  	[sflag:s28] =	ssyncset.done $0x0  }
0x64: {  	[sflag:s28] =	ssyncadd.s32 $0xFFFFC000  }
0x65: {  	[spmem:s2] =	stream.indirect.scatter.add.f32 [tilespmem:s23], [sflag:$0x4], $0x80, s6, s22, $0xb8;
	[tilespmem:$0x1C400] =	vst v63  }
0x66: {  	_ =	swait.ge [sflag:s25], $0x4000  }
0x67: {  	[sflag:s25] =	ssyncset.done $0x0  }
0x68: {  	[sflag:s25] =	ssyncadd.s32 $0xFFFFC000  }
0x69: {  	_ =	swait.ge [sflag:s30], $0x4000  }
0x6a: {  	[sflag:s30] =	ssyncset.done $0x0  }
0x6b: {  	s17 =	rddreg [dreg:$0x12];
	[sflag:s30] =	ssyncadd.s32 $0xFFFFC000  }
.LBB2_8:
0x6c: {  	[bflag:$0x0] =	sbarrier.arrive $0xFFFF  }
0x6d: {  	s7 =	rddreg [dreg:$0x7]  }
0x6e: {  	[tilespmem:s19], [sflag:$0x5] =	stream.linear.gather [spmem:s7], $0x4000, $0x38;
	[tilespmem:$0x1C400] =	vst v63  }
0x6f: {  	_ =	swait.ge [sflag:s20], $0x4000  }
0x70: {  	[sflag:s20] =	ssyncset.done $0x0  }
0x71: {  	s9 =	rddreg [dreg:$0xc];
	[sflag:s20] =	ssyncadd.s32 $0xFFFFC000  }
0x72: {  	[hbm4b:s9+s3] =	stream.linear.scatter [tilespmem:s19], [sflag:$0x5], $0x4000, $0x38;
	[tilespmem:$0x1C400] =	vst v63  }
0x73: {  	_ =	swait.ge [sflag:s20], $0x4000  }
0x74: {  	[sflag:s20] =	ssyncset.done $0x0  }
0x75: {  	s8 =	rddreg [dreg:$0x8];
	[sflag:s20] =	ssyncadd.s32 $0xFFFFC000  }
0x76: {  	[tilespmem:s19], [sflag:$0x5] =	stream.linear.gather [spmem:s8], $0x4000, $0x38;
	[tilespmem:$0x1C400] =	vst v63  }
0x77: {  	_ =	swait.ge [sflag:s20], $0x4000  }
0x78: {  	[sflag:s20] =	ssyncset.done $0x0  }
0x79: {  	s10 =	rddreg [dreg:$0xd];
	[sflag:s20] =	ssyncadd.s32 $0xFFFFC000  }
0x7a: {  	[hbm4b:s10+s3] =	stream.linear.scatter [tilespmem:s19], [sflag:$0x5], $0x4000, $0x38;
	[tilespmem:$0x1C400] =	vst v63  }
0x7b: {  	_ =	swait.ge [sflag:s20], $0x4000  }
0x7c: {  	[sflag:s20] =	ssyncset.done $0x0  }
0x7d: {  	s9 =	rddreg [dreg:$0x9];
	[sflag:s20] =	ssyncadd.s32 $0xFFFFC000  }
0x7e: {  	[tilespmem:s19], [sflag:$0x5] =	stream.linear.gather [spmem:s9], $0x4000, $0x38;
	[tilespmem:$0x1C400] =	vst v63  }
0x7f: {  	_ =	swait.ge [sflag:s20], $0x4000  }
0x80: {  	[sflag:s20] =	ssyncset.done $0x0  }
0x81: {  	s10 =	rddreg [dreg:$0xe];
	[sflag:s20] =	ssyncadd.s32 $0xFFFFC000  }
0x82: {  	[hbm4b:s10+s3] =	stream.linear.scatter [tilespmem:s19], [sflag:$0x5], $0x4000, $0x38;
	[tilespmem:$0x1C400] =	vst v63  }
0x83: {  	_ =	swait.ge [sflag:s20], $0x4000  }
0x84: {  	[sflag:s20] =	ssyncset.done $0x0  }
0x85: {  	s10 =	rddreg [dreg:$0xa];
	[sflag:s20] =	ssyncadd.s32 $0xFFFFC000  }
0x86: {  	[tilespmem:s19], [sflag:$0x5] =	stream.linear.gather [spmem:s10], $0x4000, $0x38;
	[tilespmem:$0x1C400] =	vst v63  }
0x87: {  	_ =	swait.ge [sflag:s20], $0x4000  }
0x88: {  	[sflag:s20] =	ssyncset.done $0x0  }
0x89: {  	s9 =	rddreg [dreg:$0xf];
	[sflag:s20] =	ssyncadd.s32 $0xFFFFC000  }
0x8a: {  	[hbm4b:s9+s3] =	stream.linear.scatter [tilespmem:s19], [sflag:$0x5], $0x4000, $0x38;
	[tilespmem:$0x1C400] =	vst v63  }
0x8b: {  	_ =	swait.ge [sflag:s20], $0x4000  }
0x8c: {  	[sflag:s20] =	ssyncset.done $0x0  }
0x8d: {  	s7 =	rddreg [dreg:$0xb];
	[sflag:s20] =	ssyncadd.s32 $0xFFFFC000  }
0x8e: {  	[tilespmem:s19], [sflag:$0x5] =	stream.linear.gather [spmem:s7], $0x3C00, $0x38;
	[tilespmem:$0x1C400] =	vst v63  }
0x8f: {  	_ =	swait.ge [sflag:s20], $0x3C00  }
0x90: {  	[sflag:s20] =	ssyncset.done $0x0  }
0x91: {  	s9 =	smov.u32 s7;
	s7 =	rddreg [dreg:$0x10];
	[sflag:s20] =	ssyncadd.s32 $0xFFFFC400  }
0x92: {  	[hbm4b:s7+s3] =	stream.linear.scatter [tilespmem:s19], [sflag:$0x5], $0x3C00, $0x38;
	[tilespmem:$0x1C400] =	vst v63  }
0x93: {  	_ =	swait.ge [sflag:s20], $0x3C00  }
0x94: {  	s17 =	sadd.s32 $0x1, s17;
	s7 =	rddreg [dreg:$0x11]  }
0x95: {  	p1 =	sne.s32 s17, s7  }
.Ltmp1:
0x96: {  	_ = 	snop;
	(pc) =	sbr.rel @!p1 .LBB2_9-.Ltmp1, $3  }
0x97: {  	_ =	sdelay $0x1  }
0x98: {  	[sflag:s20] =	ssyncset.done $0x0  }
0x99: {  	[sflag:s20] =	ssyncadd.s32 $0xFFFFC400  }
.LBB2_1:
0x9a: {  	[dreg:$0x12] =	wrdreg s17  }
0x9b: {  	s7 =	rddreg [dreg:$0x6]  }
0x9c: {  	[tilespmem:s19], [sflag:$0x5] =	stream.linear.gather [hbm4b:s7+s3], $0x4000, $0x38;
	[tilespmem:$0x1C400] =	vst v63  }
0x9d: {  	_ =	swait.ge [sflag:s20], $0x4000  }
0x9e: {  	[sflag:s20] =	ssyncset.done $0x0  }
0x9f: {  	s17 =	rddreg [dreg:$0x7];
	[sflag:s20] =	ssyncadd.s32 $0xFFFFC000  }
0xa0: {  	[spmem:s17] =	stream.linear.scatter [tilespmem:s19], [sflag:$0x5], $0x4000, $0x38;
	[tilespmem:$0x1C400] =	vst v63  }
0xa1: {  	_ =	swait.ge [sflag:s20], $0x4000  }
0xa2: {  	[sflag:s20] =	ssyncset.done $0x0  }
0xa3: {  	[sflag:s20] =	ssyncadd.s32 $0xFFFFC000  }
0xa4: {  	[spmem:s8] =	stream.linear.scatter [tilespmem:s19], [sflag:$0x5], $0x4000, $0x38;
	[tilespmem:$0x1C400] =	vst v63  }
0xa5: {  	_ =	swait.ge [sflag:s20], $0x4000  }
0xa6: {  	[sflag:s20] =	ssyncset.done $0x0  }
0xa7: {  	s17 =	rddreg [dreg:$0x9];
	[sflag:s20] =	ssyncadd.s32 $0xFFFFC000  }
0xa8: {  	[spmem:s17] =	stream.linear.scatter [tilespmem:s19], [sflag:$0x5], $0x4000, $0x38;
	[tilespmem:$0x1C400] =	vst v63  }
0xa9: {  	_ =	swait.ge [sflag:s20], $0x4000  }
0xaa: {  	[sflag:s20] =	ssyncset.done $0x0  }
0xab: {  	[sflag:s20] =	ssyncadd.s32 $0xFFFFC000  }
0xac: {  	[spmem:s10] =	stream.linear.scatter [tilespmem:s19], [sflag:$0x5], $0x4000, $0x38;
	[tilespmem:$0x1C400] =	vst v63  }
0xad: {  	_ =	swait.ge [sflag:s20], $0x4000  }
0xae: {  	[sflag:s20] =	ssyncset.done $0x0  }
0xaf: {  	[sflag:s20] =	ssyncadd.s32 $0xFFFFC000  }
0xb0: {  	[spmem:s9] =	stream.linear.scatter [tilespmem:s19], [sflag:$0x5], $0x3C00, $0x38;
	[tilespmem:$0x1C400] =	vst v63  }
.Ltmp2:
0xb1: {  	_ =	swait.ge [sflag:s20], $0x3C00;
	(pc) =	sbr.rel @!p0 .LBB2_2-.Ltmp2, $3  }
0xb2: {  	[sflag:s20] =	ssyncset.done $0x0  }
0xb3: {  	[sflag:s20] =	ssyncadd.s32 $0xFFFFC400  }
0xb4: {  	[bflag:$0x0] =	sbarrier.arrive $0xFFFF;
	_ =	sdelay $0x1  }
0xb5: {  	s9 =	rddreg [dreg:$0x5]  }
0xb6: {  	s7 =	sadd.s32 $0x0, s9  }
0xb7: {  	[tilespmem:s3], [sflag:$0x5] =	stream.linear.gather [hbm4b:s7+s3], $0x400, $0x38;
	[tilespmem:$0x1C400] =	vst v63  }
0xb8: {  	_ =	swait.ge [sflag:s20], $0x400  }
0xb9: {  	s17 =	rddreg [dreg:$0x4];
	[sflag:s20] =	ssyncset.done $0x0  }
0xba: {  	[sflag:s20] =	ssyncadd.s32 $0xFFFFFC00;
	s7 =	sadd.s32 $0x0, s17  }
0xbb: {  	[tilespmem:s21], [sflag:$0x5] =	stream.linear.gather [hbm4b:s7+s3], $0x400, $0x38;
	[tilespmem:$0x1C400] =	vst v63  }
0xbc: {  	_ =	swait.ge [sflag:s20], $0x400  }
0xbd: {  	[sflag:s20] =	ssyncset.done $0x0  }
0xbe: {  	[sflag:s20] =	ssyncadd.s32 $0xFFFFFC00  }
0xbf: {  	[tilespmem:s19], [sflag:$0x1] =	stream.indirect.gather [hbm4b:s4+s22], $0x80, s3, s22, $0xb8;
	[tilespmem:$0x1C400] =	vst v63  }
0xc0: {  	_ = 	snop  }
0xc1: {  	[tilespmem:s23], [sflag:$0x2] =	stream.indirect.gather [hbm4b:s4+s22], $0x80, s22, s22, $0xb8;
	[tilespmem:$0x1C400] =	vst v63  }
0xc2: {  	_ =	swait.ge [sflag:s24], $0x4000  }
0xc3: {  	[sflag:s24] =	ssyncset.done $0x0  }
0xc4: {  	[sflag:s24] =	ssyncadd.s32 $0xFFFFC000  }
0xc5: {  	[spmem:s2] =	stream.indirect.scatter.add.f32 [tilespmem:s19], [sflag:$0x3], $0x80, s21, s22, $0xb8;
	[tilespmem:$0x1C400] =	vst v63  }
0xc6: {  	_ =	swait.ge [sflag:s25], $0x4000  }
0xc7: {  	[sflag:s25] =	ssyncset.done $0x0  }
0xc8: {  	[sflag:s25] =	ssyncadd.s32 $0xFFFFC000  }
0xc9: {  	[tilespmem:s19], [sflag:$0x1] =	stream.indirect.gather [hbm4b:s4+s22], $0x80, s26, s22, $0xb8;
	[tilespmem:$0x1C400] =	vst v63  }
0xca: {  	_ =	swait.ge [sflag:s28], $0x4000  }
0xcb: {  	[sflag:s28] =	ssyncset.done $0x0  }
0xcc: {  	[sflag:s28] =	ssyncadd.s32 $0xFFFFC000  }
0xcd: {  	[spmem:s2] =	stream.indirect.scatter.add.f32 [tilespmem:s23], [sflag:$0x4], $0x80, s29, s22, $0xb8;
	[tilespmem:$0x1C400] =	vst v63  }
0xce: {  	_ =	swait.ge [sflag:s30], $0x4000  }
0xcf: {  	[sflag:s30] =	ssyncset.done $0x0  }
0xd0: {  	[sflag:s30] =	ssyncadd.s32 $0xFFFFC000  }
0xd1: {  	[tilespmem:s23], [sflag:$0x2] =	stream.indirect.gather [hbm4b:s4+s22], $0x80, s31, s22, $0xb8;
	[tilespmem:$0x1C400] =	vst v63  }
0xd2: {  	_ =	swait.ge [sflag:s24], $0x4000  }
0xd3: {  	[sflag:s24] =	ssyncset.done $0x0  }
0xd4: {  	[sflag:s24] =	ssyncadd.s32 $0xFFFFC000  }
0xd5: {  	[spmem:s2] =	stream.indirect.scatter.add.f32 [tilespmem:s19], [sflag:$0x3], $0x80, s0, s22, $0xb8;
	[tilespmem:$0x1C400] =	vst v63  }
0xd6: {  	_ =	swait.ge [sflag:s25], $0x4000  }
0xd7: {  	[sflag:s25] =	ssyncset.done $0x0  }
0xd8: {  	[sflag:s25] =	ssyncadd.s32 $0xFFFFC000  }
0xd9: {  	[tilespmem:s19], [sflag:$0x1] =	stream.indirect.gather [hbm4b:s4+s22], $0x80, s1, s22, $0xb8;
	[tilespmem:$0x1C400] =	vst v63  }
0xda: {  	_ =	swait.ge [sflag:s28], $0x4000  }
0xdb: {  	[sflag:s28] =	ssyncset.done $0x0  }
0xdc: {  	[sflag:s28] =	ssyncadd.s32 $0xFFFFC000  }
0xdd: {  	[spmem:s2] =	stream.indirect.scatter.add.f32 [tilespmem:s23], [sflag:$0x4], $0x80, s5, s22, $0xb8;
	[tilespmem:$0x1C400] =	vst v63  }
0xde: {  	_ =	swait.ge [sflag:s30], $0x4000  }
0xdf: {  	[sflag:s30] =	ssyncset.done $0x0  }
0xe0: {  	[sflag:s30] =	ssyncadd.s32 $0xFFFFC000  }
0xe1: {  	[tilespmem:s23], [sflag:$0x2] =	stream.indirect.gather [hbm4b:s4+s22], $0x80, s11, s22, $0xb8;
	[tilespmem:$0x1C400] =	vst v63  }
0xe2: {  	_ =	swait.ge [sflag:s24], $0x4000  }
0xe3: {  	[sflag:s24] =	ssyncset.done $0x0  }
0xe4: {  	[sflag:s24] =	ssyncadd.s32 $0xFFFFC000  }
0xe5: {  	[spmem:s2] =	stream.indirect.scatter.add.f32 [tilespmem:s19], [sflag:$0x3], $0x80, s12, s22, $0xb8;
	[tilespmem:$0x1C400] =	vst v63  }
0xe6: {  	_ =	swait.ge [sflag:s25], $0x4000  }
0xe7: {  	[sflag:s25] =	ssyncset.done $0x0  }
0xe8: {  	[sflag:s25] =	ssyncadd.s32 $0xFFFFC000  }
0xe9: {  	[tilespmem:s19], [sflag:$0x1] =	stream.indirect.gather [hbm4b:s4+s22], $0x80, s13, s22, $0xb8;
	[tilespmem:$0x1C400] =	vst v63  }
0xea: {  	_ =	swait.ge [sflag:s28], $0x4000  }
0xeb: {  	[sflag:s28] =	ssyncset.done $0x0  }
0xec: {  	[sflag:s28] =	ssyncadd.s32 $0xFFFFC000  }
0xed: {  	[spmem:s2] =	stream.indirect.scatter.add.f32 [tilespmem:s23], [sflag:$0x4], $0x80, s14, s22, $0xb8;
	[tilespmem:$0x1C400] =	vst v63  }
0xee: {  	_ =	swait.ge [sflag:s30], $0x4000  }
0xef: {  	[sflag:s30] =	ssyncset.done $0x0  }
0xf0: {  	[sflag:s30] =	ssyncadd.s32 $0xFFFFC000  }
0xf1: {  	[tilespmem:s23], [sflag:$0x2] =	stream.indirect.gather [hbm4b:s4+s22], $0x80, s15, s22, $0xb8;
	[tilespmem:$0x1C400] =	vst v63  }
0xf2: {  	_ =	swait.ge [sflag:s24], $0x4000  }
0xf3: {  	[sflag:s24] =	ssyncset.done $0x0  }
0xf4: {  	[sflag:s24] =	ssyncadd.s32 $0xFFFFC000  }
0xf5: {  	[spmem:s2] =	stream.indirect.scatter.add.f32 [tilespmem:s19], [sflag:$0x3], $0x80, s16, s22, $0xb8;
	[tilespmem:$0x1C400] =	vst v63  }
0xf6: {  	_ =	swait.ge [sflag:s28], $0x4000  }
0xf7: {  	[sflag:s28] =	ssyncset.done $0x0  }
0xf8: {  	[sflag:s28] =	ssyncadd.s32 $0xFFFFC000  }
0xf9: {  	[spmem:s2] =	stream.indirect.scatter.add.f32 [tilespmem:s23], [sflag:$0x4], $0x80, s6, s22, $0xb8;
	[tilespmem:$0x1C400] =	vst v63  }
0xfa: {  	_ =	swait.ge [sflag:s25], $0x4000  }
0xfb: {  	[sflag:s25] =	ssyncset.done $0x0  }
0xfc: {  	[sflag:s25] =	ssyncadd.s32 $0xFFFFC000  }
0xfd: {  	_ =	swait.ge [sflag:s30], $0x4000  }
0xfe: {  	s8 =	simm.s32 $0x80;
	s10 =	simm.s32 $0x100;
	[sflag:s30] =	ssyncset.done $0x0  }
.LBB2_6:
0xff: {  	s7 =	sadd.s32 s8, s9;
	[sflag:s30] =	ssyncadd.s32 $0xFFFFC000  }
0x100: {  	[tilespmem:s3], [sflag:$0x5] =	stream.linear.gather [hbm4b:s7+s3], $0x400, $0x38;
	[tilespmem:$0x1C400] =	vst v63  }
0x101: {  	s17 =	smov.u32 s10;
	s9 =	sadd.s32 $0x80, s10;
	_ =	swait.ge [sflag:s20], $0x400  }
0x102: {  	p1 =	sne.s32 s10, $0x280;
	s10 =	rddreg [dreg:$0x4];
	[sflag:s20] =	ssyncset.done $0x0  }
0x103: {  	[sflag:s20] =	ssyncadd.s32 $0xFFFFFC00;
	s7 =	sadd.s32 s8, s10  }
0x104: {  	[tilespmem:s21], [sflag:$0x5] =	stream.linear.gather [hbm4b:s7+s3], $0x400, $0x38;
	[tilespmem:$0x1C400] =	vst v63  }
0x105: {  	_ =	swait.ge [sflag:s20], $0x400  }
0x106: {  	[sflag:s20] =	ssyncset.done $0x0  }
0x107: {  	[sflag:s20] =	ssyncadd.s32 $0xFFFFFC00  }
0x108: {  	[tilespmem:s19], [sflag:$0x1] =	stream.indirect.gather [hbm4b:s4+s22], $0x80, s3, s22, $0xb8;
	[tilespmem:$0x1C400] =	vst v63  }
0x109: {  	_ = 	snop  }
0x10a: {  	[tilespmem:s23], [sflag:$0x2] =	stream.indirect.gather [hbm4b:s4+s22], $0x80, s22, s22, $0xb8;
	[tilespmem:$0x1C400] =	vst v63  }
0x10b: {  	_ =	swait.ge [sflag:s24], $0x4000  }
0x10c: {  	[sflag:s24] =	ssyncset.done $0x0  }
0x10d: {  	[sflag:s24] =	ssyncadd.s32 $0xFFFFC000  }
0x10e: {  	[spmem:s2] =	stream.indirect.scatter.add.f32 [tilespmem:s19], [sflag:$0x3], $0x80, s21, s22, $0xb8;
	[tilespmem:$0x1C400] =	vst v63  }
0x10f: {  	_ =	swait.ge [sflag:s25], $0x4000  }
0x110: {  	[sflag:s25] =	ssyncset.done $0x0  }
0x111: {  	[sflag:s25] =	ssyncadd.s32 $0xFFFFC000  }
0x112: {  	[tilespmem:s19], [sflag:$0x1] =	stream.indirect.gather [hbm4b:s4+s22], $0x80, s26, s22, $0xb8;
	[tilespmem:$0x1C400] =	vst v63  }
0x113: {  	_ =	swait.ge [sflag:s28], $0x4000  }
0x114: {  	[sflag:s28] =	ssyncset.done $0x0  }
0x115: {  	[sflag:s28] =	ssyncadd.s32 $0xFFFFC000  }
0x116: {  	[spmem:s2] =	stream.indirect.scatter.add.f32 [tilespmem:s23], [sflag:$0x4], $0x80, s29, s22, $0xb8;
	[tilespmem:$0x1C400] =	vst v63  }
0x117: {  	_ =	swait.ge [sflag:s30], $0x4000  }
0x118: {  	[sflag:s30] =	ssyncset.done $0x0  }
0x119: {  	[sflag:s30] =	ssyncadd.s32 $0xFFFFC000  }
0x11a: {  	[tilespmem:s23], [sflag:$0x2] =	stream.indirect.gather [hbm4b:s4+s22], $0x80, s31, s22, $0xb8;
	[tilespmem:$0x1C400] =	vst v63  }
0x11b: {  	_ =	swait.ge [sflag:s24], $0x4000  }
0x11c: {  	[sflag:s24] =	ssyncset.done $0x0  }
0x11d: {  	[sflag:s24] =	ssyncadd.s32 $0xFFFFC000  }
0x11e: {  	[spmem:s2] =	stream.indirect.scatter.add.f32 [tilespmem:s19], [sflag:$0x3], $0x80, s0, s22, $0xb8;
	[tilespmem:$0x1C400] =	vst v63  }
0x11f: {  	_ =	swait.ge [sflag:s25], $0x4000  }
0x120: {  	[sflag:s25] =	ssyncset.done $0x0  }
0x121: {  	[sflag:s25] =	ssyncadd.s32 $0xFFFFC000  }
0x122: {  	[tilespmem:s19], [sflag:$0x1] =	stream.indirect.gather [hbm4b:s4+s22], $0x80, s1, s22, $0xb8;
	[tilespmem:$0x1C400] =	vst v63  }
0x123: {  	_ =	swait.ge [sflag:s28], $0x4000  }
0x124: {  	[sflag:s28] =	ssyncset.done $0x0  }
0x125: {  	[sflag:s28] =	ssyncadd.s32 $0xFFFFC000  }
0x126: {  	[spmem:s2] =	stream.indirect.scatter.add.f32 [tilespmem:s23], [sflag:$0x4], $0x80, s5, s22, $0xb8;
	[tilespmem:$0x1C400] =	vst v63  }
0x127: {  	_ =	swait.ge [sflag:s30], $0x4000  }
0x128: {  	[sflag:s30] =	ssyncset.done $0x0  }
0x129: {  	[sflag:s30] =	ssyncadd.s32 $0xFFFFC000  }
0x12a: {  	[tilespmem:s23], [sflag:$0x2] =	stream.indirect.gather [hbm4b:s4+s22], $0x80, s11, s22, $0xb8;
	[tilespmem:$0x1C400] =	vst v63  }
0x12b: {  	_ =	swait.ge [sflag:s24], $0x4000  }
0x12c: {  	[sflag:s24] =	ssyncset.done $0x0  }
0x12d: {  	[sflag:s24] =	ssyncadd.s32 $0xFFFFC000  }
0x12e: {  	[spmem:s2] =	stream.indirect.scatter.add.f32 [tilespmem:s19], [sflag:$0x3], $0x80, s12, s22, $0xb8;
	[tilespmem:$0x1C400] =	vst v63  }
0x12f: {  	_ =	swait.ge [sflag:s25], $0x4000  }
0x130: {  	[sflag:s25] =	ssyncset.done $0x0  }
0x131: {  	[sflag:s25] =	ssyncadd.s32 $0xFFFFC000  }
0x132: {  	[tilespmem:s19], [sflag:$0x1] =	stream.indirect.gather [hbm4b:s4+s22], $0x80, s13, s22, $0xb8;
	[tilespmem:$0x1C400] =	vst v63  }
0x133: {  	_ =	swait.ge [sflag:s28], $0x4000  }
0x134: {  	[sflag:s28] =	ssyncset.done $0x0  }
0x135: {  	[sflag:s28] =	ssyncadd.s32 $0xFFFFC000  }
0x136: {  	[spmem:s2] =	stream.indirect.scatter.add.f32 [tilespmem:s23], [sflag:$0x4], $0x80, s14, s22, $0xb8;
	[tilespmem:$0x1C400] =	vst v63  }
0x137: {  	_ =	swait.ge [sflag:s30], $0x4000  }
0x138: {  	[sflag:s30] =	ssyncset.done $0x0  }
0x139: {  	[sflag:s30] =	ssyncadd.s32 $0xFFFFC000  }
0x13a: {  	[tilespmem:s23], [sflag:$0x2] =	stream.indirect.gather [hbm4b:s4+s22], $0x80, s15, s22, $0xb8;
	[tilespmem:$0x1C400] =	vst v63  }
0x13b: {  	_ =	swait.ge [sflag:s24], $0x4000  }
0x13c: {  	[sflag:s24] =	ssyncset.done $0x0  }
0x13d: {  	[sflag:s24] =	ssyncadd.s32 $0xFFFFC000  }
0x13e: {  	[spmem:s2] =	stream.indirect.scatter.add.f32 [tilespmem:s19], [sflag:$0x3], $0x80, s16, s22, $0xb8;
	[tilespmem:$0x1C400] =	vst v63  }
0x13f: {  	_ =	swait.ge [sflag:s28], $0x4000  }
0x140: {  	[sflag:s28] =	ssyncset.done $0x0  }
0x141: {  	[sflag:s28] =	ssyncadd.s32 $0xFFFFC000  }
0x142: {  	[spmem:s2] =	stream.indirect.scatter.add.f32 [tilespmem:s23], [sflag:$0x4], $0x80, s6, s22, $0xb8;
	[tilespmem:$0x1C400] =	vst v63  }
.Ltmp3:
0x143: {  	_ =	swait.ge [sflag:s25], $0x4000;
	(pc) =	sbr.rel @p1 .LBB2_6-.Ltmp3, $4  }
0x144: {  	[sflag:s25] =	ssyncset.done $0x0  }
0x145: {  	[sflag:s25] =	ssyncadd.s32 $0xFFFFC000  }
0x146: {  	s8 =	smov.u32 s17;
	_ =	swait.ge [sflag:s30], $0x4000  }
0x147: {  	s10 =	smov.u32 s9;
	[sflag:s30] =	ssyncset.done $0x0;
	s9 =	rddreg [dreg:$0x5]  }
.Ltmp4:
0x148: {  	_ = 	snop;
	(pc) =	sbr.rel .LBB2_7-.Ltmp4, $1  }
0x149: {  	_ =	sdelay $0x3  }
.LBB2_2:
0x14a: {  	s8 =	sadd.s32 $0x0, s18  }
0x14b: {  	[tilespmem:s3], [sflag:$0x5] =	stream.linear.gather [hbm4b:s8+s3], $0x400, $0x38;
	[tilespmem:$0x1C400] =	vst v63  }
0x14c: {  	_ =	swait.ge [sflag:s20], $0x400  }
0x14d: {  	s17 =	rddreg [dreg:$0x3];
	[sflag:s20] =	ssyncset.done $0x0  }
0x14e: {  	[sflag:s20] =	ssyncadd.s32 $0xFFFFFC00;
	s8 =	sadd.s32 $0x0, s17  }
0x14f: {  	[tilespmem:s21], [sflag:$0x5] =	stream.linear.gather [hbm4b:s8+s3], $0x400, $0x38;
	[tilespmem:$0x1C400] =	vst v63  }
0x150: {  	_ =	swait.ge [sflag:s20], $0x400  }
0x151: {  	[sflag:s20] =	ssyncset.done $0x0  }
0x152: {  	[sflag:s20] =	ssyncadd.s32 $0xFFFFFC00  }
0x153: {  	[tilespmem:s19], [sflag:$0x1] =	stream.indirect.gather [hbm4b:s4+s22], $0x80, s3, s22, $0xb8;
	[tilespmem:$0x1C400] =	vst v63  }
0x154: {  	_ = 	snop  }
0x155: {  	[tilespmem:s23], [sflag:$0x2] =	stream.indirect.gather [hbm4b:s4+s22], $0x80, s22, s22, $0xb8;
	[tilespmem:$0x1C400] =	vst v63  }
0x156: {  	_ =	swait.ge [sflag:s24], $0x4000  }
0x157: {  	[sflag:s24] =	ssyncset.done $0x0  }
0x158: {  	[sflag:s24] =	ssyncadd.s32 $0xFFFFC000  }
0x159: {  	[spmem:s2] =	stream.indirect.scatter.add.f32 [tilespmem:s19], [sflag:$0x3], $0x80, s21, s22, $0xb8;
	[tilespmem:$0x1C400] =	vst v63  }
0x15a: {  	_ =	swait.ge [sflag:s25], $0x4000  }
0x15b: {  	[sflag:s25] =	ssyncset.done $0x0  }
0x15c: {  	[sflag:s25] =	ssyncadd.s32 $0xFFFFC000  }
0x15d: {  	[tilespmem:s19], [sflag:$0x1] =	stream.indirect.gather [hbm4b:s4+s22], $0x80, s26, s22, $0xb8;
	[tilespmem:$0x1C400] =	vst v63  }
0x15e: {  	_ =	swait.ge [sflag:s28], $0x4000  }
0x15f: {  	[sflag:s28] =	ssyncset.done $0x0  }
0x160: {  	[sflag:s28] =	ssyncadd.s32 $0xFFFFC000  }
0x161: {  	[spmem:s2] =	stream.indirect.scatter.add.f32 [tilespmem:s23], [sflag:$0x4], $0x80, s29, s22, $0xb8;
	[tilespmem:$0x1C400] =	vst v63  }
0x162: {  	_ =	swait.ge [sflag:s30], $0x4000  }
0x163: {  	[sflag:s30] =	ssyncset.done $0x0  }
0x164: {  	[sflag:s30] =	ssyncadd.s32 $0xFFFFC000  }
0x165: {  	[tilespmem:s23], [sflag:$0x2] =	stream.indirect.gather [hbm4b:s4+s22], $0x80, s31, s22, $0xb8;
	[tilespmem:$0x1C400] =	vst v63  }
0x166: {  	_ =	swait.ge [sflag:s24], $0x4000  }
0x167: {  	[sflag:s24] =	ssyncset.done $0x0  }
0x168: {  	[sflag:s24] =	ssyncadd.s32 $0xFFFFC000  }
0x169: {  	[spmem:s2] =	stream.indirect.scatter.add.f32 [tilespmem:s19], [sflag:$0x3], $0x80, s0, s22, $0xb8;
	[tilespmem:$0x1C400] =	vst v63  }
0x16a: {  	_ =	swait.ge [sflag:s25], $0x4000  }
0x16b: {  	[sflag:s25] =	ssyncset.done $0x0  }
0x16c: {  	[sflag:s25] =	ssyncadd.s32 $0xFFFFC000  }
0x16d: {  	[tilespmem:s19], [sflag:$0x1] =	stream.indirect.gather [hbm4b:s4+s22], $0x80, s1, s22, $0xb8;
	[tilespmem:$0x1C400] =	vst v63  }
0x16e: {  	_ =	swait.ge [sflag:s28], $0x4000  }
0x16f: {  	[sflag:s28] =	ssyncset.done $0x0  }
0x170: {  	[sflag:s28] =	ssyncadd.s32 $0xFFFFC000  }
0x171: {  	[spmem:s2] =	stream.indirect.scatter.add.f32 [tilespmem:s23], [sflag:$0x4], $0x80, s5, s22, $0xb8;
	[tilespmem:$0x1C400] =	vst v63  }
0x172: {  	_ =	swait.ge [sflag:s30], $0x4000  }
0x173: {  	[sflag:s30] =	ssyncset.done $0x0  }
0x174: {  	[sflag:s30] =	ssyncadd.s32 $0xFFFFC000  }
0x175: {  	[tilespmem:s23], [sflag:$0x2] =	stream.indirect.gather [hbm4b:s4+s22], $0x80, s11, s22, $0xb8;
	[tilespmem:$0x1C400] =	vst v63  }
0x176: {  	_ =	swait.ge [sflag:s24], $0x4000  }
0x177: {  	[sflag:s24] =	ssyncset.done $0x0  }
0x178: {  	[sflag:s24] =	ssyncadd.s32 $0xFFFFC000  }
0x179: {  	[spmem:s2] =	stream.indirect.scatter.add.f32 [tilespmem:s19], [sflag:$0x3], $0x80, s12, s22, $0xb8;
	[tilespmem:$0x1C400] =	vst v63  }
0x17a: {  	_ =	swait.ge [sflag:s25], $0x4000  }
0x17b: {  	[sflag:s25] =	ssyncset.done $0x0  }
0x17c: {  	[sflag:s25] =	ssyncadd.s32 $0xFFFFC000  }
0x17d: {  	[tilespmem:s19], [sflag:$0x1] =	stream.indirect.gather [hbm4b:s4+s22], $0x80, s13, s22, $0xb8;
	[tilespmem:$0x1C400] =	vst v63  }
0x17e: {  	_ =	swait.ge [sflag:s28], $0x4000  }
0x17f: {  	[sflag:s28] =	ssyncset.done $0x0  }
0x180: {  	[sflag:s28] =	ssyncadd.s32 $0xFFFFC000  }
0x181: {  	[spmem:s2] =	stream.indirect.scatter.add.f32 [tilespmem:s23], [sflag:$0x4], $0x80, s14, s22, $0xb8;
	[tilespmem:$0x1C400] =	vst v63  }
0x182: {  	_ =	swait.ge [sflag:s30], $0x4000  }
0x183: {  	[sflag:s30] =	ssyncset.done $0x0  }
0x184: {  	[sflag:s30] =	ssyncadd.s32 $0xFFFFC000  }
0x185: {  	[tilespmem:s23], [sflag:$0x2] =	stream.indirect.gather [hbm4b:s4+s22], $0x80, s15, s22, $0xb8;
	[tilespmem:$0x1C400] =	vst v63  }
0x186: {  	_ =	swait.ge [sflag:s24], $0x4000  }
0x187: {  	[sflag:s24] =	ssyncset.done $0x0  }
0x188: {  	[sflag:s24] =	ssyncadd.s32 $0xFFFFC000  }
0x189: {  	[spmem:s2] =	stream.indirect.scatter.add.f32 [tilespmem:s19], [sflag:$0x3], $0x80, s16, s22, $0xb8;
	[tilespmem:$0x1C400] =	vst v63  }
0x18a: {  	_ =	swait.ge [sflag:s28], $0x4000  }
0x18b: {  	[sflag:s28] =	ssyncset.done $0x0  }
0x18c: {  	[sflag:s28] =	ssyncadd.s32 $0xFFFFC000  }
0x18d: {  	[spmem:s2] =	stream.indirect.scatter.add.f32 [tilespmem:s23], [sflag:$0x4], $0x80, s6, s22, $0xb8;
	[tilespmem:$0x1C400] =	vst v63  }
0x18e: {  	_ =	swait.ge [sflag:s25], $0x4000  }
0x18f: {  	[sflag:s25] =	ssyncset.done $0x0  }
0x190: {  	[sflag:s25] =	ssyncadd.s32 $0xFFFFC000  }
0x191: {  	_ =	swait.ge [sflag:s30], $0x4000  }
0x192: {  	s9 =	simm.s32 $0x100;
	s8 =	simm.s32 $0x80;
	[sflag:s30] =	ssyncset.done $0x0  }
.LBB2_3:
0x193: {  	s7 =	sadd.s32 s8, s18;
	[sflag:s30] =	ssyncadd.s32 $0xFFFFC000  }
0x194: {  	[tilespmem:s3], [sflag:$0x5] =	stream.linear.gather [hbm4b:s7+s3], $0x400, $0x38;
	[tilespmem:$0x1C400] =	vst v63  }
0x195: {  	s17 =	smov.u32 s9;
	s10 =	sadd.s32 $0x80, s9;
	_ =	swait.ge [sflag:s20], $0x400  }
0x196: {  	p1 =	seq.s32 s9, $0x680;
	s9 =	rddreg [dreg:$0x3];
	[sflag:s20] =	ssyncset.done $0x0  }
0x197: {  	[sflag:s20] =	ssyncadd.s32 $0xFFFFFC00;
	s7 =	sadd.s32 s8, s9  }
0x198: {  	[tilespmem:s21], [sflag:$0x5] =	stream.linear.gather [hbm4b:s7+s3], $0x400, $0x38;
	[tilespmem:$0x1C400] =	vst v63  }
0x199: {  	_ =	swait.ge [sflag:s20], $0x400  }
0x19a: {  	[sflag:s20] =	ssyncset.done $0x0  }
0x19b: {  	[sflag:s20] =	ssyncadd.s32 $0xFFFFFC00  }
0x19c: {  	[tilespmem:s19], [sflag:$0x1] =	stream.indirect.gather [hbm4b:s4+s22], $0x80, s3, s22, $0xb8;
	[tilespmem:$0x1C400] =	vst v63  }
0x19d: {  	_ = 	snop  }
0x19e: {  	[tilespmem:s23], [sflag:$0x2] =	stream.indirect.gather [hbm4b:s4+s22], $0x80, s22, s22, $0xb8;
	[tilespmem:$0x1C400] =	vst v63  }
0x19f: {  	_ =	swait.ge [sflag:s24], $0x4000  }
0x1a0: {  	[sflag:s24] =	ssyncset.done $0x0  }
0x1a1: {  	[sflag:s24] =	ssyncadd.s32 $0xFFFFC000  }
0x1a2: {  	[spmem:s2] =	stream.indirect.scatter.add.f32 [tilespmem:s19], [sflag:$0x3], $0x80, s21, s22, $0xb8;
	[tilespmem:$0x1C400] =	vst v63  }
0x1a3: {  	_ =	swait.ge [sflag:s25], $0x4000  }
0x1a4: {  	[sflag:s25] =	ssyncset.done $0x0  }
0x1a5: {  	[sflag:s25] =	ssyncadd.s32 $0xFFFFC000  }
0x1a6: {  	[tilespmem:s19], [sflag:$0x1] =	stream.indirect.gather [hbm4b:s4+s22], $0x80, s26, s22, $0xb8;
	[tilespmem:$0x1C400] =	vst v63  }
0x1a7: {  	_ =	swait.ge [sflag:s28], $0x4000  }
0x1a8: {  	[sflag:s28] =	ssyncset.done $0x0  }
0x1a9: {  	[sflag:s28] =	ssyncadd.s32 $0xFFFFC000  }
0x1aa: {  	[spmem:s2] =	stream.indirect.scatter.add.f32 [tilespmem:s23], [sflag:$0x4], $0x80, s29, s22, $0xb8;
	[tilespmem:$0x1C400] =	vst v63  }
0x1ab: {  	_ =	swait.ge [sflag:s30], $0x4000  }
0x1ac: {  	[sflag:s30] =	ssyncset.done $0x0  }
0x1ad: {  	[sflag:s30] =	ssyncadd.s32 $0xFFFFC000  }
0x1ae: {  	[tilespmem:s23], [sflag:$0x2] =	stream.indirect.gather [hbm4b:s4+s22], $0x80, s31, s22, $0xb8;
	[tilespmem:$0x1C400] =	vst v63  }
0x1af: {  	_ =	swait.ge [sflag:s24], $0x4000  }
0x1b0: {  	[sflag:s24] =	ssyncset.done $0x0  }
0x1b1: {  	[sflag:s24] =	ssyncadd.s32 $0xFFFFC000  }
0x1b2: {  	[spmem:s2] =	stream.indirect.scatter.add.f32 [tilespmem:s19], [sflag:$0x3], $0x80, s0, s22, $0xb8;
	[tilespmem:$0x1C400] =	vst v63  }
0x1b3: {  	_ =	swait.ge [sflag:s25], $0x4000  }
0x1b4: {  	[sflag:s25] =	ssyncset.done $0x0  }
0x1b5: {  	[sflag:s25] =	ssyncadd.s32 $0xFFFFC000  }
0x1b6: {  	[tilespmem:s19], [sflag:$0x1] =	stream.indirect.gather [hbm4b:s4+s22], $0x80, s1, s22, $0xb8;
	[tilespmem:$0x1C400] =	vst v63  }
0x1b7: {  	_ =	swait.ge [sflag:s28], $0x4000  }
0x1b8: {  	[sflag:s28] =	ssyncset.done $0x0  }
0x1b9: {  	[sflag:s28] =	ssyncadd.s32 $0xFFFFC000  }
0x1ba: {  	[spmem:s2] =	stream.indirect.scatter.add.f32 [tilespmem:s23], [sflag:$0x4], $0x80, s5, s22, $0xb8;
	[tilespmem:$0x1C400] =	vst v63  }
0x1bb: {  	_ =	swait.ge [sflag:s30], $0x4000  }
0x1bc: {  	[sflag:s30] =	ssyncset.done $0x0  }
0x1bd: {  	[sflag:s30] =	ssyncadd.s32 $0xFFFFC000  }
0x1be: {  	[tilespmem:s23], [sflag:$0x2] =	stream.indirect.gather [hbm4b:s4+s22], $0x80, s11, s22, $0xb8;
	[tilespmem:$0x1C400] =	vst v63  }
0x1bf: {  	_ =	swait.ge [sflag:s24], $0x4000  }
0x1c0: {  	[sflag:s24] =	ssyncset.done $0x0  }
0x1c1: {  	[sflag:s24] =	ssyncadd.s32 $0xFFFFC000  }
0x1c2: {  	[spmem:s2] =	stream.indirect.scatter.add.f32 [tilespmem:s19], [sflag:$0x3], $0x80, s12, s22, $0xb8;
	[tilespmem:$0x1C400] =	vst v63  }
0x1c3: {  	_ =	swait.ge [sflag:s25], $0x4000  }
0x1c4: {  	[sflag:s25] =	ssyncset.done $0x0  }
0x1c5: {  	[sflag:s25] =	ssyncadd.s32 $0xFFFFC000  }
0x1c6: {  	[tilespmem:s19], [sflag:$0x1] =	stream.indirect.gather [hbm4b:s4+s22], $0x80, s13, s22, $0xb8;
	[tilespmem:$0x1C400] =	vst v63  }
0x1c7: {  	_ =	swait.ge [sflag:s28], $0x4000  }
0x1c8: {  	[sflag:s28] =	ssyncset.done $0x0  }
0x1c9: {  	[sflag:s28] =	ssyncadd.s32 $0xFFFFC000  }
0x1ca: {  	[spmem:s2] =	stream.indirect.scatter.add.f32 [tilespmem:s23], [sflag:$0x4], $0x80, s14, s22, $0xb8;
	[tilespmem:$0x1C400] =	vst v63  }
0x1cb: {  	_ =	swait.ge [sflag:s30], $0x4000  }
0x1cc: {  	[sflag:s30] =	ssyncset.done $0x0  }
0x1cd: {  	[sflag:s30] =	ssyncadd.s32 $0xFFFFC000  }
0x1ce: {  	[tilespmem:s23], [sflag:$0x2] =	stream.indirect.gather [hbm4b:s4+s22], $0x80, s15, s22, $0xb8;
	[tilespmem:$0x1C400] =	vst v63  }
0x1cf: {  	_ =	swait.ge [sflag:s24], $0x4000  }
0x1d0: {  	[sflag:s24] =	ssyncset.done $0x0  }
0x1d1: {  	[sflag:s24] =	ssyncadd.s32 $0xFFFFC000  }
0x1d2: {  	[spmem:s2] =	stream.indirect.scatter.add.f32 [tilespmem:s19], [sflag:$0x3], $0x80, s16, s22, $0xb8;
	[tilespmem:$0x1C400] =	vst v63  }
0x1d3: {  	_ =	swait.ge [sflag:s28], $0x4000  }
0x1d4: {  	[sflag:s28] =	ssyncset.done $0x0  }
0x1d5: {  	[sflag:s28] =	ssyncadd.s32 $0xFFFFC000  }
0x1d6: {  	[spmem:s2] =	stream.indirect.scatter.add.f32 [tilespmem:s23], [sflag:$0x4], $0x80, s6, s22, $0xb8;
	[tilespmem:$0x1C400] =	vst v63  }
.Ltmp5:
0x1d7: {  	_ =	swait.ge [sflag:s25], $0x4000;
	(pc) =	sbr.rel @!p1 .LBB2_3-.Ltmp5, $4  }
0x1d8: {  	[sflag:s25] =	ssyncset.done $0x0  }
0x1d9: {  	[sflag:s25] =	ssyncadd.s32 $0xFFFFC000  }
0x1da: {  	_ =	swait.ge [sflag:s30], $0x4000  }
0x1db: {  	s8 =	smov.u32 s17;
	s9 =	smov.u32 s10;
	[sflag:s30] =	ssyncset.done $0x0  }
0x1dc: {  	s7 =	sadd.s32 s8, s18;
	[sflag:s30] =	ssyncadd.s32 $0xFFFFC000  }
0x1dd: {  	[tilespmem:s3], [sflag:$0x5] =	stream.linear.gather [hbm4b:s7+s3], $0x400, $0x38;
	[tilespmem:$0x1C400] =	vst v63  }
0x1de: {  	_ =	swait.ge [sflag:s20], $0x400  }
0x1df: {  	s17 =	rddreg [dreg:$0x3];
	[sflag:s20] =	ssyncset.done $0x0  }
0x1e0: {  	s7 =	sadd.s32 s8, s17;
	[sflag:s20] =	ssyncadd.s32 $0xFFFFFC00  }
0x1e1: {  	[tilespmem:s21], [sflag:$0x5] =	stream.linear.gather [hbm4b:s7+s3], $0x400, $0x38;
	[tilespmem:$0x1C400] =	vst v63  }
0x1e2: {  	_ =	swait.ge [sflag:s20], $0x400  }
0x1e3: {  	[sflag:s20] =	ssyncset.done $0x0  }
0x1e4: {  	[sflag:s20] =	ssyncadd.s32 $0xFFFFFC00  }
0x1e5: {  	[tilespmem:s19], [sflag:$0x1] =	stream.indirect.gather [hbm4b:s4+s22], $0x80, s3, s22, $0xb8;
	[tilespmem:$0x1C400] =	vst v63  }
0x1e6: {  	_ = 	snop  }
0x1e7: {  	[tilespmem:s23], [sflag:$0x2] =	stream.indirect.gather [hbm4b:s4+s22], $0x80, s22, s22, $0xb8;
	[tilespmem:$0x1C400] =	vst v63  }
0x1e8: {  	_ =	swait.ge [sflag:s24], $0x4000  }
0x1e9: {  	[sflag:s24] =	ssyncset.done $0x0  }
0x1ea: {  	[sflag:s24] =	ssyncadd.s32 $0xFFFFC000  }
0x1eb: {  	[spmem:s2] =	stream.indirect.scatter.add.f32 [tilespmem:s19], [sflag:$0x3], $0x80, s21, s22, $0xb8;
	[tilespmem:$0x1C400] =	vst v63  }
0x1ec: {  	_ =	swait.ge [sflag:s25], $0x4000  }
0x1ed: {  	[sflag:s25] =	ssyncset.done $0x0  }
0x1ee: {  	[sflag:s25] =	ssyncadd.s32 $0xFFFFC000  }
0x1ef: {  	[tilespmem:s19], [sflag:$0x1] =	stream.indirect.gather [hbm4b:s4+s22], $0x80, s26, s22, $0xb8;
	[tilespmem:$0x1C400] =	vst v63  }
0x1f0: {  	_ =	swait.ge [sflag:s28], $0x4000  }
0x1f1: {  	[sflag:s28] =	ssyncset.done $0x0  }
0x1f2: {  	[sflag:s28] =	ssyncadd.s32 $0xFFFFC000  }
0x1f3: {  	[spmem:s2] =	stream.indirect.scatter.add.f32 [tilespmem:s23], [sflag:$0x4], $0x80, s29, s22, $0xb8;
	[tilespmem:$0x1C400] =	vst v63  }
0x1f4: {  	_ =	swait.ge [sflag:s30], $0x4000  }
0x1f5: {  	[sflag:s30] =	ssyncset.done $0x0  }
0x1f6: {  	[sflag:s30] =	ssyncadd.s32 $0xFFFFC000  }
0x1f7: {  	[tilespmem:s23], [sflag:$0x2] =	stream.indirect.gather [hbm4b:s4+s22], $0x80, s31, s22, $0xb8;
	[tilespmem:$0x1C400] =	vst v63  }
0x1f8: {  	_ =	swait.ge [sflag:s24], $0x4000  }
0x1f9: {  	[sflag:s24] =	ssyncset.done $0x0  }
0x1fa: {  	[sflag:s24] =	ssyncadd.s32 $0xFFFFC000  }
0x1fb: {  	[spmem:s2] =	stream.indirect.scatter.add.f32 [tilespmem:s19], [sflag:$0x3], $0x80, s0, s22, $0xb8;
	[tilespmem:$0x1C400] =	vst v63  }
0x1fc: {  	_ =	swait.ge [sflag:s25], $0x4000  }
0x1fd: {  	[sflag:s25] =	ssyncset.done $0x0  }
0x1fe: {  	[sflag:s25] =	ssyncadd.s32 $0xFFFFC000  }
0x1ff: {  	[tilespmem:s19], [sflag:$0x1] =	stream.indirect.gather [hbm4b:s4+s22], $0x80, s1, s22, $0xb8;
	[tilespmem:$0x1C400] =	vst v63  }
0x200: {  	_ =	swait.ge [sflag:s28], $0x4000  }
0x201: {  	[sflag:s28] =	ssyncset.done $0x0  }
0x202: {  	[sflag:s28] =	ssyncadd.s32 $0xFFFFC000  }
0x203: {  	[spmem:s2] =	stream.indirect.scatter.add.f32 [tilespmem:s23], [sflag:$0x4], $0x80, s5, s22, $0xb8;
	[tilespmem:$0x1C400] =	vst v63  }
0x204: {  	_ =	swait.ge [sflag:s30], $0x4000  }
0x205: {  	[sflag:s30] =	ssyncset.done $0x0  }
0x206: {  	[sflag:s30] =	ssyncadd.s32 $0xFFFFC000  }
0x207: {  	[tilespmem:s23], [sflag:$0x2] =	stream.indirect.gather [hbm4b:s4+s22], $0x80, s11, s22, $0xb8;
	[tilespmem:$0x1C400] =	vst v63  }
0x208: {  	_ =	swait.ge [sflag:s24], $0x4000  }
0x209: {  	[sflag:s24] =	ssyncset.done $0x0  }
0x20a: {  	[sflag:s24] =	ssyncadd.s32 $0xFFFFC000  }
0x20b: {  	[spmem:s2] =	stream.indirect.scatter.add.f32 [tilespmem:s19], [sflag:$0x3], $0x80, s12, s22, $0xb8;
	[tilespmem:$0x1C400] =	vst v63  }
0x20c: {  	_ =	swait.ge [sflag:s25], $0x4000  }
0x20d: {  	[sflag:s25] =	ssyncset.done $0x0  }
0x20e: {  	[sflag:s25] =	ssyncadd.s32 $0xFFFFC000  }
0x20f: {  	[tilespmem:s19], [sflag:$0x1] =	stream.indirect.gather [hbm4b:s4+s22], $0x80, s13, s22, $0xb8;
	[tilespmem:$0x1C400] =	vst v63  }
0x210: {  	_ =	swait.ge [sflag:s28], $0x4000  }
0x211: {  	[sflag:s28] =	ssyncset.done $0x0  }
0x212: {  	[sflag:s28] =	ssyncadd.s32 $0xFFFFC000  }
0x213: {  	[spmem:s2] =	stream.indirect.scatter.add.f32 [tilespmem:s23], [sflag:$0x4], $0x80, s14, s22, $0xb8;
	[tilespmem:$0x1C400] =	vst v63  }
0x214: {  	_ =	swait.ge [sflag:s30], $0x4000  }
0x215: {  	[sflag:s30] =	ssyncset.done $0x0  }
0x216: {  	[sflag:s30] =	ssyncadd.s32 $0xFFFFC000  }
0x217: {  	[tilespmem:s23], [sflag:$0x2] =	stream.indirect.gather [hbm4b:s4+s22], $0x80, s15, s22, $0xb8;
	[tilespmem:$0x1C400] =	vst v63  }
0x218: {  	_ =	swait.ge [sflag:s24], $0x4000  }
0x219: {  	[sflag:s24] =	ssyncset.done $0x0  }
0x21a: {  	[sflag:s24] =	ssyncadd.s32 $0xFFFFC000  }
0x21b: {  	[spmem:s2] =	stream.indirect.scatter.add.f32 [tilespmem:s19], [sflag:$0x3], $0x80, s16, s22, $0xb8;
	[tilespmem:$0x1C400] =	vst v63  }
0x21c: {  	_ =	swait.ge [sflag:s28], $0x4000  }
0x21d: {  	[sflag:s28] =	ssyncset.done $0x0  }
0x21e: {  	[sflag:s28] =	ssyncadd.s32 $0xFFFFC000  }
0x21f: {  	[spmem:s2] =	stream.indirect.scatter.add.f32 [tilespmem:s23], [sflag:$0x4], $0x80, s6, s22, $0xb8;
	[tilespmem:$0x1C400] =	vst v63  }
0x220: {  	_ =	swait.ge [sflag:s25], $0x4000  }
.Ltmp6:
0x221: {  	[sflag:s25] =	ssyncset.done $0x0;
	(pc) =	sbr.rel .LBB2_8-.Ltmp6, $4  }
0x222: {  	[sflag:s25] =	ssyncadd.s32 $0xFFFFC000  }
0x223: {  	_ =	swait.ge [sflag:s30], $0x4000  }
0x224: {  	[sflag:s30] =	ssyncset.done $0x0  }
0x225: {  	s17 =	rddreg [dreg:$0x12];
	[sflag:s30] =	ssyncadd.s32 $0xFFFFC000  }
.LBB2_9:
0x226: {  	_ =	sfence.sel $0x180000  }
0x227: {  	[bflag:$0x0] =	sbarrier.arrive $0xFFFF  }
0x228: {  	_ =	strace $0x9000004D  }
0x229: {  	s0 =	stileid.u32;
	[bflag:$0x2] =	sbarrier.arrive $0xFFFF  }
0x22a: {  	p0 =	sne.s32 s0, $0x0;
	s0 =	rddreg [dreg:$0x2]  }
0x22b: {  	s0 =	sadd.s32 @!p0 $0x100000, s0  }
0x22c: {  	[sflag:s0] =	ssyncadd.tile.s32 @!p0 $0x1;
	_ =	shalt  }
.Lfunc_end2:
_tile_overlayer_lowered:
.L_overlay_start_2:
0x22d: {  	(tag) =	ssettag $0x2  }
0x22e: {  	s0 =	rddreg [dreg:$0x0];
	s2 =	stileid.u32  }
0x22f: {  	s1 =	rddreg [dreg:$0x1];
	p0 =	sne.s32 s2, $0x0  }
0x230: {  	s3 =	rddreg [dreg:$0x2];
	[bflag:$0x3] =	sbarrier.arrive $0xFFFF;
	s2 =	simm.s32 @!p0 $0x1C05  }
0x231: {  	[timem:s3], [sflag:s2] =	dma.local @!p0 [hbm:s0], s1  }
0x232: {  	s0 =	simm.s32 @!p0 $0x5  }
0x233: {  	_ =	swait.ge @!p0 [sflag:s0], s1  }
0x234: {  	s1 =	ssub.s32 @!p0 $0x0, s1;
	[sflag:s0] =	ssyncset.done @!p0 $0x0  }
0x235: {  	[sflag:s0] =	ssyncadd.s32 @!p0 s1  }
0x236: {  	[bflag:$0x3] =	sbarrier.arrive $0xFFFF  }
0x237: {  	_ =	shalt  }

// kernel: kernel.8.cloned.1.call-start
scs
__scs_entry_jumppad:
0x0: {  	(pc) =	sbr.rel $0x88, $3  }
0x1: {  	(tag) =	ssettag $0x0;
	lr =	simm.s32 $0x1  }
0x2: {  	[smem:$0x3F97] =	sst lr;
	_ =	strace $0xD0000000  }
0x3: {  	_ = 	snop  }
0x4: {  	_ = 	snop  }
0x5: {  	_ = 	snop  }
0x6: {  	_ = 	snop  }
0x7: {  	_ = 	snop  }
__scs_overlays_trampoline_lowered:
0x8: {  	[smem:$0x3FA6] =	sst s0  }
0x9: {  	[smem:$0x3FA7] =	sst s1  }
0xa: {  	[smem:$0x3FA8] =	sst s2  }
0xb: {  	[smem:$0x3FA9] =	sst s3  }
0xc: {  	[smem:$0x3FAA] =	sst s4  }
0xd: {  	[smem:$0x3FAB] =	sst s5  }
0xe: {  	[smem:$0x3FAC] =	sst s6  }
0xf: {  	[smem:$0x3FAD] =	sst s7  }
0x10: {  	[smem:$0x3FAE] =	sst s8  }
0x11: {  	[smem:$0x3FAF] =	sst s9;
	s0 =	simm.s32 @!p0 $0x0  }
0x12: {  	s1 =	sld [smem:$0x3F95];
	s0 =	simm.s32 @p0 $0x1  }
0x13: {  	[smem:$0x3FB0] =	sst s0;
	s0 =	simm.s32 @!p1 $0x0  }
0x14: {  	s2 =	sld [smem:$0x3F94];
	s0 =	simm.s32 @p1 $0x1  }
0x15: {  	[smem:$0x3FB1] =	sst s0;
	s0 =	simm.s32 @!p2 $0x0  }
0x16: {  	s3 =	sld [smem:$0x3FDB];
	s0 =	simm.s32 @p2 $0x1  }
0x17: {  	s4 =	simm.s32 $0x1BF5;
	[smem:$0x3FB3] =	sst s0  }
0x18: {  	s0 =	sld [smem:$0x3F96];
	_ =	swait.ge [sflag:s4], $0x0  }
0x19: {  	s7 =	sld [smem:$0x3F97]  }
0x1a: {  	s8 =	sadd.s32 $0xFFFFE003, lr  }
0x1b: {  	s9 =	sadd.s32 $0xFFFFFEF7, lr;
	s5 =	simm.s32 $0xFFFFFFFF;
	p2 =	slt.u32 s8, $0xFFFFF086  }
0x1c: {  	p1 =	slt.u32 s9, $0xF7A;
	s5 =	simm.s32 @!p2 $0x0  }
0x1d: {  	s5 =	simm.s32 @p1 $0x1;
	p0 =	seq.s32 s7, s2  }
0x1e: {  	s7 =	smul.u32 @!p0 $0xF7A, s2;
	p2 =	seq.s32 @!p0 s5, $0x0  }
0x1f: {  	s9 =	smul.u32 $0xF7A, s1;
	s8 =	simm.s32 @!p0 $0x1BF5;
	p2 =	por !p2, p0  }
0x20: {  	[sflag:s8] =	ssyncset.s32 @!p0 $0xFFFFF086;
	s6 =	sadd.s32 @!p0 s3, s7;
	s7 =	simm.s32 @!p0 $0x108  }
0x21: {  	s3 =	sadd.s32 s3, s9;
	s6 =	sadd.s32 @!p0 $0x88, s6;
	s7 =	simm.s32 @p2 $0x1082  }
0x22: {  	[simem:s7], [sflag:s8] =	dma.local @!p0 [hbm:s6], $0xF7A  }
0x23: {  	s9 =	sor.u32 $0xD0000000, s2;
	s6 =	simm.s32 $0x108;
	_ =	swait.ge @!p0 [sflag:s8], $0x0  }
0x24: {  	s3 =	sadd.s32 $0x88, s3;
	s6 =	simm.s32 @!p1 $0x1082;
	[sflag:s4] =	ssyncset.s32 $0xFFFFF086  }
0x25: {  	[simem:s6], [sflag:s4] =	dma.local [hbm:s3], $0xF7A  }
0x26: {  	[smem:$0x3F97] =	sst s1;
	(tag) =	ssettag s2;
	_ =	strace s9  }
0x27: {  	s1 =	sld [smem:$0x3FA7]  }
0x28: {  	s2 =	sld [smem:$0x3FA8]  }
0x29: {  	s4 =	sld [smem:$0x3FAA]  }
0x2a: {  	p0 =	seq.s32 s5, $0x0;
	s5 =	sld [smem:$0x3FAB]  }
0x2b: {  	s6 =	sld [smem:$0x3FAC]  }
0x2c: {  	s7 =	sld [smem:$0x3FAD]  }
0x2d: {  	s3 =	simm.s32 $0x108;
	s8 =	sld [smem:$0x3FAE]  }
0x2e: {  	s3 =	simm.s32 @!p0 $0x1082;
	s9 =	sld [smem:$0x3FAF]  }
0x2f: {  	lr =	sadd.s32 s0, s3;
	s0 =	sld [smem:$0x3FA6]  }
0x30: {  	s3 =	sld [smem:$0x3FA9]  }
0x31: {  	[smem:$0x3FB2] =	sst s10  }
0x32: {  	s10 =	sld [smem:$0x3FB0];
	_ =	sdelay $0x3  }
0x33: {  	p0 =	seq.s32 s10, $0x1;
	s10 =	sld [smem:$0x3FB2];
	_ =	sdelay $0x3  }
0x34: {  	[smem:$0x3FB2] =	sst s10  }
0x35: {  	s10 =	sld [smem:$0x3FB1];
	_ =	sdelay $0x3  }
0x36: {  	p1 =	seq.s32 s10, $0x1;
	s10 =	sld [smem:$0x3FB2];
	_ =	sdelay $0x3  }
0x37: {  	[smem:$0x3FB2] =	sst s10  }
0x38: {  	s10 =	sld [smem:$0x3FB3]  }
0x39: {  	_ = 	snop;
	(pc) =	sbr.ind lr, $3  }
0x3a: {  	_ = 	snop  }
0x3b: {  	_ = 	snop  }
0x3c: {  	p2 =	seq.s32 s10, $0x1;
	s10 =	sld [smem:$0x3FB2]  }
0x3d: {  	_ =	shalt  }
0x3e: {  	_ =	shalt  }
0x3f: {  	_ =	shalt  }
0x40: {  	_ =	shalt  }
0x41: {  	_ =	shalt  }
0x42: {  	_ =	shalt  }
0x43: {  	_ =	shalt  }
0x44: {  	_ =	shalt  }
0x45: {  	_ =	shalt  }
0x46: {  	_ =	shalt  }
0x47: {  	_ =	shalt  }
0x48: {  	_ =	shalt  }
0x49: {  	_ =	shalt  }
0x4a: {  	_ =	shalt  }
0x4b: {  	_ =	shalt  }
0x4c: {  	_ =	shalt  }
0x4d: {  	_ =	shalt  }
0x4e: {  	_ =	shalt  }
0x4f: {  	_ =	shalt  }
0x50: {  	_ =	shalt  }
0x51: {  	_ =	shalt  }
0x52: {  	_ =	shalt  }
0x53: {  	_ =	shalt  }
0x54: {  	_ =	shalt  }
0x55: {  	_ =	shalt  }
0x56: {  	_ =	shalt  }
0x57: {  	_ =	shalt  }
0x58: {  	_ =	shalt  }
0x59: {  	_ =	shalt  }
0x5a: {  	_ =	shalt  }
0x5b: {  	_ =	shalt  }
0x5c: {  	_ =	shalt  }
0x5d: {  	_ =	shalt  }
0x5e: {  	_ =	shalt  }
0x5f: {  	_ =	shalt  }
0x60: {  	_ =	shalt  }
0x61: {  	_ =	shalt  }
0x62: {  	_ =	shalt  }
0x63: {  	_ =	shalt  }
0x64: {  	_ =	shalt  }
0x65: {  	_ =	shalt  }
0x66: {  	_ =	shalt  }
0x67: {  	_ =	shalt  }
0x68: {  	_ =	shalt  }
0x69: {  	_ =	shalt  }
0x6a: {  	_ =	shalt  }
0x6b: {  	_ =	shalt  }
0x6c: {  	_ =	shalt  }
0x6d: {  	_ =	shalt  }
0x6e: {  	_ =	shalt  }
0x6f: {  	_ =	shalt  }
0x70: {  	_ =	shalt  }
0x71: {  	_ =	shalt  }
0x72: {  	_ =	shalt  }
0x73: {  	_ =	shalt  }
0x74: {  	_ =	shalt  }
0x75: {  	_ =	shalt  }
0x76: {  	_ =	shalt  }
0x77: {  	_ =	shalt  }
0x78: {  	_ =	shalt  }
0x79: {  	_ =	shalt  }
0x7a: {  	_ =	shalt  }
0x7b: {  	_ =	shalt  }
0x7c: {  	_ =	shalt  }
0x7d: {  	_ =	shalt  }
0x7e: {  	_ =	shalt  }
0x7f: {  	_ =	shalt  }
0x80: {  	_ =	shalt  }
0x81: {  	_ =	shalt  }
0x82: {  	_ =	shalt  }
0x83: {  	_ =	shalt  }
0x84: {  	_ =	shalt  }
0x85: {  	_ =	shalt  }
0x86: {  	_ =	shalt  }
0x87: {  	_ =	shalt  }
.Lfunc_end0:
.L_simem_size_0:
called_computation_lowered:
.L_overlay_start_0:
0x88: {  	s2 =	sld [smem:$0x3FD9]  }
0x89: {  	s3 =	sld [smem:$0x3FFE];
	_ =	sdelay $0x1  }
0x8a: {  	s1 =	srdreg.scid  }
0x8b: {  	s0 =	sand.u32 $0x1, s1  }
0x8c: {  	s16 =	sshll.u32 s0, $0xA;
	s2 =	sadd.s32 s3, s2  }
0x8d: {  	s2 =	sadd.s32 s2, s16  }
0x8e: {  	[smem:$0x3FBE] =	sst s2  }
0x8f: {  	_ = 	snop  }
0x90: {  	(tm) =	ssettm $0x1  }
0x91: {  	s17 =	sld [smem:$0x3FFB];
	_ =	sdelay $0x3  }
0x92: {  	_ =	strace s17  }
0x93: {  	s2 =	sld [smem:$0x3FFC];
	_ =	sdelay $0x3  }
0x94: {  	_ =	strace s2  }
0x95: {  	s2 =	sld [smem:$0x3FFD];
	_ =	sdelay $0x3  }
0x96: {  	_ =	strace s2  }
0x97: {  	_ =	strace $0x8FFFFFFF  }
0x98: {  	s18 =	sld [smem:$0x3FDB];
	_ =	sdelay $0x1  }
0x99: {  	s19 =	simm.s32 $_scs_section_size  }
0x9a: {  	s4 =	simm.s32 $_size__tile_overlayer_lowered;
	s5 =	simm.s32 $_tile_overlayer_lowered  }
0x9b: {  	s22 =	simm.s32 $0x1BFF;
	s21 =	sshll.u32 s5, $0x1;
	s2 =	sadd.s32 s19, s18  }
0x9c: {  	s6 =	simm.s32 $0x0;
	s20 =	sshll.u32 s4, $0x1;
	s4 =	sadd.s32 s21, s2  }
0x9d: {  	[timem:s6], [sflag:s22] =	dma.local [hbm:s4], s20  }
0x9e: {  	_ =	swait.ge [sflag:s22], s20  }
0x9f: {  	s3 =	ssub.s32 $0x0, s20;
	[sflag:s22] =	ssyncset.done $0x0  }
0xa0: {  	[sflag:s22] =	ssyncadd.s32 s3;
	_ =	sdelay $0x1  }
0xa1: {  	s23 =	simm.s32 $0x1B8B  }
0xa2: {  	_ =	swait.ge [sflag:s23], $0x1  }
0xa3: {  	[sflag:s23] =	ssyncset.done $0x0  }
0xa4: {  	s25 =	simm.s32 $0x1B8E;
	s24 =	sld [smem:$0x3FFE];
	[sflag:s23] =	ssyncadd.s32 $0xFFFFFFFF  }
0xa5: {  	s26 =	simm.s32 $execute0_lowered;
	[smem:$0x3FD2] =	sst s25  }
0xa6: {  	s4 =	sshll.u32 s26, $0x1;
	_ =	strace $0x80000046;
	[dreg:$0x1] =	wrdreg $0xFFFFFFFF  }
0xa7: {  	s28 =	simm.s32 $_size_execute0_lowered;
	s2 =	sadd.s32 s2, s4;
	[dreg:$0x0] =	wrdreg $0x0  }
0xa8: {  	s4 =	sshll.u32 s28, $0x1;
	[dreg:$0x2] =	wrdreg s2  }
0xa9: {  	[dreg:$0x3] =	wrdreg s4  }
0xaa: {  	[dreg:$0x4] =	wrdreg $0xC0  }
0xab: {  	_ =	task [dreg:s6], $0x5FFFF  }
0xac: {  	[dreg:$0x1] =	wrdreg $0xFFFFFFFF  }
0xad: {  	[dreg:$0x0] =	wrdreg $0x60  }
0xae: {  	[dreg:$0x2] =	wrdreg s24  }
0xaf: {  	[dreg:$0x3] =	wrdreg $0x9  }
0xb0: {  	_ =	task.clear_ibuf [dreg:s6], $0x4FFFF;
	_ =	strace $0x90000046  }
0xb1: {  	s29 =	simm.s32 $0x9;
	_ =	strace $0x80000048  }
0xb2: {  	_ =	swait.ge [sflag:s29], $0x1  }
0xb3: {  	[sflag:s29] =	ssyncadd.s32 $0xFFFFFFFF  }
0xb4: {  	_ =	strace $0x90000048  }
0xb5: {  	_ =	sfence  }
0xb6: {  	s30 =	sld [smem:$0x0];
	_ =	sdelay $0x2  }
0xb7: {  	s31 =	sshll.u32 s1, $0xD;
	s1 =	sshrl.u32 s1, $0x2  }
0xb8: {  	s3 =	sand.u32 $0x4000, s31;
	s1 =	sadd.s32 s1, s30  }
0xb9: {  	s0 =	sor.u32 s3, s0;
	s1 =	sshll.u32 s1, $0x11  }
0xba: {  	s0 =	sor.u32 s1, s0  }
0xbb: {  	s0 =	sadd.s32 $0x8F2B, s0  }
0xbc: {  	[sflag:s0] =	ssyncadd.remote.s32 $0x1  }
0xbd: {  	_ =	sfence.sel $0xFFFF  }
0xbe: {  	[dreg:$0x0] =	wrdreg $0xFFFFFFFF;
	(pc) =	sbr.abs _section_cstart, $3  }
0xbf: {  	[dreg:$0x1] =	wrdreg $0xFFFFFFFF  }
0xc0: {  	_ =	task.clear_ibuf [dreg:s6], $0x2FFFF;
	_ =	strace $0x9FFFFFFF  }
0xc1: {  	(tm) =	ssettm $0x7FFFFFFF  }
tec
execute0_lowered:
.L_overlay_start_1:
0x0: {  	(tag) =	ssettag $0x1  }
0x1: {  	s3 =	rddreg [dreg:$0x0]  }
0x2: {  	s0 =	rddreg [dreg:$0x1]  }
0x3: {  	s1 =	stileid.u32;
	s2 =	srdreg.scid  }
0x4: {  	s4 =	smul.u32 $0x700, s1;
	s5 =	sand.u32 $0x1, s2;
	s6 =	sshll.u32 s1, $0x1  }
0x5: {  	s2 =	simm.s32 $0x0;
	s7 =	smul.u32 $0x300, s1;
	s6 =	sor.u32 s5, s6  }
0x6: {  	s9 =	simm.s32 $0x0;
	[smem:$0x7FF] =	sst s2;
	s6 =	smul.u32 $0x500, s6  }
.Ltmp0:
0x7: {  	s30 =	ssub.s32 $0x2, s5;
	p0 =	seq.s32 s5, $0x1;
	(pc) =	sbr.rel .LBB2_1-.Ltmp0, $4  }
0x8: {  	_ =	strace $0x80000047;
	s8 =	sadd.s32 s4, s3;
	s31 =	sshrl.u32 s30, $0x1  }
0x9: {  	s7 =	sadd.s32 s7, s3;
	s4 =	ssub.s32 s30, s31;
	s5 =	sadd.s32 $0x2000, s8  }
0xa: {  	s8 =	simm.s32 $0x400;
	s3 =	sadd.s32 s6, s3;
	s4 =	smax.u32 s4, $0x1  }
0xb: {  	v0 =	vimm.f32 $0.0e+00;
	v1 =	vimm.f32 $1.000000000e+00;
	s6 =	sadd.s32 $0x10000, s7;
	s7 =	simm.s32 $0x1;
	s3 =	sadd.s32 $0x16000, s3  }
.LBB2_6:
0xc: {  	s9 =	sadd.s32 $0x1, s9  }
0xd: {  	p1 =	sne.s32 s9, s4  }
.Ltmp1:
0xe: {  	_ = 	snop;
	(pc) =	sbr.rel @!p1 .LBB2_7-.Ltmp1, $4  }
0xf: {  	[hbm4b:s3+s2] =	stream.linear.scatter [tilespmem:s8], [sflag:$0x1], $0x2800, $0x38;
	[tilespmem:$0x2C00] =	vst v63  }
0x10: {  	_ =	swait.ge [sflag:s7], $0x2800  }
0x11: {  	[sflag:s7] =	ssyncset.done $0x0  }
0x12: {  	[sflag:s7] =	ssyncadd.s32 $0xFFFFD800  }
.LBB2_1:
0x13: {  	s10 =	simm.s32 $0x40;
	s11 =	simm.s32 $0x0  }
.LBB2_2:
0x14: {  	p1 =	sne.s32 s10, $0x9FC0;
	[tilespmem:s11+$0x400] =	vst v0;
	s11 =	smov.u32 s10;
	s10 =	sadd.s32 $0x40, s10  }
.Ltmp2:
0x15: {  	(pc) =	sbr.rel @p1 .LBB2_2-.Ltmp2, $2  }
0x16: {  	_ =	sdelay $0x2  }
0x17: {  	s11 =	sshra.s32 s11, $0x2  }
.Ltmp3:
0x18: {  	(pc) =	sbr.rel @!p0 .LBB2_4-.Ltmp3, $2  }
0x19: {  	_ =	sdelay $0x2  }
0x1a: {  	[tilespmem:s11+$0x400] =	vst v0;
	s10 =	simm.s32 $0x0  }
.LBB2_5:
0x1b: {  	s11 =	sadd.s32 s10, s6  }
0x1c: {  	[tilespmem:s2], [sflag:$0x1] =	stream.linear.gather [hbm4b:s11+s2], $0x400, $0x38;
	[tilespmem:$0x2C00] =	vst v63  }
0x1d: {  	_ =	swait.ge [sflag:s7], $0x400  }
0x1e: {  	[sflag:s7] =	ssyncset.done $0x0  }
0x1f: {  	[sflag:s7] =	ssyncadd.s32 $0xFFFFFC00  }
0x20: {  	v2 =	vld [tilespmem:$0x0];
	_ =	sdelay $0x7  }
0x21: {  	[tilespmem:v2+s8+$0x0] =	vst.idx.add.f32.msk $0xffff, v1  }
0x22: {  	v2 =	vld [tilespmem:$0x10];
	_ =	sdelay $0x7  }
0x23: {  	[tilespmem:v2+s8+$0x0] =	vst.idx.add.f32.msk $0xffff, v1  }
0x24: {  	v2 =	vld [tilespmem:$0x20];
	_ =	sdelay $0x7  }
0x25: {  	[tilespmem:v2+s8+$0x0] =	vst.idx.add.f32.msk $0xffff, v1  }
0x26: {  	v2 =	vld [tilespmem:$0x30];
	_ =	sdelay $0x7  }
0x27: {  	[tilespmem:v2+s8+$0x0] =	vst.idx.add.f32.msk $0xffff, v1  }
0x28: {  	v2 =	vld [tilespmem:$0x40];
	_ =	sdelay $0x7  }
0x29: {  	[tilespmem:v2+s8+$0x0] =	vst.idx.add.f32.msk $0xffff, v1  }
0x2a: {  	v2 =	vld [tilespmem:$0x50];
	_ =	sdelay $0x7  }
0x2b: {  	[tilespmem:v2+s8+$0x0] =	vst.idx.add.f32.msk $0xffff, v1  }
0x2c: {  	v2 =	vld [tilespmem:$0x60];
	_ =	sdelay $0x7  }
0x2d: {  	[tilespmem:v2+s8+$0x0] =	vst.idx.add.f32.msk $0xffff, v1  }
0x2e: {  	v2 =	vld [tilespmem:$0x70];
	_ =	sdelay $0x7  }
0x2f: {  	[tilespmem:v2+s8+$0x0] =	vst.idx.add.f32.msk $0xffff, v1  }
0x30: {  	v2 =	vld [tilespmem:$0x80];
	_ =	sdelay $0x7  }
0x31: {  	[tilespmem:v2+s8+$0x0] =	vst.idx.add.f32.msk $0xffff, v1  }
0x32: {  	v2 =	vld [tilespmem:$0x90];
	_ =	sdelay $0x7  }
0x33: {  	[tilespmem:v2+s8+$0x0] =	vst.idx.add.f32.msk $0xffff, v1  }
0x34: {  	v2 =	vld [tilespmem:$0xA0];
	_ =	sdelay $0x7  }
0x35: {  	[tilespmem:v2+s8+$0x0] =	vst.idx.add.f32.msk $0xffff, v1  }
0x36: {  	v2 =	vld [tilespmem:$0xB0];
	_ =	sdelay $0x7  }
0x37: {  	[tilespmem:v2+s8+$0x0] =	vst.idx.add.f32.msk $0xffff, v1  }
0x38: {  	v2 =	vld [tilespmem:$0xC0];
	_ =	sdelay $0x7  }
0x39: {  	[tilespmem:v2+s8+$0x0] =	vst.idx.add.f32.msk $0xffff, v1  }
0x3a: {  	v2 =	vld [tilespmem:$0xD0];
	_ =	sdelay $0x7  }
0x3b: {  	[tilespmem:v2+s8+$0x0] =	vst.idx.add.f32.msk $0xffff, v1  }
0x3c: {  	v2 =	vld [tilespmem:$0xE0];
	_ =	sdelay $0x7  }
0x3d: {  	[tilespmem:v2+s8+$0x0] =	vst.idx.add.f32.msk $0xffff, v1  }
0x3e: {  	v2 =	vld [tilespmem:$0xF0];
	_ =	sdelay $0x7  }
0x3f: {  	[tilespmem:v2+s8+$0x0] =	vst.idx.add.f32.msk $0xffff, v1  }
0x40: {  	v2 =	vld [tilespmem:$0x100];
	_ =	sdelay $0x7  }
0x41: {  	[tilespmem:v2+s8+$0x0] =	vst.idx.add.f32.msk $0xffff, v1  }
0x42: {  	v2 =	vld [tilespmem:$0x110];
	_ =	sdelay $0x7  }
0x43: {  	[tilespmem:v2+s8+$0x0] =	vst.idx.add.f32.msk $0xffff, v1  }
0x44: {  	v2 =	vld [tilespmem:$0x120];
	_ =	sdelay $0x7  }
0x45: {  	[tilespmem:v2+s8+$0x0] =	vst.idx.add.f32.msk $0xffff, v1  }
0x46: {  	v2 =	vld [tilespmem:$0x130];
	_ =	sdelay $0x7  }
0x47: {  	[tilespmem:v2+s8+$0x0] =	vst.idx.add.f32.msk $0xffff, v1  }
0x48: {  	v2 =	vld [tilespmem:$0x140];
	_ =	sdelay $0x7  }
0x49: {  	[tilespmem:v2+s8+$0x0] =	vst.idx.add.f32.msk $0xffff, v1  }
0x4a: {  	v2 =	vld [tilespmem:$0x150];
	_ =	sdelay $0x7  }
0x4b: {  	[tilespmem:v2+s8+$0x0] =	vst.idx.add.f32.msk $0xffff, v1  }
0x4c: {  	v2 =	vld [tilespmem:$0x160];
	_ =	sdelay $0x7  }
0x4d: {  	[tilespmem:v2+s8+$0x0] =	vst.idx.add.f32.msk $0xffff, v1  }
0x4e: {  	v2 =	vld [tilespmem:$0x170];
	_ =	sdelay $0x7  }
0x4f: {  	[tilespmem:v2+s8+$0x0] =	vst.idx.add.f32.msk $0xffff, v1  }
0x50: {  	v2 =	vld [tilespmem:$0x180];
	_ =	sdelay $0x7  }
0x51: {  	[tilespmem:v2+s8+$0x0] =	vst.idx.add.f32.msk $0xffff, v1  }
0x52: {  	v2 =	vld [tilespmem:$0x190];
	_ =	sdelay $0x7  }
0x53: {  	[tilespmem:v2+s8+$0x0] =	vst.idx.add.f32.msk $0xffff, v1  }
0x54: {  	v2 =	vld [tilespmem:$0x1A0];
	_ =	sdelay $0x7  }
0x55: {  	[tilespmem:v2+s8+$0x0] =	vst.idx.add.f32.msk $0xffff, v1  }
0x56: {  	v2 =	vld [tilespmem:$0x1B0];
	_ =	sdelay $0x7  }
0x57: {  	[tilespmem:v2+s8+$0x0] =	vst.idx.add.f32.msk $0xffff, v1  }
0x58: {  	v2 =	vld [tilespmem:$0x1C0];
	_ =	sdelay $0x7  }
0x59: {  	[tilespmem:v2+s8+$0x0] =	vst.idx.add.f32.msk $0xffff, v1  }
0x5a: {  	v2 =	vld [tilespmem:$0x1D0];
	_ =	sdelay $0x7  }
0x5b: {  	[tilespmem:v2+s8+$0x0] =	vst.idx.add.f32.msk $0xffff, v1  }
0x5c: {  	v2 =	vld [tilespmem:$0x1E0];
	_ =	sdelay $0x7  }
0x5d: {  	[tilespmem:v2+s8+$0x0] =	vst.idx.add.f32.msk $0xffff, v1  }
0x5e: {  	v2 =	vld [tilespmem:$0x1F0];
	_ =	sdelay $0x7  }
0x5f: {  	[tilespmem:v2+s8+$0x0] =	vst.idx.add.f32.msk $0xffff, v1  }
0x60: {  	v2 =	vld [tilespmem:$0x200];
	_ =	sdelay $0x7  }
0x61: {  	[tilespmem:v2+s8+$0x0] =	vst.idx.add.f32.msk $0xffff, v1  }
0x62: {  	v2 =	vld [tilespmem:$0x210];
	_ =	sdelay $0x7  }
0x63: {  	[tilespmem:v2+s8+$0x0] =	vst.idx.add.f32.msk $0xffff, v1  }
0x64: {  	v2 =	vld [tilespmem:$0x220];
	_ =	sdelay $0x7  }
0x65: {  	[tilespmem:v2+s8+$0x0] =	vst.idx.add.f32.msk $0xffff, v1  }
0x66: {  	v2 =	vld [tilespmem:$0x230];
	_ =	sdelay $0x7  }
0x67: {  	[tilespmem:v2+s8+$0x0] =	vst.idx.add.f32.msk $0xffff, v1  }
0x68: {  	v2 =	vld [tilespmem:$0x240];
	_ =	sdelay $0x7  }
0x69: {  	[tilespmem:v2+s8+$0x0] =	vst.idx.add.f32.msk $0xffff, v1  }
0x6a: {  	v2 =	vld [tilespmem:$0x250];
	_ =	sdelay $0x7  }
0x6b: {  	[tilespmem:v2+s8+$0x0] =	vst.idx.add.f32.msk $0xffff, v1  }
0x6c: {  	v2 =	vld [tilespmem:$0x260];
	_ =	sdelay $0x7  }
0x6d: {  	[tilespmem:v2+s8+$0x0] =	vst.idx.add.f32.msk $0xffff, v1  }
0x6e: {  	v2 =	vld [tilespmem:$0x270];
	_ =	sdelay $0x7  }
0x6f: {  	[tilespmem:v2+s8+$0x0] =	vst.idx.add.f32.msk $0xffff, v1  }
0x70: {  	v2 =	vld [tilespmem:$0x280];
	_ =	sdelay $0x7  }
0x71: {  	[tilespmem:v2+s8+$0x0] =	vst.idx.add.f32.msk $0xffff, v1  }
0x72: {  	v2 =	vld [tilespmem:$0x290];
	_ =	sdelay $0x7  }
0x73: {  	[tilespmem:v2+s8+$0x0] =	vst.idx.add.f32.msk $0xffff, v1  }
0x74: {  	v2 =	vld [tilespmem:$0x2A0];
	_ =	sdelay $0x7  }
0x75: {  	[tilespmem:v2+s8+$0x0] =	vst.idx.add.f32.msk $0xffff, v1  }
0x76: {  	v2 =	vld [tilespmem:$0x2B0];
	_ =	sdelay $0x7  }
0x77: {  	[tilespmem:v2+s8+$0x0] =	vst.idx.add.f32.msk $0xffff, v1  }
0x78: {  	v2 =	vld [tilespmem:$0x2C0];
	_ =	sdelay $0x7  }
0x79: {  	[tilespmem:v2+s8+$0x0] =	vst.idx.add.f32.msk $0xffff, v1  }
0x7a: {  	v2 =	vld [tilespmem:$0x2D0];
	_ =	sdelay $0x7  }
0x7b: {  	[tilespmem:v2+s8+$0x0] =	vst.idx.add.f32.msk $0xffff, v1  }
0x7c: {  	v2 =	vld [tilespmem:$0x2E0];
	_ =	sdelay $0x7  }
0x7d: {  	[tilespmem:v2+s8+$0x0] =	vst.idx.add.f32.msk $0xffff, v1  }
0x7e: {  	v2 =	vld [tilespmem:$0x2F0];
	_ =	sdelay $0x7  }
0x7f: {  	[tilespmem:v2+s8+$0x0] =	vst.idx.add.f32.msk $0xffff, v1  }
0x80: {  	v2 =	vld [tilespmem:$0x300];
	_ =	sdelay $0x7  }
0x81: {  	[tilespmem:v2+s8+$0x0] =	vst.idx.add.f32.msk $0xffff, v1  }
0x82: {  	v2 =	vld [tilespmem:$0x310];
	_ =	sdelay $0x7  }
0x83: {  	[tilespmem:v2+s8+$0x0] =	vst.idx.add.f32.msk $0xffff, v1  }
0x84: {  	v2 =	vld [tilespmem:$0x320];
	_ =	sdelay $0x7  }
0x85: {  	[tilespmem:v2+s8+$0x0] =	vst.idx.add.f32.msk $0xffff, v1  }
0x86: {  	v2 =	vld [tilespmem:$0x330];
	_ =	sdelay $0x7  }
0x87: {  	[tilespmem:v2+s8+$0x0] =	vst.idx.add.f32.msk $0xffff, v1  }
0x88: {  	v2 =	vld [tilespmem:$0x340];
	_ =	sdelay $0x7  }
0x89: {  	[tilespmem:v2+s8+$0x0] =	vst.idx.add.f32.msk $0xffff, v1  }
0x8a: {  	v2 =	vld [tilespmem:$0x350];
	_ =	sdelay $0x7  }
0x8b: {  	[tilespmem:v2+s8+$0x0] =	vst.idx.add.f32.msk $0xffff, v1  }
0x8c: {  	v2 =	vld [tilespmem:$0x360];
	_ =	sdelay $0x7  }
0x8d: {  	[tilespmem:v2+s8+$0x0] =	vst.idx.add.f32.msk $0xffff, v1  }
0x8e: {  	v2 =	vld [tilespmem:$0x370];
	_ =	sdelay $0x7  }
0x8f: {  	[tilespmem:v2+s8+$0x0] =	vst.idx.add.f32.msk $0xffff, v1  }
0x90: {  	v2 =	vld [tilespmem:$0x380];
	_ =	sdelay $0x7  }
0x91: {  	[tilespmem:v2+s8+$0x0] =	vst.idx.add.f32.msk $0xffff, v1  }
0x92: {  	v2 =	vld [tilespmem:$0x390];
	_ =	sdelay $0x7  }
0x93: {  	[tilespmem:v2+s8+$0x0] =	vst.idx.add.f32.msk $0xffff, v1  }
0x94: {  	v2 =	vld [tilespmem:$0x3A0];
	_ =	sdelay $0x7  }
0x95: {  	[tilespmem:v2+s8+$0x0] =	vst.idx.add.f32.msk $0xffff, v1  }
0x96: {  	v2 =	vld [tilespmem:$0x3B0];
	_ =	sdelay $0x7  }
0x97: {  	[tilespmem:v2+s8+$0x0] =	vst.idx.add.f32.msk $0xffff, v1  }
0x98: {  	v2 =	vld [tilespmem:$0x3C0];
	_ =	sdelay $0x7  }
0x99: {  	[tilespmem:v2+s8+$0x0] =	vst.idx.add.f32.msk $0xffff, v1  }
0x9a: {  	v2 =	vld [tilespmem:$0x3D0];
	_ =	sdelay $0x7  }
0x9b: {  	[tilespmem:v2+s8+$0x0] =	vst.idx.add.f32.msk $0xffff, v1  }
0x9c: {  	v2 =	vld [tilespmem:$0x3E0];
	_ =	sdelay $0x7  }
0x9d: {  	[tilespmem:v2+s8+$0x0] =	vst.idx.add.f32.msk $0xffff, v1  }
0x9e: {  	v2 =	vld [tilespmem:$0x3F0];
	_ =	sdelay $0x2  }
0x9f: {  	p1 =	sne.s32 s10, $0x280  }
.Ltmp4:
0xa0: {  	_ = 	snop;
	(pc) =	sbr.rel @p1 .LBB2_5-.Ltmp4, $2  }
0xa1: {  	_ =	sdelay $0x2  }
0xa2: {  	s10 =	sadd.s32 $0x80, s10;
	[tilespmem:v2+s8+$0x0] =	vst.idx.add.f32.msk $0xffff, v1  }
.Ltmp5:
0xa3: {  	_ = 	snop;
	(pc) =	sbr.rel .LBB2_6-.Ltmp5, $1  }
0xa4: {  	_ =	sdelay $0x3  }
.LBB2_4:
0xa5: {  	s11 =	sadd.s32 s10, s5  }
0xa6: {  	[tilespmem:s2], [sflag:$0x1] =	stream.linear.gather [hbm4b:s11+s2], $0x400, $0x38;
	[tilespmem:$0x2C00] =	vst v63  }
0xa7: {  	_ =	swait.ge [sflag:s7], $0x400  }
0xa8: {  	[sflag:s7] =	ssyncset.done $0x0  }
0xa9: {  	[sflag:s7] =	ssyncadd.s32 $0xFFFFFC00  }
0xaa: {  	v2 =	vld [tilespmem:$0x0];
	_ =	sdelay $0x7  }
0xab: {  	[tilespmem:v2+s8+$0x0] =	vst.idx.add.f32.msk $0xffff, v1  }
0xac: {  	v2 =	vld [tilespmem:$0x10];
	_ =	sdelay $0x7  }
0xad: {  	[tilespmem:v2+s8+$0x0] =	vst.idx.add.f32.msk $0xffff, v1  }
0xae: {  	v2 =	vld [tilespmem:$0x20];
	_ =	sdelay $0x7  }
0xaf: {  	[tilespmem:v2+s8+$0x0] =	vst.idx.add.f32.msk $0xffff, v1  }
0xb0: {  	v2 =	vld [tilespmem:$0x30];
	_ =	sdelay $0x7  }
0xb1: {  	[tilespmem:v2+s8+$0x0] =	vst.idx.add.f32.msk $0xffff, v1  }
0xb2: {  	v2 =	vld [tilespmem:$0x40];
	_ =	sdelay $0x7  }
0xb3: {  	[tilespmem:v2+s8+$0x0] =	vst.idx.add.f32.msk $0xffff, v1  }
0xb4: {  	v2 =	vld [tilespmem:$0x50];
	_ =	sdelay $0x7  }
0xb5: {  	[tilespmem:v2+s8+$0x0] =	vst.idx.add.f32.msk $0xffff, v1  }
0xb6: {  	v2 =	vld [tilespmem:$0x60];
	_ =	sdelay $0x7  }
0xb7: {  	[tilespmem:v2+s8+$0x0] =	vst.idx.add.f32.msk $0xffff, v1  }
0xb8: {  	v2 =	vld [tilespmem:$0x70];
	_ =	sdelay $0x7  }
0xb9: {  	[tilespmem:v2+s8+$0x0] =	vst.idx.add.f32.msk $0xffff, v1  }
0xba: {  	v2 =	vld [tilespmem:$0x80];
	_ =	sdelay $0x7  }
0xbb: {  	[tilespmem:v2+s8+$0x0] =	vst.idx.add.f32.msk $0xffff, v1  }
0xbc: {  	v2 =	vld [tilespmem:$0x90];
	_ =	sdelay $0x7  }
0xbd: {  	[tilespmem:v2+s8+$0x0] =	vst.idx.add.f32.msk $0xffff, v1  }
0xbe: {  	v2 =	vld [tilespmem:$0xA0];
	_ =	sdelay $0x7  }
0xbf: {  	[tilespmem:v2+s8+$0x0] =	vst.idx.add.f32.msk $0xffff, v1  }
0xc0: {  	v2 =	vld [tilespmem:$0xB0];
	_ =	sdelay $0x7  }
0xc1: {  	[tilespmem:v2+s8+$0x0] =	vst.idx.add.f32.msk $0xffff, v1  }
0xc2: {  	v2 =	vld [tilespmem:$0xC0];
	_ =	sdelay $0x7  }
0xc3: {  	[tilespmem:v2+s8+$0x0] =	vst.idx.add.f32.msk $0xffff, v1  }
0xc4: {  	v2 =	vld [tilespmem:$0xD0];
	_ =	sdelay $0x7  }
0xc5: {  	[tilespmem:v2+s8+$0x0] =	vst.idx.add.f32.msk $0xffff, v1  }
0xc6: {  	v2 =	vld [tilespmem:$0xE0];
	_ =	sdelay $0x7  }
0xc7: {  	[tilespmem:v2+s8+$0x0] =	vst.idx.add.f32.msk $0xffff, v1  }
0xc8: {  	v2 =	vld [tilespmem:$0xF0];
	_ =	sdelay $0x7  }
0xc9: {  	[tilespmem:v2+s8+$0x0] =	vst.idx.add.f32.msk $0xffff, v1  }
0xca: {  	v2 =	vld [tilespmem:$0x100];
	_ =	sdelay $0x7  }
0xcb: {  	[tilespmem:v2+s8+$0x0] =	vst.idx.add.f32.msk $0xffff, v1  }
0xcc: {  	v2 =	vld [tilespmem:$0x110];
	_ =	sdelay $0x7  }
0xcd: {  	[tilespmem:v2+s8+$0x0] =	vst.idx.add.f32.msk $0xffff, v1  }
0xce: {  	v2 =	vld [tilespmem:$0x120];
	_ =	sdelay $0x7  }
0xcf: {  	[tilespmem:v2+s8+$0x0] =	vst.idx.add.f32.msk $0xffff, v1  }
0xd0: {  	v2 =	vld [tilespmem:$0x130];
	_ =	sdelay $0x7  }
0xd1: {  	[tilespmem:v2+s8+$0x0] =	vst.idx.add.f32.msk $0xffff, v1  }
0xd2: {  	v2 =	vld [tilespmem:$0x140];
	_ =	sdelay $0x7  }
0xd3: {  	[tilespmem:v2+s8+$0x0] =	vst.idx.add.f32.msk $0xffff, v1  }
0xd4: {  	v2 =	vld [tilespmem:$0x150];
	_ =	sdelay $0x7  }
0xd5: {  	[tilespmem:v2+s8+$0x0] =	vst.idx.add.f32.msk $0xffff, v1  }
0xd6: {  	v2 =	vld [tilespmem:$0x160];
	_ =	sdelay $0x7  }
0xd7: {  	[tilespmem:v2+s8+$0x0] =	vst.idx.add.f32.msk $0xffff, v1  }
0xd8: {  	v2 =	vld [tilespmem:$0x170];
	_ =	sdelay $0x7  }
0xd9: {  	[tilespmem:v2+s8+$0x0] =	vst.idx.add.f32.msk $0xffff, v1  }
0xda: {  	v2 =	vld [tilespmem:$0x180];
	_ =	sdelay $0x7  }
0xdb: {  	[tilespmem:v2+s8+$0x0] =	vst.idx.add.f32.msk $0xffff, v1  }
0xdc: {  	v2 =	vld [tilespmem:$0x190];
	_ =	sdelay $0x7  }
0xdd: {  	[tilespmem:v2+s8+$0x0] =	vst.idx.add.f32.msk $0xffff, v1  }
0xde: {  	v2 =	vld [tilespmem:$0x1A0];
	_ =	sdelay $0x7  }
0xdf: {  	[tilespmem:v2+s8+$0x0] =	vst.idx.add.f32.msk $0xffff, v1  }
0xe0: {  	v2 =	vld [tilespmem:$0x1B0];
	_ =	sdelay $0x7  }
0xe1: {  	[tilespmem:v2+s8+$0x0] =	vst.idx.add.f32.msk $0xffff, v1  }
0xe2: {  	v2 =	vld [tilespmem:$0x1C0];
	_ =	sdelay $0x7  }
0xe3: {  	[tilespmem:v2+s8+$0x0] =	vst.idx.add.f32.msk $0xffff, v1  }
0xe4: {  	v2 =	vld [tilespmem:$0x1D0];
	_ =	sdelay $0x7  }
0xe5: {  	[tilespmem:v2+s8+$0x0] =	vst.idx.add.f32.msk $0xffff, v1  }
0xe6: {  	v2 =	vld [tilespmem:$0x1E0];
	_ =	sdelay $0x7  }
0xe7: {  	[tilespmem:v2+s8+$0x0] =	vst.idx.add.f32.msk $0xffff, v1  }
0xe8: {  	v2 =	vld [tilespmem:$0x1F0];
	_ =	sdelay $0x7  }
0xe9: {  	[tilespmem:v2+s8+$0x0] =	vst.idx.add.f32.msk $0xffff, v1  }
0xea: {  	v2 =	vld [tilespmem:$0x200];
	_ =	sdelay $0x7  }
0xeb: {  	[tilespmem:v2+s8+$0x0] =	vst.idx.add.f32.msk $0xffff, v1  }
0xec: {  	v2 =	vld [tilespmem:$0x210];
	_ =	sdelay $0x7  }
0xed: {  	[tilespmem:v2+s8+$0x0] =	vst.idx.add.f32.msk $0xffff, v1  }
0xee: {  	v2 =	vld [tilespmem:$0x220];
	_ =	sdelay $0x7  }
0xef: {  	[tilespmem:v2+s8+$0x0] =	vst.idx.add.f32.msk $0xffff, v1  }
0xf0: {  	v2 =	vld [tilespmem:$0x230];
	_ =	sdelay $0x7  }
0xf1: {  	[tilespmem:v2+s8+$0x0] =	vst.idx.add.f32.msk $0xffff, v1  }
0xf2: {  	v2 =	vld [tilespmem:$0x240];
	_ =	sdelay $0x7  }
0xf3: {  	[tilespmem:v2+s8+$0x0] =	vst.idx.add.f32.msk $0xffff, v1  }
0xf4: {  	v2 =	vld [tilespmem:$0x250];
	_ =	sdelay $0x7  }
0xf5: {  	[tilespmem:v2+s8+$0x0] =	vst.idx.add.f32.msk $0xffff, v1  }
0xf6: {  	v2 =	vld [tilespmem:$0x260];
	_ =	sdelay $0x7  }
0xf7: {  	[tilespmem:v2+s8+$0x0] =	vst.idx.add.f32.msk $0xffff, v1  }
0xf8: {  	v2 =	vld [tilespmem:$0x270];
	_ =	sdelay $0x7  }
0xf9: {  	[tilespmem:v2+s8+$0x0] =	vst.idx.add.f32.msk $0xffff, v1  }
0xfa: {  	v2 =	vld [tilespmem:$0x280];
	_ =	sdelay $0x7  }
0xfb: {  	[tilespmem:v2+s8+$0x0] =	vst.idx.add.f32.msk $0xffff, v1  }
0xfc: {  	v2 =	vld [tilespmem:$0x290];
	_ =	sdelay $0x7  }
0xfd: {  	[tilespmem:v2+s8+$0x0] =	vst.idx.add.f32.msk $0xffff, v1  }
0xfe: {  	v2 =	vld [tilespmem:$0x2A0];
	_ =	sdelay $0x7  }
0xff: {  	[tilespmem:v2+s8+$0x0] =	vst.idx.add.f32.msk $0xffff, v1  }
0x100: {  	v2 =	vld [tilespmem:$0x2B0];
	_ =	sdelay $0x7  }
0x101: {  	[tilespmem:v2+s8+$0x0] =	vst.idx.add.f32.msk $0xffff, v1  }
0x102: {  	v2 =	vld [tilespmem:$0x2C0];
	_ =	sdelay $0x7  }
0x103: {  	[tilespmem:v2+s8+$0x0] =	vst.idx.add.f32.msk $0xffff, v1  }
0x104: {  	v2 =	vld [tilespmem:$0x2D0];
	_ =	sdelay $0x7  }
0x105: {  	[tilespmem:v2+s8+$0x0] =	vst.idx.add.f32.msk $0xffff, v1  }
0x106: {  	v2 =	vld [tilespmem:$0x2E0];
	_ =	sdelay $0x7  }
0x107: {  	[tilespmem:v2+s8+$0x0] =	vst.idx.add.f32.msk $0xffff, v1  }
0x108: {  	v2 =	vld [tilespmem:$0x2F0];
	_ =	sdelay $0x7  }
0x109: {  	[tilespmem:v2+s8+$0x0] =	vst.idx.add.f32.msk $0xffff, v1  }
0x10a: {  	v2 =	vld [tilespmem:$0x300];
	_ =	sdelay $0x7  }
0x10b: {  	[tilespmem:v2+s8+$0x0] =	vst.idx.add.f32.msk $0xffff, v1  }
0x10c: {  	v2 =	vld [tilespmem:$0x310];
	_ =	sdelay $0x7  }
0x10d: {  	[tilespmem:v2+s8+$0x0] =	vst.idx.add.f32.msk $0xffff, v1  }
0x10e: {  	v2 =	vld [tilespmem:$0x320];
	_ =	sdelay $0x7  }
0x10f: {  	[tilespmem:v2+s8+$0x0] =	vst.idx.add.f32.msk $0xffff, v1  }
0x110: {  	v2 =	vld [tilespmem:$0x330];
	_ =	sdelay $0x7  }
0x111: {  	[tilespmem:v2+s8+$0x0] =	vst.idx.add.f32.msk $0xffff, v1  }
0x112: {  	v2 =	vld [tilespmem:$0x340];
	_ =	sdelay $0x7  }
0x113: {  	[tilespmem:v2+s8+$0x0] =	vst.idx.add.f32.msk $0xffff, v1  }
0x114: {  	v2 =	vld [tilespmem:$0x350];
	_ =	sdelay $0x7  }
0x115: {  	[tilespmem:v2+s8+$0x0] =	vst.idx.add.f32.msk $0xffff, v1  }
0x116: {  	v2 =	vld [tilespmem:$0x360];
	_ =	sdelay $0x7  }
0x117: {  	[tilespmem:v2+s8+$0x0] =	vst.idx.add.f32.msk $0xffff, v1  }
0x118: {  	v2 =	vld [tilespmem:$0x370];
	_ =	sdelay $0x7  }
0x119: {  	[tilespmem:v2+s8+$0x0] =	vst.idx.add.f32.msk $0xffff, v1  }
0x11a: {  	v2 =	vld [tilespmem:$0x380];
	_ =	sdelay $0x7  }
0x11b: {  	[tilespmem:v2+s8+$0x0] =	vst.idx.add.f32.msk $0xffff, v1  }
0x11c: {  	v2 =	vld [tilespmem:$0x390];
	_ =	sdelay $0x7  }
0x11d: {  	[tilespmem:v2+s8+$0x0] =	vst.idx.add.f32.msk $0xffff, v1  }
0x11e: {  	v2 =	vld [tilespmem:$0x3A0];
	_ =	sdelay $0x7  }
0x11f: {  	[tilespmem:v2+s8+$0x0] =	vst.idx.add.f32.msk $0xffff, v1  }
0x120: {  	v2 =	vld [tilespmem:$0x3B0];
	_ =	sdelay $0x7  }
0x121: {  	[tilespmem:v2+s8+$0x0] =	vst.idx.add.f32.msk $0xffff, v1  }
0x122: {  	v2 =	vld [tilespmem:$0x3C0];
	_ =	sdelay $0x7  }
0x123: {  	[tilespmem:v2+s8+$0x0] =	vst.idx.add.f32.msk $0xffff, v1  }
0x124: {  	v2 =	vld [tilespmem:$0x3D0];
	_ =	sdelay $0x7  }
0x125: {  	[tilespmem:v2+s8+$0x0] =	vst.idx.add.f32.msk $0xffff, v1  }
0x126: {  	v2 =	vld [tilespmem:$0x3E0];
	_ =	sdelay $0x7  }
0x127: {  	[tilespmem:v2+s8+$0x0] =	vst.idx.add.f32.msk $0xffff, v1  }
0x128: {  	v2 =	vld [tilespmem:$0x3F0];
	_ =	sdelay $0x2  }
0x129: {  	p1 =	seq.s32 s10, $0x680  }
.Ltmp6:
0x12a: {  	_ = 	snop;
	(pc) =	sbr.rel @!p1 .LBB2_4-.Ltmp6, $2  }
0x12b: {  	_ =	sdelay $0x2  }
0x12c: {  	s10 =	sadd.s32 $0x80, s10;
	[tilespmem:v2+s8+$0x0] =	vst.idx.add.f32.msk $0xffff, v1  }
.Ltmp7:
0x12d: {  	_ = 	snop;
	(pc) =	sbr.rel .LBB2_6-.Ltmp7, $1  }
0x12e: {  	_ =	sdelay $0x3  }
.LBB2_7:
0x12f: {  	_ =	sfence.sel $0x180000  }
0x130: {  	[bflag:$0x0] =	sbarrier.arrive $0xFFFF  }
0x131: {  	p0 =	sne.s32 s1, $0x0;
	_ =	strace $0x90000047  }
0x132: {  	s0 =	sadd.s32 @!p0 $0x100000, s0;
	[bflag:$0x2] =	sbarrier.arrive $0xFFFF  }
0x133: {  	[sflag:s0] =	ssyncadd.tile.s32 @!p0 $0x1;
	_ =	shalt  }
.Lfunc_end2:
_tile_overlayer_lowered:
.L_overlay_start_2:
0x134: {  	(tag) =	ssettag $0x2  }
0x135: {  	s0 =	rddreg [dreg:$0x0];
	s2 =	stileid.u32  }
0x136: {  	s1 =	rddreg [dreg:$0x1];
	p0 =	sne.s32 s2, $0x0  }
0x137: {  	s3 =	rddreg [dreg:$0x2];
	[bflag:$0x3] =	sbarrier.arrive $0xFFFF;
	s2 =	simm.s32 @!p0 $0x1C01  }
0x138: {  	[timem:s3], [sflag:s2] =	dma.local @!p0 [hbm:s0], s1  }
0x139: {  	s0 =	simm.s32 @!p0 $0x1  }
0x13a: {  	_ =	swait.ge @!p0 [sflag:s0], s1  }
0x13b: {  	s1 =	ssub.s32 @!p0 $0x0, s1;
	[sflag:s0] =	ssyncset.done @!p0 $0x0  }
0x13c: {  	[sflag:s0] =	ssyncadd.s32 @!p0 s1  }
0x13d: {  	[bflag:$0x3] =	sbarrier.arrive $0xFFFF  }
0x13e: {  	_ =	shalt  }

</sc_bundles>
